<compile_context>
chip_gen: v7x
topology: tpu7x:2x2x1
jax: 0.10.2.dev20260603
libtpu: 0.0.44.dev20260713+nightly
codegen_flags: <defaults>
</compile_context>

<pallas_src>
import functools

import jax
import jax.numpy as jnp
from jax import lax
from jax.experimental import pallas as pl
from jax.experimental.pallas import tpu as pltpu
from jax.experimental.pallas import tpu_sc as plsc

N, E, D, DE = 10000, 160000, 256, 16

NC, NS = 2, 16
NW = NC * NS
CHUNK = 128
NCHUNK = E // CHUNK
WITERS = (NCHUNK + NW - 1) // NW

PW = 320
SCH = 4000
GRP = 16
SELN = SCH + GRP + 16

@functools.cache
def _sc_kernels():
    mesh = plsc.VectorSubcoreMesh(
        core_axis_name="c", subcore_axis_name="s", num_cores=NC, num_subcores=NS
    )

    @functools.partial(
        pl.kernel,
        out_type=jax.ShapeDtypeStruct((E, D), jnp.float32),
        mesh=mesh,
        scratch_types=[
            pltpu.VMEM((CHUNK,), jnp.int32),
            pltpu.VMEM((CHUNK, D), jnp.float32),
            pltpu.SemaphoreType.DMA,
        ],
    )
    def _sc_gather(h_hbm, src_hbm, out_hbm, idx_v, rows_v, sem):
        c = lax.axis_index("c")
        s = lax.axis_index("s")
        wid = s * NC + c

        def body(k, _):
            cid = k * NW + wid

            @pl.when(cid < NCHUNK)
            def _():
                base = cid * CHUNK
                pltpu.sync_copy(src_hbm.at[pl.ds(base, CHUNK)], idx_v)
                pltpu.async_copy(h_hbm.at[idx_v], rows_v, sem).wait()
                pltpu.sync_copy(rows_v, out_hbm.at[pl.ds(base, CHUNK)])

            return 0

        lax.fori_loop(0, WITERS, body, 0)

    @functools.partial(
        pl.kernel,
        out_type=jax.ShapeDtypeStruct((N * D,), jnp.float32),
        mesh=mesh,
        compiler_params=pltpu.CompilerParams(needs_layout_passes=False),
        scratch_types=[
            pltpu.VMEM((SCH,), jnp.int32),
            pltpu.VMEM((SELN,), jnp.int32),
            pltpu.VMEM((SELN,), jnp.int32),
            pltpu.VMEM((2 * GRP, D), jnp.float32),
            pltpu.VMEM(((PW + 1) * D,), jnp.float32),
            pltpu.VMEM((GRP,), jnp.int32),
            pltpu.VMEM((GRP,), jnp.int32),
            pltpu.SemaphoreType.DMA,
            pltpu.SemaphoreType.DMA,
        ],
    )
    def _sc_scatter(
        msg_hbm, dst_hbm, agg_hbm, dstv, sel_e, sel_l, rows2, acc, idx_a, idx_b,
        sem_a, sem_b
    ):
        c = lax.axis_index("c")
        s = lax.axis_index("s")
        wid = s * NC + c
        lo = wid * PW
        iota = lax.iota(jnp.int32, 16)
        zeros16 = jnp.zeros((16,), jnp.float32)

        def zero_body(i, _):
            acc[pl.ds(i * 16, 16)] = zeros16
            return 0

        lax.fori_loop(0, (PW + 1) * D // 16, zero_body, 0)

        def fire(g, slot, idxref, sem):
            for t in range(GRP // 16):
                idxref[pl.ds(t * 16, 16)] = sel_e[pl.ds(g * GRP + t * 16, 16)]
            pltpu.async_copy(
                msg_hbm.at[idxref],
                rows2.at[pl.ds(slot * GRP, GRP)],
                sem,
            )

        def drain(sem):
            pltpu.make_async_copy(
                msg_hbm.at[pl.ds(0, GRP)], rows2.at[pl.ds(0, GRP)], sem
            ).wait()

        col_off = [iota + j * 16 for j in range(D // 16)]

        def accum(gbase, rowbase):
            for sub in range(GRP // 16):
                locv = sel_l[pl.ds(gbase + sub * 16, 16)]
                rbasev = locv * D
                for r in range(16):
                    bvec = rbasev[jnp.full((16,), r, jnp.int32)]
                    row = rowbase + sub * 16 + r
                    vals = [rows2[row, pl.ds(j * 16, 16)] for j in range(D // 16)]
                    for j in range(D // 16):
                        plsc.addupdate_scatter(acc, [bvec + col_off[j]], vals[j])

        def chunk_body(ci, _):
            base = ci * SCH
            pltpu.sync_copy(dst_hbm.at[pl.ds(base, SCH)], dstv)

            def scan_body(v, off):
                d16 = dstv[pl.ds(v * 16, 16)]
                lcl = d16 - lo
                m = (lcl >= 0) & (lcl < PW)
                cnt = plsc.cumsum(m.astype(jnp.int32))
                pos = off + cnt - 1
                plsc.store_scatter(sel_e, [pos], base + v * 16 + iota, mask=m)
                plsc.store_scatter(sel_l, [pos], lcl, mask=m)
                return off + cnt[15]

            off = lax.fori_loop(0, SCH // 16, scan_body, jnp.int32(0))
            for p in range(GRP // 16):
                sel_e[pl.ds(off + p * 16, 16)] = jnp.zeros((16,), jnp.int32)
                sel_l[pl.ds(off + p * 16, 16)] = jnp.full((16,), PW, jnp.int32)

            ngrp = (off + GRP - 1) // GRP

            @pl.when(ngrp > 0)
            def _():
                fire(0, 0, idx_a, sem_a)

            def grp_body(g, _):
                gp = g % 2
                even = gp == 0

                @pl.when(even)
                def _():
                    drain(sem_a)

                @pl.when(jnp.logical_not(even))
                def _():
                    drain(sem_b)

                more = g + 1 < ngrp

                @pl.when(more & even)
                def _():
                    fire(g + 1, 1, idx_b, sem_b)

                @pl.when(more & jnp.logical_not(even))
                def _():
                    fire(g + 1, 0, idx_a, sem_a)

                accum(g * GRP, gp * GRP)
                return 0

            lax.fori_loop(0, ngrp, grp_body, 0)
            return 0

        lax.fori_loop(0, E // SCH, chunk_body, 0)

        def out_body(k, _):
            @pl.when(lo + k * 8 + 8 <= N)
            def _():
                pltpu.sync_copy(
                    acc.at[pl.ds(k * 8 * D, 8 * D)],
                    agg_hbm.at[pl.ds(lo * D + k * 8 * D, 8 * D)],
                )
            return 0

        lax.fori_loop(0, PW // 8, out_body, 0)

    return _sc_gather, _sc_scatter


BE = 1600


def _tc_msg_body(g_ref, e_ref, w1h_ref, w1e_ref, b1_ref, w2_ref, b2_ref, out_ref):
    hid = jnp.dot(g_ref[...], w1h_ref[...], preferred_element_type=jnp.float32)
    hid += jnp.dot(e_ref[...], w1e_ref[...], preferred_element_type=jnp.float32)
    hid = jnp.maximum(hid + b1_ref[...], 0.0)
    out_ref[...] = (
        jnp.dot(hid, w2_ref[...], preferred_element_type=jnp.float32) + b2_ref[...]
    )


def _tc_msg(g, e, w1ht, w1et, b1, w2t, b2):
    return pl.pallas_call(
        _tc_msg_body,
        grid=(E // BE,),
        in_specs=[
            pl.BlockSpec((BE, D), lambda i: (i, 0)),
            pl.BlockSpec((BE, DE), lambda i: (i, 0)),
            pl.BlockSpec((D, D), lambda i: (0, 0)),
            pl.BlockSpec((DE, D), lambda i: (0, 0)),
            pl.BlockSpec((1, D), lambda i: (0, 0)),
            pl.BlockSpec((D, D), lambda i: (0, 0)),
            pl.BlockSpec((1, D), lambda i: (0, 0)),
        ],
        out_specs=pl.BlockSpec((BE, D), lambda i: (i, 0)),
        out_shape=jax.ShapeDtypeStruct((E, D), jnp.float32),
    )(g, e, w1ht, w1et, b1, w2t, b2)


BN = 2000


def _tc_upd_body(h_ref, agg_ref, w3h_ref, w3a_ref, b3_ref, out_ref):
    acc = jnp.dot(h_ref[...], w3h_ref[...], preferred_element_type=jnp.float32)
    acc += jnp.dot(agg_ref[...], w3a_ref[...], preferred_element_type=jnp.float32)
    out_ref[...] = jnp.maximum(acc + b3_ref[...], 0.0)


def _tc_upd(h, agg, w3ht, w3at, b3):
    return pl.pallas_call(
        _tc_upd_body,
        grid=(N // BN,),
        in_specs=[
            pl.BlockSpec((BN, D), lambda i: (i, 0)),
            pl.BlockSpec((BN, D), lambda i: (i, 0)),
            pl.BlockSpec((D, D), lambda i: (0, 0)),
            pl.BlockSpec((D, D), lambda i: (0, 0)),
            pl.BlockSpec((1, D), lambda i: (0, 0)),
        ],
        out_specs=pl.BlockSpec((BN, D), lambda i: (i, 0)),
        out_shape=jax.ShapeDtypeStruct((N, D), jnp.float32),
    )(h, agg, w3ht, w3at, b3)


def kernel(h, edge_index, e, W1, b1, W2, b2, W3, b3):
    src = edge_index[0]
    dst = edge_index[1]

    w1t = W1.T
    w1ht, w1et = w1t[:D], w1t[D:]
    w2t = W2.T
    w3t = W3.T
    w3ht, w3at = w3t[:D], w3t[D:]
    b1r = b1.reshape(1, D)
    b2r = b2.reshape(1, D)
    b3r = b3.reshape(1, D)

    sc_gather, sc_scatter = _sc_kernels()
    gathered = sc_gather(h, src)
    msgs = _tc_msg(gathered, e, w1ht, w1et, b1r, w2t, b2r)
    agg = sc_scatter(msgs, dst).reshape(N, D)
    return _tc_upd(h, agg, w3ht, w3at, b3r)

# --- scband reference (transcript-rebuilt; emitter-appended) ---
"""Pipeline reference for scband-message-passing-layer-52080773431357 (READ-ONLY COPY).

The authoritative reference and input builder live on the scoring server;
editing this copy changes nothing except your own understanding.
"""

import jax, jax.numpy as jnp
import numpy as np

N, E, D, DE = 10000, 160000, 256, 16

def setup_inputs(seed: int = 0) -> dict:
    key = jax.random.key(seed)
    ks = jax.random.split(key, 9)
    h = jax.random.normal(ks[0], (N, D), dtype=jnp.float32)
    edge_index = jax.random.randint(ks[1], (2, E), 0, N, dtype=jnp.int32)
    e = jax.random.normal(ks[2], (E, DE), dtype=jnp.float32)
    # msg_mlp: Linear(D+DE -> D), ReLU, Linear(D -> D)
    W1 = jax.random.normal(ks[3], (D, D + DE), dtype=jnp.float32) * 0.05
    b1 = jnp.zeros((D,), dtype=jnp.float32)
    W2 = jax.random.normal(ks[4], (D, D), dtype=jnp.float32) * 0.05
    b2 = jnp.zeros((D,), dtype=jnp.float32)
    # update_mlp: Linear(2D -> D), ReLU
    W3 = jax.random.normal(ks[5], (D, 2 * D), dtype=jnp.float32) * 0.05
    b3 = jnp.zeros((D,), dtype=jnp.float32)
    return {"h": h, "edge_index": edge_index, "e": e, "W1": W1, "b1": b1, "W2": W2, "b2": b2, "W3": W3, "b3": b3}

def reference(h, edge_index, e, W1, b1, W2, b2, W3, b3):
    src = edge_index[0]
    dst = edge_index[1]
    msg_input = jnp.concatenate([h[src], e], axis=-1)
    hidden = jax.nn.relu(msg_input @ W1.T + b1)
    messages = hidden @ W2.T + b2
    agg = jnp.zeros_like(h).at[dst].add(messages)
    upd_in = jnp.concatenate([h, agg], axis=-1)
    h_new = jax.nn.relu(upd_in @ W3.T + b3)
    return h_new

if __name__ == "__main__":
    import jax
    _d = setup_inputs()
    print(jax.jit(kernel)(*tuple(_d.values())))

</pallas_src>

<mosaic_0001>
#map = affine_map<(d0, d1) -> (0, 0)>
#map1 = affine_map<(d0, d1) -> (0)>
module attributes {stable_mosaic.version = 14 : i64} {
  func.func @_sc_gather(%arg0: i32, %arg1: i32, %arg2: memref<10000x256xf32, #tpu.memory_space<hbm>>, %arg3: memref<160000xi32, #tpu.memory_space<hbm>>, %arg4: memref<160000x256xf32, #tpu.memory_space<hbm>>, %arg5: memref<128xi32, #tpu.memory_space<vmem>>, %arg6: memref<128x256xf32, #tpu.memory_space<vmem>>, %arg7: memref<!tpu.dma_semaphore, #tpu.memory_space<semaphore_mem>>) attributes {dimension_semantics = [#tpu.dimension_semantics<core_parallel>, #tpu.dimension_semantics<subcore_parallel>], iteration_bounds = array<i64: 2, 16>, scalar_prefetch = 0 : i64, scratch_operands = 3 : i64, tpu.core_type = #tpu.core_type<sc_vector_subcore>, window_params = [{transform_indices = #map}, {transform_indices = #map1}, {transform_indices = #map}]} {
    %mul3A = arith.constant 2 : i32
    %mul3A_0 = arith.muli %arg1, %mul3A : i32
    %add3A = arith.addi %mul3A_0, %arg0 : i32
    %scan3A = arith.constant 0 : i32
    %scan3A_1 = arith.constant 0 : i32
    %scan3A_2 = arith.constant 40 : i32
    %scan3A_3 = arith.addi %scan3A_1, %scan3A_2 : i32
    %scan3A_4 = arith.constant 1 : i32
    %scan3A_5 = scf.for %scan3A_7 = %scan3A_1 to %scan3A_3 step %scan3A_4 iter_args(%scan3A_8 = %scan3A) -> (i32)  : i32 {
      %mul3A_9 = arith.constant 32 : i32
      %mul3A_10 = arith.muli %scan3A_7, %mul3A_9 : i32
      %add3A_11 = arith.addi %mul3A_10, %add3A : i32
      %lt3A = arith.constant 1250 : i32
      %lt3A_12 = arith.cmpi slt, %add3A_11, %lt3A : i32
      %convert_element_type3A = arith.extui %lt3A_12 : i1 to i32
      %cond3A = arith.constant 0 : i32
      %cond3A_13 = arith.cmpi ne, %convert_element_type3A, %cond3A : i32
      scf.if %cond3A_13 {
        %mul3A_15 = arith.constant 128 : i32
        %mul3A_16 = arith.muli %add3A_11, %mul3A_15 : i32
        "tpu.region"() ({
          %run_scoped3A = tpu.sem_alloc : memref<!tpu.dma_semaphore, #tpu.memory_space<semaphore_mem>>
          %dma_start3A_21 = tpu.memref_slice %arg3[%mul3A_16] : memref<160000xi32, #tpu.memory_space<hbm>> -> memref<128xi32, #tpu.memory_space<hbm>>
          %dma_start3A_22 = tpu.memref_slice %arg3[%mul3A_16] : memref<160000xi32, #tpu.memory_space<hbm>> -> memref<128xi32, #tpu.memory_space<hbm>>
          tpu.enqueue_dma source(%dma_start3A_22 : memref<128xi32, #tpu.memory_space<hbm>>) target(%arg5 : memref<128xi32, #tpu.memory_space<vmem>>) target_semaphore(%run_scoped3A : memref<!tpu.dma_semaphore, #tpu.memory_space<semaphore_mem>>)
          %dma_wait3A_23 = tpu.memref_slice %arg3[%mul3A_16] : memref<160000xi32, #tpu.memory_space<hbm>> -> memref<128xi32, #tpu.memory_space<hbm>>
          %dma_wait3A_24 = tpu.memref_slice %arg3[%mul3A_16] : memref<160000xi32, #tpu.memory_space<hbm>> -> memref<128xi32, #tpu.memory_space<hbm>>
          tpu.wait_dma2 semaphore(%run_scoped3A : memref<!tpu.dma_semaphore, #tpu.memory_space<semaphore_mem>>) src(%dma_wait3A_24 : memref<128xi32, #tpu.memory_space<hbm>>) dst(%arg5 : memref<128xi32, #tpu.memory_space<vmem>>)
          tpu.yield
        }) : () -> ()
        %dma_start3A = arith.constant 0 : i32
        %dma_start3A_17 = arith.constant 0 : i32
        %dma_start3A_18 = tpu.memref_slice %arg2[%dma_start3A, %dma_start3A_17] : memref<10000x256xf32, #tpu.memory_space<hbm>> -> memref<10000x256xf32, #tpu.memory_space<hbm>>
        tpu.enqueue_indirect_dma source(%dma_start3A_18 : memref<10000x256xf32, #tpu.memory_space<hbm>>) target(%arg6 : memref<128x256xf32, #tpu.memory_space<vmem>>) offsets(%arg5 : memref<128xi32, #tpu.memory_space<vmem>>) semaphore(%arg7 : memref<!tpu.dma_semaphore, #tpu.memory_space<semaphore_mem>>)
        %dma_wait3A = arith.constant 0 : i32
        %dma_wait3A_19 = arith.constant 0 : i32
        %dma_wait3A_20 = tpu.memref_slice %arg2[%dma_wait3A, %dma_wait3A_19] : memref<10000x256xf32, #tpu.memory_space<hbm>> -> memref<10000x256xf32, #tpu.memory_space<hbm>>
        tpu.wait_indirect_dma semaphore(%arg7 : memref<!tpu.dma_semaphore, #tpu.memory_space<semaphore_mem>>) src(%dma_wait3A_20 : memref<10000x256xf32, #tpu.memory_space<hbm>>) dst(%arg6 : memref<128x256xf32, #tpu.memory_space<vmem>>)
        "tpu.region"() ({
          %run_scoped3A = tpu.sem_alloc : memref<!tpu.dma_semaphore, #tpu.memory_space<semaphore_mem>>
          %dma_start3A_21 = arith.constant 0 : i32
          %dma_start3A_22 = tpu.memref_slice %arg4[%mul3A_16, %dma_start3A_21] : memref<160000x256xf32, #tpu.memory_space<hbm>> -> memref<128x256xf32, #tpu.memory_space<hbm>>
          %dma_start3A_23 = arith.constant 0 : i32
          %dma_start3A_24 = tpu.memref_slice %arg4[%mul3A_16, %dma_start3A_23] : memref<160000x256xf32, #tpu.memory_space<hbm>> -> memref<128x256xf32, #tpu.memory_space<hbm>>
          tpu.enqueue_dma source(%arg6 : memref<128x256xf32, #tpu.memory_space<vmem>>) target(%dma_start3A_24 : memref<128x256xf32, #tpu.memory_space<hbm>>) target_semaphore(%run_scoped3A : memref<!tpu.dma_semaphore, #tpu.memory_space<semaphore_mem>>)
          %dma_wait3A_25 = arith.constant 0 : i32
          %dma_wait3A_26 = tpu.memref_slice %arg4[%mul3A_16, %dma_wait3A_25] : memref<160000x256xf32, #tpu.memory_space<hbm>> -> memref<128x256xf32, #tpu.memory_space<hbm>>
          %dma_wait3A_27 = arith.constant 0 : i32
          %dma_wait3A_28 = tpu.memref_slice %arg4[%mul3A_16, %dma_wait3A_27] : memref<160000x256xf32, #tpu.memory_space<hbm>> -> memref<128x256xf32, #tpu.memory_space<hbm>>
          tpu.wait_dma2 semaphore(%run_scoped3A : memref<!tpu.dma_semaphore, #tpu.memory_space<semaphore_mem>>) src(%arg6 : memref<128x256xf32, #tpu.memory_space<vmem>>) dst(%dma_wait3A_28 : memref<128x256xf32, #tpu.memory_space<hbm>>)
          tpu.yield
        }) : () -> ()
      } else {
      }
      %scan3A_14 = arith.constant 0 : i32
      scf.yield %scan3A_14 : i32
    }
    %scan3A_6 = arith.constant 40 : i32
    return
  }
}

#map = affine_map<(d0, d1) -> (0, 0)>
#map1 = affine_map<(d0, d1) -> (0)>
module attributes {stable_mosaic.version = 14 : i64} {
  func.func @_sc_scatter(%arg0: i32, %arg1: i32, %arg2: memref<160000x256xf32, #tpu.memory_space<hbm>>, %arg3: memref<160000xi32, #tpu.memory_space<hbm>>, %arg4: memref<2560000xf32, #tpu.memory_space<hbm>>, %arg5: memref<4000xi32, #tpu.memory_space<vmem>>, %arg6: memref<4032xi32, #tpu.memory_space<vmem>>, %arg7: memref<4032xi32, #tpu.memory_space<vmem>>, %arg8: memref<32x256xf32, #tpu.memory_space<vmem>>, %arg9: memref<82176xf32, #tpu.memory_space<vmem>>, %arg10: memref<16xi32, #tpu.memory_space<vmem>>, %arg11: memref<16xi32, #tpu.memory_space<vmem>>, %arg12: memref<!tpu.dma_semaphore, #tpu.memory_space<semaphore_mem>>, %arg13: memref<!tpu.dma_semaphore, #tpu.memory_space<semaphore_mem>>) attributes {dimension_semantics = [#tpu.dimension_semantics<core_parallel>, #tpu.dimension_semantics<subcore_parallel>], iteration_bounds = array<i64: 2, 16>, scalar_prefetch = 0 : i64, scratch_operands = 9 : i64, tpu.core_type = #tpu.core_type<sc_vector_subcore>, window_params = [{transform_indices = #map}, {transform_indices = #map1}, {transform_indices = #map1}]} {
    %mul3A = arith.constant 2 : i32
    %mul3A_0 = arith.muli %arg1, %mul3A : i32
    %add3A = arith.addi %mul3A_0, %arg0 : i32
    %mul3A_1 = arith.constant 320 : i32
    %mul3A_2 = arith.muli %add3A, %mul3A_1 : i32
    %iota3A = tpu.iota {dimensions = array<i32: 0>} : vector<16xi32>
    %broadcast_in_dim3A = arith.constant 0.000000e+00 : f32
    %broadcast_in_dim3A_3 = vector.broadcast %broadcast_in_dim3A : f32 to vector<16xf32>
    %scan3A = arith.constant 0 : i32
    %scan3A_4 = arith.constant 0 : i32
    %scan3A_5 = arith.constant 5136 : i32
    %scan3A_6 = arith.addi %scan3A_4, %scan3A_5 : i32
    %scan3A_7 = arith.constant 1 : i32
    %scan3A_8 = scf.for %scan3A_72 = %scan3A_4 to %scan3A_6 step %scan3A_7 iter_args(%scan3A_73 = %scan3A) -> (i32)  : i32 {
      %mul3A_74 = arith.constant 16 : i32
      %mul3A_75 = arith.muli %scan3A_72, %mul3A_74 : i32
      %swap3A = arith.index_cast %mul3A_75 : i32 to index
      %swap3A_76 = tpu.vector_load %arg9[%swap3A] {strides = array<i32>} : memref<82176xf32, #tpu.memory_space<vmem>>, vector<16xf32>,
      tpu.vector_store %arg9[%swap3A], %broadcast_in_dim3A_3 {strides = array<i32>} : memref<82176xf32, #tpu.memory_space<vmem>>, vector<16xf32>,
      %scan3A_77 = arith.constant 0 : i32
      scf.yield %scan3A_77 : i32
    }
    %scan3A_9 = arith.constant 5136 : i32
    %add3A_10 = arith.constant 0 : i32
    %add3A_11 = vector.broadcast %add3A_10 : i32 to vector<16xi32>
    %add3A_12 = arith.addi %iota3A, %add3A_11 : vector<16xi32>
    %add3A_13 = arith.constant 16 : i32
    %add3A_14 = vector.broadcast %add3A_13 : i32 to vector<16xi32>
    %add3A_15 = arith.addi %iota3A, %add3A_14 : vector<16xi32>
    %add3A_16 = arith.constant 32 : i32
    %add3A_17 = vector.broadcast %add3A_16 : i32 to vector<16xi32>
    %add3A_18 = arith.addi %iota3A, %add3A_17 : vector<16xi32>
    %add3A_19 = arith.constant 48 : i32
    %add3A_20 = vector.broadcast %add3A_19 : i32 to vector<16xi32>
    %add3A_21 = arith.addi %iota3A, %add3A_20 : vector<16xi32>
    %add3A_22 = arith.constant 64 : i32
    %add3A_23 = vector.broadcast %add3A_22 : i32 to vector<16xi32>
    %add3A_24 = arith.addi %iota3A, %add3A_23 : vector<16xi32>
    %add3A_25 = arith.constant 80 : i32
    %add3A_26 = vector.broadcast %add3A_25 : i32 to vector<16xi32>
    %add3A_27 = arith.addi %iota3A, %add3A_26 : vector<16xi32>
    %add3A_28 = arith.constant 96 : i32
    %add3A_29 = vector.broadcast %add3A_28 : i32 to vector<16xi32>
    %add3A_30 = arith.addi %iota3A, %add3A_29 : vector<16xi32>
    %add3A_31 = arith.constant 112 : i32
    %add3A_32 = vector.broadcast %add3A_31 : i32 to vector<16xi32>
    %add3A_33 = arith.addi %iota3A, %add3A_32 : vector<16xi32>
    %add3A_34 = arith.constant 128 : i32
    %add3A_35 = vector.broadcast %add3A_34 : i32 to vector<16xi32>
    %add3A_36 = arith.addi %iota3A, %add3A_35 : vector<16xi32>
    %add3A_37 = arith.constant 144 : i32
    %add3A_38 = vector.broadcast %add3A_37 : i32 to vector<16xi32>
    %add3A_39 = arith.addi %iota3A, %add3A_38 : vector<16xi32>
    %add3A_40 = arith.constant 160 : i32
    %add3A_41 = vector.broadcast %add3A_40 : i32 to vector<16xi32>
    %add3A_42 = arith.addi %iota3A, %add3A_41 : vector<16xi32>
    %add3A_43 = arith.constant 176 : i32
    %add3A_44 = vector.broadcast %add3A_43 : i32 to vector<16xi32>
    %add3A_45 = arith.addi %iota3A, %add3A_44 : vector<16xi32>
    %add3A_46 = arith.constant 192 : i32
    %add3A_47 = vector.broadcast %add3A_46 : i32 to vector<16xi32>
    %add3A_48 = arith.addi %iota3A, %add3A_47 : vector<16xi32>
    %add3A_49 = arith.constant 208 : i32
    %add3A_50 = vector.broadcast %add3A_49 : i32 to vector<16xi32>
    %add3A_51 = arith.addi %iota3A, %add3A_50 : vector<16xi32>
    %add3A_52 = arith.constant 224 : i32
    %add3A_53 = vector.broadcast %add3A_52 : i32 to vector<16xi32>
    %add3A_54 = arith.addi %iota3A, %add3A_53 : vector<16xi32>
    %add3A_55 = arith.constant 240 : i32
    %add3A_56 = vector.broadcast %add3A_55 : i32 to vector<16xi32>
    %add3A_57 = arith.addi %iota3A, %add3A_56 : vector<16xi32>
    %scan3A_58 = arith.constant 0 : i32
    %scan3A_59 = arith.constant 0 : i32
    %scan3A_60 = arith.constant 40 : i32
    %scan3A_61 = arith.addi %scan3A_59, %scan3A_60 : i32
    %scan3A_62 = arith.constant 1 : i32
    %scan3A_63 = scf.for %scan3A_72 = %scan3A_59 to %scan3A_61 step %scan3A_62 iter_args(%scan3A_73 = %scan3A_58) -> (i32)  : i32 {
      %mul3A_74 = arith.constant 4000 : i32
      %mul3A_75 = arith.muli %scan3A_72, %mul3A_74 : i32
      "tpu.region"() ({
        %run_scoped3A = tpu.sem_alloc : memref<!tpu.dma_semaphore, #tpu.memory_space<semaphore_mem>>
        %dma_start3A = tpu.memref_slice %arg3[%mul3A_75] : memref<160000xi32, #tpu.memory_space<hbm>> -> memref<4000xi32, #tpu.memory_space<hbm>>
        %dma_start3A_128 = tpu.memref_slice %arg3[%mul3A_75] : memref<160000xi32, #tpu.memory_space<hbm>> -> memref<4000xi32, #tpu.memory_space<hbm>>
        tpu.enqueue_dma source(%dma_start3A_128 : memref<4000xi32, #tpu.memory_space<hbm>>) target(%arg5 : memref<4000xi32, #tpu.memory_space<vmem>>) target_semaphore(%run_scoped3A : memref<!tpu.dma_semaphore, #tpu.memory_space<semaphore_mem>>)
        %dma_wait3A = tpu.memref_slice %arg3[%mul3A_75] : memref<160000xi32, #tpu.memory_space<hbm>> -> memref<4000xi32, #tpu.memory_space<hbm>>
        %dma_wait3A_129 = tpu.memref_slice %arg3[%mul3A_75] : memref<160000xi32, #tpu.memory_space<hbm>> -> memref<4000xi32, #tpu.memory_space<hbm>>
        tpu.wait_dma2 semaphore(%run_scoped3A : memref<!tpu.dma_semaphore, #tpu.memory_space<semaphore_mem>>) src(%dma_wait3A_129 : memref<4000xi32, #tpu.memory_space<hbm>>) dst(%arg5 : memref<4000xi32, #tpu.memory_space<vmem>>)
        tpu.yield
      }) : () -> ()
      %scan3A_76 = arith.constant 0 : i32
      %scan3A_77 = arith.constant 0 : i32
      %scan3A_78 = arith.constant 250 : i32
      %scan3A_79 = arith.addi %scan3A_77, %scan3A_78 : i32
      %scan3A_80 = arith.constant 1 : i32
      %scan3A_81 = scf.for %scan3A_128 = %scan3A_77 to %scan3A_79 step %scan3A_80 iter_args(%scan3A_129 = %scan3A_76) -> (i32)  : i32 {
        %mul3A_130 = arith.constant 16 : i32
        %mul3A_131 = arith.muli %scan3A_128, %mul3A_130 : i32
        %get3A = arith.index_cast %mul3A_131 : i32 to index
        %get3A_132 = tpu.vector_load %arg5[%get3A] {strides = array<i32>} : memref<4000xi32, #tpu.memory_space<vmem>>, vector<16xi32>,
        %sub3A_133 = vector.broadcast %mul3A_2 : i32 to vector<16xi32>
        %sub3A_134 = arith.subi %get3A_132, %sub3A_133 : vector<16xi32>
        %ge3A = arith.constant 0 : i32
        %ge3A_135 = vector.broadcast %ge3A : i32 to vector<16xi32>
        %ge3A_136 = arith.cmpi sge, %sub3A_134, %ge3A_135 : vector<16xi32>
        %lt3A = arith.constant 320 : i32
        %lt3A_137 = vector.broadcast %lt3A : i32 to vector<16xi32>
        %lt3A_138 = arith.cmpi slt, %sub3A_134, %lt3A_137 : vector<16xi32>
        %and3A_139 = arith.andi %ge3A_136, %lt3A_138 : vector<16xi1>
        %convert_element_type3A_140 = arith.extui %and3A_139 : vector<16xi1> to vector<16xi32>
        %broadcast_in_dim3A_141 = arith.constant true
        %broadcast_in_dim3A_142 = vector.broadcast %broadcast_in_dim3A_141 : i1 to vector<16xi1>
        %masked_cumsum3A = tpu.scan <sum>, %convert_element_type3A_140 masked %broadcast_in_dim3A_142 : vector<16xi32>, vector<16xi1> -> vector<16xi32>
        %add3A_143 = vector.broadcast %scan3A_129 : i32 to vector<16xi32>
        %add3A_144 = arith.addi %add3A_143, %masked_cumsum3A : vector<16xi32>
        %sub3A_145 = arith.constant 1 : i32
        %sub3A_146 = vector.broadcast %sub3A_145 : i32 to vector<16xi32>
        %sub3A_147 = arith.subi %add3A_144, %sub3A_146 : vector<16xi32>
        %mul3A_148 = arith.constant 16 : i32
        %mul3A_149 = arith.muli %scan3A_128, %mul3A_148 : i32
        %add3A_150 = arith.addi %mul3A_75, %mul3A_149 : i32
        %add3A_151 = vector.broadcast %add3A_150 : i32 to vector<16xi32>
        %add3A_152 = arith.addi %add3A_151, %iota3A : vector<16xi32>
        tpu.vector_store_idx %arg6[%sub3A_147], %add3A_152 masked %and3A_139 : memref<4032xi32, #tpu.memory_space<vmem>>[vector<16xi32>], vector<16xi32>, vector<16xi1>
        tpu.vector_store_idx %arg7[%sub3A_147], %sub3A_134 masked %and3A_139 : memref<4032xi32, #tpu.memory_space<vmem>>[vector<16xi32>], vector<16xi32>, vector<16xi1>
        %slice3A = vector.extract_strided_slice %masked_cumsum3A {offsets = [15], sizes = [1], strides = [1]} : vector<16xi32> to vector<1xi32>
        %squeeze3A = vector.extract %slice3A[0] : i32 from vector<1xi32>
        %add3A_153 = arith.addi %scan3A_129, %squeeze3A : i32
        scf.yield %add3A_153 : i32
      }
      %scan3A_82 = arith.constant 250 : i32
      %broadcast_in_dim3A_83 = arith.constant 0 : i32
      %broadcast_in_dim3A_84 = vector.broadcast %broadcast_in_dim3A_83 : i32 to vector<16xi32>
      %add3A_85 = arith.constant 0 : i32
      %add3A_86 = arith.addi %scan3A_81, %add3A_85 : i32
      %swap3A = arith.index_cast %add3A_86 : i32 to index
      %swap3A_87 = tpu.vector_load %arg6[%swap3A] {strides = array<i32>} : memref<4032xi32, #tpu.memory_space<vmem>>, vector<16xi32>,
      tpu.vector_store %arg6[%swap3A], %broadcast_in_dim3A_84 {strides = array<i32>} : memref<4032xi32, #tpu.memory_space<vmem>>, vector<16xi32>,
      %broadcast_in_dim3A_88 = arith.constant 320 : i32
      %broadcast_in_dim3A_89 = vector.broadcast %broadcast_in_dim3A_88 : i32 to vector<16xi32>
      %add3A_90 = arith.constant 0 : i32
      %add3A_91 = arith.addi %scan3A_81, %add3A_90 : i32
      %swap3A_92 = arith.index_cast %add3A_91 : i32 to index
      %swap3A_93 = tpu.vector_load %arg7[%swap3A_92] {strides = array<i32>} : memref<4032xi32, #tpu.memory_space<vmem>>, vector<16xi32>,
      tpu.vector_store %arg7[%swap3A_92], %broadcast_in_dim3A_89 {strides = array<i32>} : memref<4032xi32, #tpu.memory_space<vmem>>, vector<16xi32>,
      %add3A_94 = arith.constant 16 : i32
      %add3A_95 = arith.addi %scan3A_81, %add3A_94 : i32
      %sub3A = arith.constant 1 : i32
      %sub3A_96 = arith.subi %add3A_95, %sub3A : i32
      %jit3A = arith.constant 16 : i32
      %div3A = arith.divsi %sub3A_96, %jit3A : i32
      %sign3A = arith.constant 0 : i32
      %sign3A_97 = arith.cmpi sgt, %sub3A_96, %sign3A : i32
      %sign3A_98 = arith.extui %sign3A_97 : i1 to i32
      %sign3A_99 = arith.constant 0 : i32
      %sign3A_100 = arith.cmpi slt, %sub3A_96, %sign3A_99 : i32
      %sign3A_101 = arith.extui %sign3A_100 : i1 to i32
      %sign3A_102 = arith.subi %sign3A_98, %sign3A_101 : i32
      %sign3A_103 = arith.constant 0 : i32
      %sign3A_104 = arith.cmpi sgt, %jit3A, %sign3A_103 : i32
      %sign3A_105 = arith.extui %sign3A_104 : i1 to i32
      %sign3A_106 = arith.constant 0 : i32
      %sign3A_107 = arith.cmpi slt, %jit3A, %sign3A_106 : i32
      %sign3A_108 = arith.extui %sign3A_107 : i1 to i32
      %sign3A_109 = arith.subi %sign3A_105, %sign3A_108 : i32
      %ne3A = arith.cmpi ne, %sign3A_102, %sign3A_109 : i32
      %rem3A = arith.remsi %sub3A_96, %jit3A : i32
      %ne3A_110 = arith.constant 0 : i32
      %ne3A_111 = arith.cmpi ne, %rem3A, %ne3A_110 : i32
      %and3A = arith.andi %ne3A, %ne3A_111 : i1
      %sub3A_112 = arith.constant 1 : i32
      %sub3A_113 = arith.subi %div3A, %sub3A_112 : i32
      %select_n3A = arith.select %and3A, %sub3A_113, %div3A : i32
      %gt3A = arith.constant 0 : i32
      %gt3A_114 = arith.cmpi sgt, %select_n3A, %gt3A : i32
      %convert_element_type3A = arith.extui %gt3A_114 : i1 to i32
      %cond3A = arith.constant 0 : i32
      %cond3A_115 = arith.cmpi ne, %convert_element_type3A, %cond3A : i32
      scf.if %cond3A_115 {
        %get3A = arith.constant 0 : index
        %get3A_128 = tpu.vector_load %arg6[%get3A] {strides = array<i32>} : memref<4032xi32, #tpu.memory_space<vmem>>, vector<16xi32>,
        %swap3A_129 = arith.constant 0 : index
        %swap3A_130 = tpu.vector_load %arg10[%swap3A_129] {strides = array<i32>} : memref<16xi32, #tpu.memory_space<vmem>>, vector<16xi32>,
        tpu.vector_store %arg10[%swap3A_129], %get3A_128 {strides = array<i32>} : memref<16xi32, #tpu.memory_space<vmem>>, vector<16xi32>,
        %dma_start3A = arith.constant 0 : i32
        %dma_start3A_131 = arith.constant 0 : i32
        %dma_start3A_132 = tpu.memref_slice %arg8[%dma_start3A, %dma_start3A_131] : memref<32x256xf32, #tpu.memory_space<vmem>> -> memref<16x256xf32, #tpu.memory_space<vmem>>
        %dma_start3A_133 = arith.constant 0 : i32
        %dma_start3A_134 = arith.constant 0 : i32
        %dma_start3A_135 = tpu.memref_slice %arg2[%dma_start3A_133, %dma_start3A_134] : memref<160000x256xf32, #tpu.memory_space<hbm>> -> memref<160000x256xf32, #tpu.memory_space<hbm>>
        tpu.enqueue_indirect_dma source(%dma_start3A_135 : memref<160000x256xf32, #tpu.memory_space<hbm>>) target(%dma_start3A_132 : memref<16x256xf32, #tpu.memory_space<vmem>>) offsets(%arg10 : memref<16xi32, #tpu.memory_space<vmem>>) semaphore(%arg12 : memref<!tpu.dma_semaphore, #tpu.memory_space<semaphore_mem>>)
      } else {
      }
      %while3A = arith.constant 0 : i32
      %while3A_116 = arith.constant 0 : i32
      %while3A_117 = arith.subi %select_n3A, %while3A : i32
      %while3A_118 = arith.addi %while3A, %while3A_117 : i32
      %while3A_119 = arith.constant 1 : i32
      %while3A_120 = arith.divsi %while3A_117, %while3A_119 : i32
      %while3A_121 = arith.muli %while3A_120, %while3A_119 : i32
      %while3A_122 = arith.addi %while3A, %while3A_121 : i32
      %while3A_123 = arith.constant 1 : i32
      %while3A_124 = scf.for %while3A_128 = %while3A to %while3A_122 step %while3A_123 iter_args(%while3A_129 = %while3A_116) -> (i32)  : i32 {
        %jit3A_130 = arith.constant 2 : i32
        %eq3A = arith.constant 0 : i32
        %eq3A_131 = arith.cmpi eq, %jit3A_130, %eq3A : i32
        %jit3A_132 = arith.constant 1 : i32
        %select_n3A_133 = arith.select %eq3A_131, %jit3A_132, %jit3A_130 : i32
        %rem3A_134 = arith.remsi %while3A_128, %select_n3A_133 : i32
        %ne3A_135 = arith.constant 0 : i32
        %ne3A_136 = arith.cmpi ne, %rem3A_134, %ne3A_135 : i32
        %lt3A = arith.constant 0 : i32
        %lt3A_137 = arith.cmpi slt, %rem3A_134, %lt3A : i32
        %lt3A_138 = arith.constant 0 : i32
        %lt3A_139 = arith.cmpi slt, %select_n3A_133, %lt3A_138 : i32
        %ne3A_140 = arith.xori %lt3A_137, %lt3A_139 : i1
        %and3A_141 = arith.andi %ne3A_140, %ne3A_136 : i1
        %add3A_142 = arith.addi %rem3A_134, %select_n3A_133 : i32
        %select_n3A_143 = arith.select %and3A_141, %add3A_142, %rem3A_134 : i32
        %eq3A_144 = arith.constant 0 : i32
        %eq3A_145 = arith.cmpi eq, %select_n3A_143, %eq3A_144 : i32
        %convert_element_type3A_146 = arith.extui %eq3A_145 : i1 to i32
        %cond3A_147 = arith.constant 0 : i32
        %cond3A_148 = arith.cmpi ne, %convert_element_type3A_146, %cond3A_147 : i32
        scf.if %cond3A_148 {
          %dma_wait3A = arith.constant 0 : i32
          %dma_wait3A_1456 = arith.constant 0 : i32
          %dma_wait3A_1457 = tpu.memref_slice %arg8[%dma_wait3A, %dma_wait3A_1456] : memref<32x256xf32, #tpu.memory_space<vmem>> -> memref<16x256xf32, #tpu.memory_space<vmem>>
          %dma_wait3A_1458 = arith.constant 0 : i32
          %dma_wait3A_1459 = arith.constant 0 : i32
          %dma_wait3A_1460 = tpu.memref_slice %arg2[%dma_wait3A_1458, %dma_wait3A_1459] : memref<160000x256xf32, #tpu.memory_space<hbm>> -> memref<16x256xf32, #tpu.memory_space<hbm>>
          %dma_wait3A_1461 = arith.constant 0 : i32
          %dma_wait3A_1462 = arith.constant 0 : i32
          %dma_wait3A_1463 = tpu.memref_slice %arg8[%dma_wait3A_1461, %dma_wait3A_1462] : memref<32x256xf32, #tpu.memory_space<vmem>> -> memref<16x256xf32, #tpu.memory_space<vmem>>
          %dma_wait3A_1464 = arith.constant 0 : i32
          %dma_wait3A_1465 = arith.constant 0 : i32
          %dma_wait3A_1466 = tpu.memref_slice %arg2[%dma_wait3A_1464, %dma_wait3A_1465] : memref<160000x256xf32, #tpu.memory_space<hbm>> -> memref<16x256xf32, #tpu.memory_space<hbm>>
          tpu.wait_dma2 semaphore(%arg12 : memref<!tpu.dma_semaphore, #tpu.memory_space<semaphore_mem>>) src(%dma_wait3A_1466 : memref<16x256xf32, #tpu.memory_space<hbm>>) dst(%dma_wait3A_1463 : memref<16x256xf32, #tpu.memory_space<vmem>>)
        } else {
        }
        %not3A = arith.constant true
        %not3A_149 = arith.xori %eq3A_145, %not3A : i1
        %convert_element_type3A_150 = arith.extui %not3A_149 : i1 to i32
        %cond3A_151 = arith.constant 0 : i32
        %cond3A_152 = arith.cmpi ne, %convert_element_type3A_150, %cond3A_151 : i32
        scf.if %cond3A_152 {
          %dma_wait3A = arith.constant 0 : i32
          %dma_wait3A_1456 = arith.constant 0 : i32
          %dma_wait3A_1457 = tpu.memref_slice %arg8[%dma_wait3A, %dma_wait3A_1456] : memref<32x256xf32, #tpu.memory_space<vmem>> -> memref<16x256xf32, #tpu.memory_space<vmem>>
          %dma_wait3A_1458 = arith.constant 0 : i32
          %dma_wait3A_1459 = arith.constant 0 : i32
          %dma_wait3A_1460 = tpu.memref_slice %arg2[%dma_wait3A_1458, %dma_wait3A_1459] : memref<160000x256xf32, #tpu.memory_space<hbm>> -> memref<16x256xf32, #tpu.memory_space<hbm>>
          %dma_wait3A_1461 = arith.constant 0 : i32
          %dma_wait3A_1462 = arith.constant 0 : i32
          %dma_wait3A_1463 = tpu.memref_slice %arg8[%dma_wait3A_1461, %dma_wait3A_1462] : memref<32x256xf32, #tpu.memory_space<vmem>> -> memref<16x256xf32, #tpu.memory_space<vmem>>
          %dma_wait3A_1464 = arith.constant 0 : i32
          %dma_wait3A_1465 = arith.constant 0 : i32
          %dma_wait3A_1466 = tpu.memref_slice %arg2[%dma_wait3A_1464, %dma_wait3A_1465] : memref<160000x256xf32, #tpu.memory_space<hbm>> -> memref<16x256xf32, #tpu.memory_space<hbm>>
          tpu.wait_dma2 semaphore(%arg13 : memref<!tpu.dma_semaphore, #tpu.memory_space<semaphore_mem>>) src(%dma_wait3A_1466 : memref<16x256xf32, #tpu.memory_space<hbm>>) dst(%dma_wait3A_1463 : memref<16x256xf32, #tpu.memory_space<vmem>>)
        } else {
        }
        %add3A_153 = arith.constant 1 : i32
        %add3A_154 = arith.addi %while3A_128, %add3A_153 : i32
        %lt3A_155 = arith.cmpi slt, %add3A_154, %select_n3A : i32
        %and3A_156 = arith.andi %lt3A_155, %eq3A_145 : i1
        %convert_element_type3A_157 = arith.extui %and3A_156 : i1 to i32
        %cond3A_158 = arith.constant 0 : i32
        %cond3A_159 = arith.cmpi ne, %convert_element_type3A_157, %cond3A_158 : i32
        scf.if %cond3A_159 {
          %add3A_1456 = arith.constant 1 : i32
          %add3A_1457 = arith.addi %while3A_128, %add3A_1456 : i32
          %mul3A_1458 = arith.constant 16 : i32
          %mul3A_1459 = arith.muli %add3A_1457, %mul3A_1458 : i32
          %add3A_1460 = arith.constant 0 : i32
          %add3A_1461 = arith.addi %mul3A_1459, %add3A_1460 : i32
          %get3A_1462 = arith.index_cast %add3A_1461 : i32 to index
          %get3A_1463 = tpu.vector_load %arg6[%get3A_1462] {strides = array<i32>} : memref<4032xi32, #tpu.memory_space<vmem>>, vector<16xi32>,
          %swap3A_1464 = arith.constant 0 : index
          %swap3A_1465 = tpu.vector_load %arg11[%swap3A_1464] {strides = array<i32>} : memref<16xi32, #tpu.memory_space<vmem>>, vector<16xi32>,
          tpu.vector_store %arg11[%swap3A_1464], %get3A_1463 {strides = array<i32>} : memref<16xi32, #tpu.memory_space<vmem>>, vector<16xi32>,
          %dma_start3A = arith.constant 16 : i32
          %dma_start3A_1466 = arith.constant 0 : i32
          %dma_start3A_1467 = tpu.memref_slice %arg8[%dma_start3A, %dma_start3A_1466] : memref<32x256xf32, #tpu.memory_space<vmem>> -> memref<16x256xf32, #tpu.memory_space<vmem>>
          %dma_start3A_1468 = arith.constant 0 : i32
          %dma_start3A_1469 = arith.constant 0 : i32
          %dma_start3A_1470 = tpu.memref_slice %arg2[%dma_start3A_1468, %dma_start3A_1469] : memref<160000x256xf32, #tpu.memory_space<hbm>> -> memref<160000x256xf32, #tpu.memory_space<hbm>>
          tpu.enqueue_indirect_dma source(%dma_start3A_1470 : memref<160000x256xf32, #tpu.memory_space<hbm>>) target(%dma_start3A_1467 : memref<16x256xf32, #tpu.memory_space<vmem>>) offsets(%arg11 : memref<16xi32, #tpu.memory_space<vmem>>) semaphore(%arg13 : memref<!tpu.dma_semaphore, #tpu.memory_space<semaphore_mem>>)
        } else {
        }
        %not3A_160 = arith.constant true
        %not3A_161 = arith.xori %eq3A_145, %not3A_160 : i1
        %and3A_162 = arith.andi %lt3A_155, %not3A_161 : i1
        %convert_element_type3A_163 = arith.extui %and3A_162 : i1 to i32
        %cond3A_164 = arith.constant 0 : i32
        %cond3A_165 = arith.cmpi ne, %convert_element_type3A_163, %cond3A_164 : i32
        scf.if %cond3A_165 {
          %add3A_1456 = arith.constant 1 : i32
          %add3A_1457 = arith.addi %while3A_128, %add3A_1456 : i32
          %mul3A_1458 = arith.constant 16 : i32
          %mul3A_1459 = arith.muli %add3A_1457, %mul3A_1458 : i32
          %add3A_1460 = arith.constant 0 : i32
          %add3A_1461 = arith.addi %mul3A_1459, %add3A_1460 : i32
          %get3A_1462 = arith.index_cast %add3A_1461 : i32 to index
          %get3A_1463 = tpu.vector_load %arg6[%get3A_1462] {strides = array<i32>} : memref<4032xi32, #tpu.memory_space<vmem>>, vector<16xi32>,
          %swap3A_1464 = arith.constant 0 : index
          %swap3A_1465 = tpu.vector_load %arg10[%swap3A_1464] {strides = array<i32>} : memref<16xi32, #tpu.memory_space<vmem>>, vector<16xi32>,
          tpu.vector_store %arg10[%swap3A_1464], %get3A_1463 {strides = array<i32>} : memref<16xi32, #tpu.memory_space<vmem>>, vector<16xi32>,
          %dma_start3A = arith.constant 0 : i32
          %dma_start3A_1466 = arith.constant 0 : i32
          %dma_start3A_1467 = tpu.memref_slice %arg8[%dma_start3A, %dma_start3A_1466] : memref<32x256xf32, #tpu.memory_space<vmem>> -> memref<16x256xf32, #tpu.memory_space<vmem>>
          %dma_start3A_1468 = arith.constant 0 : i32
          %dma_start3A_1469 = arith.constant 0 : i32
          %dma_start3A_1470 = tpu.memref_slice %arg2[%dma_start3A_1468, %dma_start3A_1469] : memref<160000x256xf32, #tpu.memory_space<hbm>> -> memref<160000x256xf32, #tpu.memory_space<hbm>>
          tpu.enqueue_indirect_dma source(%dma_start3A_1470 : memref<160000x256xf32, #tpu.memory_space<hbm>>) target(%dma_start3A_1467 : memref<16x256xf32, #tpu.memory_space<vmem>>) offsets(%arg10 : memref<16xi32, #tpu.memory_space<vmem>>) semaphore(%arg12 : memref<!tpu.dma_semaphore, #tpu.memory_space<semaphore_mem>>)
        } else {
        }
        %mul3A_166 = arith.constant 16 : i32
        %mul3A_167 = arith.muli %while3A_128, %mul3A_166 : i32
        %mul3A_168 = arith.constant 16 : i32
        %mul3A_169 = arith.muli %select_n3A_143, %mul3A_168 : i32
        %add3A_170 = arith.constant 0 : i32
        %add3A_171 = arith.addi %mul3A_167, %add3A_170 : i32
        %get3A = arith.index_cast %add3A_171 : i32 to index
        %get3A_172 = tpu.vector_load %arg7[%get3A] {strides = array<i32>} : memref<4032xi32, #tpu.memory_space<vmem>>, vector<16xi32>,
        %mul3A_173 = arith.constant 256 : i32
        %mul3A_174 = vector.broadcast %mul3A_173 : i32 to vector<16xi32>
        %mul3A_175 = arith.muli %get3A_172, %mul3A_174 : vector<16xi32>
        %broadcast_in_dim3A_176 = arith.constant 0 : i32
        %broadcast_in_dim3A_177 = vector.broadcast %broadcast_in_dim3A_176 : i32 to vector<16xi32>
        %lt3A_178 = arith.constant 0 : i32
        %lt3A_179 = vector.broadcast %lt3A_178 : i32 to vector<16xi32>
        %lt3A_180 = arith.cmpi slt, %broadcast_in_dim3A_177, %lt3A_179 : vector<16xi32>
        %add3A_181 = arith.constant 16 : i32
        %add3A_182 = vector.broadcast %add3A_181 : i32 to vector<16xi32>
        %add3A_183 = arith.addi %broadcast_in_dim3A_177, %add3A_182 : vector<16xi32>
        %select_n3A_184 = arith.select %lt3A_180, %add3A_183, %broadcast_in_dim3A_177 : vector<16xi1>, vector<16xi32>
        %broadcast_in_dim3A_185 = vector.shape_cast %select_n3A_184 : vector<16xi32> to vector<16x1xi32>
        %gather3A = vector.shape_cast %broadcast_in_dim3A_185 : vector<16x1xi32> to vector<16xi32>
        %gather3A_186 = tpu.dynamic_gather %mul3A_175[%gather3A] in [0] : vector<16xi32>, vector<16xi32> -> vector<16xi32>
        %add3A_187 = arith.constant 0 : i32
        %add3A_188 = arith.addi %mul3A_169, %add3A_187 : i32
        %add3A_189 = arith.constant 0 : i32
        %add3A_190 = arith.addi %add3A_188, %add3A_189 : i32
        %get3A_191 = arith.index_cast %add3A_190 : i32 to index
        %get3A_192 = arith.constant 0 : index
        %get3A_193 = tpu.vector_load %arg8[%get3A_191, %get3A_192] {strides = array<i32>} : memref<32x256xf32, #tpu.memory_space<vmem>>, vector<16xf32>,
        %get3A_194 = arith.index_cast %add3A_190 : i32 to index
        %get3A_195 = arith.constant 16 : index
        %get3A_196 = tpu.vector_load %arg8[%get3A_194, %get3A_195] {strides = array<i32>} : memref<32x256xf32, #tpu.memory_space<vmem>>, vector<16xf32>,
        %get3A_197 = arith.index_cast %add3A_190 : i32 to index
        %get3A_198 = arith.constant 32 : index
        %get3A_199 = tpu.vector_load %arg8[%get3A_197, %get3A_198] {strides = array<i32>} : memref<32x256xf32, #tpu.memory_space<vmem>>, vector<16xf32>,
        %get3A_200 = arith.index_cast %add3A_190 : i32 to index
        %get3A_201 = arith.constant 48 : index
        %get3A_202 = tpu.vector_load %arg8[%get3A_200, %get3A_201] {strides = array<i32>} : memref<32x256xf32, #tpu.memory_space<vmem>>, vector<16xf32>,
        %get3A_203 = arith.index_cast %add3A_190 : i32 to index
        %get3A_204 = arith.constant 64 : index
        %get3A_205 = tpu.vector_load %arg8[%get3A_203, %get3A_204] {strides = array<i32>} : memref<32x256xf32, #tpu.memory_space<vmem>>, vector<16xf32>,
        %get3A_206 = arith.index_cast %add3A_190 : i32 to index
        %get3A_207 = arith.constant 80 : index
        %get3A_208 = tpu.vector_load %arg8[%get3A_206, %get3A_207] {strides = array<i32>} : memref<32x256xf32, #tpu.memory_space<vmem>>, vector<16xf32>,
        %get3A_209 = arith.index_cast %add3A_190 : i32 to index
        %get3A_210 = arith.constant 96 : index
        %get3A_211 = tpu.vector_load %arg8[%get3A_209, %get3A_210] {strides = array<i32>} : memref<32x256xf32, #tpu.memory_space<vmem>>, vector<16xf32>,
        %get3A_212 = arith.index_cast %add3A_190 : i32 to index
        %get3A_213 = arith.constant 112 : index
        %get3A_214 = tpu.vector_load %arg8[%get3A_212, %get3A_213] {strides = array<i32>} : memref<32x256xf32, #tpu.memory_space<vmem>>, vector<16xf32>,
        %get3A_215 = arith.index_cast %add3A_190 : i32 to index
        %get3A_216 = arith.constant 128 : index
        %get3A_217 = tpu.vector_load %arg8[%get3A_215, %get3A_216] {strides = array<i32>} : memref<32x256xf32, #tpu.memory_space<vmem>>, vector<16xf32>,
        %get3A_218 = arith.index_cast %add3A_190 : i32 to index
        %get3A_219 = arith.constant 144 : index
        %get3A_220 = tpu.vector_load %arg8[%get3A_218, %get3A_219] {strides = array<i32>} : memref<32x256xf32, #tpu.memory_space<vmem>>, vector<16xf32>,
        %get3A_221 = arith.index_cast %add3A_190 : i32 to index
        %get3A_222 = arith.constant 160 : index
        %get3A_223 = tpu.vector_load %arg8[%get3A_221, %get3A_222] {strides = array<i32>} : memref<32x256xf32, #tpu.memory_space<vmem>>, vector<16xf32>,
        %get3A_224 = arith.index_cast %add3A_190 : i32 to index
        %get3A_225 = arith.constant 176 : index
        %get3A_226 = tpu.vector_load %arg8[%get3A_224, %get3A_225] {strides = array<i32>} : memref<32x256xf32, #tpu.memory_space<vmem>>, vector<16xf32>,
        %get3A_227 = arith.index_cast %add3A_190 : i32 to index
        %get3A_228 = arith.constant 192 : index
        %get3A_229 = tpu.vector_load %arg8[%get3A_227, %get3A_228] {strides = array<i32>} : memref<32x256xf32, #tpu.memory_space<vmem>>, vector<16xf32>,
        %get3A_230 = arith.index_cast %add3A_190 : i32 to index
        %get3A_231 = arith.constant 208 : index
        %get3A_232 = tpu.vector_load %arg8[%get3A_230, %get3A_231] {strides = array<i32>} : memref<32x256xf32, #tpu.memory_space<vmem>>, vector<16xf32>,
        %get3A_233 = arith.index_cast %add3A_190 : i32 to index
        %get3A_234 = arith.constant 224 : index
        %get3A_235 = tpu.vector_load %arg8[%get3A_233, %get3A_234] {strides = array<i32>} : memref<32x256xf32, #tpu.memory_space<vmem>>, vector<16xf32>,
        %get3A_236 = arith.index_cast %add3A_190 : i32 to index
        %get3A_237 = arith.constant 240 : index
        %get3A_238 = tpu.vector_load %arg8[%get3A_236, %get3A_237] {strides = array<i32>} : memref<32x256xf32, #tpu.memory_space<vmem>>, vector<16xf32>,
        %add3A_239 = arith.addi %gather3A_186, %add3A_12 : vector<16xi32>
        tpu.vector_store_idx %arg9[%add3A_239], %get3A_193 {add = true} : memref<82176xf32, #tpu.memory_space<vmem>>[vector<16xi32>], vector<16xf32>,
        %add3A_240 = arith.addi %gather3A_186, %add3A_15 : vector<16xi32>
        tpu.vector_store_idx %arg9[%add3A_240], %get3A_196 {add = true} : memref<82176xf32, #tpu.memory_space<vmem>>[vector<16xi32>], vector<16xf32>,
        %add3A_241 = arith.addi %gather3A_186, %add3A_18 : vector<16xi32>
        tpu.vector_store_idx %arg9[%add3A_241], %get3A_199 {add = true} : memref<82176xf32, #tpu.memory_space<vmem>>[vector<16xi32>], vector<16xf32>,
        %add3A_242 = arith.addi %gather3A_186, %add3A_21 : vector<16xi32>
        tpu.vector_store_idx %arg9[%add3A_242], %get3A_202 {add = true} : memref<82176xf32, #tpu.memory_space<vmem>>[vector<16xi32>], vector<16xf32>,
        %add3A_243 = arith.addi %gather3A_186, %add3A_24 : vector<16xi32>
        tpu.vector_store_idx %arg9[%add3A_243], %get3A_205 {add = true} : memref<82176xf32, #tpu.memory_space<vmem>>[vector<16xi32>], vector<16xf32>,
        %add3A_244 = arith.addi %gather3A_186, %add3A_27 : vector<16xi32>
        tpu.vector_store_idx %arg9[%add3A_244], %get3A_208 {add = true} : memref<82176xf32, #tpu.memory_space<vmem>>[vector<16xi32>], vector<16xf32>,
        %add3A_245 = arith.addi %gather3A_186, %add3A_30 : vector<16xi32>
        tpu.vector_store_idx %arg9[%add3A_245], %get3A_211 {add = true} : memref<82176xf32, #tpu.memory_space<vmem>>[vector<16xi32>], vector<16xf32>,
        %add3A_246 = arith.addi %gather3A_186, %add3A_33 : vector<16xi32>
        tpu.vector_store_idx %arg9[%add3A_246], %get3A_214 {add = true} : memref<82176xf32, #tpu.memory_space<vmem>>[vector<16xi32>], vector<16xf32>,
        %add3A_247 = arith.addi %gather3A_186, %add3A_36 : vector<16xi32>
        tpu.vector_store_idx %arg9[%add3A_247], %get3A_217 {add = true} : memref<82176xf32, #tpu.memory_space<vmem>>[vector<16xi32>], vector<16xf32>,
        %add3A_248 = arith.addi %gather3A_186, %add3A_39 : vector<16xi32>
        tpu.vector_store_idx %arg9[%add3A_248], %get3A_220 {add = true} : memref<82176xf32, #tpu.memory_space<vmem>>[vector<16xi32>], vector<16xf32>,
        %add3A_249 = arith.addi %gather3A_186, %add3A_42 : vector<16xi32>
        tpu.vector_store_idx %arg9[%add3A_249], %get3A_223 {add = true} : memref<82176xf32, #tpu.memory_space<vmem>>[vector<16xi32>], vector<16xf32>,
        %add3A_250 = arith.addi %gather3A_186, %add3A_45 : vector<16xi32>
        tpu.vector_store_idx %arg9[%add3A_250], %get3A_226 {add = true} : memref<82176xf32, #tpu.memory_space<vmem>>[vector<16xi32>], vector<16xf32>,
        %add3A_251 = arith.addi %gather3A_186, %add3A_48 : vector<16xi32>
        tpu.vector_store_idx %arg9[%add3A_251], %get3A_229 {add = true} : memref<82176xf32, #tpu.memory_space<vmem>>[vector<16xi32>], vector<16xf32>,
        %add3A_252 = arith.addi %gather3A_186, %add3A_51 : vector<16xi32>
        tpu.vector_store_idx %arg9[%add3A_252], %get3A_232 {add = true} : memref<82176xf32, #tpu.memory_space<vmem>>[vector<16xi32>], vector<16xf32>,
        %add3A_253 = arith.addi %gather3A_186, %add3A_54 : vector<16xi32>
        tpu.vector_store_idx %arg9[%add3A_253], %get3A_235 {add = true} : memref<82176xf32, #tpu.memory_space<vmem>>[vector<16xi32>], vector<16xf32>,
        %add3A_254 = arith.addi %gather3A_186, %add3A_57 : vector<16xi32>
        tpu.vector_store_idx %arg9[%add3A_254], %get3A_238 {add = true} : memref<82176xf32, #tpu.memory_space<vmem>>[vector<16xi32>], vector<16xf32>,
        %broadcast_in_dim3A_255 = arith.constant 1 : i32
        %broadcast_in_dim3A_256 = vector.broadcast %broadcast_in_dim3A_255 : i32 to vector<16xi32>
        %lt3A_257 = arith.constant 0 : i32
        %lt3A_258 = vector.broadcast %lt3A_257 : i32 to vector<16xi32>
        %lt3A_259 = arith.cmpi slt, %broadcast_in_dim3A_256, %lt3A_258 : vector<16xi32>
        %add3A_260 = arith.constant 16 : i32
        %add3A_261 = vector.broadcast %add3A_260 : i32 to vector<16xi32>
        %add3A_262 = arith.addi %broadcast_in_dim3A_256, %add3A_261 : vector<16xi32>
        %select_n3A_263 = arith.select %lt3A_259, %add3A_262, %broadcast_in_dim3A_256 : vector<16xi1>, vector<16xi32>
        %broadcast_in_dim3A_264 = vector.shape_cast %select_n3A_263 : vector<16xi32> to vector<16x1xi32>
        %gather3A_265 = vector.shape_cast %broadcast_in_dim3A_264 : vector<16x1xi32> to vector<16xi32>
        %gather3A_266 = tpu.dynamic_gather %mul3A_175[%gather3A_265] in [0] : vector<16xi32>, vector<16xi32> -> vector<16xi32>
        %add3A_267 = arith.constant 0 : i32
        %add3A_268 = arith.addi %mul3A_169, %add3A_267 : i32
        %add3A_269 = arith.constant 1 : i32
        %add3A_270 = arith.addi %add3A_268, %add3A_269 : i32
        %get3A_271 = arith.index_cast %add3A_270 : i32 to index
        %get3A_272 = arith.constant 0 : index
        %get3A_273 = tpu.vector_load %arg8[%get3A_271, %get3A_272] {strides = array<i32>} : memref<32x256xf32, #tpu.memory_space<vmem>>, vector<16xf32>,
        %get3A_274 = arith.index_cast %add3A_270 : i32 to index
        %get3A_275 = arith.constant 16 : index
        %get3A_276 = tpu.vector_load %arg8[%get3A_274, %get3A_275] {strides = array<i32>} : memref<32x256xf32, #tpu.memory_space<vmem>>, vector<16xf32>,
        %get3A_277 = arith.index_cast %add3A_270 : i32 to index
        %get3A_278 = arith.constant 32 : index
        %get3A_279 = tpu.vector_load %arg8[%get3A_277, %get3A_278] {strides = array<i32>} : memref<32x256xf32, #tpu.memory_space<vmem>>, vector<16xf32>,
        %get3A_280 = arith.index_cast %add3A_270 : i32 to index
        %get3A_281 = arith.constant 48 : index
        %get3A_282 = tpu.vector_load %arg8[%get3A_280, %get3A_281] {strides = array<i32>} : memref<32x256xf32, #tpu.memory_space<vmem>>, vector<16xf32>,
        %get3A_283 = arith.index_cast %add3A_270 : i32 to index
        %get3A_284 = arith.constant 64 : index
        %get3A_285 = tpu.vector_load %arg8[%get3A_283, %get3A_284] {strides = array<i32>} : memref<32x256xf32, #tpu.memory_space<vmem>>, vector<16xf32>,
        %get3A_286 = arith.index_cast %add3A_270 : i32 to index
        %get3A_287 = arith.constant 80 : index
        %get3A_288 = tpu.vector_load %arg8[%get3A_286, %get3A_287] {strides = array<i32>} : memref<32x256xf32, #tpu.memory_space<vmem>>, vector<16xf32>,
        %get3A_289 = arith.index_cast %add3A_270 : i32 to index
        %get3A_290 = arith.constant 96 : index
        %get3A_291 = tpu.vector_load %arg8[%get3A_289, %get3A_290] {strides = array<i32>} : memref<32x256xf32, #tpu.memory_space<vmem>>, vector<16xf32>,
        %get3A_292 = arith.index_cast %add3A_270 : i32 to index
        %get3A_293 = arith.constant 112 : index
        %get3A_294 = tpu.vector_load %arg8[%get3A_292, %get3A_293] {strides = array<i32>} : memref<32x256xf32, #tpu.memory_space<vmem>>, vector<16xf32>,
        %get3A_295 = arith.index_cast %add3A_270 : i32 to index
        %get3A_296 = arith.constant 128 : index
        %get3A_297 = tpu.vector_load %arg8[%get3A_295, %get3A_296] {strides = array<i32>} : memref<32x256xf32, #tpu.memory_space<vmem>>, vector<16xf32>,
        %get3A_298 = arith.index_cast %add3A_270 : i32 to index
        %get3A_299 = arith.constant 144 : index
        %get3A_300 = tpu.vector_load %arg8[%get3A_298, %get3A_299] {strides = array<i32>} : memref<32x256xf32, #tpu.memory_space<vmem>>, vector<16xf32>,
        %get3A_301 = arith.index_cast %add3A_270 : i32 to index
        %get3A_302 = arith.constant 160 : index
        %get3A_303 = tpu.vector_load %arg8[%get3A_301, %get3A_302] {strides = array<i32>} : memref<32x256xf32, #tpu.memory_space<vmem>>, vector<16xf32>,
        %get3A_304 = arith.index_cast %add3A_270 : i32 to index
        %get3A_305 = arith.constant 176 : index
        %get3A_306 = tpu.vector_load %arg8[%get3A_304, %get3A_305] {strides = array<i32>} : memref<32x256xf32, #tpu.memory_space<vmem>>, vector<16xf32>,
        %get3A_307 = arith.index_cast %add3A_270 : i32 to index
        %get3A_308 = arith.constant 192 : index
        %get3A_309 = tpu.vector_load %arg8[%get3A_307, %get3A_308] {strides = array<i32>} : memref<32x256xf32, #tpu.memory_space<vmem>>, vector<16xf32>,
        %get3A_310 = arith.index_cast %add3A_270 : i32 to index
        %get3A_311 = arith.constant 208 : index
        %get3A_312 = tpu.vector_load %arg8[%get3A_310, %get3A_311] {strides = array<i32>} : memref<32x256xf32, #tpu.memory_space<vmem>>, vector<16xf32>,
        %get3A_313 = arith.index_cast %add3A_270 : i32 to index
        %get3A_314 = arith.constant 224 : index
        %get3A_315 = tpu.vector_load %arg8[%get3A_313, %get3A_314] {strides = array<i32>} : memref<32x256xf32, #tpu.memory_space<vmem>>, vector<16xf32>,
        %get3A_316 = arith.index_cast %add3A_270 : i32 to index
        %get3A_317 = arith.constant 240 : index
        %get3A_318 = tpu.vector_load %arg8[%get3A_316, %get3A_317] {strides = array<i32>} : memref<32x256xf32, #tpu.memory_space<vmem>>, vector<16xf32>,
        %add3A_319 = arith.addi %gather3A_266, %add3A_12 : vector<16xi32>
        tpu.vector_store_idx %arg9[%add3A_319], %get3A_273 {add = true} : memref<82176xf32, #tpu.memory_space<vmem>>[vector<16xi32>], vector<16xf32>,
        %add3A_320 = arith.addi %gather3A_266, %add3A_15 : vector<16xi32>
        tpu.vector_store_idx %arg9[%add3A_320], %get3A_276 {add = true} : memref<82176xf32, #tpu.memory_space<vmem>>[vector<16xi32>], vector<16xf32>,
        %add3A_321 = arith.addi %gather3A_266, %add3A_18 : vector<16xi32>
        tpu.vector_store_idx %arg9[%add3A_321], %get3A_279 {add = true} : memref<82176xf32, #tpu.memory_space<vmem>>[vector<16xi32>], vector<16xf32>,
        %add3A_322 = arith.addi %gather3A_266, %add3A_21 : vector<16xi32>
        tpu.vector_store_idx %arg9[%add3A_322], %get3A_282 {add = true} : memref<82176xf32, #tpu.memory_space<vmem>>[vector<16xi32>], vector<16xf32>,
        %add3A_323 = arith.addi %gather3A_266, %add3A_24 : vector<16xi32>
        tpu.vector_store_idx %arg9[%add3A_323], %get3A_285 {add = true} : memref<82176xf32, #tpu.memory_space<vmem>>[vector<16xi32>], vector<16xf32>,
        %add3A_324 = arith.addi %gather3A_266, %add3A_27 : vector<16xi32>
        tpu.vector_store_idx %arg9[%add3A_324], %get3A_288 {add = true} : memref<82176xf32, #tpu.memory_space<vmem>>[vector<16xi32>], vector<16xf32>,
        %add3A_325 = arith.addi %gather3A_266, %add3A_30 : vector<16xi32>
        tpu.vector_store_idx %arg9[%add3A_325], %get3A_291 {add = true} : memref<82176xf32, #tpu.memory_space<vmem>>[vector<16xi32>], vector<16xf32>,
        %add3A_326 = arith.addi %gather3A_266, %add3A_33 : vector<16xi32>
        tpu.vector_store_idx %arg9[%add3A_326], %get3A_294 {add = true} : memref<82176xf32, #tpu.memory_space<vmem>>[vector<16xi32>], vector<16xf32>,
        %add3A_327 = arith.addi %gather3A_266, %add3A_36 : vector<16xi32>
        tpu.vector_store_idx %arg9[%add3A_327], %get3A_297 {add = true} : memref<82176xf32, #tpu.memory_space<vmem>>[vector<16xi32>], vector<16xf32>,
        %add3A_328 = arith.addi %gather3A_266, %add3A_39 : vector<16xi32>
        tpu.vector_store_idx %arg9[%add3A_328], %get3A_300 {add = true} : memref<82176xf32, #tpu.memory_space<vmem>>[vector<16xi32>], vector<16xf32>,
        %add3A_329 = arith.addi %gather3A_266, %add3A_42 : vector<16xi32>
        tpu.vector_store_idx %arg9[%add3A_329], %get3A_303 {add = true} : memref<82176xf32, #tpu.memory_space<vmem>>[vector<16xi32>], vector<16xf32>,
        %add3A_330 = arith.addi %gather3A_266, %add3A_45 : vector<16xi32>
        tpu.vector_store_idx %arg9[%add3A_330], %get3A_306 {add = true} : memref<82176xf32, #tpu.memory_space<vmem>>[vector<16xi32>], vector<16xf32>,
        %add3A_331 = arith.addi %gather3A_266, %add3A_48 : vector<16xi32>
        tpu.vector_store_idx %arg9[%add3A_331], %get3A_309 {add = true} : memref<82176xf32, #tpu.memory_space<vmem>>[vector<16xi32>], vector<16xf32>,
        %add3A_332 = arith.addi %gather3A_266, %add3A_51 : vector<16xi32>
        tpu.vector_store_idx %arg9[%add3A_332], %get3A_312 {add = true} : memref<82176xf32, #tpu.memory_space<vmem>>[vector<16xi32>], vector<16xf32>,
        %add3A_333 = arith.addi %gather3A_266, %add3A_54 : vector<16xi32>
        tpu.vector_store_idx %arg9[%add3A_333], %get3A_315 {add = true} : memref<82176xf32, #tpu.memory_space<vmem>>[vector<16xi32>], vector<16xf32>,
        %add3A_334 = arith.addi %gather3A_266, %add3A_57 : vector<16xi32>
        tpu.vector_store_idx %arg9[%add3A_334], %get3A_318 {add = true} : memref<82176xf32, #tpu.memory_space<vmem>>[vector<16xi32>], vector<16xf32>,
        %broadcast_in_dim3A_335 = arith.constant 2 : i32
        %broadcast_in_dim3A_336 = vector.broadcast %broadcast_in_dim3A_335 : i32 to vector<16xi32>
        %lt3A_337 = arith.constant 0 : i32
        %lt3A_338 = vector.broadcast %lt3A_337 : i32 to vector<16xi32>
        %lt3A_339 = arith.cmpi slt, %broadcast_in_dim3A_336, %lt3A_338 : vector<16xi32>
        %add3A_340 = arith.constant 16 : i32
        %add3A_341 = vector.broadcast %add3A_340 : i32 to vector<16xi32>
        %add3A_342 = arith.addi %broadcast_in_dim3A_336, %add3A_341 : vector<16xi32>
        %select_n3A_343 = arith.select %lt3A_339, %add3A_342, %broadcast_in_dim3A_336 : vector<16xi1>, vector<16xi32>
        %broadcast_in_dim3A_344 = vector.shape_cast %select_n3A_343 : vector<16xi32> to vector<16x1xi32>
        %gather3A_345 = vector.shape_cast %broadcast_in_dim3A_344 : vector<16x1xi32> to vector<16xi32>
        %gather3A_346 = tpu.dynamic_gather %mul3A_175[%gather3A_345] in [0] : vector<16xi32>, vector<16xi32> -> vector<16xi32>
        %add3A_347 = arith.constant 0 : i32
        %add3A_348 = arith.addi %mul3A_169, %add3A_347 : i32
        %add3A_349 = arith.constant 2 : i32
        %add3A_350 = arith.addi %add3A_348, %add3A_349 : i32
        %get3A_351 = arith.index_cast %add3A_350 : i32 to index
        %get3A_352 = arith.constant 0 : index
        %get3A_353 = tpu.vector_load %arg8[%get3A_351, %get3A_352] {strides = array<i32>} : memref<32x256xf32, #tpu.memory_space<vmem>>, vector<16xf32>,
        %get3A_354 = arith.index_cast %add3A_350 : i32 to index
        %get3A_355 = arith.constant 16 : index
        %get3A_356 = tpu.vector_load %arg8[%get3A_354, %get3A_355] {strides = array<i32>} : memref<32x256xf32, #tpu.memory_space<vmem>>, vector<16xf32>,
        %get3A_357 = arith.index_cast %add3A_350 : i32 to index
        %get3A_358 = arith.constant 32 : index
        %get3A_359 = tpu.vector_load %arg8[%get3A_357, %get3A_358] {strides = array<i32>} : memref<32x256xf32, #tpu.memory_space<vmem>>, vector<16xf32>,
        %get3A_360 = arith.index_cast %add3A_350 : i32 to index
        %get3A_361 = arith.constant 48 : index
        %get3A_362 = tpu.vector_load %arg8[%get3A_360, %get3A_361] {strides = array<i32>} : memref<32x256xf32, #tpu.memory_space<vmem>>, vector<16xf32>,
        %get3A_363 = arith.index_cast %add3A_350 : i32 to index
        %get3A_364 = arith.constant 64 : index
        %get3A_365 = tpu.vector_load %arg8[%get3A_363, %get3A_364] {strides = array<i32>} : memref<32x256xf32, #tpu.memory_space<vmem>>, vector<16xf32>,
        %get3A_366 = arith.index_cast %add3A_350 : i32 to index
        %get3A_367 = arith.constant 80 : index
        %get3A_368 = tpu.vector_load %arg8[%get3A_366, %get3A_367] {strides = array<i32>} : memref<32x256xf32, #tpu.memory_space<vmem>>, vector<16xf32>,
        %get3A_369 = arith.index_cast %add3A_350 : i32 to index
        %get3A_370 = arith.constant 96 : index
        %get3A_371 = tpu.vector_load %arg8[%get3A_369, %get3A_370] {strides = array<i32>} : memref<32x256xf32, #tpu.memory_space<vmem>>, vector<16xf32>,
        %get3A_372 = arith.index_cast %add3A_350 : i32 to index
        %get3A_373 = arith.constant 112 : index
        %get3A_374 = tpu.vector_load %arg8[%get3A_372, %get3A_373] {strides = array<i32>} : memref<32x256xf32, #tpu.memory_space<vmem>>, vector<16xf32>,
        %get3A_375 = arith.index_cast %add3A_350 : i32 to index
        %get3A_376 = arith.constant 128 : index
        %get3A_377 = tpu.vector_load %arg8[%get3A_375, %get3A_376] {strides = array<i32>} : memref<32x256xf32, #tpu.memory_space<vmem>>, vector<16xf32>,
        %get3A_378 = arith.index_cast %add3A_350 : i32 to index
        %get3A_379 = arith.constant 144 : index
        %get3A_380 = tpu.vector_load %arg8[%get3A_378, %get3A_379] {strides = array<i32>} : memref<32x256xf32, #tpu.memory_space<vmem>>, vector<16xf32>,
        %get3A_381 = arith.index_cast %add3A_350 : i32 to index
        %get3A_382 = arith.constant 160 : index
        %get3A_383 = tpu.vector_load %arg8[%get3A_381, %get3A_382] {strides = array<i32>} : memref<32x256xf32, #tpu.memory_space<vmem>>, vector<16xf32>,
        %get3A_384 = arith.index_cast %add3A_350 : i32 to index
        %get3A_385 = arith.constant 176 : index
        %get3A_386 = tpu.vector_load %arg8[%get3A_384, %get3A_385] {strides = array<i32>} : memref<32x256xf32, #tpu.memory_space<vmem>>, vector<16xf32>,
        %get3A_387 = arith.index_cast %add3A_350 : i32 to index
        %get3A_388 = arith.constant 192 : index
        %get3A_389 = tpu.vector_load %arg8[%get3A_387, %get3A_388] {strides = array<i32>} : memref<32x256xf32, #tpu.memory_space<vmem>>, vector<16xf32>,
        %get3A_390 = arith.index_cast %add3A_350 : i32 to index
        %get3A_391 = arith.constant 208 : index
        %get3A_392 = tpu.vector_load %arg8[%get3A_390, %get3A_391] {strides = array<i32>} : memref<32x256xf32, #tpu.memory_space<vmem>>, vector<16xf32>,
        %get3A_393 = arith.index_cast %add3A_350 : i32 to index
        %get3A_394 = arith.constant 224 : index
        %get3A_395 = tpu.vector_load %arg8[%get3A_393, %get3A_394] {strides = array<i32>} : memref<32x256xf32, #tpu.memory_space<vmem>>, vector<16xf32>,
        %get3A_396 = arith.index_cast %add3A_350 : i32 to index
        %get3A_397 = arith.constant 240 : index
        %get3A_398 = tpu.vector_load %arg8[%get3A_396, %get3A_397] {strides = array<i32>} : memref<32x256xf32, #tpu.memory_space<vmem>>, vector<16xf32>,
        %add3A_399 = arith.addi %gather3A_346, %add3A_12 : vector<16xi32>
        tpu.vector_store_idx %arg9[%add3A_399], %get3A_353 {add = true} : memref<82176xf32, #tpu.memory_space<vmem>>[vector<16xi32>], vector<16xf32>,
        %add3A_400 = arith.addi %gather3A_346, %add3A_15 : vector<16xi32>
        tpu.vector_store_idx %arg9[%add3A_400], %get3A_356 {add = true} : memref<82176xf32, #tpu.memory_space<vmem>>[vector<16xi32>], vector<16xf32>,
        %add3A_401 = arith.addi %gather3A_346, %add3A_18 : vector<16xi32>
        tpu.vector_store_idx %arg9[%add3A_401], %get3A_359 {add = true} : memref<82176xf32, #tpu.memory_space<vmem>>[vector<16xi32>], vector<16xf32>,
        %add3A_402 = arith.addi %gather3A_346, %add3A_21 : vector<16xi32>
        tpu.vector_store_idx %arg9[%add3A_402], %get3A_362 {add = true} : memref<82176xf32, #tpu.memory_space<vmem>>[vector<16xi32>], vector<16xf32>,
        %add3A_403 = arith.addi %gather3A_346, %add3A_24 : vector<16xi32>
        tpu.vector_store_idx %arg9[%add3A_403], %get3A_365 {add = true} : memref<82176xf32, #tpu.memory_space<vmem>>[vector<16xi32>], vector<16xf32>,
        %add3A_404 = arith.addi %gather3A_346, %add3A_27 : vector<16xi32>
        tpu.vector_store_idx %arg9[%add3A_404], %get3A_368 {add = true} : memref<82176xf32, #tpu.memory_space<vmem>>[vector<16xi32>], vector<16xf32>,
        %add3A_405 = arith.addi %gather3A_346, %add3A_30 : vector<16xi32>
        tpu.vector_store_idx %arg9[%add3A_405], %get3A_371 {add = true} : memref<82176xf32, #tpu.memory_space<vmem>>[vector<16xi32>], vector<16xf32>,
        %add3A_406 = arith.addi %gather3A_346, %add3A_33 : vector<16xi32>
        tpu.vector_store_idx %arg9[%add3A_406], %get3A_374 {add = true} : memref<82176xf32, #tpu.memory_space<vmem>>[vector<16xi32>], vector<16xf32>,
        %add3A_407 = arith.addi %gather3A_346, %add3A_36 : vector<16xi32>
        tpu.vector_store_idx %arg9[%add3A_407], %get3A_377 {add = true} : memref<82176xf32, #tpu.memory_space<vmem>>[vector<16xi32>], vector<16xf32>,
        %add3A_408 = arith.addi %gather3A_346, %add3A_39 : vector<16xi32>
        tpu.vector_store_idx %arg9[%add3A_408], %get3A_380 {add = true} : memref<82176xf32, #tpu.memory_space<vmem>>[vector<16xi32>], vector<16xf32>,
        %add3A_409 = arith.addi %gather3A_346, %add3A_42 : vector<16xi32>
        tpu.vector_store_idx %arg9[%add3A_409], %get3A_383 {add = true} : memref<82176xf32, #tpu.memory_space<vmem>>[vector<16xi32>], vector<16xf32>,
        %add3A_410 = arith.addi %gather3A_346, %add3A_45 : vector<16xi32>
        tpu.vector_store_idx %arg9[%add3A_410], %get3A_386 {add = true} : memref<82176xf32, #tpu.memory_space<vmem>>[vector<16xi32>], vector<16xf32>,
        %add3A_411 = arith.addi %gather3A_346, %add3A_48 : vector<16xi32>
        tpu.vector_store_idx %arg9[%add3A_411], %get3A_389 {add = true} : memref<82176xf32, #tpu.memory_space<vmem>>[vector<16xi32>], vector<16xf32>,
        %add3A_412 = arith.addi %gather3A_346, %add3A_51 : vector<16xi32>
        tpu.vector_store_idx %arg9[%add3A_412], %get3A_392 {add = true} : memref<82176xf32, #tpu.memory_space<vmem>>[vector<16xi32>], vector<16xf32>,
        %add3A_413 = arith.addi %gather3A_346, %add3A_54 : vector<16xi32>
        tpu.vector_store_idx %arg9[%add3A_413], %get3A_395 {add = true} : memref<82176xf32, #tpu.memory_space<vmem>>[vector<16xi32>], vector<16xf32>,
        %add3A_414 = arith.addi %gather3A_346, %add3A_57 : vector<16xi32>
        tpu.vector_store_idx %arg9[%add3A_414], %get3A_398 {add = true} : memref<82176xf32, #tpu.memory_space<vmem>>[vector<16xi32>], vector<16xf32>,
        %broadcast_in_dim3A_415 = arith.constant 3 : i32
        %broadcast_in_dim3A_416 = vector.broadcast %broadcast_in_dim3A_415 : i32 to vector<16xi32>
        %lt3A_417 = arith.constant 0 : i32
        %lt3A_418 = vector.broadcast %lt3A_417 : i32 to vector<16xi32>
        %lt3A_419 = arith.cmpi slt, %broadcast_in_dim3A_416, %lt3A_418 : vector<16xi32>
        %add3A_420 = arith.constant 16 : i32
        %add3A_421 = vector.broadcast %add3A_420 : i32 to vector<16xi32>
        %add3A_422 = arith.addi %broadcast_in_dim3A_416, %add3A_421 : vector<16xi32>
        %select_n3A_423 = arith.select %lt3A_419, %add3A_422, %broadcast_in_dim3A_416 : vector<16xi1>, vector<16xi32>
        %broadcast_in_dim3A_424 = vector.shape_cast %select_n3A_423 : vector<16xi32> to vector<16x1xi32>
        %gather3A_425 = vector.shape_cast %broadcast_in_dim3A_424 : vector<16x1xi32> to vector<16xi32>
        %gather3A_426 = tpu.dynamic_gather %mul3A_175[%gather3A_425] in [0] : vector<16xi32>, vector<16xi32> -> vector<16xi32>
        %add3A_427 = arith.constant 0 : i32
        %add3A_428 = arith.addi %mul3A_169, %add3A_427 : i32
        %add3A_429 = arith.constant 3 : i32
        %add3A_430 = arith.addi %add3A_428, %add3A_429 : i32
        %get3A_431 = arith.index_cast %add3A_430 : i32 to index
        %get3A_432 = arith.constant 0 : index
        %get3A_433 = tpu.vector_load %arg8[%get3A_431, %get3A_432] {strides = array<i32>} : memref<32x256xf32, #tpu.memory_space<vmem>>, vector<16xf32>,
        %get3A_434 = arith.index_cast %add3A_430 : i32 to index
        %get3A_435 = arith.constant 16 : index
        %get3A_436 = tpu.vector_load %arg8[%get3A_434, %get3A_435] {strides = array<i32>} : memref<32x256xf32, #tpu.memory_space<vmem>>, vector<16xf32>,
        %get3A_437 = arith.index_cast %add3A_430 : i32 to index
        %get3A_438 = arith.constant 32 : index
        %get3A_439 = tpu.vector_load %arg8[%get3A_437, %get3A_438] {strides = array<i32>} : memref<32x256xf32, #tpu.memory_space<vmem>>, vector<16xf32>,
        %get3A_440 = arith.index_cast %add3A_430 : i32 to index
        %get3A_441 = arith.constant 48 : index
        %get3A_442 = tpu.vector_load %arg8[%get3A_440, %get3A_441] {strides = array<i32>} : memref<32x256xf32, #tpu.memory_space<vmem>>, vector<16xf32>,
        %get3A_443 = arith.index_cast %add3A_430 : i32 to index
        %get3A_444 = arith.constant 64 : index
        %get3A_445 = tpu.vector_load %arg8[%get3A_443, %get3A_444] {strides = array<i32>} : memref<32x256xf32, #tpu.memory_space<vmem>>, vector<16xf32>,
        %get3A_446 = arith.index_cast %add3A_430 : i32 to index
        %get3A_447 = arith.constant 80 : index
        %get3A_448 = tpu.vector_load %arg8[%get3A_446, %get3A_447] {strides = array<i32>} : memref<32x256xf32, #tpu.memory_space<vmem>>, vector<16xf32>,
        %get3A_449 = arith.index_cast %add3A_430 : i32 to index
        %get3A_450 = arith.constant 96 : index
        %get3A_451 = tpu.vector_load %arg8[%get3A_449, %get3A_450] {strides = array<i32>} : memref<32x256xf32, #tpu.memory_space<vmem>>, vector<16xf32>,
        %get3A_452 = arith.index_cast %add3A_430 : i32 to index
        %get3A_453 = arith.constant 112 : index
        %get3A_454 = tpu.vector_load %arg8[%get3A_452, %get3A_453] {strides = array<i32>} : memref<32x256xf32, #tpu.memory_space<vmem>>, vector<16xf32>,
        %get3A_455 = arith.index_cast %add3A_430 : i32 to index
        %get3A_456 = arith.constant 128 : index
        %get3A_457 = tpu.vector_load %arg8[%get3A_455, %get3A_456] {strides = array<i32>} : memref<32x256xf32, #tpu.memory_space<vmem>>, vector<16xf32>,
        %get3A_458 = arith.index_cast %add3A_430 : i32 to index
        %get3A_459 = arith.constant 144 : index
        %get3A_460 = tpu.vector_load %arg8[%get3A_458, %get3A_459] {strides = array<i32>} : memref<32x256xf32, #tpu.memory_space<vmem>>, vector<16xf32>,
        %get3A_461 = arith.index_cast %add3A_430 : i32 to index
        %get3A_462 = arith.constant 160 : index
        %get3A_463 = tpu.vector_load %arg8[%get3A_461, %get3A_462] {strides = array<i32>} : memref<32x256xf32, #tpu.memory_space<vmem>>, vector<16xf32>,
        %get3A_464 = arith.index_cast %add3A_430 : i32 to index
        %get3A_465 = arith.constant 176 : index
        %get3A_466 = tpu.vector_load %arg8[%get3A_464, %get3A_465] {strides = array<i32>} : memref<32x256xf32, #tpu.memory_space<vmem>>, vector<16xf32>,
        %get3A_467 = arith.index_cast %add3A_430 : i32 to index
        %get3A_468 = arith.constant 192 : index
        %get3A_469 = tpu.vector_load %arg8[%get3A_467, %get3A_468] {strides = array<i32>} : memref<32x256xf32, #tpu.memory_space<vmem>>, vector<16xf32>,
        %get3A_470 = arith.index_cast %add3A_430 : i32 to index
        %get3A_471 = arith.constant 208 : index
        %get3A_472 = tpu.vector_load %arg8[%get3A_470, %get3A_471] {strides = array<i32>} : memref<32x256xf32, #tpu.memory_space<vmem>>, vector<16xf32>,
        %get3A_473 = arith.index_cast %add3A_430 : i32 to index
        %get3A_474 = arith.constant 224 : index
        %get3A_475 = tpu.vector_load %arg8[%get3A_473, %get3A_474] {strides = array<i32>} : memref<32x256xf32, #tpu.memory_space<vmem>>, vector<16xf32>,
        %get3A_476 = arith.index_cast %add3A_430 : i32 to index
        %get3A_477 = arith.constant 240 : index
        %get3A_478 = tpu.vector_load %arg8[%get3A_476, %get3A_477] {strides = array<i32>} : memref<32x256xf32, #tpu.memory_space<vmem>>, vector<16xf32>,
        %add3A_479 = arith.addi %gather3A_426, %add3A_12 : vector<16xi32>
        tpu.vector_store_idx %arg9[%add3A_479], %get3A_433 {add = true} : memref<82176xf32, #tpu.memory_space<vmem>>[vector<16xi32>], vector<16xf32>,
        %add3A_480 = arith.addi %gather3A_426, %add3A_15 : vector<16xi32>
        tpu.vector_store_idx %arg9[%add3A_480], %get3A_436 {add = true} : memref<82176xf32, #tpu.memory_space<vmem>>[vector<16xi32>], vector<16xf32>,
        %add3A_481 = arith.addi %gather3A_426, %add3A_18 : vector<16xi32>
        tpu.vector_store_idx %arg9[%add3A_481], %get3A_439 {add = true} : memref<82176xf32, #tpu.memory_space<vmem>>[vector<16xi32>], vector<16xf32>,
        %add3A_482 = arith.addi %gather3A_426, %add3A_21 : vector<16xi32>
        tpu.vector_store_idx %arg9[%add3A_482], %get3A_442 {add = true} : memref<82176xf32, #tpu.memory_space<vmem>>[vector<16xi32>], vector<16xf32>,
        %add3A_483 = arith.addi %gather3A_426, %add3A_24 : vector<16xi32>
        tpu.vector_store_idx %arg9[%add3A_483], %get3A_445 {add = true} : memref<82176xf32, #tpu.memory_space<vmem>>[vector<16xi32>], vector<16xf32>,
        %add3A_484 = arith.addi %gather3A_426, %add3A_27 : vector<16xi32>
        tpu.vector_store_idx %arg9[%add3A_484], %get3A_448 {add = true} : memref<82176xf32, #tpu.memory_space<vmem>>[vector<16xi32>], vector<16xf32>,
        %add3A_485 = arith.addi %gather3A_426, %add3A_30 : vector<16xi32>
        tpu.vector_store_idx %arg9[%add3A_485], %get3A_451 {add = true} : memref<82176xf32, #tpu.memory_space<vmem>>[vector<16xi32>], vector<16xf32>,
        %add3A_486 = arith.addi %gather3A_426, %add3A_33 : vector<16xi32>
        tpu.vector_store_idx %arg9[%add3A_486], %get3A_454 {add = true} : memref<82176xf32, #tpu.memory_space<vmem>>[vector<16xi32>], vector<16xf32>,
        %add3A_487 = arith.addi %gather3A_426, %add3A_36 : vector<16xi32>
        tpu.vector_store_idx %arg9[%add3A_487], %get3A_457 {add = true} : memref<82176xf32, #tpu.memory_space<vmem>>[vector<16xi32>], vector<16xf32>,
        %add3A_488 = arith.addi %gather3A_426, %add3A_39 : vector<16xi32>
        tpu.vector_store_idx %arg9[%add3A_488], %get3A_460 {add = true} : memref<82176xf32, #tpu.memory_space<vmem>>[vector<16xi32>], vector<16xf32>,
        %add3A_489 = arith.addi %gather3A_426, %add3A_42 : vector<16xi32>
        tpu.vector_store_idx %arg9[%add3A_489], %get3A_463 {add = true} : memref<82176xf32, #tpu.memory_space<vmem>>[vector<16xi32>], vector<16xf32>,
        %add3A_490 = arith.addi %gather3A_426, %add3A_45 : vector<16xi32>
        tpu.vector_store_idx %arg9[%add3A_490], %get3A_466 {add = true} : memref<82176xf32, #tpu.memory_space<vmem>>[vector<16xi32>], vector<16xf32>,
        %add3A_491 = arith.addi %gather3A_426, %add3A_48 : vector<16xi32>
        tpu.vector_store_idx %arg9[%add3A_491], %get3A_469 {add = true} : memref<82176xf32, #tpu.memory_space<vmem>>[vector<16xi32>], vector<16xf32>,
        %add3A_492 = arith.addi %gather3A_426, %add3A_51 : vector<16xi32>
        tpu.vector_store_idx %arg9[%add3A_492], %get3A_472 {add = true} : memref<82176xf32, #tpu.memory_space<vmem>>[vector<16xi32>], vector<16xf32>,
        %add3A_493 = arith.addi %gather3A_426, %add3A_54 : vector<16xi32>
        tpu.vector_store_idx %arg9[%add3A_493], %get3A_475 {add = true} : memref<82176xf32, #tpu.memory_space<vmem>>[vector<16xi32>], vector<16xf32>,
        %add3A_494 = arith.addi %gather3A_426, %add3A_57 : vector<16xi32>
        tpu.vector_store_idx %arg9[%add3A_494], %get3A_478 {add = true} : memref<82176xf32, #tpu.memory_space<vmem>>[vector<16xi32>], vector<16xf32>,
        %broadcast_in_dim3A_495 = arith.constant 4 : i32
        %broadcast_in_dim3A_496 = vector.broadcast %broadcast_in_dim3A_495 : i32 to vector<16xi32>
        %lt3A_497 = arith.constant 0 : i32
        %lt3A_498 = vector.broadcast %lt3A_497 : i32 to vector<16xi32>
        %lt3A_499 = arith.cmpi slt, %broadcast_in_dim3A_496, %lt3A_498 : vector<16xi32>
        %add3A_500 = arith.constant 16 : i32
        %add3A_501 = vector.broadcast %add3A_500 : i32 to vector<16xi32>
        %add3A_502 = arith.addi %broadcast_in_dim3A_496, %add3A_501 : vector<16xi32>
        %select_n3A_503 = arith.select %lt3A_499, %add3A_502, %broadcast_in_dim3A_496 : vector<16xi1>, vector<16xi32>
        %broadcast_in_dim3A_504 = vector.shape_cast %select_n3A_503 : vector<16xi32> to vector<16x1xi32>
        %gather3A_505 = vector.shape_cast %broadcast_in_dim3A_504 : vector<16x1xi32> to vector<16xi32>
        %gather3A_506 = tpu.dynamic_gather %mul3A_175[%gather3A_505] in [0] : vector<16xi32>, vector<16xi32> -> vector<16xi32>
        %add3A_507 = arith.constant 0 : i32
        %add3A_508 = arith.addi %mul3A_169, %add3A_507 : i32
        %add3A_509 = arith.constant 4 : i32
        %add3A_510 = arith.addi %add3A_508, %add3A_509 : i32
        %get3A_511 = arith.index_cast %add3A_510 : i32 to index
        %get3A_512 = arith.constant 0 : index
        %get3A_513 = tpu.vector_load %arg8[%get3A_511, %get3A_512] {strides = array<i32>} : memref<32x256xf32, #tpu.memory_space<vmem>>, vector<16xf32>,
        %get3A_514 = arith.index_cast %add3A_510 : i32 to index
        %get3A_515 = arith.constant 16 : index
        %get3A_516 = tpu.vector_load %arg8[%get3A_514, %get3A_515] {strides = array<i32>} : memref<32x256xf32, #tpu.memory_space<vmem>>, vector<16xf32>,
        %get3A_517 = arith.index_cast %add3A_510 : i32 to index
        %get3A_518 = arith.constant 32 : index
        %get3A_519 = tpu.vector_load %arg8[%get3A_517, %get3A_518] {strides = array<i32>} : memref<32x256xf32, #tpu.memory_space<vmem>>, vector<16xf32>,
        %get3A_520 = arith.index_cast %add3A_510 : i32 to index
        %get3A_521 = arith.constant 48 : index
        %get3A_522 = tpu.vector_load %arg8[%get3A_520, %get3A_521] {strides = array<i32>} : memref<32x256xf32, #tpu.memory_space<vmem>>, vector<16xf32>,
        %get3A_523 = arith.index_cast %add3A_510 : i32 to index
        %get3A_524 = arith.constant 64 : index
        %get3A_525 = tpu.vector_load %arg8[%get3A_523, %get3A_524] {strides = array<i32>} : memref<32x256xf32, #tpu.memory_space<vmem>>, vector<16xf32>,
        %get3A_526 = arith.index_cast %add3A_510 : i32 to index
        %get3A_527 = arith.constant 80 : index
        %get3A_528 = tpu.vector_load %arg8[%get3A_526, %get3A_527] {strides = array<i32>} : memref<32x256xf32, #tpu.memory_space<vmem>>, vector<16xf32>,
        %get3A_529 = arith.index_cast %add3A_510 : i32 to index
        %get3A_530 = arith.constant 96 : index
        %get3A_531 = tpu.vector_load %arg8[%get3A_529, %get3A_530] {strides = array<i32>} : memref<32x256xf32, #tpu.memory_space<vmem>>, vector<16xf32>,
        %get3A_532 = arith.index_cast %add3A_510 : i32 to index
        %get3A_533 = arith.constant 112 : index
        %get3A_534 = tpu.vector_load %arg8[%get3A_532, %get3A_533] {strides = array<i32>} : memref<32x256xf32, #tpu.memory_space<vmem>>, vector<16xf32>,
        %get3A_535 = arith.index_cast %add3A_510 : i32 to index
        %get3A_536 = arith.constant 128 : index
        %get3A_537 = tpu.vector_load %arg8[%get3A_535, %get3A_536] {strides = array<i32>} : memref<32x256xf32, #tpu.memory_space<vmem>>, vector<16xf32>,
        %get3A_538 = arith.index_cast %add3A_510 : i32 to index
        %get3A_539 = arith.constant 144 : index
        %get3A_540 = tpu.vector_load %arg8[%get3A_538, %get3A_539] {strides = array<i32>} : memref<32x256xf32, #tpu.memory_space<vmem>>, vector<16xf32>,
        %get3A_541 = arith.index_cast %add3A_510 : i32 to index
        %get3A_542 = arith.constant 160 : index
        %get3A_543 = tpu.vector_load %arg8[%get3A_541, %get3A_542] {strides = array<i32>} : memref<32x256xf32, #tpu.memory_space<vmem>>, vector<16xf32>,
        %get3A_544 = arith.index_cast %add3A_510 : i32 to index
        %get3A_545 = arith.constant 176 : index
        %get3A_546 = tpu.vector_load %arg8[%get3A_544, %get3A_545] {strides = array<i32>} : memref<32x256xf32, #tpu.memory_space<vmem>>, vector<16xf32>,
        %get3A_547 = arith.index_cast %add3A_510 : i32 to index
        %get3A_548 = arith.constant 192 : index
        %get3A_549 = tpu.vector_load %arg8[%get3A_547, %get3A_548] {strides = array<i32>} : memref<32x256xf32, #tpu.memory_space<vmem>>, vector<16xf32>,
        %get3A_550 = arith.index_cast %add3A_510 : i32 to index
        %get3A_551 = arith.constant 208 : index
        %get3A_552 = tpu.vector_load %arg8[%get3A_550, %get3A_551] {strides = array<i32>} : memref<32x256xf32, #tpu.memory_space<vmem>>, vector<16xf32>,
        %get3A_553 = arith.index_cast %add3A_510 : i32 to index
        %get3A_554 = arith.constant 224 : index
        %get3A_555 = tpu.vector_load %arg8[%get3A_553, %get3A_554] {strides = array<i32>} : memref<32x256xf32, #tpu.memory_space<vmem>>, vector<16xf32>,
        %get3A_556 = arith.index_cast %add3A_510 : i32 to index
        %get3A_557 = arith.constant 240 : index
        %get3A_558 = tpu.vector_load %arg8[%get3A_556, %get3A_557] {strides = array<i32>} : memref<32x256xf32, #tpu.memory_space<vmem>>, vector<16xf32>,
        %add3A_559 = arith.addi %gather3A_506, %add3A_12 : vector<16xi32>
        tpu.vector_store_idx %arg9[%add3A_559], %get3A_513 {add = true} : memref<82176xf32, #tpu.memory_space<vmem>>[vector<16xi32>], vector<16xf32>,
        %add3A_560 = arith.addi %gather3A_506, %add3A_15 : vector<16xi32>
        tpu.vector_store_idx %arg9[%add3A_560], %get3A_516 {add = true} : memref<82176xf32, #tpu.memory_space<vmem>>[vector<16xi32>], vector<16xf32>,
        %add3A_561 = arith.addi %gather3A_506, %add3A_18 : vector<16xi32>
        tpu.vector_store_idx %arg9[%add3A_561], %get3A_519 {add = true} : memref<82176xf32, #tpu.memory_space<vmem>>[vector<16xi32>], vector<16xf32>,
        %add3A_562 = arith.addi %gather3A_506, %add3A_21 : vector<16xi32>
        tpu.vector_store_idx %arg9[%add3A_562], %get3A_522 {add = true} : memref<82176xf32, #tpu.memory_space<vmem>>[vector<16xi32>], vector<16xf32>,
        %add3A_563 = arith.addi %gather3A_506, %add3A_24 : vector<16xi32>
        tpu.vector_store_idx %arg9[%add3A_563], %get3A_525 {add = true} : memref<82176xf32, #tpu.memory_space<vmem>>[vector<16xi32>], vector<16xf32>,
        %add3A_564 = arith.addi %gather3A_506, %add3A_27 : vector<16xi32>
        tpu.vector_store_idx %arg9[%add3A_564], %get3A_528 {add = true} : memref<82176xf32, #tpu.memory_space<vmem>>[vector<16xi32>], vector<16xf32>,
        %add3A_565 = arith.addi %gather3A_506, %add3A_30 : vector<16xi32>
        tpu.vector_store_idx %arg9[%add3A_565], %get3A_531 {add = true} : memref<82176xf32, #tpu.memory_space<vmem>>[vector<16xi32>], vector<16xf32>,
        %add3A_566 = arith.addi %gather3A_506, %add3A_33 : vector<16xi32>
        tpu.vector_store_idx %arg9[%add3A_566], %get3A_534 {add = true} : memref<82176xf32, #tpu.memory_space<vmem>>[vector<16xi32>], vector<16xf32>,
        %add3A_567 = arith.addi %gather3A_506, %add3A_36 : vector<16xi32>
        tpu.vector_store_idx %arg9[%add3A_567], %get3A_537 {add = true} : memref<82176xf32, #tpu.memory_space<vmem>>[vector<16xi32>], vector<16xf32>,
        %add3A_568 = arith.addi %gather3A_506, %add3A_39 : vector<16xi32>
        tpu.vector_store_idx %arg9[%add3A_568], %get3A_540 {add = true} : memref<82176xf32, #tpu.memory_space<vmem>>[vector<16xi32>], vector<16xf32>,
        %add3A_569 = arith.addi %gather3A_506, %add3A_42 : vector<16xi32>
        tpu.vector_store_idx %arg9[%add3A_569], %get3A_543 {add = true} : memref<82176xf32, #tpu.memory_space<vmem>>[vector<16xi32>], vector<16xf32>,
        %add3A_570 = arith.addi %gather3A_506, %add3A_45 : vector<16xi32>
        tpu.vector_store_idx %arg9[%add3A_570], %get3A_546 {add = true} : memref<82176xf32, #tpu.memory_space<vmem>>[vector<16xi32>], vector<16xf32>,
        %add3A_571 = arith.addi %gather3A_506, %add3A_48 : vector<16xi32>
        tpu.vector_store_idx %arg9[%add3A_571], %get3A_549 {add = true} : memref<82176xf32, #tpu.memory_space<vmem>>[vector<16xi32>], vector<16xf32>,
        %add3A_572 = arith.addi %gather3A_506, %add3A_51 : vector<16xi32>
        tpu.vector_store_idx %arg9[%add3A_572], %get3A_552 {add = true} : memref<82176xf32, #tpu.memory_space<vmem>>[vector<16xi32>], vector<16xf32>,
        %add3A_573 = arith.addi %gather3A_506, %add3A_54 : vector<16xi32>
        tpu.vector_store_idx %arg9[%add3A_573], %get3A_555 {add = true} : memref<82176xf32, #tpu.memory_space<vmem>>[vector<16xi32>], vector<16xf32>,
        %add3A_574 = arith.addi %gather3A_506, %add3A_57 : vector<16xi32>
        tpu.vector_store_idx %arg9[%add3A_574], %get3A_558 {add = true} : memref<82176xf32, #tpu.memory_space<vmem>>[vector<16xi32>], vector<16xf32>,
        %broadcast_in_dim3A_575 = arith.constant 5 : i32
        %broadcast_in_dim3A_576 = vector.broadcast %broadcast_in_dim3A_575 : i32 to vector<16xi32>
        %lt3A_577 = arith.constant 0 : i32
        %lt3A_578 = vector.broadcast %lt3A_577 : i32 to vector<16xi32>
        %lt3A_579 = arith.cmpi slt, %broadcast_in_dim3A_576, %lt3A_578 : vector<16xi32>
        %add3A_580 = arith.constant 16 : i32
        %add3A_581 = vector.broadcast %add3A_580 : i32 to vector<16xi32>
        %add3A_582 = arith.addi %broadcast_in_dim3A_576, %add3A_581 : vector<16xi32>
        %select_n3A_583 = arith.select %lt3A_579, %add3A_582, %broadcast_in_dim3A_576 : vector<16xi1>, vector<16xi32>
        %broadcast_in_dim3A_584 = vector.shape_cast %select_n3A_583 : vector<16xi32> to vector<16x1xi32>
        %gather3A_585 = vector.shape_cast %broadcast_in_dim3A_584 : vector<16x1xi32> to vector<16xi32>
        %gather3A_586 = tpu.dynamic_gather %mul3A_175[%gather3A_585] in [0] : vector<16xi32>, vector<16xi32> -> vector<16xi32>
        %add3A_587 = arith.constant 0 : i32
        %add3A_588 = arith.addi %mul3A_169, %add3A_587 : i32
        %add3A_589 = arith.constant 5 : i32
        %add3A_590 = arith.addi %add3A_588, %add3A_589 : i32
        %get3A_591 = arith.index_cast %add3A_590 : i32 to index
        %get3A_592 = arith.constant 0 : index
        %get3A_593 = tpu.vector_load %arg8[%get3A_591, %get3A_592] {strides = array<i32>} : memref<32x256xf32, #tpu.memory_space<vmem>>, vector<16xf32>,
        %get3A_594 = arith.index_cast %add3A_590 : i32 to index
        %get3A_595 = arith.constant 16 : index
        %get3A_596 = tpu.vector_load %arg8[%get3A_594, %get3A_595] {strides = array<i32>} : memref<32x256xf32, #tpu.memory_space<vmem>>, vector<16xf32>,
        %get3A_597 = arith.index_cast %add3A_590 : i32 to index
        %get3A_598 = arith.constant 32 : index
        %get3A_599 = tpu.vector_load %arg8[%get3A_597, %get3A_598] {strides = array<i32>} : memref<32x256xf32, #tpu.memory_space<vmem>>, vector<16xf32>,
        %get3A_600 = arith.index_cast %add3A_590 : i32 to index
        %get3A_601 = arith.constant 48 : index
        %get3A_602 = tpu.vector_load %arg8[%get3A_600, %get3A_601] {strides = array<i32>} : memref<32x256xf32, #tpu.memory_space<vmem>>, vector<16xf32>,
        %get3A_603 = arith.index_cast %add3A_590 : i32 to index
        %get3A_604 = arith.constant 64 : index
        %get3A_605 = tpu.vector_load %arg8[%get3A_603, %get3A_604] {strides = array<i32>} : memref<32x256xf32, #tpu.memory_space<vmem>>, vector<16xf32>,
        %get3A_606 = arith.index_cast %add3A_590 : i32 to index
        %get3A_607 = arith.constant 80 : index
        %get3A_608 = tpu.vector_load %arg8[%get3A_606, %get3A_607] {strides = array<i32>} : memref<32x256xf32, #tpu.memory_space<vmem>>, vector<16xf32>,
        %get3A_609 = arith.index_cast %add3A_590 : i32 to index
        %get3A_610 = arith.constant 96 : index
        %get3A_611 = tpu.vector_load %arg8[%get3A_609, %get3A_610] {strides = array<i32>} : memref<32x256xf32, #tpu.memory_space<vmem>>, vector<16xf32>,
        %get3A_612 = arith.index_cast %add3A_590 : i32 to index
        %get3A_613 = arith.constant 112 : index
        %get3A_614 = tpu.vector_load %arg8[%get3A_612, %get3A_613] {strides = array<i32>} : memref<32x256xf32, #tpu.memory_space<vmem>>, vector<16xf32>,
        %get3A_615 = arith.index_cast %add3A_590 : i32 to index
        %get3A_616 = arith.constant 128 : index
        %get3A_617 = tpu.vector_load %arg8[%get3A_615, %get3A_616] {strides = array<i32>} : memref<32x256xf32, #tpu.memory_space<vmem>>, vector<16xf32>,
        %get3A_618 = arith.index_cast %add3A_590 : i32 to index
        %get3A_619 = arith.constant 144 : index
        %get3A_620 = tpu.vector_load %arg8[%get3A_618, %get3A_619] {strides = array<i32>} : memref<32x256xf32, #tpu.memory_space<vmem>>, vector<16xf32>,
        %get3A_621 = arith.index_cast %add3A_590 : i32 to index
        %get3A_622 = arith.constant 160 : index
        %get3A_623 = tpu.vector_load %arg8[%get3A_621, %get3A_622] {strides = array<i32>} : memref<32x256xf32, #tpu.memory_space<vmem>>, vector<16xf32>,
        %get3A_624 = arith.index_cast %add3A_590 : i32 to index
        %get3A_625 = arith.constant 176 : index
        %get3A_626 = tpu.vector_load %arg8[%get3A_624, %get3A_625] {strides = array<i32>} : memref<32x256xf32, #tpu.memory_space<vmem>>, vector<16xf32>,
        %get3A_627 = arith.index_cast %add3A_590 : i32 to index
        %get3A_628 = arith.constant 192 : index
        %get3A_629 = tpu.vector_load %arg8[%get3A_627, %get3A_628] {strides = array<i32>} : memref<32x256xf32, #tpu.memory_space<vmem>>, vector<16xf32>,
        %get3A_630 = arith.index_cast %add3A_590 : i32 to index
        %get3A_631 = arith.constant 208 : index
        %get3A_632 = tpu.vector_load %arg8[%get3A_630, %get3A_631] {strides = array<i32>} : memref<32x256xf32, #tpu.memory_space<vmem>>, vector<16xf32>,
        %get3A_633 = arith.index_cast %add3A_590 : i32 to index
        %get3A_634 = arith.constant 224 : index
        %get3A_635 = tpu.vector_load %arg8[%get3A_633, %get3A_634] {strides = array<i32>} : memref<32x256xf32, #tpu.memory_space<vmem>>, vector<16xf32>,
        %get3A_636 = arith.index_cast %add3A_590 : i32 to index
        %get3A_637 = arith.constant 240 : index
        %get3A_638 = tpu.vector_load %arg8[%get3A_636, %get3A_637] {strides = array<i32>} : memref<32x256xf32, #tpu.memory_space<vmem>>, vector<16xf32>,
        %add3A_639 = arith.addi %gather3A_586, %add3A_12 : vector<16xi32>
        tpu.vector_store_idx %arg9[%add3A_639], %get3A_593 {add = true} : memref<82176xf32, #tpu.memory_space<vmem>>[vector<16xi32>], vector<16xf32>,
        %add3A_640 = arith.addi %gather3A_586, %add3A_15 : vector<16xi32>
        tpu.vector_store_idx %arg9[%add3A_640], %get3A_596 {add = true} : memref<82176xf32, #tpu.memory_space<vmem>>[vector<16xi32>], vector<16xf32>,
        %add3A_641 = arith.addi %gather3A_586, %add3A_18 : vector<16xi32>
        tpu.vector_store_idx %arg9[%add3A_641], %get3A_599 {add = true} : memref<82176xf32, #tpu.memory_space<vmem>>[vector<16xi32>], vector<16xf32>,
        %add3A_642 = arith.addi %gather3A_586, %add3A_21 : vector<16xi32>
        tpu.vector_store_idx %arg9[%add3A_642], %get3A_602 {add = true} : memref<82176xf32, #tpu.memory_space<vmem>>[vector<16xi32>], vector<16xf32>,
        %add3A_643 = arith.addi %gather3A_586, %add3A_24 : vector<16xi32>
        tpu.vector_store_idx %arg9[%add3A_643], %get3A_605 {add = true} : memref<82176xf32, #tpu.memory_space<vmem>>[vector<16xi32>], vector<16xf32>,
        %add3A_644 = arith.addi %gather3A_586, %add3A_27 : vector<16xi32>
        tpu.vector_store_idx %arg9[%add3A_644], %get3A_608 {add = true} : memref<82176xf32, #tpu.memory_space<vmem>>[vector<16xi32>], vector<16xf32>,
        %add3A_645 = arith.addi %gather3A_586, %add3A_30 : vector<16xi32>
        tpu.vector_store_idx %arg9[%add3A_645], %get3A_611 {add = true} : memref<82176xf32, #tpu.memory_space<vmem>>[vector<16xi32>], vector<16xf32>,
        %add3A_646 = arith.addi %gather3A_586, %add3A_33 : vector<16xi32>
        tpu.vector_store_idx %arg9[%add3A_646], %get3A_614 {add = true} : memref<82176xf32, #tpu.memory_space<vmem>>[vector<16xi32>], vector<16xf32>,
        %add3A_647 = arith.addi %gather3A_586, %add3A_36 : vector<16xi32>
        tpu.vector_store_idx %arg9[%add3A_647], %get3A_617 {add = true} : memref<82176xf32, #tpu.memory_space<vmem>>[vector<16xi32>], vector<16xf32>,
        %add3A_648 = arith.addi %gather3A_586, %add3A_39 : vector<16xi32>
        tpu.vector_store_idx %arg9[%add3A_648], %get3A_620 {add = true} : memref<82176xf32, #tpu.memory_space<vmem>>[vector<16xi32>], vector<16xf32>,
        %add3A_649 = arith.addi %gather3A_586, %add3A_42 : vector<16xi32>
        tpu.vector_store_idx %arg9[%add3A_649], %get3A_623 {add = true} : memref<82176xf32, #tpu.memory_space<vmem>>[vector<16xi32>], vector<16xf32>,
        %add3A_650 = arith.addi %gather3A_586, %add3A_45 : vector<16xi32>
        tpu.vector_store_idx %arg9[%add3A_650], %get3A_626 {add = true} : memref<82176xf32, #tpu.memory_space<vmem>>[vector<16xi32>], vector<16xf32>,
        %add3A_651 = arith.addi %gather3A_586, %add3A_48 : vector<16xi32>
        tpu.vector_store_idx %arg9[%add3A_651], %get3A_629 {add = true} : memref<82176xf32, #tpu.memory_space<vmem>>[vector<16xi32>], vector<16xf32>,
        %add3A_652 = arith.addi %gather3A_586, %add3A_51 : vector<16xi32>
        tpu.vector_store_idx %arg9[%add3A_652], %get3A_632 {add = true} : memref<82176xf32, #tpu.memory_space<vmem>>[vector<16xi32>], vector<16xf32>,
        %add3A_653 = arith.addi %gather3A_586, %add3A_54 : vector<16xi32>
        tpu.vector_store_idx %arg9[%add3A_653], %get3A_635 {add = true} : memref<82176xf32, #tpu.memory_space<vmem>>[vector<16xi32>], vector<16xf32>,
        %add3A_654 = arith.addi %gather3A_586, %add3A_57 : vector<16xi32>
        tpu.vector_store_idx %arg9[%add3A_654], %get3A_638 {add = true} : memref<82176xf32, #tpu.memory_space<vmem>>[vector<16xi32>], vector<16xf32>,
        %broadcast_in_dim3A_655 = arith.constant 6 : i32
        %broadcast_in_dim3A_656 = vector.broadcast %broadcast_in_dim3A_655 : i32 to vector<16xi32>
        %lt3A_657 = arith.constant 0 : i32
        %lt3A_658 = vector.broadcast %lt3A_657 : i32 to vector<16xi32>
        %lt3A_659 = arith.cmpi slt, %broadcast_in_dim3A_656, %lt3A_658 : vector<16xi32>
        %add3A_660 = arith.constant 16 : i32
        %add3A_661 = vector.broadcast %add3A_660 : i32 to vector<16xi32>
        %add3A_662 = arith.addi %broadcast_in_dim3A_656, %add3A_661 : vector<16xi32>
        %select_n3A_663 = arith.select %lt3A_659, %add3A_662, %broadcast_in_dim3A_656 : vector<16xi1>, vector<16xi32>
        %broadcast_in_dim3A_664 = vector.shape_cast %select_n3A_663 : vector<16xi32> to vector<16x1xi32>
        %gather3A_665 = vector.shape_cast %broadcast_in_dim3A_664 : vector<16x1xi32> to vector<16xi32>
        %gather3A_666 = tpu.dynamic_gather %mul3A_175[%gather3A_665] in [0] : vector<16xi32>, vector<16xi32> -> vector<16xi32>
        %add3A_667 = arith.constant 0 : i32
        %add3A_668 = arith.addi %mul3A_169, %add3A_667 : i32
        %add3A_669 = arith.constant 6 : i32
        %add3A_670 = arith.addi %add3A_668, %add3A_669 : i32
        %get3A_671 = arith.index_cast %add3A_670 : i32 to index
        %get3A_672 = arith.constant 0 : index
        %get3A_673 = tpu.vector_load %arg8[%get3A_671, %get3A_672] {strides = array<i32>} : memref<32x256xf32, #tpu.memory_space<vmem>>, vector<16xf32>,
        %get3A_674 = arith.index_cast %add3A_670 : i32 to index
        %get3A_675 = arith.constant 16 : index
        %get3A_676 = tpu.vector_load %arg8[%get3A_674, %get3A_675] {strides = array<i32>} : memref<32x256xf32, #tpu.memory_space<vmem>>, vector<16xf32>,
        %get3A_677 = arith.index_cast %add3A_670 : i32 to index
        %get3A_678 = arith.constant 32 : index
        %get3A_679 = tpu.vector_load %arg8[%get3A_677, %get3A_678] {strides = array<i32>} : memref<32x256xf32, #tpu.memory_space<vmem>>, vector<16xf32>,
        %get3A_680 = arith.index_cast %add3A_670 : i32 to index
        %get3A_681 = arith.constant 48 : index
        %get3A_682 = tpu.vector_load %arg8[%get3A_680, %get3A_681] {strides = array<i32>} : memref<32x256xf32, #tpu.memory_space<vmem>>, vector<16xf32>,
        %get3A_683 = arith.index_cast %add3A_670 : i32 to index
        %get3A_684 = arith.constant 64 : index
        %get3A_685 = tpu.vector_load %arg8[%get3A_683, %get3A_684] {strides = array<i32>} : memref<32x256xf32, #tpu.memory_space<vmem>>, vector<16xf32>,
        %get3A_686 = arith.index_cast %add3A_670 : i32 to index
        %get3A_687 = arith.constant 80 : index
        %get3A_688 = tpu.vector_load %arg8[%get3A_686, %get3A_687] {strides = array<i32>} : memref<32x256xf32, #tpu.memory_space<vmem>>, vector<16xf32>,
        %get3A_689 = arith.index_cast %add3A_670 : i32 to index
        %get3A_690 = arith.constant 96 : index
        %get3A_691 = tpu.vector_load %arg8[%get3A_689, %get3A_690] {strides = array<i32>} : memref<32x256xf32, #tpu.memory_space<vmem>>, vector<16xf32>,
        %get3A_692 = arith.index_cast %add3A_670 : i32 to index
        %get3A_693 = arith.constant 112 : index
        %get3A_694 = tpu.vector_load %arg8[%get3A_692, %get3A_693] {strides = array<i32>} : memref<32x256xf32, #tpu.memory_space<vmem>>, vector<16xf32>,
        %get3A_695 = arith.index_cast %add3A_670 : i32 to index
        %get3A_696 = arith.constant 128 : index
        %get3A_697 = tpu.vector_load %arg8[%get3A_695, %get3A_696] {strides = array<i32>} : memref<32x256xf32, #tpu.memory_space<vmem>>, vector<16xf32>,
        %get3A_698 = arith.index_cast %add3A_670 : i32 to index
        %get3A_699 = arith.constant 144 : index
        %get3A_700 = tpu.vector_load %arg8[%get3A_698, %get3A_699] {strides = array<i32>} : memref<32x256xf32, #tpu.memory_space<vmem>>, vector<16xf32>,
        %get3A_701 = arith.index_cast %add3A_670 : i32 to index
        %get3A_702 = arith.constant 160 : index
        %get3A_703 = tpu.vector_load %arg8[%get3A_701, %get3A_702] {strides = array<i32>} : memref<32x256xf32, #tpu.memory_space<vmem>>, vector<16xf32>,
        %get3A_704 = arith.index_cast %add3A_670 : i32 to index
        %get3A_705 = arith.constant 176 : index
        %get3A_706 = tpu.vector_load %arg8[%get3A_704, %get3A_705] {strides = array<i32>} : memref<32x256xf32, #tpu.memory_space<vmem>>, vector<16xf32>,
        %get3A_707 = arith.index_cast %add3A_670 : i32 to index
        %get3A_708 = arith.constant 192 : index
        %get3A_709 = tpu.vector_load %arg8[%get3A_707, %get3A_708] {strides = array<i32>} : memref<32x256xf32, #tpu.memory_space<vmem>>, vector<16xf32>,
        %get3A_710 = arith.index_cast %add3A_670 : i32 to index
        %get3A_711 = arith.constant 208 : index
        %get3A_712 = tpu.vector_load %arg8[%get3A_710, %get3A_711] {strides = array<i32>} : memref<32x256xf32, #tpu.memory_space<vmem>>, vector<16xf32>,
        %get3A_713 = arith.index_cast %add3A_670 : i32 to index
        %get3A_714 = arith.constant 224 : index
        %get3A_715 = tpu.vector_load %arg8[%get3A_713, %get3A_714] {strides = array<i32>} : memref<32x256xf32, #tpu.memory_space<vmem>>, vector<16xf32>,
        %get3A_716 = arith.index_cast %add3A_670 : i32 to index
        %get3A_717 = arith.constant 240 : index
        %get3A_718 = tpu.vector_load %arg8[%get3A_716, %get3A_717] {strides = array<i32>} : memref<32x256xf32, #tpu.memory_space<vmem>>, vector<16xf32>,
        %add3A_719 = arith.addi %gather3A_666, %add3A_12 : vector<16xi32>
        tpu.vector_store_idx %arg9[%add3A_719], %get3A_673 {add = true} : memref<82176xf32, #tpu.memory_space<vmem>>[vector<16xi32>], vector<16xf32>,
        %add3A_720 = arith.addi %gather3A_666, %add3A_15 : vector<16xi32>
        tpu.vector_store_idx %arg9[%add3A_720], %get3A_676 {add = true} : memref<82176xf32, #tpu.memory_space<vmem>>[vector<16xi32>], vector<16xf32>,
        %add3A_721 = arith.addi %gather3A_666, %add3A_18 : vector<16xi32>
        tpu.vector_store_idx %arg9[%add3A_721], %get3A_679 {add = true} : memref<82176xf32, #tpu.memory_space<vmem>>[vector<16xi32>], vector<16xf32>,
        %add3A_722 = arith.addi %gather3A_666, %add3A_21 : vector<16xi32>
        tpu.vector_store_idx %arg9[%add3A_722], %get3A_682 {add = true} : memref<82176xf32, #tpu.memory_space<vmem>>[vector<16xi32>], vector<16xf32>,
        %add3A_723 = arith.addi %gather3A_666, %add3A_24 : vector<16xi32>
        tpu.vector_store_idx %arg9[%add3A_723], %get3A_685 {add = true} : memref<82176xf32, #tpu.memory_space<vmem>>[vector<16xi32>], vector<16xf32>,
        %add3A_724 = arith.addi %gather3A_666, %add3A_27 : vector<16xi32>
        tpu.vector_store_idx %arg9[%add3A_724], %get3A_688 {add = true} : memref<82176xf32, #tpu.memory_space<vmem>>[vector<16xi32>], vector<16xf32>,
        %add3A_725 = arith.addi %gather3A_666, %add3A_30 : vector<16xi32>
        tpu.vector_store_idx %arg9[%add3A_725], %get3A_691 {add = true} : memref<82176xf32, #tpu.memory_space<vmem>>[vector<16xi32>], vector<16xf32>,
        %add3A_726 = arith.addi %gather3A_666, %add3A_33 : vector<16xi32>
        tpu.vector_store_idx %arg9[%add3A_726], %get3A_694 {add = true} : memref<82176xf32, #tpu.memory_space<vmem>>[vector<16xi32>], vector<16xf32>,
        %add3A_727 = arith.addi %gather3A_666, %add3A_36 : vector<16xi32>
        tpu.vector_store_idx %arg9[%add3A_727], %get3A_697 {add = true} : memref<82176xf32, #tpu.memory_space<vmem>>[vector<16xi32>], vector<16xf32>,
        %add3A_728 = arith.addi %gather3A_666, %add3A_39 : vector<16xi32>
        tpu.vector_store_idx %arg9[%add3A_728], %get3A_700 {add = true} : memref<82176xf32, #tpu.memory_space<vmem>>[vector<16xi32>], vector<16xf32>,
        %add3A_729 = arith.addi %gather3A_666, %add3A_42 : vector<16xi32>
        tpu.vector_store_idx %arg9[%add3A_729], %get3A_703 {add = true} : memref<82176xf32, #tpu.memory_space<vmem>>[vector<16xi32>], vector<16xf32>,
        %add3A_730 = arith.addi %gather3A_666, %add3A_45 : vector<16xi32>
        tpu.vector_store_idx %arg9[%add3A_730], %get3A_706 {add = true} : memref<82176xf32, #tpu.memory_space<vmem>>[vector<16xi32>], vector<16xf32>,
        %add3A_731 = arith.addi %gather3A_666, %add3A_48 : vector<16xi32>
        tpu.vector_store_idx %arg9[%add3A_731], %get3A_709 {add = true} : memref<82176xf32, #tpu.memory_space<vmem>>[vector<16xi32>], vector<16xf32>,
        %add3A_732 = arith.addi %gather3A_666, %add3A_51 : vector<16xi32>
        tpu.vector_store_idx %arg9[%add3A_732], %get3A_712 {add = true} : memref<82176xf32, #tpu.memory_space<vmem>>[vector<16xi32>], vector<16xf32>,
        %add3A_733 = arith.addi %gather3A_666, %add3A_54 : vector<16xi32>
        tpu.vector_store_idx %arg9[%add3A_733], %get3A_715 {add = true} : memref<82176xf32, #tpu.memory_space<vmem>>[vector<16xi32>], vector<16xf32>,
        %add3A_734 = arith.addi %gather3A_666, %add3A_57 : vector<16xi32>
        tpu.vector_store_idx %arg9[%add3A_734], %get3A_718 {add = true} : memref<82176xf32, #tpu.memory_space<vmem>>[vector<16xi32>], vector<16xf32>,
        %broadcast_in_dim3A_735 = arith.constant 7 : i32
        %broadcast_in_dim3A_736 = vector.broadcast %broadcast_in_dim3A_735 : i32 to vector<16xi32>
        %lt3A_737 = arith.constant 0 : i32
        %lt3A_738 = vector.broadcast %lt3A_737 : i32 to vector<16xi32>
        %lt3A_739 = arith.cmpi slt, %broadcast_in_dim3A_736, %lt3A_738 : vector<16xi32>
        %add3A_740 = arith.constant 16 : i32
        %add3A_741 = vector.broadcast %add3A_740 : i32 to vector<16xi32>
        %add3A_742 = arith.addi %broadcast_in_dim3A_736, %add3A_741 : vector<16xi32>
        %select_n3A_743 = arith.select %lt3A_739, %add3A_742, %broadcast_in_dim3A_736 : vector<16xi1>, vector<16xi32>
        %broadcast_in_dim3A_744 = vector.shape_cast %select_n3A_743 : vector<16xi32> to vector<16x1xi32>
        %gather3A_745 = vector.shape_cast %broadcast_in_dim3A_744 : vector<16x1xi32> to vector<16xi32>
        %gather3A_746 = tpu.dynamic_gather %mul3A_175[%gather3A_745] in [0] : vector<16xi32>, vector<16xi32> -> vector<16xi32>
        %add3A_747 = arith.constant 0 : i32
        %add3A_748 = arith.addi %mul3A_169, %add3A_747 : i32
        %add3A_749 = arith.constant 7 : i32
        %add3A_750 = arith.addi %add3A_748, %add3A_749 : i32
        %get3A_751 = arith.index_cast %add3A_750 : i32 to index
        %get3A_752 = arith.constant 0 : index
        %get3A_753 = tpu.vector_load %arg8[%get3A_751, %get3A_752] {strides = array<i32>} : memref<32x256xf32, #tpu.memory_space<vmem>>, vector<16xf32>,
        %get3A_754 = arith.index_cast %add3A_750 : i32 to index
        %get3A_755 = arith.constant 16 : index
        %get3A_756 = tpu.vector_load %arg8[%get3A_754, %get3A_755] {strides = array<i32>} : memref<32x256xf32, #tpu.memory_space<vmem>>, vector<16xf32>,
        %get3A_757 = arith.index_cast %add3A_750 : i32 to index
        %get3A_758 = arith.constant 32 : index
        %get3A_759 = tpu.vector_load %arg8[%get3A_757, %get3A_758] {strides = array<i32>} : memref<32x256xf32, #tpu.memory_space<vmem>>, vector<16xf32>,
        %get3A_760 = arith.index_cast %add3A_750 : i32 to index
        %get3A_761 = arith.constant 48 : index
        %get3A_762 = tpu.vector_load %arg8[%get3A_760, %get3A_761] {strides = array<i32>} : memref<32x256xf32, #tpu.memory_space<vmem>>, vector<16xf32>,
        %get3A_763 = arith.index_cast %add3A_750 : i32 to index
        %get3A_764 = arith.constant 64 : index
        %get3A_765 = tpu.vector_load %arg8[%get3A_763, %get3A_764] {strides = array<i32>} : memref<32x256xf32, #tpu.memory_space<vmem>>, vector<16xf32>,
        %get3A_766 = arith.index_cast %add3A_750 : i32 to index
        %get3A_767 = arith.constant 80 : index
        %get3A_768 = tpu.vector_load %arg8[%get3A_766, %get3A_767] {strides = array<i32>} : memref<32x256xf32, #tpu.memory_space<vmem>>, vector<16xf32>,
        %get3A_769 = arith.index_cast %add3A_750 : i32 to index
        %get3A_770 = arith.constant 96 : index
        %get3A_771 = tpu.vector_load %arg8[%get3A_769, %get3A_770] {strides = array<i32>} : memref<32x256xf32, #tpu.memory_space<vmem>>, vector<16xf32>,
        %get3A_772 = arith.index_cast %add3A_750 : i32 to index
        %get3A_773 = arith.constant 112 : index
        %get3A_774 = tpu.vector_load %arg8[%get3A_772, %get3A_773] {strides = array<i32>} : memref<32x256xf32, #tpu.memory_space<vmem>>, vector<16xf32>,
        %get3A_775 = arith.index_cast %add3A_750 : i32 to index
        %get3A_776 = arith.constant 128 : index
        %get3A_777 = tpu.vector_load %arg8[%get3A_775, %get3A_776] {strides = array<i32>} : memref<32x256xf32, #tpu.memory_space<vmem>>, vector<16xf32>,
        %get3A_778 = arith.index_cast %add3A_750 : i32 to index
        %get3A_779 = arith.constant 144 : index
        %get3A_780 = tpu.vector_load %arg8[%get3A_778, %get3A_779] {strides = array<i32>} : memref<32x256xf32, #tpu.memory_space<vmem>>, vector<16xf32>,
        %get3A_781 = arith.index_cast %add3A_750 : i32 to index
        %get3A_782 = arith.constant 160 : index
        %get3A_783 = tpu.vector_load %arg8[%get3A_781, %get3A_782] {strides = array<i32>} : memref<32x256xf32, #tpu.memory_space<vmem>>, vector<16xf32>,
        %get3A_784 = arith.index_cast %add3A_750 : i32 to index
        %get3A_785 = arith.constant 176 : index
        %get3A_786 = tpu.vector_load %arg8[%get3A_784, %get3A_785] {strides = array<i32>} : memref<32x256xf32, #tpu.memory_space<vmem>>, vector<16xf32>,
        %get3A_787 = arith.index_cast %add3A_750 : i32 to index
        %get3A_788 = arith.constant 192 : index
        %get3A_789 = tpu.vector_load %arg8[%get3A_787, %get3A_788] {strides = array<i32>} : memref<32x256xf32, #tpu.memory_space<vmem>>, vector<16xf32>,
        %get3A_790 = arith.index_cast %add3A_750 : i32 to index
        %get3A_791 = arith.constant 208 : index
        %get3A_792 = tpu.vector_load %arg8[%get3A_790, %get3A_791] {strides = array<i32>} : memref<32x256xf32, #tpu.memory_space<vmem>>, vector<16xf32>,
        %get3A_793 = arith.index_cast %add3A_750 : i32 to index
        %get3A_794 = arith.constant 224 : index
        %get3A_795 = tpu.vector_load %arg8[%get3A_793, %get3A_794] {strides = array<i32>} : memref<32x256xf32, #tpu.memory_space<vmem>>, vector<16xf32>,
        %get3A_796 = arith.index_cast %add3A_750 : i32 to index
        %get3A_797 = arith.constant 240 : index
        %get3A_798 = tpu.vector_load %arg8[%get3A_796, %get3A_797] {strides = array<i32>} : memref<32x256xf32, #tpu.memory_space<vmem>>, vector<16xf32>,
        %add3A_799 = arith.addi %gather3A_746, %add3A_12 : vector<16xi32>
        tpu.vector_store_idx %arg9[%add3A_799], %get3A_753 {add = true} : memref<82176xf32, #tpu.memory_space<vmem>>[vector<16xi32>], vector<16xf32>,
        %add3A_800 = arith.addi %gather3A_746, %add3A_15 : vector<16xi32>
        tpu.vector_store_idx %arg9[%add3A_800], %get3A_756 {add = true} : memref<82176xf32, #tpu.memory_space<vmem>>[vector<16xi32>], vector<16xf32>,
        %add3A_801 = arith.addi %gather3A_746, %add3A_18 : vector<16xi32>
        tpu.vector_store_idx %arg9[%add3A_801], %get3A_759 {add = true} : memref<82176xf32, #tpu.memory_space<vmem>>[vector<16xi32>], vector<16xf32>,
        %add3A_802 = arith.addi %gather3A_746, %add3A_21 : vector<16xi32>
        tpu.vector_store_idx %arg9[%add3A_802], %get3A_762 {add = true} : memref<82176xf32, #tpu.memory_space<vmem>>[vector<16xi32>], vector<16xf32>,
        %add3A_803 = arith.addi %gather3A_746, %add3A_24 : vector<16xi32>
        tpu.vector_store_idx %arg9[%add3A_803], %get3A_765 {add = true} : memref<82176xf32, #tpu.memory_space<vmem>>[vector<16xi32>], vector<16xf32>,
        %add3A_804 = arith.addi %gather3A_746, %add3A_27 : vector<16xi32>
        tpu.vector_store_idx %arg9[%add3A_804], %get3A_768 {add = true} : memref<82176xf32, #tpu.memory_space<vmem>>[vector<16xi32>], vector<16xf32>,
        %add3A_805 = arith.addi %gather3A_746, %add3A_30 : vector<16xi32>
        tpu.vector_store_idx %arg9[%add3A_805], %get3A_771 {add = true} : memref<82176xf32, #tpu.memory_space<vmem>>[vector<16xi32>], vector<16xf32>,
        %add3A_806 = arith.addi %gather3A_746, %add3A_33 : vector<16xi32>
        tpu.vector_store_idx %arg9[%add3A_806], %get3A_774 {add = true} : memref<82176xf32, #tpu.memory_space<vmem>>[vector<16xi32>], vector<16xf32>,
        %add3A_807 = arith.addi %gather3A_746, %add3A_36 : vector<16xi32>
        tpu.vector_store_idx %arg9[%add3A_807], %get3A_777 {add = true} : memref<82176xf32, #tpu.memory_space<vmem>>[vector<16xi32>], vector<16xf32>,
        %add3A_808 = arith.addi %gather3A_746, %add3A_39 : vector<16xi32>
        tpu.vector_store_idx %arg9[%add3A_808], %get3A_780 {add = true} : memref<82176xf32, #tpu.memory_space<vmem>>[vector<16xi32>], vector<16xf32>,
        %add3A_809 = arith.addi %gather3A_746, %add3A_42 : vector<16xi32>
        tpu.vector_store_idx %arg9[%add3A_809], %get3A_783 {add = true} : memref<82176xf32, #tpu.memory_space<vmem>>[vector<16xi32>], vector<16xf32>,
        %add3A_810 = arith.addi %gather3A_746, %add3A_45 : vector<16xi32>
        tpu.vector_store_idx %arg9[%add3A_810], %get3A_786 {add = true} : memref<82176xf32, #tpu.memory_space<vmem>>[vector<16xi32>], vector<16xf32>,
        %add3A_811 = arith.addi %gather3A_746, %add3A_48 : vector<16xi32>
        tpu.vector_store_idx %arg9[%add3A_811], %get3A_789 {add = true} : memref<82176xf32, #tpu.memory_space<vmem>>[vector<16xi32>], vector<16xf32>,
        %add3A_812 = arith.addi %gather3A_746, %add3A_51 : vector<16xi32>
        tpu.vector_store_idx %arg9[%add3A_812], %get3A_792 {add = true} : memref<82176xf32, #tpu.memory_space<vmem>>[vector<16xi32>], vector<16xf32>,
        %add3A_813 = arith.addi %gather3A_746, %add3A_54 : vector<16xi32>
        tpu.vector_store_idx %arg9[%add3A_813], %get3A_795 {add = true} : memref<82176xf32, #tpu.memory_space<vmem>>[vector<16xi32>], vector<16xf32>,
        %add3A_814 = arith.addi %gather3A_746, %add3A_57 : vector<16xi32>
        tpu.vector_store_idx %arg9[%add3A_814], %get3A_798 {add = true} : memref<82176xf32, #tpu.memory_space<vmem>>[vector<16xi32>], vector<16xf32>,
        %broadcast_in_dim3A_815 = arith.constant 8 : i32
        %broadcast_in_dim3A_816 = vector.broadcast %broadcast_in_dim3A_815 : i32 to vector<16xi32>
        %lt3A_817 = arith.constant 0 : i32
        %lt3A_818 = vector.broadcast %lt3A_817 : i32 to vector<16xi32>
        %lt3A_819 = arith.cmpi slt, %broadcast_in_dim3A_816, %lt3A_818 : vector<16xi32>
        %add3A_820 = arith.constant 16 : i32
        %add3A_821 = vector.broadcast %add3A_820 : i32 to vector<16xi32>
        %add3A_822 = arith.addi %broadcast_in_dim3A_816, %add3A_821 : vector<16xi32>
        %select_n3A_823 = arith.select %lt3A_819, %add3A_822, %broadcast_in_dim3A_816 : vector<16xi1>, vector<16xi32>
        %broadcast_in_dim3A_824 = vector.shape_cast %select_n3A_823 : vector<16xi32> to vector<16x1xi32>
        %gather3A_825 = vector.shape_cast %broadcast_in_dim3A_824 : vector<16x1xi32> to vector<16xi32>
        %gather3A_826 = tpu.dynamic_gather %mul3A_175[%gather3A_825] in [0] : vector<16xi32>, vector<16xi32> -> vector<16xi32>
        %add3A_827 = arith.constant 0 : i32
        %add3A_828 = arith.addi %mul3A_169, %add3A_827 : i32
        %add3A_829 = arith.constant 8 : i32
        %add3A_830 = arith.addi %add3A_828, %add3A_829 : i32
        %get3A_831 = arith.index_cast %add3A_830 : i32 to index
        %get3A_832 = arith.constant 0 : index
        %get3A_833 = tpu.vector_load %arg8[%get3A_831, %get3A_832] {strides = array<i32>} : memref<32x256xf32, #tpu.memory_space<vmem>>, vector<16xf32>,
        %get3A_834 = arith.index_cast %add3A_830 : i32 to index
        %get3A_835 = arith.constant 16 : index
        %get3A_836 = tpu.vector_load %arg8[%get3A_834, %get3A_835] {strides = array<i32>} : memref<32x256xf32, #tpu.memory_space<vmem>>, vector<16xf32>,
        %get3A_837 = arith.index_cast %add3A_830 : i32 to index
        %get3A_838 = arith.constant 32 : index
        %get3A_839 = tpu.vector_load %arg8[%get3A_837, %get3A_838] {strides = array<i32>} : memref<32x256xf32, #tpu.memory_space<vmem>>, vector<16xf32>,
        %get3A_840 = arith.index_cast %add3A_830 : i32 to index
        %get3A_841 = arith.constant 48 : index
        %get3A_842 = tpu.vector_load %arg8[%get3A_840, %get3A_841] {strides = array<i32>} : memref<32x256xf32, #tpu.memory_space<vmem>>, vector<16xf32>,
        %get3A_843 = arith.index_cast %add3A_830 : i32 to index
        %get3A_844 = arith.constant 64 : index
        %get3A_845 = tpu.vector_load %arg8[%get3A_843, %get3A_844] {strides = array<i32>} : memref<32x256xf32, #tpu.memory_space<vmem>>, vector<16xf32>,
        %get3A_846 = arith.index_cast %add3A_830 : i32 to index
        %get3A_847 = arith.constant 80 : index
        %get3A_848 = tpu.vector_load %arg8[%get3A_846, %get3A_847] {strides = array<i32>} : memref<32x256xf32, #tpu.memory_space<vmem>>, vector<16xf32>,
        %get3A_849 = arith.index_cast %add3A_830 : i32 to index
        %get3A_850 = arith.constant 96 : index
        %get3A_851 = tpu.vector_load %arg8[%get3A_849, %get3A_850] {strides = array<i32>} : memref<32x256xf32, #tpu.memory_space<vmem>>, vector<16xf32>,
        %get3A_852 = arith.index_cast %add3A_830 : i32 to index
        %get3A_853 = arith.constant 112 : index
        %get3A_854 = tpu.vector_load %arg8[%get3A_852, %get3A_853] {strides = array<i32>} : memref<32x256xf32, #tpu.memory_space<vmem>>, vector<16xf32>,
        %get3A_855 = arith.index_cast %add3A_830 : i32 to index
        %get3A_856 = arith.constant 128 : index
        %get3A_857 = tpu.vector_load %arg8[%get3A_855, %get3A_856] {strides = array<i32>} : memref<32x256xf32, #tpu.memory_space<vmem>>, vector<16xf32>,
        %get3A_858 = arith.index_cast %add3A_830 : i32 to index
        %get3A_859 = arith.constant 144 : index
        %get3A_860 = tpu.vector_load %arg8[%get3A_858, %get3A_859] {strides = array<i32>} : memref<32x256xf32, #tpu.memory_space<vmem>>, vector<16xf32>,
        %get3A_861 = arith.index_cast %add3A_830 : i32 to index
        %get3A_862 = arith.constant 160 : index
        %get3A_863 = tpu.vector_load %arg8[%get3A_861, %get3A_862] {strides = array<i32>} : memref<32x256xf32, #tpu.memory_space<vmem>>, vector<16xf32>,
        %get3A_864 = arith.index_cast %add3A_830 : i32 to index
        %get3A_865 = arith.constant 176 : index
        %get3A_866 = tpu.vector_load %arg8[%get3A_864, %get3A_865] {strides = array<i32>} : memref<32x256xf32, #tpu.memory_space<vmem>>, vector<16xf32>,
        %get3A_867 = arith.index_cast %add3A_830 : i32 to index
        %get3A_868 = arith.constant 192 : index
        %get3A_869 = tpu.vector_load %arg8[%get3A_867, %get3A_868] {strides = array<i32>} : memref<32x256xf32, #tpu.memory_space<vmem>>, vector<16xf32>,
        %get3A_870 = arith.index_cast %add3A_830 : i32 to index
        %get3A_871 = arith.constant 208 : index
        %get3A_872 = tpu.vector_load %arg8[%get3A_870, %get3A_871] {strides = array<i32>} : memref<32x256xf32, #tpu.memory_space<vmem>>, vector<16xf32>,
        %get3A_873 = arith.index_cast %add3A_830 : i32 to index
        %get3A_874 = arith.constant 224 : index
        %get3A_875 = tpu.vector_load %arg8[%get3A_873, %get3A_874] {strides = array<i32>} : memref<32x256xf32, #tpu.memory_space<vmem>>, vector<16xf32>,
        %get3A_876 = arith.index_cast %add3A_830 : i32 to index
        %get3A_877 = arith.constant 240 : index
        %get3A_878 = tpu.vector_load %arg8[%get3A_876, %get3A_877] {strides = array<i32>} : memref<32x256xf32, #tpu.memory_space<vmem>>, vector<16xf32>,
        %add3A_879 = arith.addi %gather3A_826, %add3A_12 : vector<16xi32>
        tpu.vector_store_idx %arg9[%add3A_879], %get3A_833 {add = true} : memref<82176xf32, #tpu.memory_space<vmem>>[vector<16xi32>], vector<16xf32>,
        %add3A_880 = arith.addi %gather3A_826, %add3A_15 : vector<16xi32>
        tpu.vector_store_idx %arg9[%add3A_880], %get3A_836 {add = true} : memref<82176xf32, #tpu.memory_space<vmem>>[vector<16xi32>], vector<16xf32>,
        %add3A_881 = arith.addi %gather3A_826, %add3A_18 : vector<16xi32>
        tpu.vector_store_idx %arg9[%add3A_881], %get3A_839 {add = true} : memref<82176xf32, #tpu.memory_space<vmem>>[vector<16xi32>], vector<16xf32>,
        %add3A_882 = arith.addi %gather3A_826, %add3A_21 : vector<16xi32>
        tpu.vector_store_idx %arg9[%add3A_882], %get3A_842 {add = true} : memref<82176xf32, #tpu.memory_space<vmem>>[vector<16xi32>], vector<16xf32>,
        %add3A_883 = arith.addi %gather3A_826, %add3A_24 : vector<16xi32>
        tpu.vector_store_idx %arg9[%add3A_883], %get3A_845 {add = true} : memref<82176xf32, #tpu.memory_space<vmem>>[vector<16xi32>], vector<16xf32>,
        %add3A_884 = arith.addi %gather3A_826, %add3A_27 : vector<16xi32>
        tpu.vector_store_idx %arg9[%add3A_884], %get3A_848 {add = true} : memref<82176xf32, #tpu.memory_space<vmem>>[vector<16xi32>], vector<16xf32>,
        %add3A_885 = arith.addi %gather3A_826, %add3A_30 : vector<16xi32>
        tpu.vector_store_idx %arg9[%add3A_885], %get3A_851 {add = true} : memref<82176xf32, #tpu.memory_space<vmem>>[vector<16xi32>], vector<16xf32>,
        %add3A_886 = arith.addi %gather3A_826, %add3A_33 : vector<16xi32>
        tpu.vector_store_idx %arg9[%add3A_886], %get3A_854 {add = true} : memref<82176xf32, #tpu.memory_space<vmem>>[vector<16xi32>], vector<16xf32>,
        %add3A_887 = arith.addi %gather3A_826, %add3A_36 : vector<16xi32>
        tpu.vector_store_idx %arg9[%add3A_887], %get3A_857 {add = true} : memref<82176xf32, #tpu.memory_space<vmem>>[vector<16xi32>], vector<16xf32>,
        %add3A_888 = arith.addi %gather3A_826, %add3A_39 : vector<16xi32>
        tpu.vector_store_idx %arg9[%add3A_888], %get3A_860 {add = true} : memref<82176xf32, #tpu.memory_space<vmem>>[vector<16xi32>], vector<16xf32>,
        %add3A_889 = arith.addi %gather3A_826, %add3A_42 : vector<16xi32>
        tpu.vector_store_idx %arg9[%add3A_889], %get3A_863 {add = true} : memref<82176xf32, #tpu.memory_space<vmem>>[vector<16xi32>], vector<16xf32>,
        %add3A_890 = arith.addi %gather3A_826, %add3A_45 : vector<16xi32>
        tpu.vector_store_idx %arg9[%add3A_890], %get3A_866 {add = true} : memref<82176xf32, #tpu.memory_space<vmem>>[vector<16xi32>], vector<16xf32>,
        %add3A_891 = arith.addi %gather3A_826, %add3A_48 : vector<16xi32>
        tpu.vector_store_idx %arg9[%add3A_891], %get3A_869 {add = true} : memref<82176xf32, #tpu.memory_space<vmem>>[vector<16xi32>], vector<16xf32>,
        %add3A_892 = arith.addi %gather3A_826, %add3A_51 : vector<16xi32>
        tpu.vector_store_idx %arg9[%add3A_892], %get3A_872 {add = true} : memref<82176xf32, #tpu.memory_space<vmem>>[vector<16xi32>], vector<16xf32>,
        %add3A_893 = arith.addi %gather3A_826, %add3A_54 : vector<16xi32>
        tpu.vector_store_idx %arg9[%add3A_893], %get3A_875 {add = true} : memref<82176xf32, #tpu.memory_space<vmem>>[vector<16xi32>], vector<16xf32>,
        %add3A_894 = arith.addi %gather3A_826, %add3A_57 : vector<16xi32>
        tpu.vector_store_idx %arg9[%add3A_894], %get3A_878 {add = true} : memref<82176xf32, #tpu.memory_space<vmem>>[vector<16xi32>], vector<16xf32>,
        %broadcast_in_dim3A_895 = arith.constant 9 : i32
        %broadcast_in_dim3A_896 = vector.broadcast %broadcast_in_dim3A_895 : i32 to vector<16xi32>
        %lt3A_897 = arith.constant 0 : i32
        %lt3A_898 = vector.broadcast %lt3A_897 : i32 to vector<16xi32>
        %lt3A_899 = arith.cmpi slt, %broadcast_in_dim3A_896, %lt3A_898 : vector<16xi32>
        %add3A_900 = arith.constant 16 : i32
        %add3A_901 = vector.broadcast %add3A_900 : i32 to vector<16xi32>
        %add3A_902 = arith.addi %broadcast_in_dim3A_896, %add3A_901 : vector<16xi32>
        %select_n3A_903 = arith.select %lt3A_899, %add3A_902, %broadcast_in_dim3A_896 : vector<16xi1>, vector<16xi32>
        %broadcast_in_dim3A_904 = vector.shape_cast %select_n3A_903 : vector<16xi32> to vector<16x1xi32>
        %gather3A_905 = vector.shape_cast %broadcast_in_dim3A_904 : vector<16x1xi32> to vector<16xi32>
        %gather3A_906 = tpu.dynamic_gather %mul3A_175[%gather3A_905] in [0] : vector<16xi32>, vector<16xi32> -> vector<16xi32>
        %add3A_907 = arith.constant 0 : i32
        %add3A_908 = arith.addi %mul3A_169, %add3A_907 : i32
        %add3A_909 = arith.constant 9 : i32
        %add3A_910 = arith.addi %add3A_908, %add3A_909 : i32
        %get3A_911 = arith.index_cast %add3A_910 : i32 to index
        %get3A_912 = arith.constant 0 : index
        %get3A_913 = tpu.vector_load %arg8[%get3A_911, %get3A_912] {strides = array<i32>} : memref<32x256xf32, #tpu.memory_space<vmem>>, vector<16xf32>,
        %get3A_914 = arith.index_cast %add3A_910 : i32 to index
        %get3A_915 = arith.constant 16 : index
        %get3A_916 = tpu.vector_load %arg8[%get3A_914, %get3A_915] {strides = array<i32>} : memref<32x256xf32, #tpu.memory_space<vmem>>, vector<16xf32>,
        %get3A_917 = arith.index_cast %add3A_910 : i32 to index
        %get3A_918 = arith.constant 32 : index
        %get3A_919 = tpu.vector_load %arg8[%get3A_917, %get3A_918] {strides = array<i32>} : memref<32x256xf32, #tpu.memory_space<vmem>>, vector<16xf32>,
        %get3A_920 = arith.index_cast %add3A_910 : i32 to index
        %get3A_921 = arith.constant 48 : index
        %get3A_922 = tpu.vector_load %arg8[%get3A_920, %get3A_921] {strides = array<i32>} : memref<32x256xf32, #tpu.memory_space<vmem>>, vector<16xf32>,
        %get3A_923 = arith.index_cast %add3A_910 : i32 to index
        %get3A_924 = arith.constant 64 : index
        %get3A_925 = tpu.vector_load %arg8[%get3A_923, %get3A_924] {strides = array<i32>} : memref<32x256xf32, #tpu.memory_space<vmem>>, vector<16xf32>,
        %get3A_926 = arith.index_cast %add3A_910 : i32 to index
        %get3A_927 = arith.constant 80 : index
        %get3A_928 = tpu.vector_load %arg8[%get3A_926, %get3A_927] {strides = array<i32>} : memref<32x256xf32, #tpu.memory_space<vmem>>, vector<16xf32>,
        %get3A_929 = arith.index_cast %add3A_910 : i32 to index
        %get3A_930 = arith.constant 96 : index
        %get3A_931 = tpu.vector_load %arg8[%get3A_929, %get3A_930] {strides = array<i32>} : memref<32x256xf32, #tpu.memory_space<vmem>>, vector<16xf32>,
        %get3A_932 = arith.index_cast %add3A_910 : i32 to index
        %get3A_933 = arith.constant 112 : index
        %get3A_934 = tpu.vector_load %arg8[%get3A_932, %get3A_933] {strides = array<i32>} : memref<32x256xf32, #tpu.memory_space<vmem>>, vector<16xf32>,
        %get3A_935 = arith.index_cast %add3A_910 : i32 to index
        %get3A_936 = arith.constant 128 : index
        %get3A_937 = tpu.vector_load %arg8[%get3A_935, %get3A_936] {strides = array<i32>} : memref<32x256xf32, #tpu.memory_space<vmem>>, vector<16xf32>,
        %get3A_938 = arith.index_cast %add3A_910 : i32 to index
        %get3A_939 = arith.constant 144 : index
        %get3A_940 = tpu.vector_load %arg8[%get3A_938, %get3A_939] {strides = array<i32>} : memref<32x256xf32, #tpu.memory_space<vmem>>, vector<16xf32>,
        %get3A_941 = arith.index_cast %add3A_910 : i32 to index
        %get3A_942 = arith.constant 160 : index
        %get3A_943 = tpu.vector_load %arg8[%get3A_941, %get3A_942] {strides = array<i32>} : memref<32x256xf32, #tpu.memory_space<vmem>>, vector<16xf32>,
        %get3A_944 = arith.index_cast %add3A_910 : i32 to index
        %get3A_945 = arith.constant 176 : index
        %get3A_946 = tpu.vector_load %arg8[%get3A_944, %get3A_945] {strides = array<i32>} : memref<32x256xf32, #tpu.memory_space<vmem>>, vector<16xf32>,
        %get3A_947 = arith.index_cast %add3A_910 : i32 to index
        %get3A_948 = arith.constant 192 : index
        %get3A_949 = tpu.vector_load %arg8[%get3A_947, %get3A_948] {strides = array<i32>} : memref<32x256xf32, #tpu.memory_space<vmem>>, vector<16xf32>,
        %get3A_950 = arith.index_cast %add3A_910 : i32 to index
        %get3A_951 = arith.constant 208 : index
        %get3A_952 = tpu.vector_load %arg8[%get3A_950, %get3A_951] {strides = array<i32>} : memref<32x256xf32, #tpu.memory_space<vmem>>, vector<16xf32>,
        %get3A_953 = arith.index_cast %add3A_910 : i32 to index
        %get3A_954 = arith.constant 224 : index
        %get3A_955 = tpu.vector_load %arg8[%get3A_953, %get3A_954] {strides = array<i32>} : memref<32x256xf32, #tpu.memory_space<vmem>>, vector<16xf32>,
        %get3A_956 = arith.index_cast %add3A_910 : i32 to index
        %get3A_957 = arith.constant 240 : index
        %get3A_958 = tpu.vector_load %arg8[%get3A_956, %get3A_957] {strides = array<i32>} : memref<32x256xf32, #tpu.memory_space<vmem>>, vector<16xf32>,
        %add3A_959 = arith.addi %gather3A_906, %add3A_12 : vector<16xi32>
        tpu.vector_store_idx %arg9[%add3A_959], %get3A_913 {add = true} : memref<82176xf32, #tpu.memory_space<vmem>>[vector<16xi32>], vector<16xf32>,
        %add3A_960 = arith.addi %gather3A_906, %add3A_15 : vector<16xi32>
        tpu.vector_store_idx %arg9[%add3A_960], %get3A_916 {add = true} : memref<82176xf32, #tpu.memory_space<vmem>>[vector<16xi32>], vector<16xf32>,
        %add3A_961 = arith.addi %gather3A_906, %add3A_18 : vector<16xi32>
        tpu.vector_store_idx %arg9[%add3A_961], %get3A_919 {add = true} : memref<82176xf32, #tpu.memory_space<vmem>>[vector<16xi32>], vector<16xf32>,
        %add3A_962 = arith.addi %gather3A_906, %add3A_21 : vector<16xi32>
        tpu.vector_store_idx %arg9[%add3A_962], %get3A_922 {add = true} : memref<82176xf32, #tpu.memory_space<vmem>>[vector<16xi32>], vector<16xf32>,
        %add3A_963 = arith.addi %gather3A_906, %add3A_24 : vector<16xi32>
        tpu.vector_store_idx %arg9[%add3A_963], %get3A_925 {add = true} : memref<82176xf32, #tpu.memory_space<vmem>>[vector<16xi32>], vector<16xf32>,
        %add3A_964 = arith.addi %gather3A_906, %add3A_27 : vector<16xi32>
        tpu.vector_store_idx %arg9[%add3A_964], %get3A_928 {add = true} : memref<82176xf32, #tpu.memory_space<vmem>>[vector<16xi32>], vector<16xf32>,
        %add3A_965 = arith.addi %gather3A_906, %add3A_30 : vector<16xi32>
        tpu.vector_store_idx %arg9[%add3A_965], %get3A_931 {add = true} : memref<82176xf32, #tpu.memory_space<vmem>>[vector<16xi32>], vector<16xf32>,
        %add3A_966 = arith.addi %gather3A_906, %add3A_33 : vector<16xi32>
        tpu.vector_store_idx %arg9[%add3A_966], %get3A_934 {add = true} : memref<82176xf32, #tpu.memory_space<vmem>>[vector<16xi32>], vector<16xf32>,
        %add3A_967 = arith.addi %gather3A_906, %add3A_36 : vector<16xi32>
        tpu.vector_store_idx %arg9[%add3A_967], %get3A_937 {add = true} : memref<82176xf32, #tpu.memory_space<vmem>>[vector<16xi32>], vector<16xf32>,
        %add3A_968 = arith.addi %gather3A_906, %add3A_39 : vector<16xi32>
        tpu.vector_store_idx %arg9[%add3A_968], %get3A_940 {add = true} : memref<82176xf32, #tpu.memory_space<vmem>>[vector<16xi32>], vector<16xf32>,
        %add3A_969 = arith.addi %gather3A_906, %add3A_42 : vector<16xi32>
        tpu.vector_store_idx %arg9[%add3A_969], %get3A_943 {add = true} : memref<82176xf32, #tpu.memory_space<vmem>>[vector<16xi32>], vector<16xf32>,
        %add3A_970 = arith.addi %gather3A_906, %add3A_45 : vector<16xi32>
        tpu.vector_store_idx %arg9[%add3A_970], %get3A_946 {add = true} : memref<82176xf32, #tpu.memory_space<vmem>>[vector<16xi32>], vector<16xf32>,
        %add3A_971 = arith.addi %gather3A_906, %add3A_48 : vector<16xi32>
        tpu.vector_store_idx %arg9[%add3A_971], %get3A_949 {add = true} : memref<82176xf32, #tpu.memory_space<vmem>>[vector<16xi32>], vector<16xf32>,
        %add3A_972 = arith.addi %gather3A_906, %add3A_51 : vector<16xi32>
        tpu.vector_store_idx %arg9[%add3A_972], %get3A_952 {add = true} : memref<82176xf32, #tpu.memory_space<vmem>>[vector<16xi32>], vector<16xf32>,
        %add3A_973 = arith.addi %gather3A_906, %add3A_54 : vector<16xi32>
        tpu.vector_store_idx %arg9[%add3A_973], %get3A_955 {add = true} : memref<82176xf32, #tpu.memory_space<vmem>>[vector<16xi32>], vector<16xf32>,
        %add3A_974 = arith.addi %gather3A_906, %add3A_57 : vector<16xi32>
        tpu.vector_store_idx %arg9[%add3A_974], %get3A_958 {add = true} : memref<82176xf32, #tpu.memory_space<vmem>>[vector<16xi32>], vector<16xf32>,
        %broadcast_in_dim3A_975 = arith.constant 10 : i32
        %broadcast_in_dim3A_976 = vector.broadcast %broadcast_in_dim3A_975 : i32 to vector<16xi32>
        %lt3A_977 = arith.constant 0 : i32
        %lt3A_978 = vector.broadcast %lt3A_977 : i32 to vector<16xi32>
        %lt3A_979 = arith.cmpi slt, %broadcast_in_dim3A_976, %lt3A_978 : vector<16xi32>
        %add3A_980 = arith.constant 16 : i32
        %add3A_981 = vector.broadcast %add3A_980 : i32 to vector<16xi32>
        %add3A_982 = arith.addi %broadcast_in_dim3A_976, %add3A_981 : vector<16xi32>
        %select_n3A_983 = arith.select %lt3A_979, %add3A_982, %broadcast_in_dim3A_976 : vector<16xi1>, vector<16xi32>
        %broadcast_in_dim3A_984 = vector.shape_cast %select_n3A_983 : vector<16xi32> to vector<16x1xi32>
        %gather3A_985 = vector.shape_cast %broadcast_in_dim3A_984 : vector<16x1xi32> to vector<16xi32>
        %gather3A_986 = tpu.dynamic_gather %mul3A_175[%gather3A_985] in [0] : vector<16xi32>, vector<16xi32> -> vector<16xi32>
        %add3A_987 = arith.constant 0 : i32
        %add3A_988 = arith.addi %mul3A_169, %add3A_987 : i32
        %add3A_989 = arith.constant 10 : i32
        %add3A_990 = arith.addi %add3A_988, %add3A_989 : i32
        %get3A_991 = arith.index_cast %add3A_990 : i32 to index
        %get3A_992 = arith.constant 0 : index
        %get3A_993 = tpu.vector_load %arg8[%get3A_991, %get3A_992] {strides = array<i32>} : memref<32x256xf32, #tpu.memory_space<vmem>>, vector<16xf32>,
        %get3A_994 = arith.index_cast %add3A_990 : i32 to index
        %get3A_995 = arith.constant 16 : index
        %get3A_996 = tpu.vector_load %arg8[%get3A_994, %get3A_995] {strides = array<i32>} : memref<32x256xf32, #tpu.memory_space<vmem>>, vector<16xf32>,
        %get3A_997 = arith.index_cast %add3A_990 : i32 to index
        %get3A_998 = arith.constant 32 : index
        %get3A_999 = tpu.vector_load %arg8[%get3A_997, %get3A_998] {strides = array<i32>} : memref<32x256xf32, #tpu.memory_space<vmem>>, vector<16xf32>,
        %get3A_1000 = arith.index_cast %add3A_990 : i32 to index
        %get3A_1001 = arith.constant 48 : index
        %get3A_1002 = tpu.vector_load %arg8[%get3A_1000, %get3A_1001] {strides = array<i32>} : memref<32x256xf32, #tpu.memory_space<vmem>>, vector<16xf32>,
        %get3A_1003 = arith.index_cast %add3A_990 : i32 to index
        %get3A_1004 = arith.constant 64 : index
        %get3A_1005 = tpu.vector_load %arg8[%get3A_1003, %get3A_1004] {strides = array<i32>} : memref<32x256xf32, #tpu.memory_space<vmem>>, vector<16xf32>,
        %get3A_1006 = arith.index_cast %add3A_990 : i32 to index
        %get3A_1007 = arith.constant 80 : index
        %get3A_1008 = tpu.vector_load %arg8[%get3A_1006, %get3A_1007] {strides = array<i32>} : memref<32x256xf32, #tpu.memory_space<vmem>>, vector<16xf32>,
        %get3A_1009 = arith.index_cast %add3A_990 : i32 to index
        %get3A_1010 = arith.constant 96 : index
        %get3A_1011 = tpu.vector_load %arg8[%get3A_1009, %get3A_1010] {strides = array<i32>} : memref<32x256xf32, #tpu.memory_space<vmem>>, vector<16xf32>,
        %get3A_1012 = arith.index_cast %add3A_990 : i32 to index
        %get3A_1013 = arith.constant 112 : index
        %get3A_1014 = tpu.vector_load %arg8[%get3A_1012, %get3A_1013] {strides = array<i32>} : memref<32x256xf32, #tpu.memory_space<vmem>>, vector<16xf32>,
        %get3A_1015 = arith.index_cast %add3A_990 : i32 to index
        %get3A_1016 = arith.constant 128 : index
        %get3A_1017 = tpu.vector_load %arg8[%get3A_1015, %get3A_1016] {strides = array<i32>} : memref<32x256xf32, #tpu.memory_space<vmem>>, vector<16xf32>,
        %get3A_1018 = arith.index_cast %add3A_990 : i32 to index
        %get3A_1019 = arith.constant 144 : index
        %get3A_1020 = tpu.vector_load %arg8[%get3A_1018, %get3A_1019] {strides = array<i32>} : memref<32x256xf32, #tpu.memory_space<vmem>>, vector<16xf32>,
        %get3A_1021 = arith.index_cast %add3A_990 : i32 to index
        %get3A_1022 = arith.constant 160 : index
        %get3A_1023 = tpu.vector_load %arg8[%get3A_1021, %get3A_1022] {strides = array<i32>} : memref<32x256xf32, #tpu.memory_space<vmem>>, vector<16xf32>,
        %get3A_1024 = arith.index_cast %add3A_990 : i32 to index
        %get3A_1025 = arith.constant 176 : index
        %get3A_1026 = tpu.vector_load %arg8[%get3A_1024, %get3A_1025] {strides = array<i32>} : memref<32x256xf32, #tpu.memory_space<vmem>>, vector<16xf32>,
        %get3A_1027 = arith.index_cast %add3A_990 : i32 to index
        %get3A_1028 = arith.constant 192 : index
        %get3A_1029 = tpu.vector_load %arg8[%get3A_1027, %get3A_1028] {strides = array<i32>} : memref<32x256xf32, #tpu.memory_space<vmem>>, vector<16xf32>,
        %get3A_1030 = arith.index_cast %add3A_990 : i32 to index
        %get3A_1031 = arith.constant 208 : index
        %get3A_1032 = tpu.vector_load %arg8[%get3A_1030, %get3A_1031] {strides = array<i32>} : memref<32x256xf32, #tpu.memory_space<vmem>>, vector<16xf32>,
        %get3A_1033 = arith.index_cast %add3A_990 : i32 to index
        %get3A_1034 = arith.constant 224 : index
        %get3A_1035 = tpu.vector_load %arg8[%get3A_1033, %get3A_1034] {strides = array<i32>} : memref<32x256xf32, #tpu.memory_space<vmem>>, vector<16xf32>,
        %get3A_1036 = arith.index_cast %add3A_990 : i32 to index
        %get3A_1037 = arith.constant 240 : index
        %get3A_1038 = tpu.vector_load %arg8[%get3A_1036, %get3A_1037] {strides = array<i32>} : memref<32x256xf32, #tpu.memory_space<vmem>>, vector<16xf32>,
        %add3A_1039 = arith.addi %gather3A_986, %add3A_12 : vector<16xi32>
        tpu.vector_store_idx %arg9[%add3A_1039], %get3A_993 {add = true} : memref<82176xf32, #tpu.memory_space<vmem>>[vector<16xi32>], vector<16xf32>,
        %add3A_1040 = arith.addi %gather3A_986, %add3A_15 : vector<16xi32>
        tpu.vector_store_idx %arg9[%add3A_1040], %get3A_996 {add = true} : memref<82176xf32, #tpu.memory_space<vmem>>[vector<16xi32>], vector<16xf32>,
        %add3A_1041 = arith.addi %gather3A_986, %add3A_18 : vector<16xi32>
        tpu.vector_store_idx %arg9[%add3A_1041], %get3A_999 {add = true} : memref<82176xf32, #tpu.memory_space<vmem>>[vector<16xi32>], vector<16xf32>,
        %add3A_1042 = arith.addi %gather3A_986, %add3A_21 : vector<16xi32>
        tpu.vector_store_idx %arg9[%add3A_1042], %get3A_1002 {add = true} : memref<82176xf32, #tpu.memory_space<vmem>>[vector<16xi32>], vector<16xf32>,
        %add3A_1043 = arith.addi %gather3A_986, %add3A_24 : vector<16xi32>
        tpu.vector_store_idx %arg9[%add3A_1043], %get3A_1005 {add = true} : memref<82176xf32, #tpu.memory_space<vmem>>[vector<16xi32>], vector<16xf32>,
        %add3A_1044 = arith.addi %gather3A_986, %add3A_27 : vector<16xi32>
        tpu.vector_store_idx %arg9[%add3A_1044], %get3A_1008 {add = true} : memref<82176xf32, #tpu.memory_space<vmem>>[vector<16xi32>], vector<16xf32>,
        %add3A_1045 = arith.addi %gather3A_986, %add3A_30 : vector<16xi32>
        tpu.vector_store_idx %arg9[%add3A_1045], %get3A_1011 {add = true} : memref<82176xf32, #tpu.memory_space<vmem>>[vector<16xi32>], vector<16xf32>,
        %add3A_1046 = arith.addi %gather3A_986, %add3A_33 : vector<16xi32>
        tpu.vector_store_idx %arg9[%add3A_1046], %get3A_1014 {add = true} : memref<82176xf32, #tpu.memory_space<vmem>>[vector<16xi32>], vector<16xf32>,
        %add3A_1047 = arith.addi %gather3A_986, %add3A_36 : vector<16xi32>
        tpu.vector_store_idx %arg9[%add3A_1047], %get3A_1017 {add = true} : memref<82176xf32, #tpu.memory_space<vmem>>[vector<16xi32>], vector<16xf32>,
        %add3A_1048 = arith.addi %gather3A_986, %add3A_39 : vector<16xi32>
        tpu.vector_store_idx %arg9[%add3A_1048], %get3A_1020 {add = true} : memref<82176xf32, #tpu.memory_space<vmem>>[vector<16xi32>], vector<16xf32>,
        %add3A_1049 = arith.addi %gather3A_986, %add3A_42 : vector<16xi32>
        tpu.vector_store_idx %arg9[%add3A_1049], %get3A_1023 {add = true} : memref<82176xf32, #tpu.memory_space<vmem>>[vector<16xi32>], vector<16xf32>,
        %add3A_1050 = arith.addi %gather3A_986, %add3A_45 : vector<16xi32>
        tpu.vector_store_idx %arg9[%add3A_1050], %get3A_1026 {add = true} : memref<82176xf32, #tpu.memory_space<vmem>>[vector<16xi32>], vector<16xf32>,
        %add3A_1051 = arith.addi %gather3A_986, %add3A_48 : vector<16xi32>
        tpu.vector_store_idx %arg9[%add3A_1051], %get3A_1029 {add = true} : memref<82176xf32, #tpu.memory_space<vmem>>[vector<16xi32>], vector<16xf32>,
        %add3A_1052 = arith.addi %gather3A_986, %add3A_51 : vector<16xi32>
        tpu.vector_store_idx %arg9[%add3A_1052], %get3A_1032 {add = true} : memref<82176xf32, #tpu.memory_space<vmem>>[vector<16xi32>], vector<16xf32>,
        %add3A_1053 = arith.addi %gather3A_986, %add3A_54 : vector<16xi32>
        tpu.vector_store_idx %arg9[%add3A_1053], %get3A_1035 {add = true} : memref<82176xf32, #tpu.memory_space<vmem>>[vector<16xi32>], vector<16xf32>,
        %add3A_1054 = arith.addi %gather3A_986, %add3A_57 : vector<16xi32>
        tpu.vector_store_idx %arg9[%add3A_1054], %get3A_1038 {add = true} : memref<82176xf32, #tpu.memory_space<vmem>>[vector<16xi32>], vector<16xf32>,
        %broadcast_in_dim3A_1055 = arith.constant 11 : i32
        %broadcast_in_dim3A_1056 = vector.broadcast %broadcast_in_dim3A_1055 : i32 to vector<16xi32>
        %lt3A_1057 = arith.constant 0 : i32
        %lt3A_1058 = vector.broadcast %lt3A_1057 : i32 to vector<16xi32>
        %lt3A_1059 = arith.cmpi slt, %broadcast_in_dim3A_1056, %lt3A_1058 : vector<16xi32>
        %add3A_1060 = arith.constant 16 : i32
        %add3A_1061 = vector.broadcast %add3A_1060 : i32 to vector<16xi32>
        %add3A_1062 = arith.addi %broadcast_in_dim3A_1056, %add3A_1061 : vector<16xi32>
        %select_n3A_1063 = arith.select %lt3A_1059, %add3A_1062, %broadcast_in_dim3A_1056 : vector<16xi1>, vector<16xi32>
        %broadcast_in_dim3A_1064 = vector.shape_cast %select_n3A_1063 : vector<16xi32> to vector<16x1xi32>
        %gather3A_1065 = vector.shape_cast %broadcast_in_dim3A_1064 : vector<16x1xi32> to vector<16xi32>
        %gather3A_1066 = tpu.dynamic_gather %mul3A_175[%gather3A_1065] in [0] : vector<16xi32>, vector<16xi32> -> vector<16xi32>
        %add3A_1067 = arith.constant 0 : i32
        %add3A_1068 = arith.addi %mul3A_169, %add3A_1067 : i32
        %add3A_1069 = arith.constant 11 : i32
        %add3A_1070 = arith.addi %add3A_1068, %add3A_1069 : i32
        %get3A_1071 = arith.index_cast %add3A_1070 : i32 to index
        %get3A_1072 = arith.constant 0 : index
        %get3A_1073 = tpu.vector_load %arg8[%get3A_1071, %get3A_1072] {strides = array<i32>} : memref<32x256xf32, #tpu.memory_space<vmem>>, vector<16xf32>,
        %get3A_1074 = arith.index_cast %add3A_1070 : i32 to index
        %get3A_1075 = arith.constant 16 : index
        %get3A_1076 = tpu.vector_load %arg8[%get3A_1074, %get3A_1075] {strides = array<i32>} : memref<32x256xf32, #tpu.memory_space<vmem>>, vector<16xf32>,
        %get3A_1077 = arith.index_cast %add3A_1070 : i32 to index
        %get3A_1078 = arith.constant 32 : index
        %get3A_1079 = tpu.vector_load %arg8[%get3A_1077, %get3A_1078] {strides = array<i32>} : memref<32x256xf32, #tpu.memory_space<vmem>>, vector<16xf32>,
        %get3A_1080 = arith.index_cast %add3A_1070 : i32 to index
        %get3A_1081 = arith.constant 48 : index
        %get3A_1082 = tpu.vector_load %arg8[%get3A_1080, %get3A_1081] {strides = array<i32>} : memref<32x256xf32, #tpu.memory_space<vmem>>, vector<16xf32>,
        %get3A_1083 = arith.index_cast %add3A_1070 : i32 to index
        %get3A_1084 = arith.constant 64 : index
        %get3A_1085 = tpu.vector_load %arg8[%get3A_1083, %get3A_1084] {strides = array<i32>} : memref<32x256xf32, #tpu.memory_space<vmem>>, vector<16xf32>,
        %get3A_1086 = arith.index_cast %add3A_1070 : i32 to index
        %get3A_1087 = arith.constant 80 : index
        %get3A_1088 = tpu.vector_load %arg8[%get3A_1086, %get3A_1087] {strides = array<i32>} : memref<32x256xf32, #tpu.memory_space<vmem>>, vector<16xf32>,
        %get3A_1089 = arith.index_cast %add3A_1070 : i32 to index
        %get3A_1090 = arith.constant 96 : index
        %get3A_1091 = tpu.vector_load %arg8[%get3A_1089, %get3A_1090] {strides = array<i32>} : memref<32x256xf32, #tpu.memory_space<vmem>>, vector<16xf32>,
        %get3A_1092 = arith.index_cast %add3A_1070 : i32 to index
        %get3A_1093 = arith.constant 112 : index
        %get3A_1094 = tpu.vector_load %arg8[%get3A_1092, %get3A_1093] {strides = array<i32>} : memref<32x256xf32, #tpu.memory_space<vmem>>, vector<16xf32>,
        %get3A_1095 = arith.index_cast %add3A_1070 : i32 to index
        %get3A_1096 = arith.constant 128 : index
        %get3A_1097 = tpu.vector_load %arg8[%get3A_1095, %get3A_1096] {strides = array<i32>} : memref<32x256xf32, #tpu.memory_space<vmem>>, vector<16xf32>,
        %get3A_1098 = arith.index_cast %add3A_1070 : i32 to index
        %get3A_1099 = arith.constant 144 : index
        %get3A_1100 = tpu.vector_load %arg8[%get3A_1098, %get3A_1099] {strides = array<i32>} : memref<32x256xf32, #tpu.memory_space<vmem>>, vector<16xf32>,
        %get3A_1101 = arith.index_cast %add3A_1070 : i32 to index
        %get3A_1102 = arith.constant 160 : index
        %get3A_1103 = tpu.vector_load %arg8[%get3A_1101, %get3A_1102] {strides = array<i32>} : memref<32x256xf32, #tpu.memory_space<vmem>>, vector<16xf32>,
        %get3A_1104 = arith.index_cast %add3A_1070 : i32 to index
        %get3A_1105 = arith.constant 176 : index
        %get3A_1106 = tpu.vector_load %arg8[%get3A_1104, %get3A_1105] {strides = array<i32>} : memref<32x256xf32, #tpu.memory_space<vmem>>, vector<16xf32>,
        %get3A_1107 = arith.index_cast %add3A_1070 : i32 to index
        %get3A_1108 = arith.constant 192 : index
        %get3A_1109 = tpu.vector_load %arg8[%get3A_1107, %get3A_1108] {strides = array<i32>} : memref<32x256xf32, #tpu.memory_space<vmem>>, vector<16xf32>,
        %get3A_1110 = arith.index_cast %add3A_1070 : i32 to index
        %get3A_1111 = arith.constant 208 : index
        %get3A_1112 = tpu.vector_load %arg8[%get3A_1110, %get3A_1111] {strides = array<i32>} : memref<32x256xf32, #tpu.memory_space<vmem>>, vector<16xf32>,
        %get3A_1113 = arith.index_cast %add3A_1070 : i32 to index
        %get3A_1114 = arith.constant 224 : index
        %get3A_1115 = tpu.vector_load %arg8[%get3A_1113, %get3A_1114] {strides = array<i32>} : memref<32x256xf32, #tpu.memory_space<vmem>>, vector<16xf32>,
        %get3A_1116 = arith.index_cast %add3A_1070 : i32 to index
        %get3A_1117 = arith.constant 240 : index
        %get3A_1118 = tpu.vector_load %arg8[%get3A_1116, %get3A_1117] {strides = array<i32>} : memref<32x256xf32, #tpu.memory_space<vmem>>, vector<16xf32>,
        %add3A_1119 = arith.addi %gather3A_1066, %add3A_12 : vector<16xi32>
        tpu.vector_store_idx %arg9[%add3A_1119], %get3A_1073 {add = true} : memref<82176xf32, #tpu.memory_space<vmem>>[vector<16xi32>], vector<16xf32>,
        %add3A_1120 = arith.addi %gather3A_1066, %add3A_15 : vector<16xi32>
        tpu.vector_store_idx %arg9[%add3A_1120], %get3A_1076 {add = true} : memref<82176xf32, #tpu.memory_space<vmem>>[vector<16xi32>], vector<16xf32>,
        %add3A_1121 = arith.addi %gather3A_1066, %add3A_18 : vector<16xi32>
        tpu.vector_store_idx %arg9[%add3A_1121], %get3A_1079 {add = true} : memref<82176xf32, #tpu.memory_space<vmem>>[vector<16xi32>], vector<16xf32>,
        %add3A_1122 = arith.addi %gather3A_1066, %add3A_21 : vector<16xi32>
        tpu.vector_store_idx %arg9[%add3A_1122], %get3A_1082 {add = true} : memref<82176xf32, #tpu.memory_space<vmem>>[vector<16xi32>], vector<16xf32>,
        %add3A_1123 = arith.addi %gather3A_1066, %add3A_24 : vector<16xi32>
        tpu.vector_store_idx %arg9[%add3A_1123], %get3A_1085 {add = true} : memref<82176xf32, #tpu.memory_space<vmem>>[vector<16xi32>], vector<16xf32>,
        %add3A_1124 = arith.addi %gather3A_1066, %add3A_27 : vector<16xi32>
        tpu.vector_store_idx %arg9[%add3A_1124], %get3A_1088 {add = true} : memref<82176xf32, #tpu.memory_space<vmem>>[vector<16xi32>], vector<16xf32>,
        %add3A_1125 = arith.addi %gather3A_1066, %add3A_30 : vector<16xi32>
        tpu.vector_store_idx %arg9[%add3A_1125], %get3A_1091 {add = true} : memref<82176xf32, #tpu.memory_space<vmem>>[vector<16xi32>], vector<16xf32>,
        %add3A_1126 = arith.addi %gather3A_1066, %add3A_33 : vector<16xi32>
        tpu.vector_store_idx %arg9[%add3A_1126], %get3A_1094 {add = true} : memref<82176xf32, #tpu.memory_space<vmem>>[vector<16xi32>], vector<16xf32>,
        %add3A_1127 = arith.addi %gather3A_1066, %add3A_36 : vector<16xi32>
        tpu.vector_store_idx %arg9[%add3A_1127], %get3A_1097 {add = true} : memref<82176xf32, #tpu.memory_space<vmem>>[vector<16xi32>], vector<16xf32>,
        %add3A_1128 = arith.addi %gather3A_1066, %add3A_39 : vector<16xi32>
        tpu.vector_store_idx %arg9[%add3A_1128], %get3A_1100 {add = true} : memref<82176xf32, #tpu.memory_space<vmem>>[vector<16xi32>], vector<16xf32>,
        %add3A_1129 = arith.addi %gather3A_1066, %add3A_42 : vector<16xi32>
        tpu.vector_store_idx %arg9[%add3A_1129], %get3A_1103 {add = true} : memref<82176xf32, #tpu.memory_space<vmem>>[vector<16xi32>], vector<16xf32>,
        %add3A_1130 = arith.addi %gather3A_1066, %add3A_45 : vector<16xi32>
        tpu.vector_store_idx %arg9[%add3A_1130], %get3A_1106 {add = true} : memref<82176xf32, #tpu.memory_space<vmem>>[vector<16xi32>], vector<16xf32>,
        %add3A_1131 = arith.addi %gather3A_1066, %add3A_48 : vector<16xi32>
        tpu.vector_store_idx %arg9[%add3A_1131], %get3A_1109 {add = true} : memref<82176xf32, #tpu.memory_space<vmem>>[vector<16xi32>], vector<16xf32>,
        %add3A_1132 = arith.addi %gather3A_1066, %add3A_51 : vector<16xi32>
        tpu.vector_store_idx %arg9[%add3A_1132], %get3A_1112 {add = true} : memref<82176xf32, #tpu.memory_space<vmem>>[vector<16xi32>], vector<16xf32>,
        %add3A_1133 = arith.addi %gather3A_1066, %add3A_54 : vector<16xi32>
        tpu.vector_store_idx %arg9[%add3A_1133], %get3A_1115 {add = true} : memref<82176xf32, #tpu.memory_space<vmem>>[vector<16xi32>], vector<16xf32>,
        %add3A_1134 = arith.addi %gather3A_1066, %add3A_57 : vector<16xi32>
        tpu.vector_store_idx %arg9[%add3A_1134], %get3A_1118 {add = true} : memref<82176xf32, #tpu.memory_space<vmem>>[vector<16xi32>], vector<16xf32>,
        %broadcast_in_dim3A_1135 = arith.constant 12 : i32
        %broadcast_in_dim3A_1136 = vector.broadcast %broadcast_in_dim3A_1135 : i32 to vector<16xi32>
        %lt3A_1137 = arith.constant 0 : i32
        %lt3A_1138 = vector.broadcast %lt3A_1137 : i32 to vector<16xi32>
        %lt3A_1139 = arith.cmpi slt, %broadcast_in_dim3A_1136, %lt3A_1138 : vector<16xi32>
        %add3A_1140 = arith.constant 16 : i32
        %add3A_1141 = vector.broadcast %add3A_1140 : i32 to vector<16xi32>
        %add3A_1142 = arith.addi %broadcast_in_dim3A_1136, %add3A_1141 : vector<16xi32>
        %select_n3A_1143 = arith.select %lt3A_1139, %add3A_1142, %broadcast_in_dim3A_1136 : vector<16xi1>, vector<16xi32>
        %broadcast_in_dim3A_1144 = vector.shape_cast %select_n3A_1143 : vector<16xi32> to vector<16x1xi32>
        %gather3A_1145 = vector.shape_cast %broadcast_in_dim3A_1144 : vector<16x1xi32> to vector<16xi32>
        %gather3A_1146 = tpu.dynamic_gather %mul3A_175[%gather3A_1145] in [0] : vector<16xi32>, vector<16xi32> -> vector<16xi32>
        %add3A_1147 = arith.constant 0 : i32
        %add3A_1148 = arith.addi %mul3A_169, %add3A_1147 : i32
        %add3A_1149 = arith.constant 12 : i32
        %add3A_1150 = arith.addi %add3A_1148, %add3A_1149 : i32
        %get3A_1151 = arith.index_cast %add3A_1150 : i32 to index
        %get3A_1152 = arith.constant 0 : index
        %get3A_1153 = tpu.vector_load %arg8[%get3A_1151, %get3A_1152] {strides = array<i32>} : memref<32x256xf32, #tpu.memory_space<vmem>>, vector<16xf32>,
        %get3A_1154 = arith.index_cast %add3A_1150 : i32 to index
        %get3A_1155 = arith.constant 16 : index
        %get3A_1156 = tpu.vector_load %arg8[%get3A_1154, %get3A_1155] {strides = array<i32>} : memref<32x256xf32, #tpu.memory_space<vmem>>, vector<16xf32>,
        %get3A_1157 = arith.index_cast %add3A_1150 : i32 to index
        %get3A_1158 = arith.constant 32 : index
        %get3A_1159 = tpu.vector_load %arg8[%get3A_1157, %get3A_1158] {strides = array<i32>} : memref<32x256xf32, #tpu.memory_space<vmem>>, vector<16xf32>,
        %get3A_1160 = arith.index_cast %add3A_1150 : i32 to index
        %get3A_1161 = arith.constant 48 : index
        %get3A_1162 = tpu.vector_load %arg8[%get3A_1160, %get3A_1161] {strides = array<i32>} : memref<32x256xf32, #tpu.memory_space<vmem>>, vector<16xf32>,
        %get3A_1163 = arith.index_cast %add3A_1150 : i32 to index
        %get3A_1164 = arith.constant 64 : index
        %get3A_1165 = tpu.vector_load %arg8[%get3A_1163, %get3A_1164] {strides = array<i32>} : memref<32x256xf32, #tpu.memory_space<vmem>>, vector<16xf32>,
        %get3A_1166 = arith.index_cast %add3A_1150 : i32 to index
        %get3A_1167 = arith.constant 80 : index
        %get3A_1168 = tpu.vector_load %arg8[%get3A_1166, %get3A_1167] {strides = array<i32>} : memref<32x256xf32, #tpu.memory_space<vmem>>, vector<16xf32>,
        %get3A_1169 = arith.index_cast %add3A_1150 : i32 to index
        %get3A_1170 = arith.constant 96 : index
        %get3A_1171 = tpu.vector_load %arg8[%get3A_1169, %get3A_1170] {strides = array<i32>} : memref<32x256xf32, #tpu.memory_space<vmem>>, vector<16xf32>,
        %get3A_1172 = arith.index_cast %add3A_1150 : i32 to index
        %get3A_1173 = arith.constant 112 : index
        %get3A_1174 = tpu.vector_load %arg8[%get3A_1172, %get3A_1173] {strides = array<i32>} : memref<32x256xf32, #tpu.memory_space<vmem>>, vector<16xf32>,
        %get3A_1175 = arith.index_cast %add3A_1150 : i32 to index
        %get3A_1176 = arith.constant 128 : index
        %get3A_1177 = tpu.vector_load %arg8[%get3A_1175, %get3A_1176] {strides = array<i32>} : memref<32x256xf32, #tpu.memory_space<vmem>>, vector<16xf32>,
        %get3A_1178 = arith.index_cast %add3A_1150 : i32 to index
        %get3A_1179 = arith.constant 144 : index
        %get3A_1180 = tpu.vector_load %arg8[%get3A_1178, %get3A_1179] {strides = array<i32>} : memref<32x256xf32, #tpu.memory_space<vmem>>, vector<16xf32>,
        %get3A_1181 = arith.index_cast %add3A_1150 : i32 to index
        %get3A_1182 = arith.constant 160 : index
        %get3A_1183 = tpu.vector_load %arg8[%get3A_1181, %get3A_1182] {strides = array<i32>} : memref<32x256xf32, #tpu.memory_space<vmem>>, vector<16xf32>,
        %get3A_1184 = arith.index_cast %add3A_1150 : i32 to index
        %get3A_1185 = arith.constant 176 : index
        %get3A_1186 = tpu.vector_load %arg8[%get3A_1184, %get3A_1185] {strides = array<i32>} : memref<32x256xf32, #tpu.memory_space<vmem>>, vector<16xf32>,
        %get3A_1187 = arith.index_cast %add3A_1150 : i32 to index
        %get3A_1188 = arith.constant 192 : index
        %get3A_1189 = tpu.vector_load %arg8[%get3A_1187, %get3A_1188] {strides = array<i32>} : memref<32x256xf32, #tpu.memory_space<vmem>>, vector<16xf32>,
        %get3A_1190 = arith.index_cast %add3A_1150 : i32 to index
        %get3A_1191 = arith.constant 208 : index
        %get3A_1192 = tpu.vector_load %arg8[%get3A_1190, %get3A_1191] {strides = array<i32>} : memref<32x256xf32, #tpu.memory_space<vmem>>, vector<16xf32>,
        %get3A_1193 = arith.index_cast %add3A_1150 : i32 to index
        %get3A_1194 = arith.constant 224 : index
        %get3A_1195 = tpu.vector_load %arg8[%get3A_1193, %get3A_1194] {strides = array<i32>} : memref<32x256xf32, #tpu.memory_space<vmem>>, vector<16xf32>,
        %get3A_1196 = arith.index_cast %add3A_1150 : i32 to index
        %get3A_1197 = arith.constant 240 : index
        %get3A_1198 = tpu.vector_load %arg8[%get3A_1196, %get3A_1197] {strides = array<i32>} : memref<32x256xf32, #tpu.memory_space<vmem>>, vector<16xf32>,
        %add3A_1199 = arith.addi %gather3A_1146, %add3A_12 : vector<16xi32>
        tpu.vector_store_idx %arg9[%add3A_1199], %get3A_1153 {add = true} : memref<82176xf32, #tpu.memory_space<vmem>>[vector<16xi32>], vector<16xf32>,
        %add3A_1200 = arith.addi %gather3A_1146, %add3A_15 : vector<16xi32>
        tpu.vector_store_idx %arg9[%add3A_1200], %get3A_1156 {add = true} : memref<82176xf32, #tpu.memory_space<vmem>>[vector<16xi32>], vector<16xf32>,
        %add3A_1201 = arith.addi %gather3A_1146, %add3A_18 : vector<16xi32>
        tpu.vector_store_idx %arg9[%add3A_1201], %get3A_1159 {add = true} : memref<82176xf32, #tpu.memory_space<vmem>>[vector<16xi32>], vector<16xf32>,
        %add3A_1202 = arith.addi %gather3A_1146, %add3A_21 : vector<16xi32>
        tpu.vector_store_idx %arg9[%add3A_1202], %get3A_1162 {add = true} : memref<82176xf32, #tpu.memory_space<vmem>>[vector<16xi32>], vector<16xf32>,
        %add3A_1203 = arith.addi %gather3A_1146, %add3A_24 : vector<16xi32>
        tpu.vector_store_idx %arg9[%add3A_1203], %get3A_1165 {add = true} : memref<82176xf32, #tpu.memory_space<vmem>>[vector<16xi32>], vector<16xf32>,
        %add3A_1204 = arith.addi %gather3A_1146, %add3A_27 : vector<16xi32>
        tpu.vector_store_idx %arg9[%add3A_1204], %get3A_1168 {add = true} : memref<82176xf32, #tpu.memory_space<vmem>>[vector<16xi32>], vector<16xf32>,
        %add3A_1205 = arith.addi %gather3A_1146, %add3A_30 : vector<16xi32>
        tpu.vector_store_idx %arg9[%add3A_1205], %get3A_1171 {add = true} : memref<82176xf32, #tpu.memory_space<vmem>>[vector<16xi32>], vector<16xf32>,
        %add3A_1206 = arith.addi %gather3A_1146, %add3A_33 : vector<16xi32>
        tpu.vector_store_idx %arg9[%add3A_1206], %get3A_1174 {add = true} : memref<82176xf32, #tpu.memory_space<vmem>>[vector<16xi32>], vector<16xf32>,
        %add3A_1207 = arith.addi %gather3A_1146, %add3A_36 : vector<16xi32>
        tpu.vector_store_idx %arg9[%add3A_1207], %get3A_1177 {add = true} : memref<82176xf32, #tpu.memory_space<vmem>>[vector<16xi32>], vector<16xf32>,
        %add3A_1208 = arith.addi %gather3A_1146, %add3A_39 : vector<16xi32>
        tpu.vector_store_idx %arg9[%add3A_1208], %get3A_1180 {add = true} : memref<82176xf32, #tpu.memory_space<vmem>>[vector<16xi32>], vector<16xf32>,
        %add3A_1209 = arith.addi %gather3A_1146, %add3A_42 : vector<16xi32>
        tpu.vector_store_idx %arg9[%add3A_1209], %get3A_1183 {add = true} : memref<82176xf32, #tpu.memory_space<vmem>>[vector<16xi32>], vector<16xf32>,
        %add3A_1210 = arith.addi %gather3A_1146, %add3A_45 : vector<16xi32>
        tpu.vector_store_idx %arg9[%add3A_1210], %get3A_1186 {add = true} : memref<82176xf32, #tpu.memory_space<vmem>>[vector<16xi32>], vector<16xf32>,
        %add3A_1211 = arith.addi %gather3A_1146, %add3A_48 : vector<16xi32>
        tpu.vector_store_idx %arg9[%add3A_1211], %get3A_1189 {add = true} : memref<82176xf32, #tpu.memory_space<vmem>>[vector<16xi32>], vector<16xf32>,
        %add3A_1212 = arith.addi %gather3A_1146, %add3A_51 : vector<16xi32>
        tpu.vector_store_idx %arg9[%add3A_1212], %get3A_1192 {add = true} : memref<82176xf32, #tpu.memory_space<vmem>>[vector<16xi32>], vector<16xf32>,
        %add3A_1213 = arith.addi %gather3A_1146, %add3A_54 : vector<16xi32>
        tpu.vector_store_idx %arg9[%add3A_1213], %get3A_1195 {add = true} : memref<82176xf32, #tpu.memory_space<vmem>>[vector<16xi32>], vector<16xf32>,
        %add3A_1214 = arith.addi %gather3A_1146, %add3A_57 : vector<16xi32>
        tpu.vector_store_idx %arg9[%add3A_1214], %get3A_1198 {add = true} : memref<82176xf32, #tpu.memory_space<vmem>>[vector<16xi32>], vector<16xf32>,
        %broadcast_in_dim3A_1215 = arith.constant 13 : i32
        %broadcast_in_dim3A_1216 = vector.broadcast %broadcast_in_dim3A_1215 : i32 to vector<16xi32>
        %lt3A_1217 = arith.constant 0 : i32
        %lt3A_1218 = vector.broadcast %lt3A_1217 : i32 to vector<16xi32>
        %lt3A_1219 = arith.cmpi slt, %broadcast_in_dim3A_1216, %lt3A_1218 : vector<16xi32>
        %add3A_1220 = arith.constant 16 : i32
        %add3A_1221 = vector.broadcast %add3A_1220 : i32 to vector<16xi32>
        %add3A_1222 = arith.addi %broadcast_in_dim3A_1216, %add3A_1221 : vector<16xi32>
        %select_n3A_1223 = arith.select %lt3A_1219, %add3A_1222, %broadcast_in_dim3A_1216 : vector<16xi1>, vector<16xi32>
        %broadcast_in_dim3A_1224 = vector.shape_cast %select_n3A_1223 : vector<16xi32> to vector<16x1xi32>
        %gather3A_1225 = vector.shape_cast %broadcast_in_dim3A_1224 : vector<16x1xi32> to vector<16xi32>
        %gather3A_1226 = tpu.dynamic_gather %mul3A_175[%gather3A_1225] in [0] : vector<16xi32>, vector<16xi32> -> vector<16xi32>
        %add3A_1227 = arith.constant 0 : i32
        %add3A_1228 = arith.addi %mul3A_169, %add3A_1227 : i32
        %add3A_1229 = arith.constant 13 : i32
        %add3A_1230 = arith.addi %add3A_1228, %add3A_1229 : i32
        %get3A_1231 = arith.index_cast %add3A_1230 : i32 to index
        %get3A_1232 = arith.constant 0 : index
        %get3A_1233 = tpu.vector_load %arg8[%get3A_1231, %get3A_1232] {strides = array<i32>} : memref<32x256xf32, #tpu.memory_space<vmem>>, vector<16xf32>,
        %get3A_1234 = arith.index_cast %add3A_1230 : i32 to index
        %get3A_1235 = arith.constant 16 : index
        %get3A_1236 = tpu.vector_load %arg8[%get3A_1234, %get3A_1235] {strides = array<i32>} : memref<32x256xf32, #tpu.memory_space<vmem>>, vector<16xf32>,
        %get3A_1237 = arith.index_cast %add3A_1230 : i32 to index
        %get3A_1238 = arith.constant 32 : index
        %get3A_1239 = tpu.vector_load %arg8[%get3A_1237, %get3A_1238] {strides = array<i32>} : memref<32x256xf32, #tpu.memory_space<vmem>>, vector<16xf32>,
        %get3A_1240 = arith.index_cast %add3A_1230 : i32 to index
        %get3A_1241 = arith.constant 48 : index
        %get3A_1242 = tpu.vector_load %arg8[%get3A_1240, %get3A_1241] {strides = array<i32>} : memref<32x256xf32, #tpu.memory_space<vmem>>, vector<16xf32>,
        %get3A_1243 = arith.index_cast %add3A_1230 : i32 to index
        %get3A_1244 = arith.constant 64 : index
        %get3A_1245 = tpu.vector_load %arg8[%get3A_1243, %get3A_1244] {strides = array<i32>} : memref<32x256xf32, #tpu.memory_space<vmem>>, vector<16xf32>,
        %get3A_1246 = arith.index_cast %add3A_1230 : i32 to index
        %get3A_1247 = arith.constant 80 : index
        %get3A_1248 = tpu.vector_load %arg8[%get3A_1246, %get3A_1247] {strides = array<i32>} : memref<32x256xf32, #tpu.memory_space<vmem>>, vector<16xf32>,
        %get3A_1249 = arith.index_cast %add3A_1230 : i32 to index
        %get3A_1250 = arith.constant 96 : index
        %get3A_1251 = tpu.vector_load %arg8[%get3A_1249, %get3A_1250] {strides = array<i32>} : memref<32x256xf32, #tpu.memory_space<vmem>>, vector<16xf32>,
        %get3A_1252 = arith.index_cast %add3A_1230 : i32 to index
        %get3A_1253 = arith.constant 112 : index
        %get3A_1254 = tpu.vector_load %arg8[%get3A_1252, %get3A_1253] {strides = array<i32>} : memref<32x256xf32, #tpu.memory_space<vmem>>, vector<16xf32>,
        %get3A_1255 = arith.index_cast %add3A_1230 : i32 to index
        %get3A_1256 = arith.constant 128 : index
        %get3A_1257 = tpu.vector_load %arg8[%get3A_1255, %get3A_1256] {strides = array<i32>} : memref<32x256xf32, #tpu.memory_space<vmem>>, vector<16xf32>,
        %get3A_1258 = arith.index_cast %add3A_1230 : i32 to index
        %get3A_1259 = arith.constant 144 : index
        %get3A_1260 = tpu.vector_load %arg8[%get3A_1258, %get3A_1259] {strides = array<i32>} : memref<32x256xf32, #tpu.memory_space<vmem>>, vector<16xf32>,
        %get3A_1261 = arith.index_cast %add3A_1230 : i32 to index
        %get3A_1262 = arith.constant 160 : index
        %get3A_1263 = tpu.vector_load %arg8[%get3A_1261, %get3A_1262] {strides = array<i32>} : memref<32x256xf32, #tpu.memory_space<vmem>>, vector<16xf32>,
        %get3A_1264 = arith.index_cast %add3A_1230 : i32 to index
        %get3A_1265 = arith.constant 176 : index
        %get3A_1266 = tpu.vector_load %arg8[%get3A_1264, %get3A_1265] {strides = array<i32>} : memref<32x256xf32, #tpu.memory_space<vmem>>, vector<16xf32>,
        %get3A_1267 = arith.index_cast %add3A_1230 : i32 to index
        %get3A_1268 = arith.constant 192 : index
        %get3A_1269 = tpu.vector_load %arg8[%get3A_1267, %get3A_1268] {strides = array<i32>} : memref<32x256xf32, #tpu.memory_space<vmem>>, vector<16xf32>,
        %get3A_1270 = arith.index_cast %add3A_1230 : i32 to index
        %get3A_1271 = arith.constant 208 : index
        %get3A_1272 = tpu.vector_load %arg8[%get3A_1270, %get3A_1271] {strides = array<i32>} : memref<32x256xf32, #tpu.memory_space<vmem>>, vector<16xf32>,
        %get3A_1273 = arith.index_cast %add3A_1230 : i32 to index
        %get3A_1274 = arith.constant 224 : index
        %get3A_1275 = tpu.vector_load %arg8[%get3A_1273, %get3A_1274] {strides = array<i32>} : memref<32x256xf32, #tpu.memory_space<vmem>>, vector<16xf32>,
        %get3A_1276 = arith.index_cast %add3A_1230 : i32 to index
        %get3A_1277 = arith.constant 240 : index
        %get3A_1278 = tpu.vector_load %arg8[%get3A_1276, %get3A_1277] {strides = array<i32>} : memref<32x256xf32, #tpu.memory_space<vmem>>, vector<16xf32>,
        %add3A_1279 = arith.addi %gather3A_1226, %add3A_12 : vector<16xi32>
        tpu.vector_store_idx %arg9[%add3A_1279], %get3A_1233 {add = true} : memref<82176xf32, #tpu.memory_space<vmem>>[vector<16xi32>], vector<16xf32>,
        %add3A_1280 = arith.addi %gather3A_1226, %add3A_15 : vector<16xi32>
        tpu.vector_store_idx %arg9[%add3A_1280], %get3A_1236 {add = true} : memref<82176xf32, #tpu.memory_space<vmem>>[vector<16xi32>], vector<16xf32>,
        %add3A_1281 = arith.addi %gather3A_1226, %add3A_18 : vector<16xi32>
        tpu.vector_store_idx %arg9[%add3A_1281], %get3A_1239 {add = true} : memref<82176xf32, #tpu.memory_space<vmem>>[vector<16xi32>], vector<16xf32>,
        %add3A_1282 = arith.addi %gather3A_1226, %add3A_21 : vector<16xi32>
        tpu.vector_store_idx %arg9[%add3A_1282], %get3A_1242 {add = true} : memref<82176xf32, #tpu.memory_space<vmem>>[vector<16xi32>], vector<16xf32>,
        %add3A_1283 = arith.addi %gather3A_1226, %add3A_24 : vector<16xi32>
        tpu.vector_store_idx %arg9[%add3A_1283], %get3A_1245 {add = true} : memref<82176xf32, #tpu.memory_space<vmem>>[vector<16xi32>], vector<16xf32>,
        %add3A_1284 = arith.addi %gather3A_1226, %add3A_27 : vector<16xi32>
        tpu.vector_store_idx %arg9[%add3A_1284], %get3A_1248 {add = true} : memref<82176xf32, #tpu.memory_space<vmem>>[vector<16xi32>], vector<16xf32>,
        %add3A_1285 = arith.addi %gather3A_1226, %add3A_30 : vector<16xi32>
        tpu.vector_store_idx %arg9[%add3A_1285], %get3A_1251 {add = true} : memref<82176xf32, #tpu.memory_space<vmem>>[vector<16xi32>], vector<16xf32>,
        %add3A_1286 = arith.addi %gather3A_1226, %add3A_33 : vector<16xi32>
        tpu.vector_store_idx %arg9[%add3A_1286], %get3A_1254 {add = true} : memref<82176xf32, #tpu.memory_space<vmem>>[vector<16xi32>], vector<16xf32>,
        %add3A_1287 = arith.addi %gather3A_1226, %add3A_36 : vector<16xi32>
        tpu.vector_store_idx %arg9[%add3A_1287], %get3A_1257 {add = true} : memref<82176xf32, #tpu.memory_space<vmem>>[vector<16xi32>], vector<16xf32>,
        %add3A_1288 = arith.addi %gather3A_1226, %add3A_39 : vector<16xi32>
        tpu.vector_store_idx %arg9[%add3A_1288], %get3A_1260 {add = true} : memref<82176xf32, #tpu.memory_space<vmem>>[vector<16xi32>], vector<16xf32>,
        %add3A_1289 = arith.addi %gather3A_1226, %add3A_42 : vector<16xi32>
        tpu.vector_store_idx %arg9[%add3A_1289], %get3A_1263 {add = true} : memref<82176xf32, #tpu.memory_space<vmem>>[vector<16xi32>], vector<16xf32>,
        %add3A_1290 = arith.addi %gather3A_1226, %add3A_45 : vector<16xi32>
        tpu.vector_store_idx %arg9[%add3A_1290], %get3A_1266 {add = true} : memref<82176xf32, #tpu.memory_space<vmem>>[vector<16xi32>], vector<16xf32>,
        %add3A_1291 = arith.addi %gather3A_1226, %add3A_48 : vector<16xi32>
        tpu.vector_store_idx %arg9[%add3A_1291], %get3A_1269 {add = true} : memref<82176xf32, #tpu.memory_space<vmem>>[vector<16xi32>], vector<16xf32>,
        %add3A_1292 = arith.addi %gather3A_1226, %add3A_51 : vector<16xi32>
        tpu.vector_store_idx %arg9[%add3A_1292], %get3A_1272 {add = true} : memref<82176xf32, #tpu.memory_space<vmem>>[vector<16xi32>], vector<16xf32>,
        %add3A_1293 = arith.addi %gather3A_1226, %add3A_54 : vector<16xi32>
        tpu.vector_store_idx %arg9[%add3A_1293], %get3A_1275 {add = true} : memref<82176xf32, #tpu.memory_space<vmem>>[vector<16xi32>], vector<16xf32>,
        %add3A_1294 = arith.addi %gather3A_1226, %add3A_57 : vector<16xi32>
        tpu.vector_store_idx %arg9[%add3A_1294], %get3A_1278 {add = true} : memref<82176xf32, #tpu.memory_space<vmem>>[vector<16xi32>], vector<16xf32>,
        %broadcast_in_dim3A_1295 = arith.constant 14 : i32
        %broadcast_in_dim3A_1296 = vector.broadcast %broadcast_in_dim3A_1295 : i32 to vector<16xi32>
        %lt3A_1297 = arith.constant 0 : i32
        %lt3A_1298 = vector.broadcast %lt3A_1297 : i32 to vector<16xi32>
        %lt3A_1299 = arith.cmpi slt, %broadcast_in_dim3A_1296, %lt3A_1298 : vector<16xi32>
        %add3A_1300 = arith.constant 16 : i32
        %add3A_1301 = vector.broadcast %add3A_1300 : i32 to vector<16xi32>
        %add3A_1302 = arith.addi %broadcast_in_dim3A_1296, %add3A_1301 : vector<16xi32>
        %select_n3A_1303 = arith.select %lt3A_1299, %add3A_1302, %broadcast_in_dim3A_1296 : vector<16xi1>, vector<16xi32>
        %broadcast_in_dim3A_1304 = vector.shape_cast %select_n3A_1303 : vector<16xi32> to vector<16x1xi32>
        %gather3A_1305 = vector.shape_cast %broadcast_in_dim3A_1304 : vector<16x1xi32> to vector<16xi32>
        %gather3A_1306 = tpu.dynamic_gather %mul3A_175[%gather3A_1305] in [0] : vector<16xi32>, vector<16xi32> -> vector<16xi32>
        %add3A_1307 = arith.constant 0 : i32
        %add3A_1308 = arith.addi %mul3A_169, %add3A_1307 : i32
        %add3A_1309 = arith.constant 14 : i32
        %add3A_1310 = arith.addi %add3A_1308, %add3A_1309 : i32
        %get3A_1311 = arith.index_cast %add3A_1310 : i32 to index
        %get3A_1312 = arith.constant 0 : index
        %get3A_1313 = tpu.vector_load %arg8[%get3A_1311, %get3A_1312] {strides = array<i32>} : memref<32x256xf32, #tpu.memory_space<vmem>>, vector<16xf32>,
        %get3A_1314 = arith.index_cast %add3A_1310 : i32 to index
        %get3A_1315 = arith.constant 16 : index
        %get3A_1316 = tpu.vector_load %arg8[%get3A_1314, %get3A_1315] {strides = array<i32>} : memref<32x256xf32, #tpu.memory_space<vmem>>, vector<16xf32>,
        %get3A_1317 = arith.index_cast %add3A_1310 : i32 to index
        %get3A_1318 = arith.constant 32 : index
        %get3A_1319 = tpu.vector_load %arg8[%get3A_1317, %get3A_1318] {strides = array<i32>} : memref<32x256xf32, #tpu.memory_space<vmem>>, vector<16xf32>,
        %get3A_1320 = arith.index_cast %add3A_1310 : i32 to index
        %get3A_1321 = arith.constant 48 : index
        %get3A_1322 = tpu.vector_load %arg8[%get3A_1320, %get3A_1321] {strides = array<i32>} : memref<32x256xf32, #tpu.memory_space<vmem>>, vector<16xf32>,
        %get3A_1323 = arith.index_cast %add3A_1310 : i32 to index
        %get3A_1324 = arith.constant 64 : index
        %get3A_1325 = tpu.vector_load %arg8[%get3A_1323, %get3A_1324] {strides = array<i32>} : memref<32x256xf32, #tpu.memory_space<vmem>>, vector<16xf32>,
        %get3A_1326 = arith.index_cast %add3A_1310 : i32 to index
        %get3A_1327 = arith.constant 80 : index
        %get3A_1328 = tpu.vector_load %arg8[%get3A_1326, %get3A_1327] {strides = array<i32>} : memref<32x256xf32, #tpu.memory_space<vmem>>, vector<16xf32>,
        %get3A_1329 = arith.index_cast %add3A_1310 : i32 to index
        %get3A_1330 = arith.constant 96 : index
        %get3A_1331 = tpu.vector_load %arg8[%get3A_1329, %get3A_1330] {strides = array<i32>} : memref<32x256xf32, #tpu.memory_space<vmem>>, vector<16xf32>,
        %get3A_1332 = arith.index_cast %add3A_1310 : i32 to index
        %get3A_1333 = arith.constant 112 : index
        %get3A_1334 = tpu.vector_load %arg8[%get3A_1332, %get3A_1333] {strides = array<i32>} : memref<32x256xf32, #tpu.memory_space<vmem>>, vector<16xf32>,
        %get3A_1335 = arith.index_cast %add3A_1310 : i32 to index
        %get3A_1336 = arith.constant 128 : index
        %get3A_1337 = tpu.vector_load %arg8[%get3A_1335, %get3A_1336] {strides = array<i32>} : memref<32x256xf32, #tpu.memory_space<vmem>>, vector<16xf32>,
        %get3A_1338 = arith.index_cast %add3A_1310 : i32 to index
        %get3A_1339 = arith.constant 144 : index
        %get3A_1340 = tpu.vector_load %arg8[%get3A_1338, %get3A_1339] {strides = array<i32>} : memref<32x256xf32, #tpu.memory_space<vmem>>, vector<16xf32>,
        %get3A_1341 = arith.index_cast %add3A_1310 : i32 to index
        %get3A_1342 = arith.constant 160 : index
        %get3A_1343 = tpu.vector_load %arg8[%get3A_1341, %get3A_1342] {strides = array<i32>} : memref<32x256xf32, #tpu.memory_space<vmem>>, vector<16xf32>,
        %get3A_1344 = arith.index_cast %add3A_1310 : i32 to index
        %get3A_1345 = arith.constant 176 : index
        %get3A_1346 = tpu.vector_load %arg8[%get3A_1344, %get3A_1345] {strides = array<i32>} : memref<32x256xf32, #tpu.memory_space<vmem>>, vector<16xf32>,
        %get3A_1347 = arith.index_cast %add3A_1310 : i32 to index
        %get3A_1348 = arith.constant 192 : index
        %get3A_1349 = tpu.vector_load %arg8[%get3A_1347, %get3A_1348] {strides = array<i32>} : memref<32x256xf32, #tpu.memory_space<vmem>>, vector<16xf32>,
        %get3A_1350 = arith.index_cast %add3A_1310 : i32 to index
        %get3A_1351 = arith.constant 208 : index
        %get3A_1352 = tpu.vector_load %arg8[%get3A_1350, %get3A_1351] {strides = array<i32>} : memref<32x256xf32, #tpu.memory_space<vmem>>, vector<16xf32>,
        %get3A_1353 = arith.index_cast %add3A_1310 : i32 to index
        %get3A_1354 = arith.constant 224 : index
        %get3A_1355 = tpu.vector_load %arg8[%get3A_1353, %get3A_1354] {strides = array<i32>} : memref<32x256xf32, #tpu.memory_space<vmem>>, vector<16xf32>,
        %get3A_1356 = arith.index_cast %add3A_1310 : i32 to index
        %get3A_1357 = arith.constant 240 : index
        %get3A_1358 = tpu.vector_load %arg8[%get3A_1356, %get3A_1357] {strides = array<i32>} : memref<32x256xf32, #tpu.memory_space<vmem>>, vector<16xf32>,
        %add3A_1359 = arith.addi %gather3A_1306, %add3A_12 : vector<16xi32>
        tpu.vector_store_idx %arg9[%add3A_1359], %get3A_1313 {add = true} : memref<82176xf32, #tpu.memory_space<vmem>>[vector<16xi32>], vector<16xf32>,
        %add3A_1360 = arith.addi %gather3A_1306, %add3A_15 : vector<16xi32>
        tpu.vector_store_idx %arg9[%add3A_1360], %get3A_1316 {add = true} : memref<82176xf32, #tpu.memory_space<vmem>>[vector<16xi32>], vector<16xf32>,
        %add3A_1361 = arith.addi %gather3A_1306, %add3A_18 : vector<16xi32>
        tpu.vector_store_idx %arg9[%add3A_1361], %get3A_1319 {add = true} : memref<82176xf32, #tpu.memory_space<vmem>>[vector<16xi32>], vector<16xf32>,
        %add3A_1362 = arith.addi %gather3A_1306, %add3A_21 : vector<16xi32>
        tpu.vector_store_idx %arg9[%add3A_1362], %get3A_1322 {add = true} : memref<82176xf32, #tpu.memory_space<vmem>>[vector<16xi32>], vector<16xf32>,
        %add3A_1363 = arith.addi %gather3A_1306, %add3A_24 : vector<16xi32>
        tpu.vector_store_idx %arg9[%add3A_1363], %get3A_1325 {add = true} : memref<82176xf32, #tpu.memory_space<vmem>>[vector<16xi32>], vector<16xf32>,
        %add3A_1364 = arith.addi %gather3A_1306, %add3A_27 : vector<16xi32>
        tpu.vector_store_idx %arg9[%add3A_1364], %get3A_1328 {add = true} : memref<82176xf32, #tpu.memory_space<vmem>>[vector<16xi32>], vector<16xf32>,
        %add3A_1365 = arith.addi %gather3A_1306, %add3A_30 : vector<16xi32>
        tpu.vector_store_idx %arg9[%add3A_1365], %get3A_1331 {add = true} : memref<82176xf32, #tpu.memory_space<vmem>>[vector<16xi32>], vector<16xf32>,
        %add3A_1366 = arith.addi %gather3A_1306, %add3A_33 : vector<16xi32>
        tpu.vector_store_idx %arg9[%add3A_1366], %get3A_1334 {add = true} : memref<82176xf32, #tpu.memory_space<vmem>>[vector<16xi32>], vector<16xf32>,
        %add3A_1367 = arith.addi %gather3A_1306, %add3A_36 : vector<16xi32>
        tpu.vector_store_idx %arg9[%add3A_1367], %get3A_1337 {add = true} : memref<82176xf32, #tpu.memory_space<vmem>>[vector<16xi32>], vector<16xf32>,
        %add3A_1368 = arith.addi %gather3A_1306, %add3A_39 : vector<16xi32>
        tpu.vector_store_idx %arg9[%add3A_1368], %get3A_1340 {add = true} : memref<82176xf32, #tpu.memory_space<vmem>>[vector<16xi32>], vector<16xf32>,
        %add3A_1369 = arith.addi %gather3A_1306, %add3A_42 : vector<16xi32>
        tpu.vector_store_idx %arg9[%add3A_1369], %get3A_1343 {add = true} : memref<82176xf32, #tpu.memory_space<vmem>>[vector<16xi32>], vector<16xf32>,
        %add3A_1370 = arith.addi %gather3A_1306, %add3A_45 : vector<16xi32>
        tpu.vector_store_idx %arg9[%add3A_1370], %get3A_1346 {add = true} : memref<82176xf32, #tpu.memory_space<vmem>>[vector<16xi32>], vector<16xf32>,
        %add3A_1371 = arith.addi %gather3A_1306, %add3A_48 : vector<16xi32>
        tpu.vector_store_idx %arg9[%add3A_1371], %get3A_1349 {add = true} : memref<82176xf32, #tpu.memory_space<vmem>>[vector<16xi32>], vector<16xf32>,
        %add3A_1372 = arith.addi %gather3A_1306, %add3A_51 : vector<16xi32>
        tpu.vector_store_idx %arg9[%add3A_1372], %get3A_1352 {add = true} : memref<82176xf32, #tpu.memory_space<vmem>>[vector<16xi32>], vector<16xf32>,
        %add3A_1373 = arith.addi %gather3A_1306, %add3A_54 : vector<16xi32>
        tpu.vector_store_idx %arg9[%add3A_1373], %get3A_1355 {add = true} : memref<82176xf32, #tpu.memory_space<vmem>>[vector<16xi32>], vector<16xf32>,
        %add3A_1374 = arith.addi %gather3A_1306, %add3A_57 : vector<16xi32>
        tpu.vector_store_idx %arg9[%add3A_1374], %get3A_1358 {add = true} : memref<82176xf32, #tpu.memory_space<vmem>>[vector<16xi32>], vector<16xf32>,
        %broadcast_in_dim3A_1375 = arith.constant 15 : i32
        %broadcast_in_dim3A_1376 = vector.broadcast %broadcast_in_dim3A_1375 : i32 to vector<16xi32>
        %lt3A_1377 = arith.constant 0 : i32
        %lt3A_1378 = vector.broadcast %lt3A_1377 : i32 to vector<16xi32>
        %lt3A_1379 = arith.cmpi slt, %broadcast_in_dim3A_1376, %lt3A_1378 : vector<16xi32>
        %add3A_1380 = arith.constant 16 : i32
        %add3A_1381 = vector.broadcast %add3A_1380 : i32 to vector<16xi32>
        %add3A_1382 = arith.addi %broadcast_in_dim3A_1376, %add3A_1381 : vector<16xi32>
        %select_n3A_1383 = arith.select %lt3A_1379, %add3A_1382, %broadcast_in_dim3A_1376 : vector<16xi1>, vector<16xi32>
        %broadcast_in_dim3A_1384 = vector.shape_cast %select_n3A_1383 : vector<16xi32> to vector<16x1xi32>
        %gather3A_1385 = vector.shape_cast %broadcast_in_dim3A_1384 : vector<16x1xi32> to vector<16xi32>
        %gather3A_1386 = tpu.dynamic_gather %mul3A_175[%gather3A_1385] in [0] : vector<16xi32>, vector<16xi32> -> vector<16xi32>
        %add3A_1387 = arith.constant 0 : i32
        %add3A_1388 = arith.addi %mul3A_169, %add3A_1387 : i32
        %add3A_1389 = arith.constant 15 : i32
        %add3A_1390 = arith.addi %add3A_1388, %add3A_1389 : i32
        %get3A_1391 = arith.index_cast %add3A_1390 : i32 to index
        %get3A_1392 = arith.constant 0 : index
        %get3A_1393 = tpu.vector_load %arg8[%get3A_1391, %get3A_1392] {strides = array<i32>} : memref<32x256xf32, #tpu.memory_space<vmem>>, vector<16xf32>,
        %get3A_1394 = arith.index_cast %add3A_1390 : i32 to index
        %get3A_1395 = arith.constant 16 : index
        %get3A_1396 = tpu.vector_load %arg8[%get3A_1394, %get3A_1395] {strides = array<i32>} : memref<32x256xf32, #tpu.memory_space<vmem>>, vector<16xf32>,
        %get3A_1397 = arith.index_cast %add3A_1390 : i32 to index
        %get3A_1398 = arith.constant 32 : index
        %get3A_1399 = tpu.vector_load %arg8[%get3A_1397, %get3A_1398] {strides = array<i32>} : memref<32x256xf32, #tpu.memory_space<vmem>>, vector<16xf32>,
        %get3A_1400 = arith.index_cast %add3A_1390 : i32 to index
        %get3A_1401 = arith.constant 48 : index
        %get3A_1402 = tpu.vector_load %arg8[%get3A_1400, %get3A_1401] {strides = array<i32>} : memref<32x256xf32, #tpu.memory_space<vmem>>, vector<16xf32>,
        %get3A_1403 = arith.index_cast %add3A_1390 : i32 to index
        %get3A_1404 = arith.constant 64 : index
        %get3A_1405 = tpu.vector_load %arg8[%get3A_1403, %get3A_1404] {strides = array<i32>} : memref<32x256xf32, #tpu.memory_space<vmem>>, vector<16xf32>,
        %get3A_1406 = arith.index_cast %add3A_1390 : i32 to index
        %get3A_1407 = arith.constant 80 : index
        %get3A_1408 = tpu.vector_load %arg8[%get3A_1406, %get3A_1407] {strides = array<i32>} : memref<32x256xf32, #tpu.memory_space<vmem>>, vector<16xf32>,
        %get3A_1409 = arith.index_cast %add3A_1390 : i32 to index
        %get3A_1410 = arith.constant 96 : index
        %get3A_1411 = tpu.vector_load %arg8[%get3A_1409, %get3A_1410] {strides = array<i32>} : memref<32x256xf32, #tpu.memory_space<vmem>>, vector<16xf32>,
        %get3A_1412 = arith.index_cast %add3A_1390 : i32 to index
        %get3A_1413 = arith.constant 112 : index
        %get3A_1414 = tpu.vector_load %arg8[%get3A_1412, %get3A_1413] {strides = array<i32>} : memref<32x256xf32, #tpu.memory_space<vmem>>, vector<16xf32>,
        %get3A_1415 = arith.index_cast %add3A_1390 : i32 to index
        %get3A_1416 = arith.constant 128 : index
        %get3A_1417 = tpu.vector_load %arg8[%get3A_1415, %get3A_1416] {strides = array<i32>} : memref<32x256xf32, #tpu.memory_space<vmem>>, vector<16xf32>,
        %get3A_1418 = arith.index_cast %add3A_1390 : i32 to index
        %get3A_1419 = arith.constant 144 : index
        %get3A_1420 = tpu.vector_load %arg8[%get3A_1418, %get3A_1419] {strides = array<i32>} : memref<32x256xf32, #tpu.memory_space<vmem>>, vector<16xf32>,
        %get3A_1421 = arith.index_cast %add3A_1390 : i32 to index
        %get3A_1422 = arith.constant 160 : index
        %get3A_1423 = tpu.vector_load %arg8[%get3A_1421, %get3A_1422] {strides = array<i32>} : memref<32x256xf32, #tpu.memory_space<vmem>>, vector<16xf32>,
        %get3A_1424 = arith.index_cast %add3A_1390 : i32 to index
        %get3A_1425 = arith.constant 176 : index
        %get3A_1426 = tpu.vector_load %arg8[%get3A_1424, %get3A_1425] {strides = array<i32>} : memref<32x256xf32, #tpu.memory_space<vmem>>, vector<16xf32>,
        %get3A_1427 = arith.index_cast %add3A_1390 : i32 to index
        %get3A_1428 = arith.constant 192 : index
        %get3A_1429 = tpu.vector_load %arg8[%get3A_1427, %get3A_1428] {strides = array<i32>} : memref<32x256xf32, #tpu.memory_space<vmem>>, vector<16xf32>,
        %get3A_1430 = arith.index_cast %add3A_1390 : i32 to index
        %get3A_1431 = arith.constant 208 : index
        %get3A_1432 = tpu.vector_load %arg8[%get3A_1430, %get3A_1431] {strides = array<i32>} : memref<32x256xf32, #tpu.memory_space<vmem>>, vector<16xf32>,
        %get3A_1433 = arith.index_cast %add3A_1390 : i32 to index
        %get3A_1434 = arith.constant 224 : index
        %get3A_1435 = tpu.vector_load %arg8[%get3A_1433, %get3A_1434] {strides = array<i32>} : memref<32x256xf32, #tpu.memory_space<vmem>>, vector<16xf32>,
        %get3A_1436 = arith.index_cast %add3A_1390 : i32 to index
        %get3A_1437 = arith.constant 240 : index
        %get3A_1438 = tpu.vector_load %arg8[%get3A_1436, %get3A_1437] {strides = array<i32>} : memref<32x256xf32, #tpu.memory_space<vmem>>, vector<16xf32>,
        %add3A_1439 = arith.addi %gather3A_1386, %add3A_12 : vector<16xi32>
        tpu.vector_store_idx %arg9[%add3A_1439], %get3A_1393 {add = true} : memref<82176xf32, #tpu.memory_space<vmem>>[vector<16xi32>], vector<16xf32>,
        %add3A_1440 = arith.addi %gather3A_1386, %add3A_15 : vector<16xi32>
        tpu.vector_store_idx %arg9[%add3A_1440], %get3A_1396 {add = true} : memref<82176xf32, #tpu.memory_space<vmem>>[vector<16xi32>], vector<16xf32>,
        %add3A_1441 = arith.addi %gather3A_1386, %add3A_18 : vector<16xi32>
        tpu.vector_store_idx %arg9[%add3A_1441], %get3A_1399 {add = true} : memref<82176xf32, #tpu.memory_space<vmem>>[vector<16xi32>], vector<16xf32>,
        %add3A_1442 = arith.addi %gather3A_1386, %add3A_21 : vector<16xi32>
        tpu.vector_store_idx %arg9[%add3A_1442], %get3A_1402 {add = true} : memref<82176xf32, #tpu.memory_space<vmem>>[vector<16xi32>], vector<16xf32>,
        %add3A_1443 = arith.addi %gather3A_1386, %add3A_24 : vector<16xi32>
        tpu.vector_store_idx %arg9[%add3A_1443], %get3A_1405 {add = true} : memref<82176xf32, #tpu.memory_space<vmem>>[vector<16xi32>], vector<16xf32>,
        %add3A_1444 = arith.addi %gather3A_1386, %add3A_27 : vector<16xi32>
        tpu.vector_store_idx %arg9[%add3A_1444], %get3A_1408 {add = true} : memref<82176xf32, #tpu.memory_space<vmem>>[vector<16xi32>], vector<16xf32>,
        %add3A_1445 = arith.addi %gather3A_1386, %add3A_30 : vector<16xi32>
        tpu.vector_store_idx %arg9[%add3A_1445], %get3A_1411 {add = true} : memref<82176xf32, #tpu.memory_space<vmem>>[vector<16xi32>], vector<16xf32>,
        %add3A_1446 = arith.addi %gather3A_1386, %add3A_33 : vector<16xi32>
        tpu.vector_store_idx %arg9[%add3A_1446], %get3A_1414 {add = true} : memref<82176xf32, #tpu.memory_space<vmem>>[vector<16xi32>], vector<16xf32>,
        %add3A_1447 = arith.addi %gather3A_1386, %add3A_36 : vector<16xi32>
        tpu.vector_store_idx %arg9[%add3A_1447], %get3A_1417 {add = true} : memref<82176xf32, #tpu.memory_space<vmem>>[vector<16xi32>], vector<16xf32>,
        %add3A_1448 = arith.addi %gather3A_1386, %add3A_39 : vector<16xi32>
        tpu.vector_store_idx %arg9[%add3A_1448], %get3A_1420 {add = true} : memref<82176xf32, #tpu.memory_space<vmem>>[vector<16xi32>], vector<16xf32>,
        %add3A_1449 = arith.addi %gather3A_1386, %add3A_42 : vector<16xi32>
        tpu.vector_store_idx %arg9[%add3A_1449], %get3A_1423 {add = true} : memref<82176xf32, #tpu.memory_space<vmem>>[vector<16xi32>], vector<16xf32>,
        %add3A_1450 = arith.addi %gather3A_1386, %add3A_45 : vector<16xi32>
        tpu.vector_store_idx %arg9[%add3A_1450], %get3A_1426 {add = true} : memref<82176xf32, #tpu.memory_space<vmem>>[vector<16xi32>], vector<16xf32>,
        %add3A_1451 = arith.addi %gather3A_1386, %add3A_48 : vector<16xi32>
        tpu.vector_store_idx %arg9[%add3A_1451], %get3A_1429 {add = true} : memref<82176xf32, #tpu.memory_space<vmem>>[vector<16xi32>], vector<16xf32>,
        %add3A_1452 = arith.addi %gather3A_1386, %add3A_51 : vector<16xi32>
        tpu.vector_store_idx %arg9[%add3A_1452], %get3A_1432 {add = true} : memref<82176xf32, #tpu.memory_space<vmem>>[vector<16xi32>], vector<16xf32>,
        %add3A_1453 = arith.addi %gather3A_1386, %add3A_54 : vector<16xi32>
        tpu.vector_store_idx %arg9[%add3A_1453], %get3A_1435 {add = true} : memref<82176xf32, #tpu.memory_space<vmem>>[vector<16xi32>], vector<16xf32>,
        %add3A_1454 = arith.addi %gather3A_1386, %add3A_57 : vector<16xi32>
        tpu.vector_store_idx %arg9[%add3A_1454], %get3A_1438 {add = true} : memref<82176xf32, #tpu.memory_space<vmem>>[vector<16xi32>], vector<16xf32>,
        %while3A_1455 = arith.constant 0 : i32
        scf.yield %while3A_1455 : i32
      }
      %while3A_125 = arith.constant 1 : i32
      %while3A_126 = scf.for %while3A_128 = %while3A_122 to %while3A_118 step %while3A_125 iter_args(%while3A_129 = %while3A_124) -> (i32)  : i32 {
        %jit3A_130 = arith.constant 2 : i32
        %eq3A = arith.constant 0 : i32
        %eq3A_131 = arith.cmpi eq, %jit3A_130, %eq3A : i32
        %jit3A_132 = arith.constant 1 : i32
        %select_n3A_133 = arith.select %eq3A_131, %jit3A_132, %jit3A_130 : i32
        %rem3A_134 = arith.remsi %while3A_128, %select_n3A_133 : i32
        %ne3A_135 = arith.constant 0 : i32
        %ne3A_136 = arith.cmpi ne, %rem3A_134, %ne3A_135 : i32
        %lt3A = arith.constant 0 : i32
        %lt3A_137 = arith.cmpi slt, %rem3A_134, %lt3A : i32
        %lt3A_138 = arith.constant 0 : i32
        %lt3A_139 = arith.cmpi slt, %select_n3A_133, %lt3A_138 : i32
        %ne3A_140 = arith.xori %lt3A_137, %lt3A_139 : i1
        %and3A_141 = arith.andi %ne3A_140, %ne3A_136 : i1
        %add3A_142 = arith.addi %rem3A_134, %select_n3A_133 : i32
        %select_n3A_143 = arith.select %and3A_141, %add3A_142, %rem3A_134 : i32
        %eq3A_144 = arith.constant 0 : i32
        %eq3A_145 = arith.cmpi eq, %select_n3A_143, %eq3A_144 : i32
        %convert_element_type3A_146 = arith.extui %eq3A_145 : i1 to i32
        %cond3A_147 = arith.constant 0 : i32
        %cond3A_148 = arith.cmpi ne, %convert_element_type3A_146, %cond3A_147 : i32
        scf.if %cond3A_148 {
          %dma_wait3A = arith.constant 0 : i32
          %dma_wait3A_1456 = arith.constant 0 : i32
          %dma_wait3A_1457 = tpu.memref_slice %arg8[%dma_wait3A, %dma_wait3A_1456] : memref<32x256xf32, #tpu.memory_space<vmem>> -> memref<16x256xf32, #tpu.memory_space<vmem>>
          %dma_wait3A_1458 = arith.constant 0 : i32
          %dma_wait3A_1459 = arith.constant 0 : i32
          %dma_wait3A_1460 = tpu.memref_slice %arg2[%dma_wait3A_1458, %dma_wait3A_1459] : memref<160000x256xf32, #tpu.memory_space<hbm>> -> memref<16x256xf32, #tpu.memory_space<hbm>>
          %dma_wait3A_1461 = arith.constant 0 : i32
          %dma_wait3A_1462 = arith.constant 0 : i32
          %dma_wait3A_1463 = tpu.memref_slice %arg8[%dma_wait3A_1461, %dma_wait3A_1462] : memref<32x256xf32, #tpu.memory_space<vmem>> -> memref<16x256xf32, #tpu.memory_space<vmem>>
          %dma_wait3A_1464 = arith.constant 0 : i32
          %dma_wait3A_1465 = arith.constant 0 : i32
          %dma_wait3A_1466 = tpu.memref_slice %arg2[%dma_wait3A_1464, %dma_wait3A_1465] : memref<160000x256xf32, #tpu.memory_space<hbm>> -> memref<16x256xf32, #tpu.memory_space<hbm>>
          tpu.wait_dma2 semaphore(%arg12 : memref<!tpu.dma_semaphore, #tpu.memory_space<semaphore_mem>>) src(%dma_wait3A_1466 : memref<16x256xf32, #tpu.memory_space<hbm>>) dst(%dma_wait3A_1463 : memref<16x256xf32, #tpu.memory_space<vmem>>)
        } else {
        }
        %not3A = arith.constant true
        %not3A_149 = arith.xori %eq3A_145, %not3A : i1
        %convert_element_type3A_150 = arith.extui %not3A_149 : i1 to i32
        %cond3A_151 = arith.constant 0 : i32
        %cond3A_152 = arith.cmpi ne, %convert_element_type3A_150, %cond3A_151 : i32
        scf.if %cond3A_152 {
          %dma_wait3A = arith.constant 0 : i32
          %dma_wait3A_1456 = arith.constant 0 : i32
          %dma_wait3A_1457 = tpu.memref_slice %arg8[%dma_wait3A, %dma_wait3A_1456] : memref<32x256xf32, #tpu.memory_space<vmem>> -> memref<16x256xf32, #tpu.memory_space<vmem>>
          %dma_wait3A_1458 = arith.constant 0 : i32
          %dma_wait3A_1459 = arith.constant 0 : i32
          %dma_wait3A_1460 = tpu.memref_slice %arg2[%dma_wait3A_1458, %dma_wait3A_1459] : memref<160000x256xf32, #tpu.memory_space<hbm>> -> memref<16x256xf32, #tpu.memory_space<hbm>>
          %dma_wait3A_1461 = arith.constant 0 : i32
          %dma_wait3A_1462 = arith.constant 0 : i32
          %dma_wait3A_1463 = tpu.memref_slice %arg8[%dma_wait3A_1461, %dma_wait3A_1462] : memref<32x256xf32, #tpu.memory_space<vmem>> -> memref<16x256xf32, #tpu.memory_space<vmem>>
          %dma_wait3A_1464 = arith.constant 0 : i32
          %dma_wait3A_1465 = arith.constant 0 : i32
          %dma_wait3A_1466 = tpu.memref_slice %arg2[%dma_wait3A_1464, %dma_wait3A_1465] : memref<160000x256xf32, #tpu.memory_space<hbm>> -> memref<16x256xf32, #tpu.memory_space<hbm>>
          tpu.wait_dma2 semaphore(%arg13 : memref<!tpu.dma_semaphore, #tpu.memory_space<semaphore_mem>>) src(%dma_wait3A_1466 : memref<16x256xf32, #tpu.memory_space<hbm>>) dst(%dma_wait3A_1463 : memref<16x256xf32, #tpu.memory_space<vmem>>)
        } else {
        }
        %add3A_153 = arith.constant 1 : i32
        %add3A_154 = arith.addi %while3A_128, %add3A_153 : i32
        %lt3A_155 = arith.cmpi slt, %add3A_154, %select_n3A : i32
        %and3A_156 = arith.andi %lt3A_155, %eq3A_145 : i1
        %convert_element_type3A_157 = arith.extui %and3A_156 : i1 to i32
        %cond3A_158 = arith.constant 0 : i32
        %cond3A_159 = arith.cmpi ne, %convert_element_type3A_157, %cond3A_158 : i32
        scf.if %cond3A_159 {
          %add3A_1456 = arith.constant 1 : i32
          %add3A_1457 = arith.addi %while3A_128, %add3A_1456 : i32
          %mul3A_1458 = arith.constant 16 : i32
          %mul3A_1459 = arith.muli %add3A_1457, %mul3A_1458 : i32
          %add3A_1460 = arith.constant 0 : i32
          %add3A_1461 = arith.addi %mul3A_1459, %add3A_1460 : i32
          %get3A_1462 = arith.index_cast %add3A_1461 : i32 to index
          %get3A_1463 = tpu.vector_load %arg6[%get3A_1462] {strides = array<i32>} : memref<4032xi32, #tpu.memory_space<vmem>>, vector<16xi32>,
          %swap3A_1464 = arith.constant 0 : index
          %swap3A_1465 = tpu.vector_load %arg11[%swap3A_1464] {strides = array<i32>} : memref<16xi32, #tpu.memory_space<vmem>>, vector<16xi32>,
          tpu.vector_store %arg11[%swap3A_1464], %get3A_1463 {strides = array<i32>} : memref<16xi32, #tpu.memory_space<vmem>>, vector<16xi32>,
          %dma_start3A = arith.constant 16 : i32
          %dma_start3A_1466 = arith.constant 0 : i32
          %dma_start3A_1467 = tpu.memref_slice %arg8[%dma_start3A, %dma_start3A_1466] : memref<32x256xf32, #tpu.memory_space<vmem>> -> memref<16x256xf32, #tpu.memory_space<vmem>>
          %dma_start3A_1468 = arith.constant 0 : i32
          %dma_start3A_1469 = arith.constant 0 : i32
          %dma_start3A_1470 = tpu.memref_slice %arg2[%dma_start3A_1468, %dma_start3A_1469] : memref<160000x256xf32, #tpu.memory_space<hbm>> -> memref<160000x256xf32, #tpu.memory_space<hbm>>
          tpu.enqueue_indirect_dma source(%dma_start3A_1470 : memref<160000x256xf32, #tpu.memory_space<hbm>>) target(%dma_start3A_1467 : memref<16x256xf32, #tpu.memory_space<vmem>>) offsets(%arg11 : memref<16xi32, #tpu.memory_space<vmem>>) semaphore(%arg13 : memref<!tpu.dma_semaphore, #tpu.memory_space<semaphore_mem>>)
        } else {
        }
        %not3A_160 = arith.constant true
        %not3A_161 = arith.xori %eq3A_145, %not3A_160 : i1
        %and3A_162 = arith.andi %lt3A_155, %not3A_161 : i1
        %convert_element_type3A_163 = arith.extui %and3A_162 : i1 to i32
        %cond3A_164 = arith.constant 0 : i32
        %cond3A_165 = arith.cmpi ne, %convert_element_type3A_163, %cond3A_164 : i32
        scf.if %cond3A_165 {
          %add3A_1456 = arith.constant 1 : i32
          %add3A_1457 = arith.addi %while3A_128, %add3A_1456 : i32
          %mul3A_1458 = arith.constant 16 : i32
          %mul3A_1459 = arith.muli %add3A_1457, %mul3A_1458 : i32
          %add3A_1460 = arith.constant 0 : i32
          %add3A_1461 = arith.addi %mul3A_1459, %add3A_1460 : i32
          %get3A_1462 = arith.index_cast %add3A_1461 : i32 to index
          %get3A_1463 = tpu.vector_load %arg6[%get3A_1462] {strides = array<i32>} : memref<4032xi32, #tpu.memory_space<vmem>>, vector<16xi32>,
          %swap3A_1464 = arith.constant 0 : index
          %swap3A_1465 = tpu.vector_load %arg10[%swap3A_1464] {strides = array<i32>} : memref<16xi32, #tpu.memory_space<vmem>>, vector<16xi32>,
          tpu.vector_store %arg10[%swap3A_1464], %get3A_1463 {strides = array<i32>} : memref<16xi32, #tpu.memory_space<vmem>>, vector<16xi32>,
          %dma_start3A = arith.constant 0 : i32
          %dma_start3A_1466 = arith.constant 0 : i32
          %dma_start3A_1467 = tpu.memref_slice %arg8[%dma_start3A, %dma_start3A_1466] : memref<32x256xf32, #tpu.memory_space<vmem>> -> memref<16x256xf32, #tpu.memory_space<vmem>>
          %dma_start3A_1468 = arith.constant 0 : i32
          %dma_start3A_1469 = arith.constant 0 : i32
          %dma_start3A_1470 = tpu.memref_slice %arg2[%dma_start3A_1468, %dma_start3A_1469] : memref<160000x256xf32, #tpu.memory_space<hbm>> -> memref<160000x256xf32, #tpu.memory_space<hbm>>
          tpu.enqueue_indirect_dma source(%dma_start3A_1470 : memref<160000x256xf32, #tpu.memory_space<hbm>>) target(%dma_start3A_1467 : memref<16x256xf32, #tpu.memory_space<vmem>>) offsets(%arg10 : memref<16xi32, #tpu.memory_space<vmem>>) semaphore(%arg12 : memref<!tpu.dma_semaphore, #tpu.memory_space<semaphore_mem>>)
        } else {
        }
        %mul3A_166 = arith.constant 16 : i32
        %mul3A_167 = arith.muli %while3A_128, %mul3A_166 : i32
        %mul3A_168 = arith.constant 16 : i32
        %mul3A_169 = arith.muli %select_n3A_143, %mul3A_168 : i32
        %add3A_170 = arith.constant 0 : i32
        %add3A_171 = arith.addi %mul3A_167, %add3A_170 : i32
        %get3A = arith.index_cast %add3A_171 : i32 to index
        %get3A_172 = tpu.vector_load %arg7[%get3A] {strides = array<i32>} : memref<4032xi32, #tpu.memory_space<vmem>>, vector<16xi32>,
        %mul3A_173 = arith.constant 256 : i32
        %mul3A_174 = vector.broadcast %mul3A_173 : i32 to vector<16xi32>
        %mul3A_175 = arith.muli %get3A_172, %mul3A_174 : vector<16xi32>
        %broadcast_in_dim3A_176 = arith.constant 0 : i32
        %broadcast_in_dim3A_177 = vector.broadcast %broadcast_in_dim3A_176 : i32 to vector<16xi32>
        %lt3A_178 = arith.constant 0 : i32
        %lt3A_179 = vector.broadcast %lt3A_178 : i32 to vector<16xi32>
        %lt3A_180 = arith.cmpi slt, %broadcast_in_dim3A_177, %lt3A_179 : vector<16xi32>
        %add3A_181 = arith.constant 16 : i32
        %add3A_182 = vector.broadcast %add3A_181 : i32 to vector<16xi32>
        %add3A_183 = arith.addi %broadcast_in_dim3A_177, %add3A_182 : vector<16xi32>
        %select_n3A_184 = arith.select %lt3A_180, %add3A_183, %broadcast_in_dim3A_177 : vector<16xi1>, vector<16xi32>
        %broadcast_in_dim3A_185 = vector.shape_cast %select_n3A_184 : vector<16xi32> to vector<16x1xi32>
        %gather3A = vector.shape_cast %broadcast_in_dim3A_185 : vector<16x1xi32> to vector<16xi32>
        %gather3A_186 = tpu.dynamic_gather %mul3A_175[%gather3A] in [0] : vector<16xi32>, vector<16xi32> -> vector<16xi32>
        %add3A_187 = arith.constant 0 : i32
        %add3A_188 = arith.addi %mul3A_169, %add3A_187 : i32
        %add3A_189 = arith.constant 0 : i32
        %add3A_190 = arith.addi %add3A_188, %add3A_189 : i32
        %get3A_191 = arith.index_cast %add3A_190 : i32 to index
        %get3A_192 = arith.constant 0 : index
        %get3A_193 = tpu.vector_load %arg8[%get3A_191, %get3A_192] {strides = array<i32>} : memref<32x256xf32, #tpu.memory_space<vmem>>, vector<16xf32>,
        %get3A_194 = arith.index_cast %add3A_190 : i32 to index
        %get3A_195 = arith.constant 16 : index
        %get3A_196 = tpu.vector_load %arg8[%get3A_194, %get3A_195] {strides = array<i32>} : memref<32x256xf32, #tpu.memory_space<vmem>>, vector<16xf32>,
        %get3A_197 = arith.index_cast %add3A_190 : i32 to index
        %get3A_198 = arith.constant 32 : index
        %get3A_199 = tpu.vector_load %arg8[%get3A_197, %get3A_198] {strides = array<i32>} : memref<32x256xf32, #tpu.memory_space<vmem>>, vector<16xf32>,
        %get3A_200 = arith.index_cast %add3A_190 : i32 to index
        %get3A_201 = arith.constant 48 : index
        %get3A_202 = tpu.vector_load %arg8[%get3A_200, %get3A_201] {strides = array<i32>} : memref<32x256xf32, #tpu.memory_space<vmem>>, vector<16xf32>,
        %get3A_203 = arith.index_cast %add3A_190 : i32 to index
        %get3A_204 = arith.constant 64 : index
        %get3A_205 = tpu.vector_load %arg8[%get3A_203, %get3A_204] {strides = array<i32>} : memref<32x256xf32, #tpu.memory_space<vmem>>, vector<16xf32>,
        %get3A_206 = arith.index_cast %add3A_190 : i32 to index
        %get3A_207 = arith.constant 80 : index
        %get3A_208 = tpu.vector_load %arg8[%get3A_206, %get3A_207] {strides = array<i32>} : memref<32x256xf32, #tpu.memory_space<vmem>>, vector<16xf32>,
        %get3A_209 = arith.index_cast %add3A_190 : i32 to index
        %get3A_210 = arith.constant 96 : index
        %get3A_211 = tpu.vector_load %arg8[%get3A_209, %get3A_210] {strides = array<i32>} : memref<32x256xf32, #tpu.memory_space<vmem>>, vector<16xf32>,
        %get3A_212 = arith.index_cast %add3A_190 : i32 to index
        %get3A_213 = arith.constant 112 : index
        %get3A_214 = tpu.vector_load %arg8[%get3A_212, %get3A_213] {strides = array<i32>} : memref<32x256xf32, #tpu.memory_space<vmem>>, vector<16xf32>,
        %get3A_215 = arith.index_cast %add3A_190 : i32 to index
        %get3A_216 = arith.constant 128 : index
        %get3A_217 = tpu.vector_load %arg8[%get3A_215, %get3A_216] {strides = array<i32>} : memref<32x256xf32, #tpu.memory_space<vmem>>, vector<16xf32>,
        %get3A_218 = arith.index_cast %add3A_190 : i32 to index
        %get3A_219 = arith.constant 144 : index
        %get3A_220 = tpu.vector_load %arg8[%get3A_218, %get3A_219] {strides = array<i32>} : memref<32x256xf32, #tpu.memory_space<vmem>>, vector<16xf32>,
        %get3A_221 = arith.index_cast %add3A_190 : i32 to index
        %get3A_222 = arith.constant 160 : index
        %get3A_223 = tpu.vector_load %arg8[%get3A_221, %get3A_222] {strides = array<i32>} : memref<32x256xf32, #tpu.memory_space<vmem>>, vector<16xf32>,
        %get3A_224 = arith.index_cast %add3A_190 : i32 to index
        %get3A_225 = arith.constant 176 : index
        %get3A_226 = tpu.vector_load %arg8[%get3A_224, %get3A_225] {strides = array<i32>} : memref<32x256xf32, #tpu.memory_space<vmem>>, vector<16xf32>,
        %get3A_227 = arith.index_cast %add3A_190 : i32 to index
        %get3A_228 = arith.constant 192 : index
        %get3A_229 = tpu.vector_load %arg8[%get3A_227, %get3A_228] {strides = array<i32>} : memref<32x256xf32, #tpu.memory_space<vmem>>, vector<16xf32>,
        %get3A_230 = arith.index_cast %add3A_190 : i32 to index
        %get3A_231 = arith.constant 208 : index
        %get3A_232 = tpu.vector_load %arg8[%get3A_230, %get3A_231] {strides = array<i32>} : memref<32x256xf32, #tpu.memory_space<vmem>>, vector<16xf32>,
        %get3A_233 = arith.index_cast %add3A_190 : i32 to index
        %get3A_234 = arith.constant 224 : index
        %get3A_235 = tpu.vector_load %arg8[%get3A_233, %get3A_234] {strides = array<i32>} : memref<32x256xf32, #tpu.memory_space<vmem>>, vector<16xf32>,
        %get3A_236 = arith.index_cast %add3A_190 : i32 to index
        %get3A_237 = arith.constant 240 : index
        %get3A_238 = tpu.vector_load %arg8[%get3A_236, %get3A_237] {strides = array<i32>} : memref<32x256xf32, #tpu.memory_space<vmem>>, vector<16xf32>,
        %add3A_239 = arith.addi %gather3A_186, %add3A_12 : vector<16xi32>
        tpu.vector_store_idx %arg9[%add3A_239], %get3A_193 {add = true} : memref<82176xf32, #tpu.memory_space<vmem>>[vector<16xi32>], vector<16xf32>,
        %add3A_240 = arith.addi %gather3A_186, %add3A_15 : vector<16xi32>
        tpu.vector_store_idx %arg9[%add3A_240], %get3A_196 {add = true} : memref<82176xf32, #tpu.memory_space<vmem>>[vector<16xi32>], vector<16xf32>,
        %add3A_241 = arith.addi %gather3A_186, %add3A_18 : vector<16xi32>
        tpu.vector_store_idx %arg9[%add3A_241], %get3A_199 {add = true} : memref<82176xf32, #tpu.memory_space<vmem>>[vector<16xi32>], vector<16xf32>,
        %add3A_242 = arith.addi %gather3A_186, %add3A_21 : vector<16xi32>
        tpu.vector_store_idx %arg9[%add3A_242], %get3A_202 {add = true} : memref<82176xf32, #tpu.memory_space<vmem>>[vector<16xi32>], vector<16xf32>,
        %add3A_243 = arith.addi %gather3A_186, %add3A_24 : vector<16xi32>
        tpu.vector_store_idx %arg9[%add3A_243], %get3A_205 {add = true} : memref<82176xf32, #tpu.memory_space<vmem>>[vector<16xi32>], vector<16xf32>,
        %add3A_244 = arith.addi %gather3A_186, %add3A_27 : vector<16xi32>
        tpu.vector_store_idx %arg9[%add3A_244], %get3A_208 {add = true} : memref<82176xf32, #tpu.memory_space<vmem>>[vector<16xi32>], vector<16xf32>,
        %add3A_245 = arith.addi %gather3A_186, %add3A_30 : vector<16xi32>
        tpu.vector_store_idx %arg9[%add3A_245], %get3A_211 {add = true} : memref<82176xf32, #tpu.memory_space<vmem>>[vector<16xi32>], vector<16xf32>,
        %add3A_246 = arith.addi %gather3A_186, %add3A_33 : vector<16xi32>
        tpu.vector_store_idx %arg9[%add3A_246], %get3A_214 {add = true} : memref<82176xf32, #tpu.memory_space<vmem>>[vector<16xi32>], vector<16xf32>,
        %add3A_247 = arith.addi %gather3A_186, %add3A_36 : vector<16xi32>
        tpu.vector_store_idx %arg9[%add3A_247], %get3A_217 {add = true} : memref<82176xf32, #tpu.memory_space<vmem>>[vector<16xi32>], vector<16xf32>,
        %add3A_248 = arith.addi %gather3A_186, %add3A_39 : vector<16xi32>
        tpu.vector_store_idx %arg9[%add3A_248], %get3A_220 {add = true} : memref<82176xf32, #tpu.memory_space<vmem>>[vector<16xi32>], vector<16xf32>,
        %add3A_249 = arith.addi %gather3A_186, %add3A_42 : vector<16xi32>
        tpu.vector_store_idx %arg9[%add3A_249], %get3A_223 {add = true} : memref<82176xf32, #tpu.memory_space<vmem>>[vector<16xi32>], vector<16xf32>,
        %add3A_250 = arith.addi %gather3A_186, %add3A_45 : vector<16xi32>
        tpu.vector_store_idx %arg9[%add3A_250], %get3A_226 {add = true} : memref<82176xf32, #tpu.memory_space<vmem>>[vector<16xi32>], vector<16xf32>,
        %add3A_251 = arith.addi %gather3A_186, %add3A_48 : vector<16xi32>
        tpu.vector_store_idx %arg9[%add3A_251], %get3A_229 {add = true} : memref<82176xf32, #tpu.memory_space<vmem>>[vector<16xi32>], vector<16xf32>,
        %add3A_252 = arith.addi %gather3A_186, %add3A_51 : vector<16xi32>
        tpu.vector_store_idx %arg9[%add3A_252], %get3A_232 {add = true} : memref<82176xf32, #tpu.memory_space<vmem>>[vector<16xi32>], vector<16xf32>,
        %add3A_253 = arith.addi %gather3A_186, %add3A_54 : vector<16xi32>
        tpu.vector_store_idx %arg9[%add3A_253], %get3A_235 {add = true} : memref<82176xf32, #tpu.memory_space<vmem>>[vector<16xi32>], vector<16xf32>,
        %add3A_254 = arith.addi %gather3A_186, %add3A_57 : vector<16xi32>
        tpu.vector_store_idx %arg9[%add3A_254], %get3A_238 {add = true} : memref<82176xf32, #tpu.memory_space<vmem>>[vector<16xi32>], vector<16xf32>,
        %broadcast_in_dim3A_255 = arith.constant 1 : i32
        %broadcast_in_dim3A_256 = vector.broadcast %broadcast_in_dim3A_255 : i32 to vector<16xi32>
        %lt3A_257 = arith.constant 0 : i32
        %lt3A_258 = vector.broadcast %lt3A_257 : i32 to vector<16xi32>
        %lt3A_259 = arith.cmpi slt, %broadcast_in_dim3A_256, %lt3A_258 : vector<16xi32>
        %add3A_260 = arith.constant 16 : i32
        %add3A_261 = vector.broadcast %add3A_260 : i32 to vector<16xi32>
        %add3A_262 = arith.addi %broadcast_in_dim3A_256, %add3A_261 : vector<16xi32>
        %select_n3A_263 = arith.select %lt3A_259, %add3A_262, %broadcast_in_dim3A_256 : vector<16xi1>, vector<16xi32>
        %broadcast_in_dim3A_264 = vector.shape_cast %select_n3A_263 : vector<16xi32> to vector<16x1xi32>
        %gather3A_265 = vector.shape_cast %broadcast_in_dim3A_264 : vector<16x1xi32> to vector<16xi32>
        %gather3A_266 = tpu.dynamic_gather %mul3A_175[%gather3A_265] in [0] : vector<16xi32>, vector<16xi32> -> vector<16xi32>
        %add3A_267 = arith.constant 0 : i32
        %add3A_268 = arith.addi %mul3A_169, %add3A_267 : i32
        %add3A_269 = arith.constant 1 : i32
        %add3A_270 = arith.addi %add3A_268, %add3A_269 : i32
        %get3A_271 = arith.index_cast %add3A_270 : i32 to index
        %get3A_272 = arith.constant 0 : index
        %get3A_273 = tpu.vector_load %arg8[%get3A_271, %get3A_272] {strides = array<i32>} : memref<32x256xf32, #tpu.memory_space<vmem>>, vector<16xf32>,
        %get3A_274 = arith.index_cast %add3A_270 : i32 to index
        %get3A_275 = arith.constant 16 : index
        %get3A_276 = tpu.vector_load %arg8[%get3A_274, %get3A_275] {strides = array<i32>} : memref<32x256xf32, #tpu.memory_space<vmem>>, vector<16xf32>,
        %get3A_277 = arith.index_cast %add3A_270 : i32 to index
        %get3A_278 = arith.constant 32 : index
        %get3A_279 = tpu.vector_load %arg8[%get3A_277, %get3A_278] {strides = array<i32>} : memref<32x256xf32, #tpu.memory_space<vmem>>, vector<16xf32>,
        %get3A_280 = arith.index_cast %add3A_270 : i32 to index
        %get3A_281 = arith.constant 48 : index
        %get3A_282 = tpu.vector_load %arg8[%get3A_280, %get3A_281] {strides = array<i32>} : memref<32x256xf32, #tpu.memory_space<vmem>>, vector<16xf32>,
        %get3A_283 = arith.index_cast %add3A_270 : i32 to index
        %get3A_284 = arith.constant 64 : index
        %get3A_285 = tpu.vector_load %arg8[%get3A_283, %get3A_284] {strides = array<i32>} : memref<32x256xf32, #tpu.memory_space<vmem>>, vector<16xf32>,
        %get3A_286 = arith.index_cast %add3A_270 : i32 to index
        %get3A_287 = arith.constant 80 : index
        %get3A_288 = tpu.vector_load %arg8[%get3A_286, %get3A_287] {strides = array<i32>} : memref<32x256xf32, #tpu.memory_space<vmem>>, vector<16xf32>,
        %get3A_289 = arith.index_cast %add3A_270 : i32 to index
        %get3A_290 = arith.constant 96 : index
        %get3A_291 = tpu.vector_load %arg8[%get3A_289, %get3A_290] {strides = array<i32>} : memref<32x256xf32, #tpu.memory_space<vmem>>, vector<16xf32>,
        %get3A_292 = arith.index_cast %add3A_270 : i32 to index
        %get3A_293 = arith.constant 112 : index
        %get3A_294 = tpu.vector_load %arg8[%get3A_292, %get3A_293] {strides = array<i32>} : memref<32x256xf32, #tpu.memory_space<vmem>>, vector<16xf32>,
        %get3A_295 = arith.index_cast %add3A_270 : i32 to index
        %get3A_296 = arith.constant 128 : index
        %get3A_297 = tpu.vector_load %arg8[%get3A_295, %get3A_296] {strides = array<i32>} : memref<32x256xf32, #tpu.memory_space<vmem>>, vector<16xf32>,
        %get3A_298 = arith.index_cast %add3A_270 : i32 to index
        %get3A_299 = arith.constant 144 : index
        %get3A_300 = tpu.vector_load %arg8[%get3A_298, %get3A_299] {strides = array<i32>} : memref<32x256xf32, #tpu.memory_space<vmem>>, vector<16xf32>,
        %get3A_301 = arith.index_cast %add3A_270 : i32 to index
        %get3A_302 = arith.constant 160 : index
        %get3A_303 = tpu.vector_load %arg8[%get3A_301, %get3A_302] {strides = array<i32>} : memref<32x256xf32, #tpu.memory_space<vmem>>, vector<16xf32>,
        %get3A_304 = arith.index_cast %add3A_270 : i32 to index
        %get3A_305 = arith.constant 176 : index
        %get3A_306 = tpu.vector_load %arg8[%get3A_304, %get3A_305] {strides = array<i32>} : memref<32x256xf32, #tpu.memory_space<vmem>>, vector<16xf32>,
        %get3A_307 = arith.index_cast %add3A_270 : i32 to index
        %get3A_308 = arith.constant 192 : index
        %get3A_309 = tpu.vector_load %arg8[%get3A_307, %get3A_308] {strides = array<i32>} : memref<32x256xf32, #tpu.memory_space<vmem>>, vector<16xf32>,
        %get3A_310 = arith.index_cast %add3A_270 : i32 to index
        %get3A_311 = arith.constant 208 : index
        %get3A_312 = tpu.vector_load %arg8[%get3A_310, %get3A_311] {strides = array<i32>} : memref<32x256xf32, #tpu.memory_space<vmem>>, vector<16xf32>,
        %get3A_313 = arith.index_cast %add3A_270 : i32 to index
        %get3A_314 = arith.constant 224 : index
        %get3A_315 = tpu.vector_load %arg8[%get3A_313, %get3A_314] {strides = array<i32>} : memref<32x256xf32, #tpu.memory_space<vmem>>, vector<16xf32>,
        %get3A_316 = arith.index_cast %add3A_270 : i32 to index
        %get3A_317 = arith.constant 240 : index
        %get3A_318 = tpu.vector_load %arg8[%get3A_316, %get3A_317] {strides = array<i32>} : memref<32x256xf32, #tpu.memory_space<vmem>>, vector<16xf32>,
        %add3A_319 = arith.addi %gather3A_266, %add3A_12 : vector<16xi32>
        tpu.vector_store_idx %arg9[%add3A_319], %get3A_273 {add = true} : memref<82176xf32, #tpu.memory_space<vmem>>[vector<16xi32>], vector<16xf32>,
        %add3A_320 = arith.addi %gather3A_266, %add3A_15 : vector<16xi32>
        tpu.vector_store_idx %arg9[%add3A_320], %get3A_276 {add = true} : memref<82176xf32, #tpu.memory_space<vmem>>[vector<16xi32>], vector<16xf32>,
        %add3A_321 = arith.addi %gather3A_266, %add3A_18 : vector<16xi32>
        tpu.vector_store_idx %arg9[%add3A_321], %get3A_279 {add = true} : memref<82176xf32, #tpu.memory_space<vmem>>[vector<16xi32>], vector<16xf32>,
        %add3A_322 = arith.addi %gather3A_266, %add3A_21 : vector<16xi32>
        tpu.vector_store_idx %arg9[%add3A_322], %get3A_282 {add = true} : memref<82176xf32, #tpu.memory_space<vmem>>[vector<16xi32>], vector<16xf32>,
        %add3A_323 = arith.addi %gather3A_266, %add3A_24 : vector<16xi32>
        tpu.vector_store_idx %arg9[%add3A_323], %get3A_285 {add = true} : memref<82176xf32, #tpu.memory_space<vmem>>[vector<16xi32>], vector<16xf32>,
        %add3A_324 = arith.addi %gather3A_266, %add3A_27 : vector<16xi32>
        tpu.vector_store_idx %arg9[%add3A_324], %get3A_288 {add = true} : memref<82176xf32, #tpu.memory_space<vmem>>[vector<16xi32>], vector<16xf32>,
        %add3A_325 = arith.addi %gather3A_266, %add3A_30 : vector<16xi32>
        tpu.vector_store_idx %arg9[%add3A_325], %get3A_291 {add = true} : memref<82176xf32, #tpu.memory_space<vmem>>[vector<16xi32>], vector<16xf32>,
        %add3A_326 = arith.addi %gather3A_266, %add3A_33 : vector<16xi32>
        tpu.vector_store_idx %arg9[%add3A_326], %get3A_294 {add = true} : memref<82176xf32, #tpu.memory_space<vmem>>[vector<16xi32>], vector<16xf32>,
        %add3A_327 = arith.addi %gather3A_266, %add3A_36 : vector<16xi32>
        tpu.vector_store_idx %arg9[%add3A_327], %get3A_297 {add = true} : memref<82176xf32, #tpu.memory_space<vmem>>[vector<16xi32>], vector<16xf32>,
        %add3A_328 = arith.addi %gather3A_266, %add3A_39 : vector<16xi32>
        tpu.vector_store_idx %arg9[%add3A_328], %get3A_300 {add = true} : memref<82176xf32, #tpu.memory_space<vmem>>[vector<16xi32>], vector<16xf32>,
        %add3A_329 = arith.addi %gather3A_266, %add3A_42 : vector<16xi32>
        tpu.vector_store_idx %arg9[%add3A_329], %get3A_303 {add = true} : memref<82176xf32, #tpu.memory_space<vmem>>[vector<16xi32>], vector<16xf32>,
        %add3A_330 = arith.addi %gather3A_266, %add3A_45 : vector<16xi32>
        tpu.vector_store_idx %arg9[%add3A_330], %get3A_306 {add = true} : memref<82176xf32, #tpu.memory_space<vmem>>[vector<16xi32>], vector<16xf32>,
        %add3A_331 = arith.addi %gather3A_266, %add3A_48 : vector<16xi32>
        tpu.vector_store_idx %arg9[%add3A_331], %get3A_309 {add = true} : memref<82176xf32, #tpu.memory_space<vmem>>[vector<16xi32>], vector<16xf32>,
        %add3A_332 = arith.addi %gather3A_266, %add3A_51 : vector<16xi32>
        tpu.vector_store_idx %arg9[%add3A_332], %get3A_312 {add = true} : memref<82176xf32, #tpu.memory_space<vmem>>[vector<16xi32>], vector<16xf32>,
        %add3A_333 = arith.addi %gather3A_266, %add3A_54 : vector<16xi32>
        tpu.vector_store_idx %arg9[%add3A_333], %get3A_315 {add = true} : memref<82176xf32, #tpu.memory_space<vmem>>[vector<16xi32>], vector<16xf32>,
        %add3A_334 = arith.addi %gather3A_266, %add3A_57 : vector<16xi32>
        tpu.vector_store_idx %arg9[%add3A_334], %get3A_318 {add = true} : memref<82176xf32, #tpu.memory_space<vmem>>[vector<16xi32>], vector<16xf32>,
        %broadcast_in_dim3A_335 = arith.constant 2 : i32
        %broadcast_in_dim3A_336 = vector.broadcast %broadcast_in_dim3A_335 : i32 to vector<16xi32>
        %lt3A_337 = arith.constant 0 : i32
        %lt3A_338 = vector.broadcast %lt3A_337 : i32 to vector<16xi32>
        %lt3A_339 = arith.cmpi slt, %broadcast_in_dim3A_336, %lt3A_338 : vector<16xi32>
        %add3A_340 = arith.constant 16 : i32
        %add3A_341 = vector.broadcast %add3A_340 : i32 to vector<16xi32>
        %add3A_342 = arith.addi %broadcast_in_dim3A_336, %add3A_341 : vector<16xi32>
        %select_n3A_343 = arith.select %lt3A_339, %add3A_342, %broadcast_in_dim3A_336 : vector<16xi1>, vector<16xi32>
        %broadcast_in_dim3A_344 = vector.shape_cast %select_n3A_343 : vector<16xi32> to vector<16x1xi32>
        %gather3A_345 = vector.shape_cast %broadcast_in_dim3A_344 : vector<16x1xi32> to vector<16xi32>
        %gather3A_346 = tpu.dynamic_gather %mul3A_175[%gather3A_345] in [0] : vector<16xi32>, vector<16xi32> -> vector<16xi32>
        %add3A_347 = arith.constant 0 : i32
        %add3A_348 = arith.addi %mul3A_169, %add3A_347 : i32
        %add3A_349 = arith.constant 2 : i32
        %add3A_350 = arith.addi %add3A_348, %add3A_349 : i32
        %get3A_351 = arith.index_cast %add3A_350 : i32 to index
        %get3A_352 = arith.constant 0 : index
        %get3A_353 = tpu.vector_load %arg8[%get3A_351, %get3A_352] {strides = array<i32>} : memref<32x256xf32, #tpu.memory_space<vmem>>, vector<16xf32>,
        %get3A_354 = arith.index_cast %add3A_350 : i32 to index
        %get3A_355 = arith.constant 16 : index
        %get3A_356 = tpu.vector_load %arg8[%get3A_354, %get3A_355] {strides = array<i32>} : memref<32x256xf32, #tpu.memory_space<vmem>>, vector<16xf32>,
        %get3A_357 = arith.index_cast %add3A_350 : i32 to index
        %get3A_358 = arith.constant 32 : index
        %get3A_359 = tpu.vector_load %arg8[%get3A_357, %get3A_358] {strides = array<i32>} : memref<32x256xf32, #tpu.memory_space<vmem>>, vector<16xf32>,
        %get3A_360 = arith.index_cast %add3A_350 : i32 to index
        %get3A_361 = arith.constant 48 : index
        %get3A_362 = tpu.vector_load %arg8[%get3A_360, %get3A_361] {strides = array<i32>} : memref<32x256xf32, #tpu.memory_space<vmem>>, vector<16xf32>,
        %get3A_363 = arith.index_cast %add3A_350 : i32 to index
        %get3A_364 = arith.constant 64 : index
        %get3A_365 = tpu.vector_load %arg8[%get3A_363, %get3A_364] {strides = array<i32>} : memref<32x256xf32, #tpu.memory_space<vmem>>, vector<16xf32>,
        %get3A_366 = arith.index_cast %add3A_350 : i32 to index
        %get3A_367 = arith.constant 80 : index
        %get3A_368 = tpu.vector_load %arg8[%get3A_366, %get3A_367] {strides = array<i32>} : memref<32x256xf32, #tpu.memory_space<vmem>>, vector<16xf32>,
        %get3A_369 = arith.index_cast %add3A_350 : i32 to index
        %get3A_370 = arith.constant 96 : index
        %get3A_371 = tpu.vector_load %arg8[%get3A_369, %get3A_370] {strides = array<i32>} : memref<32x256xf32, #tpu.memory_space<vmem>>, vector<16xf32>,
        %get3A_372 = arith.index_cast %add3A_350 : i32 to index
        %get3A_373 = arith.constant 112 : index
        %get3A_374 = tpu.vector_load %arg8[%get3A_372, %get3A_373] {strides = array<i32>} : memref<32x256xf32, #tpu.memory_space<vmem>>, vector<16xf32>,
        %get3A_375 = arith.index_cast %add3A_350 : i32 to index
        %get3A_376 = arith.constant 128 : index
        %get3A_377 = tpu.vector_load %arg8[%get3A_375, %get3A_376] {strides = array<i32>} : memref<32x256xf32, #tpu.memory_space<vmem>>, vector<16xf32>,
        %get3A_378 = arith.index_cast %add3A_350 : i32 to index
        %get3A_379 = arith.constant 144 : index
        %get3A_380 = tpu.vector_load %arg8[%get3A_378, %get3A_379] {strides = array<i32>} : memref<32x256xf32, #tpu.memory_space<vmem>>, vector<16xf32>,
        %get3A_381 = arith.index_cast %add3A_350 : i32 to index
        %get3A_382 = arith.constant 160 : index
        %get3A_383 = tpu.vector_load %arg8[%get3A_381, %get3A_382] {strides = array<i32>} : memref<32x256xf32, #tpu.memory_space<vmem>>, vector<16xf32>,
        %get3A_384 = arith.index_cast %add3A_350 : i32 to index
        %get3A_385 = arith.constant 176 : index
        %get3A_386 = tpu.vector_load %arg8[%get3A_384, %get3A_385] {strides = array<i32>} : memref<32x256xf32, #tpu.memory_space<vmem>>, vector<16xf32>,
        %get3A_387 = arith.index_cast %add3A_350 : i32 to index
        %get3A_388 = arith.constant 192 : index
        %get3A_389 = tpu.vector_load %arg8[%get3A_387, %get3A_388] {strides = array<i32>} : memref<32x256xf32, #tpu.memory_space<vmem>>, vector<16xf32>,
        %get3A_390 = arith.index_cast %add3A_350 : i32 to index
        %get3A_391 = arith.constant 208 : index
        %get3A_392 = tpu.vector_load %arg8[%get3A_390, %get3A_391] {strides = array<i32>} : memref<32x256xf32, #tpu.memory_space<vmem>>, vector<16xf32>,
        %get3A_393 = arith.index_cast %add3A_350 : i32 to index
        %get3A_394 = arith.constant 224 : index
        %get3A_395 = tpu.vector_load %arg8[%get3A_393, %get3A_394] {strides = array<i32>} : memref<32x256xf32, #tpu.memory_space<vmem>>, vector<16xf32>,
        %get3A_396 = arith.index_cast %add3A_350 : i32 to index
        %get3A_397 = arith.constant 240 : index
        %get3A_398 = tpu.vector_load %arg8[%get3A_396, %get3A_397] {strides = array<i32>} : memref<32x256xf32, #tpu.memory_space<vmem>>, vector<16xf32>,
        %add3A_399 = arith.addi %gather3A_346, %add3A_12 : vector<16xi32>
        tpu.vector_store_idx %arg9[%add3A_399], %get3A_353 {add = true} : memref<82176xf32, #tpu.memory_space<vmem>>[vector<16xi32>], vector<16xf32>,
        %add3A_400 = arith.addi %gather3A_346, %add3A_15 : vector<16xi32>
        tpu.vector_store_idx %arg9[%add3A_400], %get3A_356 {add = true} : memref<82176xf32, #tpu.memory_space<vmem>>[vector<16xi32>], vector<16xf32>,
        %add3A_401 = arith.addi %gather3A_346, %add3A_18 : vector<16xi32>
        tpu.vector_store_idx %arg9[%add3A_401], %get3A_359 {add = true} : memref<82176xf32, #tpu.memory_space<vmem>>[vector<16xi32>], vector<16xf32>,
        %add3A_402 = arith.addi %gather3A_346, %add3A_21 : vector<16xi32>
        tpu.vector_store_idx %arg9[%add3A_402], %get3A_362 {add = true} : memref<82176xf32, #tpu.memory_space<vmem>>[vector<16xi32>], vector<16xf32>,
        %add3A_403 = arith.addi %gather3A_346, %add3A_24 : vector<16xi32>
        tpu.vector_store_idx %arg9[%add3A_403], %get3A_365 {add = true} : memref<82176xf32, #tpu.memory_space<vmem>>[vector<16xi32>], vector<16xf32>,
        %add3A_404 = arith.addi %gather3A_346, %add3A_27 : vector<16xi32>
        tpu.vector_store_idx %arg9[%add3A_404], %get3A_368 {add = true} : memref<82176xf32, #tpu.memory_space<vmem>>[vector<16xi32>], vector<16xf32>,
        %add3A_405 = arith.addi %gather3A_346, %add3A_30 : vector<16xi32>
        tpu.vector_store_idx %arg9[%add3A_405], %get3A_371 {add = true} : memref<82176xf32, #tpu.memory_space<vmem>>[vector<16xi32>], vector<16xf32>,
        %add3A_406 = arith.addi %gather3A_346, %add3A_33 : vector<16xi32>
        tpu.vector_store_idx %arg9[%add3A_406], %get3A_374 {add = true} : memref<82176xf32, #tpu.memory_space<vmem>>[vector<16xi32>], vector<16xf32>,
        %add3A_407 = arith.addi %gather3A_346, %add3A_36 : vector<16xi32>
        tpu.vector_store_idx %arg9[%add3A_407], %get3A_377 {add = true} : memref<82176xf32, #tpu.memory_space<vmem>>[vector<16xi32>], vector<16xf32>,
        %add3A_408 = arith.addi %gather3A_346, %add3A_39 : vector<16xi32>
        tpu.vector_store_idx %arg9[%add3A_408], %get3A_380 {add = true} : memref<82176xf32, #tpu.memory_space<vmem>>[vector<16xi32>], vector<16xf32>,
        %add3A_409 = arith.addi %gather3A_346, %add3A_42 : vector<16xi32>
        tpu.vector_store_idx %arg9[%add3A_409], %get3A_383 {add = true} : memref<82176xf32, #tpu.memory_space<vmem>>[vector<16xi32>], vector<16xf32>,
        %add3A_410 = arith.addi %gather3A_346, %add3A_45 : vector<16xi32>
        tpu.vector_store_idx %arg9[%add3A_410], %get3A_386 {add = true} : memref<82176xf32, #tpu.memory_space<vmem>>[vector<16xi32>], vector<16xf32>,
        %add3A_411 = arith.addi %gather3A_346, %add3A_48 : vector<16xi32>
        tpu.vector_store_idx %arg9[%add3A_411], %get3A_389 {add = true} : memref<82176xf32, #tpu.memory_space<vmem>>[vector<16xi32>], vector<16xf32>,
        %add3A_412 = arith.addi %gather3A_346, %add3A_51 : vector<16xi32>
        tpu.vector_store_idx %arg9[%add3A_412], %get3A_392 {add = true} : memref<82176xf32, #tpu.memory_space<vmem>>[vector<16xi32>], vector<16xf32>,
        %add3A_413 = arith.addi %gather3A_346, %add3A_54 : vector<16xi32>
        tpu.vector_store_idx %arg9[%add3A_413], %get3A_395 {add = true} : memref<82176xf32, #tpu.memory_space<vmem>>[vector<16xi32>], vector<16xf32>,
        %add3A_414 = arith.addi %gather3A_346, %add3A_57 : vector<16xi32>
        tpu.vector_store_idx %arg9[%add3A_414], %get3A_398 {add = true} : memref<82176xf32, #tpu.memory_space<vmem>>[vector<16xi32>], vector<16xf32>,
        %broadcast_in_dim3A_415 = arith.constant 3 : i32
        %broadcast_in_dim3A_416 = vector.broadcast %broadcast_in_dim3A_415 : i32 to vector<16xi32>
        %lt3A_417 = arith.constant 0 : i32
        %lt3A_418 = vector.broadcast %lt3A_417 : i32 to vector<16xi32>
        %lt3A_419 = arith.cmpi slt, %broadcast_in_dim3A_416, %lt3A_418 : vector<16xi32>
        %add3A_420 = arith.constant 16 : i32
        %add3A_421 = vector.broadcast %add3A_420 : i32 to vector<16xi32>
        %add3A_422 = arith.addi %broadcast_in_dim3A_416, %add3A_421 : vector<16xi32>
        %select_n3A_423 = arith.select %lt3A_419, %add3A_422, %broadcast_in_dim3A_416 : vector<16xi1>, vector<16xi32>
        %broadcast_in_dim3A_424 = vector.shape_cast %select_n3A_423 : vector<16xi32> to vector<16x1xi32>
        %gather3A_425 = vector.shape_cast %broadcast_in_dim3A_424 : vector<16x1xi32> to vector<16xi32>
        %gather3A_426 = tpu.dynamic_gather %mul3A_175[%gather3A_425] in [0] : vector<16xi32>, vector<16xi32> -> vector<16xi32>
        %add3A_427 = arith.constant 0 : i32
        %add3A_428 = arith.addi %mul3A_169, %add3A_427 : i32
        %add3A_429 = arith.constant 3 : i32
        %add3A_430 = arith.addi %add3A_428, %add3A_429 : i32
        %get3A_431 = arith.index_cast %add3A_430 : i32 to index
        %get3A_432 = arith.constant 0 : index
        %get3A_433 = tpu.vector_load %arg8[%get3A_431, %get3A_432] {strides = array<i32>} : memref<32x256xf32, #tpu.memory_space<vmem>>, vector<16xf32>,
        %get3A_434 = arith.index_cast %add3A_430 : i32 to index
        %get3A_435 = arith.constant 16 : index
        %get3A_436 = tpu.vector_load %arg8[%get3A_434, %get3A_435] {strides = array<i32>} : memref<32x256xf32, #tpu.memory_space<vmem>>, vector<16xf32>,
        %get3A_437 = arith.index_cast %add3A_430 : i32 to index
        %get3A_438 = arith.constant 32 : index
        %get3A_439 = tpu.vector_load %arg8[%get3A_437, %get3A_438] {strides = array<i32>} : memref<32x256xf32, #tpu.memory_space<vmem>>, vector<16xf32>,
        %get3A_440 = arith.index_cast %add3A_430 : i32 to index
        %get3A_441 = arith.constant 48 : index
        %get3A_442 = tpu.vector_load %arg8[%get3A_440, %get3A_441] {strides = array<i32>} : memref<32x256xf32, #tpu.memory_space<vmem>>, vector<16xf32>,
        %get3A_443 = arith.index_cast %add3A_430 : i32 to index
        %get3A_444 = arith.constant 64 : index
        %get3A_445 = tpu.vector_load %arg8[%get3A_443, %get3A_444] {strides = array<i32>} : memref<32x256xf32, #tpu.memory_space<vmem>>, vector<16xf32>,
        %get3A_446 = arith.index_cast %add3A_430 : i32 to index
        %get3A_447 = arith.constant 80 : index
        %get3A_448 = tpu.vector_load %arg8[%get3A_446, %get3A_447] {strides = array<i32>} : memref<32x256xf32, #tpu.memory_space<vmem>>, vector<16xf32>,
        %get3A_449 = arith.index_cast %add3A_430 : i32 to index
        %get3A_450 = arith.constant 96 : index
        %get3A_451 = tpu.vector_load %arg8[%get3A_449, %get3A_450] {strides = array<i32>} : memref<32x256xf32, #tpu.memory_space<vmem>>, vector<16xf32>,
        %get3A_452 = arith.index_cast %add3A_430 : i32 to index
        %get3A_453 = arith.constant 112 : index
        %get3A_454 = tpu.vector_load %arg8[%get3A_452, %get3A_453] {strides = array<i32>} : memref<32x256xf32, #tpu.memory_space<vmem>>, vector<16xf32>,
        %get3A_455 = arith.index_cast %add3A_430 : i32 to index
        %get3A_456 = arith.constant 128 : index
        %get3A_457 = tpu.vector_load %arg8[%get3A_455, %get3A_456] {strides = array<i32>} : memref<32x256xf32, #tpu.memory_space<vmem>>, vector<16xf32>,
        %get3A_458 = arith.index_cast %add3A_430 : i32 to index
        %get3A_459 = arith.constant 144 : index
        %get3A_460 = tpu.vector_load %arg8[%get3A_458, %get3A_459] {strides = array<i32>} : memref<32x256xf32, #tpu.memory_space<vmem>>, vector<16xf32>,
        %get3A_461 = arith.index_cast %add3A_430 : i32 to index
        %get3A_462 = arith.constant 160 : index
        %get3A_463 = tpu.vector_load %arg8[%get3A_461, %get3A_462] {strides = array<i32>} : memref<32x256xf32, #tpu.memory_space<vmem>>, vector<16xf32>,
        %get3A_464 = arith.index_cast %add3A_430 : i32 to index
        %get3A_465 = arith.constant 176 : index
        %get3A_466 = tpu.vector_load %arg8[%get3A_464, %get3A_465] {strides = array<i32>} : memref<32x256xf32, #tpu.memory_space<vmem>>, vector<16xf32>,
        %get3A_467 = arith.index_cast %add3A_430 : i32 to index
        %get3A_468 = arith.constant 192 : index
        %get3A_469 = tpu.vector_load %arg8[%get3A_467, %get3A_468] {strides = array<i32>} : memref<32x256xf32, #tpu.memory_space<vmem>>, vector<16xf32>,
        %get3A_470 = arith.index_cast %add3A_430 : i32 to index
        %get3A_471 = arith.constant 208 : index
        %get3A_472 = tpu.vector_load %arg8[%get3A_470, %get3A_471] {strides = array<i32>} : memref<32x256xf32, #tpu.memory_space<vmem>>, vector<16xf32>,
        %get3A_473 = arith.index_cast %add3A_430 : i32 to index
        %get3A_474 = arith.constant 224 : index
        %get3A_475 = tpu.vector_load %arg8[%get3A_473, %get3A_474] {strides = array<i32>} : memref<32x256xf32, #tpu.memory_space<vmem>>, vector<16xf32>,
        %get3A_476 = arith.index_cast %add3A_430 : i32 to index
        %get3A_477 = arith.constant 240 : index
        %get3A_478 = tpu.vector_load %arg8[%get3A_476, %get3A_477] {strides = array<i32>} : memref<32x256xf32, #tpu.memory_space<vmem>>, vector<16xf32>,
        %add3A_479 = arith.addi %gather3A_426, %add3A_12 : vector<16xi32>
        tpu.vector_store_idx %arg9[%add3A_479], %get3A_433 {add = true} : memref<82176xf32, #tpu.memory_space<vmem>>[vector<16xi32>], vector<16xf32>,
        %add3A_480 = arith.addi %gather3A_426, %add3A_15 : vector<16xi32>
        tpu.vector_store_idx %arg9[%add3A_480], %get3A_436 {add = true} : memref<82176xf32, #tpu.memory_space<vmem>>[vector<16xi32>], vector<16xf32>,
        %add3A_481 = arith.addi %gather3A_426, %add3A_18 : vector<16xi32>
        tpu.vector_store_idx %arg9[%add3A_481], %get3A_439 {add = true} : memref<82176xf32, #tpu.memory_space<vmem>>[vector<16xi32>], vector<16xf32>,
        %add3A_482 = arith.addi %gather3A_426, %add3A_21 : vector<16xi32>
        tpu.vector_store_idx %arg9[%add3A_482], %get3A_442 {add = true} : memref<82176xf32, #tpu.memory_space<vmem>>[vector<16xi32>], vector<16xf32>,
        %add3A_483 = arith.addi %gather3A_426, %add3A_24 : vector<16xi32>
        tpu.vector_store_idx %arg9[%add3A_483], %get3A_445 {add = true} : memref<82176xf32, #tpu.memory_space<vmem>>[vector<16xi32>], vector<16xf32>,
        %add3A_484 = arith.addi %gather3A_426, %add3A_27 : vector<16xi32>
        tpu.vector_store_idx %arg9[%add3A_484], %get3A_448 {add = true} : memref<82176xf32, #tpu.memory_space<vmem>>[vector<16xi32>], vector<16xf32>,
        %add3A_485 = arith.addi %gather3A_426, %add3A_30 : vector<16xi32>
        tpu.vector_store_idx %arg9[%add3A_485], %get3A_451 {add = true} : memref<82176xf32, #tpu.memory_space<vmem>>[vector<16xi32>], vector<16xf32>,
        %add3A_486 = arith.addi %gather3A_426, %add3A_33 : vector<16xi32>
        tpu.vector_store_idx %arg9[%add3A_486], %get3A_454 {add = true} : memref<82176xf32, #tpu.memory_space<vmem>>[vector<16xi32>], vector<16xf32>,
        %add3A_487 = arith.addi %gather3A_426, %add3A_36 : vector<16xi32>
        tpu.vector_store_idx %arg9[%add3A_487], %get3A_457 {add = true} : memref<82176xf32, #tpu.memory_space<vmem>>[vector<16xi32>], vector<16xf32>,
        %add3A_488 = arith.addi %gather3A_426, %add3A_39 : vector<16xi32>
        tpu.vector_store_idx %arg9[%add3A_488], %get3A_460 {add = true} : memref<82176xf32, #tpu.memory_space<vmem>>[vector<16xi32>], vector<16xf32>,
        %add3A_489 = arith.addi %gather3A_426, %add3A_42 : vector<16xi32>
        tpu.vector_store_idx %arg9[%add3A_489], %get3A_463 {add = true} : memref<82176xf32, #tpu.memory_space<vmem>>[vector<16xi32>], vector<16xf32>,
        %add3A_490 = arith.addi %gather3A_426, %add3A_45 : vector<16xi32>
        tpu.vector_store_idx %arg9[%add3A_490], %get3A_466 {add = true} : memref<82176xf32, #tpu.memory_space<vmem>>[vector<16xi32>], vector<16xf32>,
        %add3A_491 = arith.addi %gather3A_426, %add3A_48 : vector<16xi32>
        tpu.vector_store_idx %arg9[%add3A_491], %get3A_469 {add = true} : memref<82176xf32, #tpu.memory_space<vmem>>[vector<16xi32>], vector<16xf32>,
        %add3A_492 = arith.addi %gather3A_426, %add3A_51 : vector<16xi32>
        tpu.vector_store_idx %arg9[%add3A_492], %get3A_472 {add = true} : memref<82176xf32, #tpu.memory_space<vmem>>[vector<16xi32>], vector<16xf32>,
        %add3A_493 = arith.addi %gather3A_426, %add3A_54 : vector<16xi32>
        tpu.vector_store_idx %arg9[%add3A_493], %get3A_475 {add = true} : memref<82176xf32, #tpu.memory_space<vmem>>[vector<16xi32>], vector<16xf32>,
        %add3A_494 = arith.addi %gather3A_426, %add3A_57 : vector<16xi32>
        tpu.vector_store_idx %arg9[%add3A_494], %get3A_478 {add = true} : memref<82176xf32, #tpu.memory_space<vmem>>[vector<16xi32>], vector<16xf32>,
        %broadcast_in_dim3A_495 = arith.constant 4 : i32
        %broadcast_in_dim3A_496 = vector.broadcast %broadcast_in_dim3A_495 : i32 to vector<16xi32>
        %lt3A_497 = arith.constant 0 : i32
        %lt3A_498 = vector.broadcast %lt3A_497 : i32 to vector<16xi32>
        %lt3A_499 = arith.cmpi slt, %broadcast_in_dim3A_496, %lt3A_498 : vector<16xi32>
        %add3A_500 = arith.constant 16 : i32
        %add3A_501 = vector.broadcast %add3A_500 : i32 to vector<16xi32>
        %add3A_502 = arith.addi %broadcast_in_dim3A_496, %add3A_501 : vector<16xi32>
        %select_n3A_503 = arith.select %lt3A_499, %add3A_502, %broadcast_in_dim3A_496 : vector<16xi1>, vector<16xi32>
        %broadcast_in_dim3A_504 = vector.shape_cast %select_n3A_503 : vector<16xi32> to vector<16x1xi32>
        %gather3A_505 = vector.shape_cast %broadcast_in_dim3A_504 : vector<16x1xi32> to vector<16xi32>
        %gather3A_506 = tpu.dynamic_gather %mul3A_175[%gather3A_505] in [0] : vector<16xi32>, vector<16xi32> -> vector<16xi32>
        %add3A_507 = arith.constant 0 : i32
        %add3A_508 = arith.addi %mul3A_169, %add3A_507 : i32
        %add3A_509 = arith.constant 4 : i32
        %add3A_510 = arith.addi %add3A_508, %add3A_509 : i32
        %get3A_511 = arith.index_cast %add3A_510 : i32 to index
        %get3A_512 = arith.constant 0 : index
        %get3A_513 = tpu.vector_load %arg8[%get3A_511, %get3A_512] {strides = array<i32>} : memref<32x256xf32, #tpu.memory_space<vmem>>, vector<16xf32>,
        %get3A_514 = arith.index_cast %add3A_510 : i32 to index
        %get3A_515 = arith.constant 16 : index
        %get3A_516 = tpu.vector_load %arg8[%get3A_514, %get3A_515] {strides = array<i32>} : memref<32x256xf32, #tpu.memory_space<vmem>>, vector<16xf32>,
        %get3A_517 = arith.index_cast %add3A_510 : i32 to index
        %get3A_518 = arith.constant 32 : index
        %get3A_519 = tpu.vector_load %arg8[%get3A_517, %get3A_518] {strides = array<i32>} : memref<32x256xf32, #tpu.memory_space<vmem>>, vector<16xf32>,
        %get3A_520 = arith.index_cast %add3A_510 : i32 to index
        %get3A_521 = arith.constant 48 : index
        %get3A_522 = tpu.vector_load %arg8[%get3A_520, %get3A_521] {strides = array<i32>} : memref<32x256xf32, #tpu.memory_space<vmem>>, vector<16xf32>,
        %get3A_523 = arith.index_cast %add3A_510 : i32 to index
        %get3A_524 = arith.constant 64 : index
        %get3A_525 = tpu.vector_load %arg8[%get3A_523, %get3A_524] {strides = array<i32>} : memref<32x256xf32, #tpu.memory_space<vmem>>, vector<16xf32>,
        %get3A_526 = arith.index_cast %add3A_510 : i32 to index
        %get3A_527 = arith.constant 80 : index
        %get3A_528 = tpu.vector_load %arg8[%get3A_526, %get3A_527] {strides = array<i32>} : memref<32x256xf32, #tpu.memory_space<vmem>>, vector<16xf32>,
        %get3A_529 = arith.index_cast %add3A_510 : i32 to index
        %get3A_530 = arith.constant 96 : index
        %get3A_531 = tpu.vector_load %arg8[%get3A_529, %get3A_530] {strides = array<i32>} : memref<32x256xf32, #tpu.memory_space<vmem>>, vector<16xf32>,
        %get3A_532 = arith.index_cast %add3A_510 : i32 to index
        %get3A_533 = arith.constant 112 : index
        %get3A_534 = tpu.vector_load %arg8[%get3A_532, %get3A_533] {strides = array<i32>} : memref<32x256xf32, #tpu.memory_space<vmem>>, vector<16xf32>,
        %get3A_535 = arith.index_cast %add3A_510 : i32 to index
        %get3A_536 = arith.constant 128 : index
        %get3A_537 = tpu.vector_load %arg8[%get3A_535, %get3A_536] {strides = array<i32>} : memref<32x256xf32, #tpu.memory_space<vmem>>, vector<16xf32>,
        %get3A_538 = arith.index_cast %add3A_510 : i32 to index
        %get3A_539 = arith.constant 144 : index
        %get3A_540 = tpu.vector_load %arg8[%get3A_538, %get3A_539] {strides = array<i32>} : memref<32x256xf32, #tpu.memory_space<vmem>>, vector<16xf32>,
        %get3A_541 = arith.index_cast %add3A_510 : i32 to index
        %get3A_542 = arith.constant 160 : index
        %get3A_543 = tpu.vector_load %arg8[%get3A_541, %get3A_542] {strides = array<i32>} : memref<32x256xf32, #tpu.memory_space<vmem>>, vector<16xf32>,
        %get3A_544 = arith.index_cast %add3A_510 : i32 to index
        %get3A_545 = arith.constant 176 : index
        %get3A_546 = tpu.vector_load %arg8[%get3A_544, %get3A_545] {strides = array<i32>} : memref<32x256xf32, #tpu.memory_space<vmem>>, vector<16xf32>,
        %get3A_547 = arith.index_cast %add3A_510 : i32 to index
        %get3A_548 = arith.constant 192 : index
        %get3A_549 = tpu.vector_load %arg8[%get3A_547, %get3A_548] {strides = array<i32>} : memref<32x256xf32, #tpu.memory_space<vmem>>, vector<16xf32>,
        %get3A_550 = arith.index_cast %add3A_510 : i32 to index
        %get3A_551 = arith.constant 208 : index
        %get3A_552 = tpu.vector_load %arg8[%get3A_550, %get3A_551] {strides = array<i32>} : memref<32x256xf32, #tpu.memory_space<vmem>>, vector<16xf32>,
        %get3A_553 = arith.index_cast %add3A_510 : i32 to index
        %get3A_554 = arith.constant 224 : index
        %get3A_555 = tpu.vector_load %arg8[%get3A_553, %get3A_554] {strides = array<i32>} : memref<32x256xf32, #tpu.memory_space<vmem>>, vector<16xf32>,
        %get3A_556 = arith.index_cast %add3A_510 : i32 to index
        %get3A_557 = arith.constant 240 : index
        %get3A_558 = tpu.vector_load %arg8[%get3A_556, %get3A_557] {strides = array<i32>} : memref<32x256xf32, #tpu.memory_space<vmem>>, vector<16xf32>,
        %add3A_559 = arith.addi %gather3A_506, %add3A_12 : vector<16xi32>
        tpu.vector_store_idx %arg9[%add3A_559], %get3A_513 {add = true} : memref<82176xf32, #tpu.memory_space<vmem>>[vector<16xi32>], vector<16xf32>,
        %add3A_560 = arith.addi %gather3A_506, %add3A_15 : vector<16xi32>
        tpu.vector_store_idx %arg9[%add3A_560], %get3A_516 {add = true} : memref<82176xf32, #tpu.memory_space<vmem>>[vector<16xi32>], vector<16xf32>,
        %add3A_561 = arith.addi %gather3A_506, %add3A_18 : vector<16xi32>
        tpu.vector_store_idx %arg9[%add3A_561], %get3A_519 {add = true} : memref<82176xf32, #tpu.memory_space<vmem>>[vector<16xi32>], vector<16xf32>,
        %add3A_562 = arith.addi %gather3A_506, %add3A_21 : vector<16xi32>
        tpu.vector_store_idx %arg9[%add3A_562], %get3A_522 {add = true} : memref<82176xf32, #tpu.memory_space<vmem>>[vector<16xi32>], vector<16xf32>,
        %add3A_563 = arith.addi %gather3A_506, %add3A_24 : vector<16xi32>
        tpu.vector_store_idx %arg9[%add3A_563], %get3A_525 {add = true} : memref<82176xf32, #tpu.memory_space<vmem>>[vector<16xi32>], vector<16xf32>,
        %add3A_564 = arith.addi %gather3A_506, %add3A_27 : vector<16xi32>
        tpu.vector_store_idx %arg9[%add3A_564], %get3A_528 {add = true} : memref<82176xf32, #tpu.memory_space<vmem>>[vector<16xi32>], vector<16xf32>,
        %add3A_565 = arith.addi %gather3A_506, %add3A_30 : vector<16xi32>
        tpu.vector_store_idx %arg9[%add3A_565], %get3A_531 {add = true} : memref<82176xf32, #tpu.memory_space<vmem>>[vector<16xi32>], vector<16xf32>,
        %add3A_566 = arith.addi %gather3A_506, %add3A_33 : vector<16xi32>
        tpu.vector_store_idx %arg9[%add3A_566], %get3A_534 {add = true} : memref<82176xf32, #tpu.memory_space<vmem>>[vector<16xi32>], vector<16xf32>,
        %add3A_567 = arith.addi %gather3A_506, %add3A_36 : vector<16xi32>
        tpu.vector_store_idx %arg9[%add3A_567], %get3A_537 {add = true} : memref<82176xf32, #tpu.memory_space<vmem>>[vector<16xi32>], vector<16xf32>,
        %add3A_568 = arith.addi %gather3A_506, %add3A_39 : vector<16xi32>
        tpu.vector_store_idx %arg9[%add3A_568], %get3A_540 {add = true} : memref<82176xf32, #tpu.memory_space<vmem>>[vector<16xi32>], vector<16xf32>,
        %add3A_569 = arith.addi %gather3A_506, %add3A_42 : vector<16xi32>
        tpu.vector_store_idx %arg9[%add3A_569], %get3A_543 {add = true} : memref<82176xf32, #tpu.memory_space<vmem>>[vector<16xi32>], vector<16xf32>,
        %add3A_570 = arith.addi %gather3A_506, %add3A_45 : vector<16xi32>
        tpu.vector_store_idx %arg9[%add3A_570], %get3A_546 {add = true} : memref<82176xf32, #tpu.memory_space<vmem>>[vector<16xi32>], vector<16xf32>,
        %add3A_571 = arith.addi %gather3A_506, %add3A_48 : vector<16xi32>
        tpu.vector_store_idx %arg9[%add3A_571], %get3A_549 {add = true} : memref<82176xf32, #tpu.memory_space<vmem>>[vector<16xi32>], vector<16xf32>,
        %add3A_572 = arith.addi %gather3A_506, %add3A_51 : vector<16xi32>
        tpu.vector_store_idx %arg9[%add3A_572], %get3A_552 {add = true} : memref<82176xf32, #tpu.memory_space<vmem>>[vector<16xi32>], vector<16xf32>,
        %add3A_573 = arith.addi %gather3A_506, %add3A_54 : vector<16xi32>
        tpu.vector_store_idx %arg9[%add3A_573], %get3A_555 {add = true} : memref<82176xf32, #tpu.memory_space<vmem>>[vector<16xi32>], vector<16xf32>,
        %add3A_574 = arith.addi %gather3A_506, %add3A_57 : vector<16xi32>
        tpu.vector_store_idx %arg9[%add3A_574], %get3A_558 {add = true} : memref<82176xf32, #tpu.memory_space<vmem>>[vector<16xi32>], vector<16xf32>,
        %broadcast_in_dim3A_575 = arith.constant 5 : i32
        %broadcast_in_dim3A_576 = vector.broadcast %broadcast_in_dim3A_575 : i32 to vector<16xi32>
        %lt3A_577 = arith.constant 0 : i32
        %lt3A_578 = vector.broadcast %lt3A_577 : i32 to vector<16xi32>
        %lt3A_579 = arith.cmpi slt, %broadcast_in_dim3A_576, %lt3A_578 : vector<16xi32>
        %add3A_580 = arith.constant 16 : i32
        %add3A_581 = vector.broadcast %add3A_580 : i32 to vector<16xi32>
        %add3A_582 = arith.addi %broadcast_in_dim3A_576, %add3A_581 : vector<16xi32>
        %select_n3A_583 = arith.select %lt3A_579, %add3A_582, %broadcast_in_dim3A_576 : vector<16xi1>, vector<16xi32>
        %broadcast_in_dim3A_584 = vector.shape_cast %select_n3A_583 : vector<16xi32> to vector<16x1xi32>
        %gather3A_585 = vector.shape_cast %broadcast_in_dim3A_584 : vector<16x1xi32> to vector<16xi32>
        %gather3A_586 = tpu.dynamic_gather %mul3A_175[%gather3A_585] in [0] : vector<16xi32>, vector<16xi32> -> vector<16xi32>
        %add3A_587 = arith.constant 0 : i32
        %add3A_588 = arith.addi %mul3A_169, %add3A_587 : i32
        %add3A_589 = arith.constant 5 : i32
        %add3A_590 = arith.addi %add3A_588, %add3A_589 : i32
        %get3A_591 = arith.index_cast %add3A_590 : i32 to index
        %get3A_592 = arith.constant 0 : index
        %get3A_593 = tpu.vector_load %arg8[%get3A_591, %get3A_592] {strides = array<i32>} : memref<32x256xf32, #tpu.memory_space<vmem>>, vector<16xf32>,
        %get3A_594 = arith.index_cast %add3A_590 : i32 to index
        %get3A_595 = arith.constant 16 : index
        %get3A_596 = tpu.vector_load %arg8[%get3A_594, %get3A_595] {strides = array<i32>} : memref<32x256xf32, #tpu.memory_space<vmem>>, vector<16xf32>,
        %get3A_597 = arith.index_cast %add3A_590 : i32 to index
        %get3A_598 = arith.constant 32 : index
        %get3A_599 = tpu.vector_load %arg8[%get3A_597, %get3A_598] {strides = array<i32>} : memref<32x256xf32, #tpu.memory_space<vmem>>, vector<16xf32>,
        %get3A_600 = arith.index_cast %add3A_590 : i32 to index
        %get3A_601 = arith.constant 48 : index
        %get3A_602 = tpu.vector_load %arg8[%get3A_600, %get3A_601] {strides = array<i32>} : memref<32x256xf32, #tpu.memory_space<vmem>>, vector<16xf32>,
        %get3A_603 = arith.index_cast %add3A_590 : i32 to index
        %get3A_604 = arith.constant 64 : index
        %get3A_605 = tpu.vector_load %arg8[%get3A_603, %get3A_604] {strides = array<i32>} : memref<32x256xf32, #tpu.memory_space<vmem>>, vector<16xf32>,
        %get3A_606 = arith.index_cast %add3A_590 : i32 to index
        %get3A_607 = arith.constant 80 : index
        %get3A_608 = tpu.vector_load %arg8[%get3A_606, %get3A_607] {strides = array<i32>} : memref<32x256xf32, #tpu.memory_space<vmem>>, vector<16xf32>,
        %get3A_609 = arith.index_cast %add3A_590 : i32 to index
        %get3A_610 = arith.constant 96 : index
        %get3A_611 = tpu.vector_load %arg8[%get3A_609, %get3A_610] {strides = array<i32>} : memref<32x256xf32, #tpu.memory_space<vmem>>, vector<16xf32>,
        %get3A_612 = arith.index_cast %add3A_590 : i32 to index
        %get3A_613 = arith.constant 112 : index
        %get3A_614 = tpu.vector_load %arg8[%get3A_612, %get3A_613] {strides = array<i32>} : memref<32x256xf32, #tpu.memory_space<vmem>>, vector<16xf32>,
        %get3A_615 = arith.index_cast %add3A_590 : i32 to index
        %get3A_616 = arith.constant 128 : index
        %get3A_617 = tpu.vector_load %arg8[%get3A_615, %get3A_616] {strides = array<i32>} : memref<32x256xf32, #tpu.memory_space<vmem>>, vector<16xf32>,
        %get3A_618 = arith.index_cast %add3A_590 : i32 to index
        %get3A_619 = arith.constant 144 : index
        %get3A_620 = tpu.vector_load %arg8[%get3A_618, %get3A_619] {strides = array<i32>} : memref<32x256xf32, #tpu.memory_space<vmem>>, vector<16xf32>,
        %get3A_621 = arith.index_cast %add3A_590 : i32 to index
        %get3A_622 = arith.constant 160 : index
        %get3A_623 = tpu.vector_load %arg8[%get3A_621, %get3A_622] {strides = array<i32>} : memref<32x256xf32, #tpu.memory_space<vmem>>, vector<16xf32>,
        %get3A_624 = arith.index_cast %add3A_590 : i32 to index
        %get3A_625 = arith.constant 176 : index
        %get3A_626 = tpu.vector_load %arg8[%get3A_624, %get3A_625] {strides = array<i32>} : memref<32x256xf32, #tpu.memory_space<vmem>>, vector<16xf32>,
        %get3A_627 = arith.index_cast %add3A_590 : i32 to index
        %get3A_628 = arith.constant 192 : index
        %get3A_629 = tpu.vector_load %arg8[%get3A_627, %get3A_628] {strides = array<i32>} : memref<32x256xf32, #tpu.memory_space<vmem>>, vector<16xf32>,
        %get3A_630 = arith.index_cast %add3A_590 : i32 to index
        %get3A_631 = arith.constant 208 : index
        %get3A_632 = tpu.vector_load %arg8[%get3A_630, %get3A_631] {strides = array<i32>} : memref<32x256xf32, #tpu.memory_space<vmem>>, vector<16xf32>,
        %get3A_633 = arith.index_cast %add3A_590 : i32 to index
        %get3A_634 = arith.constant 224 : index
        %get3A_635 = tpu.vector_load %arg8[%get3A_633, %get3A_634] {strides = array<i32>} : memref<32x256xf32, #tpu.memory_space<vmem>>, vector<16xf32>,
        %get3A_636 = arith.index_cast %add3A_590 : i32 to index
        %get3A_637 = arith.constant 240 : index
        %get3A_638 = tpu.vector_load %arg8[%get3A_636, %get3A_637] {strides = array<i32>} : memref<32x256xf32, #tpu.memory_space<vmem>>, vector<16xf32>,
        %add3A_639 = arith.addi %gather3A_586, %add3A_12 : vector<16xi32>
        tpu.vector_store_idx %arg9[%add3A_639], %get3A_593 {add = true} : memref<82176xf32, #tpu.memory_space<vmem>>[vector<16xi32>], vector<16xf32>,
        %add3A_640 = arith.addi %gather3A_586, %add3A_15 : vector<16xi32>
        tpu.vector_store_idx %arg9[%add3A_640], %get3A_596 {add = true} : memref<82176xf32, #tpu.memory_space<vmem>>[vector<16xi32>], vector<16xf32>,
        %add3A_641 = arith.addi %gather3A_586, %add3A_18 : vector<16xi32>
        tpu.vector_store_idx %arg9[%add3A_641], %get3A_599 {add = true} : memref<82176xf32, #tpu.memory_space<vmem>>[vector<16xi32>], vector<16xf32>,
        %add3A_642 = arith.addi %gather3A_586, %add3A_21 : vector<16xi32>
        tpu.vector_store_idx %arg9[%add3A_642], %get3A_602 {add = true} : memref<82176xf32, #tpu.memory_space<vmem>>[vector<16xi32>], vector<16xf32>,
        %add3A_643 = arith.addi %gather3A_586, %add3A_24 : vector<16xi32>
        tpu.vector_store_idx %arg9[%add3A_643], %get3A_605 {add = true} : memref<82176xf32, #tpu.memory_space<vmem>>[vector<16xi32>], vector<16xf32>,
        %add3A_644 = arith.addi %gather3A_586, %add3A_27 : vector<16xi32>
        tpu.vector_store_idx %arg9[%add3A_644], %get3A_608 {add = true} : memref<82176xf32, #tpu.memory_space<vmem>>[vector<16xi32>], vector<16xf32>,
        %add3A_645 = arith.addi %gather3A_586, %add3A_30 : vector<16xi32>
        tpu.vector_store_idx %arg9[%add3A_645], %get3A_611 {add = true} : memref<82176xf32, #tpu.memory_space<vmem>>[vector<16xi32>], vector<16xf32>,
        %add3A_646 = arith.addi %gather3A_586, %add3A_33 : vector<16xi32>
        tpu.vector_store_idx %arg9[%add3A_646], %get3A_614 {add = true} : memref<82176xf32, #tpu.memory_space<vmem>>[vector<16xi32>], vector<16xf32>,
        %add3A_647 = arith.addi %gather3A_586, %add3A_36 : vector<16xi32>
        tpu.vector_store_idx %arg9[%add3A_647], %get3A_617 {add = true} : memref<82176xf32, #tpu.memory_space<vmem>>[vector<16xi32>], vector<16xf32>,
        %add3A_648 = arith.addi %gather3A_586, %add3A_39 : vector<16xi32>
        tpu.vector_store_idx %arg9[%add3A_648], %get3A_620 {add = true} : memref<82176xf32, #tpu.memory_space<vmem>>[vector<16xi32>], vector<16xf32>,
        %add3A_649 = arith.addi %gather3A_586, %add3A_42 : vector<16xi32>
        tpu.vector_store_idx %arg9[%add3A_649], %get3A_623 {add = true} : memref<82176xf32, #tpu.memory_space<vmem>>[vector<16xi32>], vector<16xf32>,
        %add3A_650 = arith.addi %gather3A_586, %add3A_45 : vector<16xi32>
        tpu.vector_store_idx %arg9[%add3A_650], %get3A_626 {add = true} : memref<82176xf32, #tpu.memory_space<vmem>>[vector<16xi32>], vector<16xf32>,
        %add3A_651 = arith.addi %gather3A_586, %add3A_48 : vector<16xi32>
        tpu.vector_store_idx %arg9[%add3A_651], %get3A_629 {add = true} : memref<82176xf32, #tpu.memory_space<vmem>>[vector<16xi32>], vector<16xf32>,
        %add3A_652 = arith.addi %gather3A_586, %add3A_51 : vector<16xi32>
        tpu.vector_store_idx %arg9[%add3A_652], %get3A_632 {add = true} : memref<82176xf32, #tpu.memory_space<vmem>>[vector<16xi32>], vector<16xf32>,
        %add3A_653 = arith.addi %gather3A_586, %add3A_54 : vector<16xi32>
        tpu.vector_store_idx %arg9[%add3A_653], %get3A_635 {add = true} : memref<82176xf32, #tpu.memory_space<vmem>>[vector<16xi32>], vector<16xf32>,
        %add3A_654 = arith.addi %gather3A_586, %add3A_57 : vector<16xi32>
        tpu.vector_store_idx %arg9[%add3A_654], %get3A_638 {add = true} : memref<82176xf32, #tpu.memory_space<vmem>>[vector<16xi32>], vector<16xf32>,
        %broadcast_in_dim3A_655 = arith.constant 6 : i32
        %broadcast_in_dim3A_656 = vector.broadcast %broadcast_in_dim3A_655 : i32 to vector<16xi32>
        %lt3A_657 = arith.constant 0 : i32
        %lt3A_658 = vector.broadcast %lt3A_657 : i32 to vector<16xi32>
        %lt3A_659 = arith.cmpi slt, %broadcast_in_dim3A_656, %lt3A_658 : vector<16xi32>
        %add3A_660 = arith.constant 16 : i32
        %add3A_661 = vector.broadcast %add3A_660 : i32 to vector<16xi32>
        %add3A_662 = arith.addi %broadcast_in_dim3A_656, %add3A_661 : vector<16xi32>
        %select_n3A_663 = arith.select %lt3A_659, %add3A_662, %broadcast_in_dim3A_656 : vector<16xi1>, vector<16xi32>
        %broadcast_in_dim3A_664 = vector.shape_cast %select_n3A_663 : vector<16xi32> to vector<16x1xi32>
        %gather3A_665 = vector.shape_cast %broadcast_in_dim3A_664 : vector<16x1xi32> to vector<16xi32>
        %gather3A_666 = tpu.dynamic_gather %mul3A_175[%gather3A_665] in [0] : vector<16xi32>, vector<16xi32> -> vector<16xi32>
        %add3A_667 = arith.constant 0 : i32
        %add3A_668 = arith.addi %mul3A_169, %add3A_667 : i32
        %add3A_669 = arith.constant 6 : i32
        %add3A_670 = arith.addi %add3A_668, %add3A_669 : i32
        %get3A_671 = arith.index_cast %add3A_670 : i32 to index
        %get3A_672 = arith.constant 0 : index
        %get3A_673 = tpu.vector_load %arg8[%get3A_671, %get3A_672] {strides = array<i32>} : memref<32x256xf32, #tpu.memory_space<vmem>>, vector<16xf32>,
        %get3A_674 = arith.index_cast %add3A_670 : i32 to index
        %get3A_675 = arith.constant 16 : index
        %get3A_676 = tpu.vector_load %arg8[%get3A_674, %get3A_675] {strides = array<i32>} : memref<32x256xf32, #tpu.memory_space<vmem>>, vector<16xf32>,
        %get3A_677 = arith.index_cast %add3A_670 : i32 to index
        %get3A_678 = arith.constant 32 : index
        %get3A_679 = tpu.vector_load %arg8[%get3A_677, %get3A_678] {strides = array<i32>} : memref<32x256xf32, #tpu.memory_space<vmem>>, vector<16xf32>,
        %get3A_680 = arith.index_cast %add3A_670 : i32 to index
        %get3A_681 = arith.constant 48 : index
        %get3A_682 = tpu.vector_load %arg8[%get3A_680, %get3A_681] {strides = array<i32>} : memref<32x256xf32, #tpu.memory_space<vmem>>, vector<16xf32>,
        %get3A_683 = arith.index_cast %add3A_670 : i32 to index
        %get3A_684 = arith.constant 64 : index
        %get3A_685 = tpu.vector_load %arg8[%get3A_683, %get3A_684] {strides = array<i32>} : memref<32x256xf32, #tpu.memory_space<vmem>>, vector<16xf32>,
        %get3A_686 = arith.index_cast %add3A_670 : i32 to index
        %get3A_687 = arith.constant 80 : index
        %get3A_688 = tpu.vector_load %arg8[%get3A_686, %get3A_687] {strides = array<i32>} : memref<32x256xf32, #tpu.memory_space<vmem>>, vector<16xf32>,
        %get3A_689 = arith.index_cast %add3A_670 : i32 to index
        %get3A_690 = arith.constant 96 : index
        %get3A_691 = tpu.vector_load %arg8[%get3A_689, %get3A_690] {strides = array<i32>} : memref<32x256xf32, #tpu.memory_space<vmem>>, vector<16xf32>,
        %get3A_692 = arith.index_cast %add3A_670 : i32 to index
        %get3A_693 = arith.constant 112 : index
        %get3A_694 = tpu.vector_load %arg8[%get3A_692, %get3A_693] {strides = array<i32>} : memref<32x256xf32, #tpu.memory_space<vmem>>, vector<16xf32>,
        %get3A_695 = arith.index_cast %add3A_670 : i32 to index
        %get3A_696 = arith.constant 128 : index
        %get3A_697 = tpu.vector_load %arg8[%get3A_695, %get3A_696] {strides = array<i32>} : memref<32x256xf32, #tpu.memory_space<vmem>>, vector<16xf32>,
        %get3A_698 = arith.index_cast %add3A_670 : i32 to index
        %get3A_699 = arith.constant 144 : index
        %get3A_700 = tpu.vector_load %arg8[%get3A_698, %get3A_699] {strides = array<i32>} : memref<32x256xf32, #tpu.memory_space<vmem>>, vector<16xf32>,
        %get3A_701 = arith.index_cast %add3A_670 : i32 to index
        %get3A_702 = arith.constant 160 : index
        %get3A_703 = tpu.vector_load %arg8[%get3A_701, %get3A_702] {strides = array<i32>} : memref<32x256xf32, #tpu.memory_space<vmem>>, vector<16xf32>,
        %get3A_704 = arith.index_cast %add3A_670 : i32 to index
        %get3A_705 = arith.constant 176 : index
        %get3A_706 = tpu.vector_load %arg8[%get3A_704, %get3A_705] {strides = array<i32>} : memref<32x256xf32, #tpu.memory_space<vmem>>, vector<16xf32>,
        %get3A_707 = arith.index_cast %add3A_670 : i32 to index
        %get3A_708 = arith.constant 192 : index
        %get3A_709 = tpu.vector_load %arg8[%get3A_707, %get3A_708] {strides = array<i32>} : memref<32x256xf32, #tpu.memory_space<vmem>>, vector<16xf32>,
        %get3A_710 = arith.index_cast %add3A_670 : i32 to index
        %get3A_711 = arith.constant 208 : index
        %get3A_712 = tpu.vector_load %arg8[%get3A_710, %get3A_711] {strides = array<i32>} : memref<32x256xf32, #tpu.memory_space<vmem>>, vector<16xf32>,
        %get3A_713 = arith.index_cast %add3A_670 : i32 to index
        %get3A_714 = arith.constant 224 : index
        %get3A_715 = tpu.vector_load %arg8[%get3A_713, %get3A_714] {strides = array<i32>} : memref<32x256xf32, #tpu.memory_space<vmem>>, vector<16xf32>,
        %get3A_716 = arith.index_cast %add3A_670 : i32 to index
        %get3A_717 = arith.constant 240 : index
        %get3A_718 = tpu.vector_load %arg8[%get3A_716, %get3A_717] {strides = array<i32>} : memref<32x256xf32, #tpu.memory_space<vmem>>, vector<16xf32>,
        %add3A_719 = arith.addi %gather3A_666, %add3A_12 : vector<16xi32>
        tpu.vector_store_idx %arg9[%add3A_719], %get3A_673 {add = true} : memref<82176xf32, #tpu.memory_space<vmem>>[vector<16xi32>], vector<16xf32>,
        %add3A_720 = arith.addi %gather3A_666, %add3A_15 : vector<16xi32>
        tpu.vector_store_idx %arg9[%add3A_720], %get3A_676 {add = true} : memref<82176xf32, #tpu.memory_space<vmem>>[vector<16xi32>], vector<16xf32>,
        %add3A_721 = arith.addi %gather3A_666, %add3A_18 : vector<16xi32>
        tpu.vector_store_idx %arg9[%add3A_721], %get3A_679 {add = true} : memref<82176xf32, #tpu.memory_space<vmem>>[vector<16xi32>], vector<16xf32>,
        %add3A_722 = arith.addi %gather3A_666, %add3A_21 : vector<16xi32>
        tpu.vector_store_idx %arg9[%add3A_722], %get3A_682 {add = true} : memref<82176xf32, #tpu.memory_space<vmem>>[vector<16xi32>], vector<16xf32>,
        %add3A_723 = arith.addi %gather3A_666, %add3A_24 : vector<16xi32>
        tpu.vector_store_idx %arg9[%add3A_723], %get3A_685 {add = true} : memref<82176xf32, #tpu.memory_space<vmem>>[vector<16xi32>], vector<16xf32>,
        %add3A_724 = arith.addi %gather3A_666, %add3A_27 : vector<16xi32>
        tpu.vector_store_idx %arg9[%add3A_724], %get3A_688 {add = true} : memref<82176xf32, #tpu.memory_space<vmem>>[vector<16xi32>], vector<16xf32>,
        %add3A_725 = arith.addi %gather3A_666, %add3A_30 : vector<16xi32>
        tpu.vector_store_idx %arg9[%add3A_725], %get3A_691 {add = true} : memref<82176xf32, #tpu.memory_space<vmem>>[vector<16xi32>], vector<16xf32>,
        %add3A_726 = arith.addi %gather3A_666, %add3A_33 : vector<16xi32>
        tpu.vector_store_idx %arg9[%add3A_726], %get3A_694 {add = true} : memref<82176xf32, #tpu.memory_space<vmem>>[vector<16xi32>], vector<16xf32>,
        %add3A_727 = arith.addi %gather3A_666, %add3A_36 : vector<16xi32>
        tpu.vector_store_idx %arg9[%add3A_727], %get3A_697 {add = true} : memref<82176xf32, #tpu.memory_space<vmem>>[vector<16xi32>], vector<16xf32>,
        %add3A_728 = arith.addi %gather3A_666, %add3A_39 : vector<16xi32>
        tpu.vector_store_idx %arg9[%add3A_728], %get3A_700 {add = true} : memref<82176xf32, #tpu.memory_space<vmem>>[vector<16xi32>], vector<16xf32>,
        %add3A_729 = arith.addi %gather3A_666, %add3A_42 : vector<16xi32>
        tpu.vector_store_idx %arg9[%add3A_729], %get3A_703 {add = true} : memref<82176xf32, #tpu.memory_space<vmem>>[vector<16xi32>], vector<16xf32>,
        %add3A_730 = arith.addi %gather3A_666, %add3A_45 : vector<16xi32>
        tpu.vector_store_idx %arg9[%add3A_730], %get3A_706 {add = true} : memref<82176xf32, #tpu.memory_space<vmem>>[vector<16xi32>], vector<16xf32>,
        %add3A_731 = arith.addi %gather3A_666, %add3A_48 : vector<16xi32>
        tpu.vector_store_idx %arg9[%add3A_731], %get3A_709 {add = true} : memref<82176xf32, #tpu.memory_space<vmem>>[vector<16xi32>], vector<16xf32>,
        %add3A_732 = arith.addi %gather3A_666, %add3A_51 : vector<16xi32>
        tpu.vector_store_idx %arg9[%add3A_732], %get3A_712 {add = true} : memref<82176xf32, #tpu.memory_space<vmem>>[vector<16xi32>], vector<16xf32>,
        %add3A_733 = arith.addi %gather3A_666, %add3A_54 : vector<16xi32>
        tpu.vector_store_idx %arg9[%add3A_733], %get3A_715 {add = true} : memref<82176xf32, #tpu.memory_space<vmem>>[vector<16xi32>], vector<16xf32>,
        %add3A_734 = arith.addi %gather3A_666, %add3A_57 : vector<16xi32>
        tpu.vector_store_idx %arg9[%add3A_734], %get3A_718 {add = true} : memref<82176xf32, #tpu.memory_space<vmem>>[vector<16xi32>], vector<16xf32>,
        %broadcast_in_dim3A_735 = arith.constant 7 : i32
        %broadcast_in_dim3A_736 = vector.broadcast %broadcast_in_dim3A_735 : i32 to vector<16xi32>
        %lt3A_737 = arith.constant 0 : i32
        %lt3A_738 = vector.broadcast %lt3A_737 : i32 to vector<16xi32>
        %lt3A_739 = arith.cmpi slt, %broadcast_in_dim3A_736, %lt3A_738 : vector<16xi32>
        %add3A_740 = arith.constant 16 : i32
        %add3A_741 = vector.broadcast %add3A_740 : i32 to vector<16xi32>
        %add3A_742 = arith.addi %broadcast_in_dim3A_736, %add3A_741 : vector<16xi32>
        %select_n3A_743 = arith.select %lt3A_739, %add3A_742, %broadcast_in_dim3A_736 : vector<16xi1>, vector<16xi32>
        %broadcast_in_dim3A_744 = vector.shape_cast %select_n3A_743 : vector<16xi32> to vector<16x1xi32>
        %gather3A_745 = vector.shape_cast %broadcast_in_dim3A_744 : vector<16x1xi32> to vector<16xi32>
        %gather3A_746 = tpu.dynamic_gather %mul3A_175[%gather3A_745] in [0] : vector<16xi32>, vector<16xi32> -> vector<16xi32>
        %add3A_747 = arith.constant 0 : i32
        %add3A_748 = arith.addi %mul3A_169, %add3A_747 : i32
        %add3A_749 = arith.constant 7 : i32
        %add3A_750 = arith.addi %add3A_748, %add3A_749 : i32
        %get3A_751 = arith.index_cast %add3A_750 : i32 to index
        %get3A_752 = arith.constant 0 : index
        %get3A_753 = tpu.vector_load %arg8[%get3A_751, %get3A_752] {strides = array<i32>} : memref<32x256xf32, #tpu.memory_space<vmem>>, vector<16xf32>,
        %get3A_754 = arith.index_cast %add3A_750 : i32 to index
        %get3A_755 = arith.constant 16 : index
        %get3A_756 = tpu.vector_load %arg8[%get3A_754, %get3A_755] {strides = array<i32>} : memref<32x256xf32, #tpu.memory_space<vmem>>, vector<16xf32>,
        %get3A_757 = arith.index_cast %add3A_750 : i32 to index
        %get3A_758 = arith.constant 32 : index
        %get3A_759 = tpu.vector_load %arg8[%get3A_757, %get3A_758] {strides = array<i32>} : memref<32x256xf32, #tpu.memory_space<vmem>>, vector<16xf32>,
        %get3A_760 = arith.index_cast %add3A_750 : i32 to index
        %get3A_761 = arith.constant 48 : index
        %get3A_762 = tpu.vector_load %arg8[%get3A_760, %get3A_761] {strides = array<i32>} : memref<32x256xf32, #tpu.memory_space<vmem>>, vector<16xf32>,
        %get3A_763 = arith.index_cast %add3A_750 : i32 to index
        %get3A_764 = arith.constant 64 : index
        %get3A_765 = tpu.vector_load %arg8[%get3A_763, %get3A_764] {strides = array<i32>} : memref<32x256xf32, #tpu.memory_space<vmem>>, vector<16xf32>,
        %get3A_766 = arith.index_cast %add3A_750 : i32 to index
        %get3A_767 = arith.constant 80 : index
        %get3A_768 = tpu.vector_load %arg8[%get3A_766, %get3A_767] {strides = array<i32>} : memref<32x256xf32, #tpu.memory_space<vmem>>, vector<16xf32>,
        %get3A_769 = arith.index_cast %add3A_750 : i32 to index
        %get3A_770 = arith.constant 96 : index
        %get3A_771 = tpu.vector_load %arg8[%get3A_769, %get3A_770] {strides = array<i32>} : memref<32x256xf32, #tpu.memory_space<vmem>>, vector<16xf32>,
        %get3A_772 = arith.index_cast %add3A_750 : i32 to index
        %get3A_773 = arith.constant 112 : index
        %get3A_774 = tpu.vector_load %arg8[%get3A_772, %get3A_773] {strides = array<i32>} : memref<32x256xf32, #tpu.memory_space<vmem>>, vector<16xf32>,
        %get3A_775 = arith.index_cast %add3A_750 : i32 to index
        %get3A_776 = arith.constant 128 : index
        %get3A_777 = tpu.vector_load %arg8[%get3A_775, %get3A_776] {strides = array<i32>} : memref<32x256xf32, #tpu.memory_space<vmem>>, vector<16xf32>,
        %get3A_778 = arith.index_cast %add3A_750 : i32 to index
        %get3A_779 = arith.constant 144 : index
        %get3A_780 = tpu.vector_load %arg8[%get3A_778, %get3A_779] {strides = array<i32>} : memref<32x256xf32, #tpu.memory_space<vmem>>, vector<16xf32>,
        %get3A_781 = arith.index_cast %add3A_750 : i32 to index
        %get3A_782 = arith.constant 160 : index
        %get3A_783 = tpu.vector_load %arg8[%get3A_781, %get3A_782] {strides = array<i32>} : memref<32x256xf32, #tpu.memory_space<vmem>>, vector<16xf32>,
        %get3A_784 = arith.index_cast %add3A_750 : i32 to index
        %get3A_785 = arith.constant 176 : index
        %get3A_786 = tpu.vector_load %arg8[%get3A_784, %get3A_785] {strides = array<i32>} : memref<32x256xf32, #tpu.memory_space<vmem>>, vector<16xf32>,
        %get3A_787 = arith.index_cast %add3A_750 : i32 to index
        %get3A_788 = arith.constant 192 : index
        %get3A_789 = tpu.vector_load %arg8[%get3A_787, %get3A_788] {strides = array<i32>} : memref<32x256xf32, #tpu.memory_space<vmem>>, vector<16xf32>,
        %get3A_790 = arith.index_cast %add3A_750 : i32 to index
        %get3A_791 = arith.constant 208 : index
        %get3A_792 = tpu.vector_load %arg8[%get3A_790, %get3A_791] {strides = array<i32>} : memref<32x256xf32, #tpu.memory_space<vmem>>, vector<16xf32>,
        %get3A_793 = arith.index_cast %add3A_750 : i32 to index
        %get3A_794 = arith.constant 224 : index
        %get3A_795 = tpu.vector_load %arg8[%get3A_793, %get3A_794] {strides = array<i32>} : memref<32x256xf32, #tpu.memory_space<vmem>>, vector<16xf32>,
        %get3A_796 = arith.index_cast %add3A_750 : i32 to index
        %get3A_797 = arith.constant 240 : index
        %get3A_798 = tpu.vector_load %arg8[%get3A_796, %get3A_797] {strides = array<i32>} : memref<32x256xf32, #tpu.memory_space<vmem>>, vector<16xf32>,
        %add3A_799 = arith.addi %gather3A_746, %add3A_12 : vector<16xi32>
        tpu.vector_store_idx %arg9[%add3A_799], %get3A_753 {add = true} : memref<82176xf32, #tpu.memory_space<vmem>>[vector<16xi32>], vector<16xf32>,
        %add3A_800 = arith.addi %gather3A_746, %add3A_15 : vector<16xi32>
        tpu.vector_store_idx %arg9[%add3A_800], %get3A_756 {add = true} : memref<82176xf32, #tpu.memory_space<vmem>>[vector<16xi32>], vector<16xf32>,
        %add3A_801 = arith.addi %gather3A_746, %add3A_18 : vector<16xi32>
        tpu.vector_store_idx %arg9[%add3A_801], %get3A_759 {add = true} : memref<82176xf32, #tpu.memory_space<vmem>>[vector<16xi32>], vector<16xf32>,
        %add3A_802 = arith.addi %gather3A_746, %add3A_21 : vector<16xi32>
        tpu.vector_store_idx %arg9[%add3A_802], %get3A_762 {add = true} : memref<82176xf32, #tpu.memory_space<vmem>>[vector<16xi32>], vector<16xf32>,
        %add3A_803 = arith.addi %gather3A_746, %add3A_24 : vector<16xi32>
        tpu.vector_store_idx %arg9[%add3A_803], %get3A_765 {add = true} : memref<82176xf32, #tpu.memory_space<vmem>>[vector<16xi32>], vector<16xf32>,
        %add3A_804 = arith.addi %gather3A_746, %add3A_27 : vector<16xi32>
        tpu.vector_store_idx %arg9[%add3A_804], %get3A_768 {add = true} : memref<82176xf32, #tpu.memory_space<vmem>>[vector<16xi32>], vector<16xf32>,
        %add3A_805 = arith.addi %gather3A_746, %add3A_30 : vector<16xi32>
        tpu.vector_store_idx %arg9[%add3A_805], %get3A_771 {add = true} : memref<82176xf32, #tpu.memory_space<vmem>>[vector<16xi32>], vector<16xf32>,
        %add3A_806 = arith.addi %gather3A_746, %add3A_33 : vector<16xi32>
        tpu.vector_store_idx %arg9[%add3A_806], %get3A_774 {add = true} : memref<82176xf32, #tpu.memory_space<vmem>>[vector<16xi32>], vector<16xf32>,
        %add3A_807 = arith.addi %gather3A_746, %add3A_36 : vector<16xi32>
        tpu.vector_store_idx %arg9[%add3A_807], %get3A_777 {add = true} : memref<82176xf32, #tpu.memory_space<vmem>>[vector<16xi32>], vector<16xf32>,
        %add3A_808 = arith.addi %gather3A_746, %add3A_39 : vector<16xi32>
        tpu.vector_store_idx %arg9[%add3A_808], %get3A_780 {add = true} : memref<82176xf32, #tpu.memory_space<vmem>>[vector<16xi32>], vector<16xf32>,
        %add3A_809 = arith.addi %gather3A_746, %add3A_42 : vector<16xi32>
        tpu.vector_store_idx %arg9[%add3A_809], %get3A_783 {add = true} : memref<82176xf32, #tpu.memory_space<vmem>>[vector<16xi32>], vector<16xf32>,
        %add3A_810 = arith.addi %gather3A_746, %add3A_45 : vector<16xi32>
        tpu.vector_store_idx %arg9[%add3A_810], %get3A_786 {add = true} : memref<82176xf32, #tpu.memory_space<vmem>>[vector<16xi32>], vector<16xf32>,
        %add3A_811 = arith.addi %gather3A_746, %add3A_48 : vector<16xi32>
        tpu.vector_store_idx %arg9[%add3A_811], %get3A_789 {add = true} : memref<82176xf32, #tpu.memory_space<vmem>>[vector<16xi32>], vector<16xf32>,
        %add3A_812 = arith.addi %gather3A_746, %add3A_51 : vector<16xi32>
        tpu.vector_store_idx %arg9[%add3A_812], %get3A_792 {add = true} : memref<82176xf32, #tpu.memory_space<vmem>>[vector<16xi32>], vector<16xf32>,
        %add3A_813 = arith.addi %gather3A_746, %add3A_54 : vector<16xi32>
        tpu.vector_store_idx %arg9[%add3A_813], %get3A_795 {add = true} : memref<82176xf32, #tpu.memory_space<vmem>>[vector<16xi32>], vector<16xf32>,
        %add3A_814 = arith.addi %gather3A_746, %add3A_57 : vector<16xi32>
        tpu.vector_store_idx %arg9[%add3A_814], %get3A_798 {add = true} : memref<82176xf32, #tpu.memory_space<vmem>>[vector<16xi32>], vector<16xf32>,
        %broadcast_in_dim3A_815 = arith.constant 8 : i32
        %broadcast_in_dim3A_816 = vector.broadcast %broadcast_in_dim3A_815 : i32 to vector<16xi32>
        %lt3A_817 = arith.constant 0 : i32
        %lt3A_818 = vector.broadcast %lt3A_817 : i32 to vector<16xi32>
        %lt3A_819 = arith.cmpi slt, %broadcast_in_dim3A_816, %lt3A_818 : vector<16xi32>
        %add3A_820 = arith.constant 16 : i32
        %add3A_821 = vector.broadcast %add3A_820 : i32 to vector<16xi32>
        %add3A_822 = arith.addi %broadcast_in_dim3A_816, %add3A_821 : vector<16xi32>
        %select_n3A_823 = arith.select %lt3A_819, %add3A_822, %broadcast_in_dim3A_816 : vector<16xi1>, vector<16xi32>
        %broadcast_in_dim3A_824 = vector.shape_cast %select_n3A_823 : vector<16xi32> to vector<16x1xi32>
        %gather3A_825 = vector.shape_cast %broadcast_in_dim3A_824 : vector<16x1xi32> to vector<16xi32>
        %gather3A_826 = tpu.dynamic_gather %mul3A_175[%gather3A_825] in [0] : vector<16xi32>, vector<16xi32> -> vector<16xi32>
        %add3A_827 = arith.constant 0 : i32
        %add3A_828 = arith.addi %mul3A_169, %add3A_827 : i32
        %add3A_829 = arith.constant 8 : i32
        %add3A_830 = arith.addi %add3A_828, %add3A_829 : i32
        %get3A_831 = arith.index_cast %add3A_830 : i32 to index
        %get3A_832 = arith.constant 0 : index
        %get3A_833 = tpu.vector_load %arg8[%get3A_831, %get3A_832] {strides = array<i32>} : memref<32x256xf32, #tpu.memory_space<vmem>>, vector<16xf32>,
        %get3A_834 = arith.index_cast %add3A_830 : i32 to index
        %get3A_835 = arith.constant 16 : index
        %get3A_836 = tpu.vector_load %arg8[%get3A_834, %get3A_835] {strides = array<i32>} : memref<32x256xf32, #tpu.memory_space<vmem>>, vector<16xf32>,
        %get3A_837 = arith.index_cast %add3A_830 : i32 to index
        %get3A_838 = arith.constant 32 : index
        %get3A_839 = tpu.vector_load %arg8[%get3A_837, %get3A_838] {strides = array<i32>} : memref<32x256xf32, #tpu.memory_space<vmem>>, vector<16xf32>,
        %get3A_840 = arith.index_cast %add3A_830 : i32 to index
        %get3A_841 = arith.constant 48 : index
        %get3A_842 = tpu.vector_load %arg8[%get3A_840, %get3A_841] {strides = array<i32>} : memref<32x256xf32, #tpu.memory_space<vmem>>, vector<16xf32>,
        %get3A_843 = arith.index_cast %add3A_830 : i32 to index
        %get3A_844 = arith.constant 64 : index
        %get3A_845 = tpu.vector_load %arg8[%get3A_843, %get3A_844] {strides = array<i32>} : memref<32x256xf32, #tpu.memory_space<vmem>>, vector<16xf32>,
        %get3A_846 = arith.index_cast %add3A_830 : i32 to index
        %get3A_847 = arith.constant 80 : index
        %get3A_848 = tpu.vector_load %arg8[%get3A_846, %get3A_847] {strides = array<i32>} : memref<32x256xf32, #tpu.memory_space<vmem>>, vector<16xf32>,
        %get3A_849 = arith.index_cast %add3A_830 : i32 to index
        %get3A_850 = arith.constant 96 : index
        %get3A_851 = tpu.vector_load %arg8[%get3A_849, %get3A_850] {strides = array<i32>} : memref<32x256xf32, #tpu.memory_space<vmem>>, vector<16xf32>,
        %get3A_852 = arith.index_cast %add3A_830 : i32 to index
        %get3A_853 = arith.constant 112 : index
        %get3A_854 = tpu.vector_load %arg8[%get3A_852, %get3A_853] {strides = array<i32>} : memref<32x256xf32, #tpu.memory_space<vmem>>, vector<16xf32>,
        %get3A_855 = arith.index_cast %add3A_830 : i32 to index
        %get3A_856 = arith.constant 128 : index
        %get3A_857 = tpu.vector_load %arg8[%get3A_855, %get3A_856] {strides = array<i32>} : memref<32x256xf32, #tpu.memory_space<vmem>>, vector<16xf32>,
        %get3A_858 = arith.index_cast %add3A_830 : i32 to index
        %get3A_859 = arith.constant 144 : index
        %get3A_860 = tpu.vector_load %arg8[%get3A_858, %get3A_859] {strides = array<i32>} : memref<32x256xf32, #tpu.memory_space<vmem>>, vector<16xf32>,
        %get3A_861 = arith.index_cast %add3A_830 : i32 to index
        %get3A_862 = arith.constant 160 : index
        %get3A_863 = tpu.vector_load %arg8[%get3A_861, %get3A_862] {strides = array<i32>} : memref<32x256xf32, #tpu.memory_space<vmem>>, vector<16xf32>,
        %get3A_864 = arith.index_cast %add3A_830 : i32 to index
        %get3A_865 = arith.constant 176 : index
        %get3A_866 = tpu.vector_load %arg8[%get3A_864, %get3A_865] {strides = array<i32>} : memref<32x256xf32, #tpu.memory_space<vmem>>, vector<16xf32>,
        %get3A_867 = arith.index_cast %add3A_830 : i32 to index
        %get3A_868 = arith.constant 192 : index
        %get3A_869 = tpu.vector_load %arg8[%get3A_867, %get3A_868] {strides = array<i32>} : memref<32x256xf32, #tpu.memory_space<vmem>>, vector<16xf32>,
        %get3A_870 = arith.index_cast %add3A_830 : i32 to index
        %get3A_871 = arith.constant 208 : index
        %get3A_872 = tpu.vector_load %arg8[%get3A_870, %get3A_871] {strides = array<i32>} : memref<32x256xf32, #tpu.memory_space<vmem>>, vector<16xf32>,
        %get3A_873 = arith.index_cast %add3A_830 : i32 to index
        %get3A_874 = arith.constant 224 : index
        %get3A_875 = tpu.vector_load %arg8[%get3A_873, %get3A_874] {strides = array<i32>} : memref<32x256xf32, #tpu.memory_space<vmem>>, vector<16xf32>,
        %get3A_876 = arith.index_cast %add3A_830 : i32 to index
        %get3A_877 = arith.constant 240 : index
        %get3A_878 = tpu.vector_load %arg8[%get3A_876, %get3A_877] {strides = array<i32>} : memref<32x256xf32, #tpu.memory_space<vmem>>, vector<16xf32>,
        %add3A_879 = arith.addi %gather3A_826, %add3A_12 : vector<16xi32>
        tpu.vector_store_idx %arg9[%add3A_879], %get3A_833 {add = true} : memref<82176xf32, #tpu.memory_space<vmem>>[vector<16xi32>], vector<16xf32>,
        %add3A_880 = arith.addi %gather3A_826, %add3A_15 : vector<16xi32>
        tpu.vector_store_idx %arg9[%add3A_880], %get3A_836 {add = true} : memref<82176xf32, #tpu.memory_space<vmem>>[vector<16xi32>], vector<16xf32>,
        %add3A_881 = arith.addi %gather3A_826, %add3A_18 : vector<16xi32>
        tpu.vector_store_idx %arg9[%add3A_881], %get3A_839 {add = true} : memref<82176xf32, #tpu.memory_space<vmem>>[vector<16xi32>], vector<16xf32>,
        %add3A_882 = arith.addi %gather3A_826, %add3A_21 : vector<16xi32>
        tpu.vector_store_idx %arg9[%add3A_882], %get3A_842 {add = true} : memref<82176xf32, #tpu.memory_space<vmem>>[vector<16xi32>], vector<16xf32>,
        %add3A_883 = arith.addi %gather3A_826, %add3A_24 : vector<16xi32>
        tpu.vector_store_idx %arg9[%add3A_883], %get3A_845 {add = true} : memref<82176xf32, #tpu.memory_space<vmem>>[vector<16xi32>], vector<16xf32>,
        %add3A_884 = arith.addi %gather3A_826, %add3A_27 : vector<16xi32>
        tpu.vector_store_idx %arg9[%add3A_884], %get3A_848 {add = true} : memref<82176xf32, #tpu.memory_space<vmem>>[vector<16xi32>], vector<16xf32>,
        %add3A_885 = arith.addi %gather3A_826, %add3A_30 : vector<16xi32>
        tpu.vector_store_idx %arg9[%add3A_885], %get3A_851 {add = true} : memref<82176xf32, #tpu.memory_space<vmem>>[vector<16xi32>], vector<16xf32>,
        %add3A_886 = arith.addi %gather3A_826, %add3A_33 : vector<16xi32>
        tpu.vector_store_idx %arg9[%add3A_886], %get3A_854 {add = true} : memref<82176xf32, #tpu.memory_space<vmem>>[vector<16xi32>], vector<16xf32>,
        %add3A_887 = arith.addi %gather3A_826, %add3A_36 : vector<16xi32>
        tpu.vector_store_idx %arg9[%add3A_887], %get3A_857 {add = true} : memref<82176xf32, #tpu.memory_space<vmem>>[vector<16xi32>], vector<16xf32>,
        %add3A_888 = arith.addi %gather3A_826, %add3A_39 : vector<16xi32>
        tpu.vector_store_idx %arg9[%add3A_888], %get3A_860 {add = true} : memref<82176xf32, #tpu.memory_space<vmem>>[vector<16xi32>], vector<16xf32>,
        %add3A_889 = arith.addi %gather3A_826, %add3A_42 : vector<16xi32>
        tpu.vector_store_idx %arg9[%add3A_889], %get3A_863 {add = true} : memref<82176xf32, #tpu.memory_space<vmem>>[vector<16xi32>], vector<16xf32>,
        %add3A_890 = arith.addi %gather3A_826, %add3A_45 : vector<16xi32>
        tpu.vector_store_idx %arg9[%add3A_890], %get3A_866 {add = true} : memref<82176xf32, #tpu.memory_space<vmem>>[vector<16xi32>], vector<16xf32>,
        %add3A_891 = arith.addi %gather3A_826, %add3A_48 : vector<16xi32>
        tpu.vector_store_idx %arg9[%add3A_891], %get3A_869 {add = true} : memref<82176xf32, #tpu.memory_space<vmem>>[vector<16xi32>], vector<16xf32>,
        %add3A_892 = arith.addi %gather3A_826, %add3A_51 : vector<16xi32>
        tpu.vector_store_idx %arg9[%add3A_892], %get3A_872 {add = true} : memref<82176xf32, #tpu.memory_space<vmem>>[vector<16xi32>], vector<16xf32>,
        %add3A_893 = arith.addi %gather3A_826, %add3A_54 : vector<16xi32>
        tpu.vector_store_idx %arg9[%add3A_893], %get3A_875 {add = true} : memref<82176xf32, #tpu.memory_space<vmem>>[vector<16xi32>], vector<16xf32>,
        %add3A_894 = arith.addi %gather3A_826, %add3A_57 : vector<16xi32>
        tpu.vector_store_idx %arg9[%add3A_894], %get3A_878 {add = true} : memref<82176xf32, #tpu.memory_space<vmem>>[vector<16xi32>], vector<16xf32>,
        %broadcast_in_dim3A_895 = arith.constant 9 : i32
        %broadcast_in_dim3A_896 = vector.broadcast %broadcast_in_dim3A_895 : i32 to vector<16xi32>
        %lt3A_897 = arith.constant 0 : i32
        %lt3A_898 = vector.broadcast %lt3A_897 : i32 to vector<16xi32>
        %lt3A_899 = arith.cmpi slt, %broadcast_in_dim3A_896, %lt3A_898 : vector<16xi32>
        %add3A_900 = arith.constant 16 : i32
        %add3A_901 = vector.broadcast %add3A_900 : i32 to vector<16xi32>
        %add3A_902 = arith.addi %broadcast_in_dim3A_896, %add3A_901 : vector<16xi32>
        %select_n3A_903 = arith.select %lt3A_899, %add3A_902, %broadcast_in_dim3A_896 : vector<16xi1>, vector<16xi32>
        %broadcast_in_dim3A_904 = vector.shape_cast %select_n3A_903 : vector<16xi32> to vector<16x1xi32>
        %gather3A_905 = vector.shape_cast %broadcast_in_dim3A_904 : vector<16x1xi32> to vector<16xi32>
        %gather3A_906 = tpu.dynamic_gather %mul3A_175[%gather3A_905] in [0] : vector<16xi32>, vector<16xi32> -> vector<16xi32>
        %add3A_907 = arith.constant 0 : i32
        %add3A_908 = arith.addi %mul3A_169, %add3A_907 : i32
        %add3A_909 = arith.constant 9 : i32
        %add3A_910 = arith.addi %add3A_908, %add3A_909 : i32
        %get3A_911 = arith.index_cast %add3A_910 : i32 to index
        %get3A_912 = arith.constant 0 : index
        %get3A_913 = tpu.vector_load %arg8[%get3A_911, %get3A_912] {strides = array<i32>} : memref<32x256xf32, #tpu.memory_space<vmem>>, vector<16xf32>,
        %get3A_914 = arith.index_cast %add3A_910 : i32 to index
        %get3A_915 = arith.constant 16 : index
        %get3A_916 = tpu.vector_load %arg8[%get3A_914, %get3A_915] {strides = array<i32>} : memref<32x256xf32, #tpu.memory_space<vmem>>, vector<16xf32>,
        %get3A_917 = arith.index_cast %add3A_910 : i32 to index
        %get3A_918 = arith.constant 32 : index
        %get3A_919 = tpu.vector_load %arg8[%get3A_917, %get3A_918] {strides = array<i32>} : memref<32x256xf32, #tpu.memory_space<vmem>>, vector<16xf32>,
        %get3A_920 = arith.index_cast %add3A_910 : i32 to index
        %get3A_921 = arith.constant 48 : index
        %get3A_922 = tpu.vector_load %arg8[%get3A_920, %get3A_921] {strides = array<i32>} : memref<32x256xf32, #tpu.memory_space<vmem>>, vector<16xf32>,
        %get3A_923 = arith.index_cast %add3A_910 : i32 to index
        %get3A_924 = arith.constant 64 : index
        %get3A_925 = tpu.vector_load %arg8[%get3A_923, %get3A_924] {strides = array<i32>} : memref<32x256xf32, #tpu.memory_space<vmem>>, vector<16xf32>,
        %get3A_926 = arith.index_cast %add3A_910 : i32 to index
        %get3A_927 = arith.constant 80 : index
        %get3A_928 = tpu.vector_load %arg8[%get3A_926, %get3A_927] {strides = array<i32>} : memref<32x256xf32, #tpu.memory_space<vmem>>, vector<16xf32>,
        %get3A_929 = arith.index_cast %add3A_910 : i32 to index
        %get3A_930 = arith.constant 96 : index
        %get3A_931 = tpu.vector_load %arg8[%get3A_929, %get3A_930] {strides = array<i32>} : memref<32x256xf32, #tpu.memory_space<vmem>>, vector<16xf32>,
        %get3A_932 = arith.index_cast %add3A_910 : i32 to index
        %get3A_933 = arith.constant 112 : index
        %get3A_934 = tpu.vector_load %arg8[%get3A_932, %get3A_933] {strides = array<i32>} : memref<32x256xf32, #tpu.memory_space<vmem>>, vector<16xf32>,
        %get3A_935 = arith.index_cast %add3A_910 : i32 to index
        %get3A_936 = arith.constant 128 : index
        %get3A_937 = tpu.vector_load %arg8[%get3A_935, %get3A_936] {strides = array<i32>} : memref<32x256xf32, #tpu.memory_space<vmem>>, vector<16xf32>,
        %get3A_938 = arith.index_cast %add3A_910 : i32 to index
        %get3A_939 = arith.constant 144 : index
        %get3A_940 = tpu.vector_load %arg8[%get3A_938, %get3A_939] {strides = array<i32>} : memref<32x256xf32, #tpu.memory_space<vmem>>, vector<16xf32>,
        %get3A_941 = arith.index_cast %add3A_910 : i32 to index
        %get3A_942 = arith.constant 160 : index
        %get3A_943 = tpu.vector_load %arg8[%get3A_941, %get3A_942] {strides = array<i32>} : memref<32x256xf32, #tpu.memory_space<vmem>>, vector<16xf32>,
        %get3A_944 = arith.index_cast %add3A_910 : i32 to index
        %get3A_945 = arith.constant 176 : index
        %get3A_946 = tpu.vector_load %arg8[%get3A_944, %get3A_945] {strides = array<i32>} : memref<32x256xf32, #tpu.memory_space<vmem>>, vector<16xf32>,
        %get3A_947 = arith.index_cast %add3A_910 : i32 to index
        %get3A_948 = arith.constant 192 : index
        %get3A_949 = tpu.vector_load %arg8[%get3A_947, %get3A_948] {strides = array<i32>} : memref<32x256xf32, #tpu.memory_space<vmem>>, vector<16xf32>,
        %get3A_950 = arith.index_cast %add3A_910 : i32 to index
        %get3A_951 = arith.constant 208 : index
        %get3A_952 = tpu.vector_load %arg8[%get3A_950, %get3A_951] {strides = array<i32>} : memref<32x256xf32, #tpu.memory_space<vmem>>, vector<16xf32>,
        %get3A_953 = arith.index_cast %add3A_910 : i32 to index
        %get3A_954 = arith.constant 224 : index
        %get3A_955 = tpu.vector_load %arg8[%get3A_953, %get3A_954] {strides = array<i32>} : memref<32x256xf32, #tpu.memory_space<vmem>>, vector<16xf32>,
        %get3A_956 = arith.index_cast %add3A_910 : i32 to index
        %get3A_957 = arith.constant 240 : index
        %get3A_958 = tpu.vector_load %arg8[%get3A_956, %get3A_957] {strides = array<i32>} : memref<32x256xf32, #tpu.memory_space<vmem>>, vector<16xf32>,
        %add3A_959 = arith.addi %gather3A_906, %add3A_12 : vector<16xi32>
        tpu.vector_store_idx %arg9[%add3A_959], %get3A_913 {add = true} : memref<82176xf32, #tpu.memory_space<vmem>>[vector<16xi32>], vector<16xf32>,
        %add3A_960 = arith.addi %gather3A_906, %add3A_15 : vector<16xi32>
        tpu.vector_store_idx %arg9[%add3A_960], %get3A_916 {add = true} : memref<82176xf32, #tpu.memory_space<vmem>>[vector<16xi32>], vector<16xf32>,
        %add3A_961 = arith.addi %gather3A_906, %add3A_18 : vector<16xi32>
        tpu.vector_store_idx %arg9[%add3A_961], %get3A_919 {add = true} : memref<82176xf32, #tpu.memory_space<vmem>>[vector<16xi32>], vector<16xf32>,
        %add3A_962 = arith.addi %gather3A_906, %add3A_21 : vector<16xi32>
        tpu.vector_store_idx %arg9[%add3A_962], %get3A_922 {add = true} : memref<82176xf32, #tpu.memory_space<vmem>>[vector<16xi32>], vector<16xf32>,
        %add3A_963 = arith.addi %gather3A_906, %add3A_24 : vector<16xi32>
        tpu.vector_store_idx %arg9[%add3A_963], %get3A_925 {add = true} : memref<82176xf32, #tpu.memory_space<vmem>>[vector<16xi32>], vector<16xf32>,
        %add3A_964 = arith.addi %gather3A_906, %add3A_27 : vector<16xi32>
        tpu.vector_store_idx %arg9[%add3A_964], %get3A_928 {add = true} : memref<82176xf32, #tpu.memory_space<vmem>>[vector<16xi32>], vector<16xf32>,
        %add3A_965 = arith.addi %gather3A_906, %add3A_30 : vector<16xi32>
        tpu.vector_store_idx %arg9[%add3A_965], %get3A_931 {add = true} : memref<82176xf32, #tpu.memory_space<vmem>>[vector<16xi32>], vector<16xf32>,
        %add3A_966 = arith.addi %gather3A_906, %add3A_33 : vector<16xi32>
        tpu.vector_store_idx %arg9[%add3A_966], %get3A_934 {add = true} : memref<82176xf32, #tpu.memory_space<vmem>>[vector<16xi32>], vector<16xf32>,
        %add3A_967 = arith.addi %gather3A_906, %add3A_36 : vector<16xi32>
        tpu.vector_store_idx %arg9[%add3A_967], %get3A_937 {add = true} : memref<82176xf32, #tpu.memory_space<vmem>>[vector<16xi32>], vector<16xf32>,
        %add3A_968 = arith.addi %gather3A_906, %add3A_39 : vector<16xi32>
        tpu.vector_store_idx %arg9[%add3A_968], %get3A_940 {add = true} : memref<82176xf32, #tpu.memory_space<vmem>>[vector<16xi32>], vector<16xf32>,
        %add3A_969 = arith.addi %gather3A_906, %add3A_42 : vector<16xi32>
        tpu.vector_store_idx %arg9[%add3A_969], %get3A_943 {add = true} : memref<82176xf32, #tpu.memory_space<vmem>>[vector<16xi32>], vector<16xf32>,
        %add3A_970 = arith.addi %gather3A_906, %add3A_45 : vector<16xi32>
        tpu.vector_store_idx %arg9[%add3A_970], %get3A_946 {add = true} : memref<82176xf32, #tpu.memory_space<vmem>>[vector<16xi32>], vector<16xf32>,
        %add3A_971 = arith.addi %gather3A_906, %add3A_48 : vector<16xi32>
        tpu.vector_store_idx %arg9[%add3A_971], %get3A_949 {add = true} : memref<82176xf32, #tpu.memory_space<vmem>>[vector<16xi32>], vector<16xf32>,
        %add3A_972 = arith.addi %gather3A_906, %add3A_51 : vector<16xi32>
        tpu.vector_store_idx %arg9[%add3A_972], %get3A_952 {add = true} : memref<82176xf32, #tpu.memory_space<vmem>>[vector<16xi32>], vector<16xf32>,
        %add3A_973 = arith.addi %gather3A_906, %add3A_54 : vector<16xi32>
        tpu.vector_store_idx %arg9[%add3A_973], %get3A_955 {add = true} : memref<82176xf32, #tpu.memory_space<vmem>>[vector<16xi32>], vector<16xf32>,
        %add3A_974 = arith.addi %gather3A_906, %add3A_57 : vector<16xi32>
        tpu.vector_store_idx %arg9[%add3A_974], %get3A_958 {add = true} : memref<82176xf32, #tpu.memory_space<vmem>>[vector<16xi32>], vector<16xf32>,
        %broadcast_in_dim3A_975 = arith.constant 10 : i32
        %broadcast_in_dim3A_976 = vector.broadcast %broadcast_in_dim3A_975 : i32 to vector<16xi32>
        %lt3A_977 = arith.constant 0 : i32
        %lt3A_978 = vector.broadcast %lt3A_977 : i32 to vector<16xi32>
        %lt3A_979 = arith.cmpi slt, %broadcast_in_dim3A_976, %lt3A_978 : vector<16xi32>
        %add3A_980 = arith.constant 16 : i32
        %add3A_981 = vector.broadcast %add3A_980 : i32 to vector<16xi32>
        %add3A_982 = arith.addi %broadcast_in_dim3A_976, %add3A_981 : vector<16xi32>
        %select_n3A_983 = arith.select %lt3A_979, %add3A_982, %broadcast_in_dim3A_976 : vector<16xi1>, vector<16xi32>
        %broadcast_in_dim3A_984 = vector.shape_cast %select_n3A_983 : vector<16xi32> to vector<16x1xi32>
        %gather3A_985 = vector.shape_cast %broadcast_in_dim3A_984 : vector<16x1xi32> to vector<16xi32>
        %gather3A_986 = tpu.dynamic_gather %mul3A_175[%gather3A_985] in [0] : vector<16xi32>, vector<16xi32> -> vector<16xi32>
        %add3A_987 = arith.constant 0 : i32
        %add3A_988 = arith.addi %mul3A_169, %add3A_987 : i32
        %add3A_989 = arith.constant 10 : i32
        %add3A_990 = arith.addi %add3A_988, %add3A_989 : i32
        %get3A_991 = arith.index_cast %add3A_990 : i32 to index
        %get3A_992 = arith.constant 0 : index
        %get3A_993 = tpu.vector_load %arg8[%get3A_991, %get3A_992] {strides = array<i32>} : memref<32x256xf32, #tpu.memory_space<vmem>>, vector<16xf32>,
        %get3A_994 = arith.index_cast %add3A_990 : i32 to index
        %get3A_995 = arith.constant 16 : index
        %get3A_996 = tpu.vector_load %arg8[%get3A_994, %get3A_995] {strides = array<i32>} : memref<32x256xf32, #tpu.memory_space<vmem>>, vector<16xf32>,
        %get3A_997 = arith.index_cast %add3A_990 : i32 to index
        %get3A_998 = arith.constant 32 : index
        %get3A_999 = tpu.vector_load %arg8[%get3A_997, %get3A_998] {strides = array<i32>} : memref<32x256xf32, #tpu.memory_space<vmem>>, vector<16xf32>,
        %get3A_1000 = arith.index_cast %add3A_990 : i32 to index
        %get3A_1001 = arith.constant 48 : index
        %get3A_1002 = tpu.vector_load %arg8[%get3A_1000, %get3A_1001] {strides = array<i32>} : memref<32x256xf32, #tpu.memory_space<vmem>>, vector<16xf32>,
        %get3A_1003 = arith.index_cast %add3A_990 : i32 to index
        %get3A_1004 = arith.constant 64 : index
        %get3A_1005 = tpu.vector_load %arg8[%get3A_1003, %get3A_1004] {strides = array<i32>} : memref<32x256xf32, #tpu.memory_space<vmem>>, vector<16xf32>,
        %get3A_1006 = arith.index_cast %add3A_990 : i32 to index
        %get3A_1007 = arith.constant 80 : index
        %get3A_1008 = tpu.vector_load %arg8[%get3A_1006, %get3A_1007] {strides = array<i32>} : memref<32x256xf32, #tpu.memory_space<vmem>>, vector<16xf32>,
        %get3A_1009 = arith.index_cast %add3A_990 : i32 to index
        %get3A_1010 = arith.constant 96 : index
        %get3A_1011 = tpu.vector_load %arg8[%get3A_1009, %get3A_1010] {strides = array<i32>} : memref<32x256xf32, #tpu.memory_space<vmem>>, vector<16xf32>,
        %get3A_1012 = arith.index_cast %add3A_990 : i32 to index
        %get3A_1013 = arith.constant 112 : index
        %get3A_1014 = tpu.vector_load %arg8[%get3A_1012, %get3A_1013] {strides = array<i32>} : memref<32x256xf32, #tpu.memory_space<vmem>>, vector<16xf32>,
        %get3A_1015 = arith.index_cast %add3A_990 : i32 to index
        %get3A_1016 = arith.constant 128 : index
        %get3A_1017 = tpu.vector_load %arg8[%get3A_1015, %get3A_1016] {strides = array<i32>} : memref<32x256xf32, #tpu.memory_space<vmem>>, vector<16xf32>,
        %get3A_1018 = arith.index_cast %add3A_990 : i32 to index
        %get3A_1019 = arith.constant 144 : index
        %get3A_1020 = tpu.vector_load %arg8[%get3A_1018, %get3A_1019] {strides = array<i32>} : memref<32x256xf32, #tpu.memory_space<vmem>>, vector<16xf32>,
        %get3A_1021 = arith.index_cast %add3A_990 : i32 to index
        %get3A_1022 = arith.constant 160 : index
        %get3A_1023 = tpu.vector_load %arg8[%get3A_1021, %get3A_1022] {strides = array<i32>} : memref<32x256xf32, #tpu.memory_space<vmem>>, vector<16xf32>,
        %get3A_1024 = arith.index_cast %add3A_990 : i32 to index
        %get3A_1025 = arith.constant 176 : index
        %get3A_1026 = tpu.vector_load %arg8[%get3A_1024, %get3A_1025] {strides = array<i32>} : memref<32x256xf32, #tpu.memory_space<vmem>>, vector<16xf32>,
        %get3A_1027 = arith.index_cast %add3A_990 : i32 to index
        %get3A_1028 = arith.constant 192 : index
        %get3A_1029 = tpu.vector_load %arg8[%get3A_1027, %get3A_1028] {strides = array<i32>} : memref<32x256xf32, #tpu.memory_space<vmem>>, vector<16xf32>,
        %get3A_1030 = arith.index_cast %add3A_990 : i32 to index
        %get3A_1031 = arith.constant 208 : index
        %get3A_1032 = tpu.vector_load %arg8[%get3A_1030, %get3A_1031] {strides = array<i32>} : memref<32x256xf32, #tpu.memory_space<vmem>>, vector<16xf32>,
        %get3A_1033 = arith.index_cast %add3A_990 : i32 to index
        %get3A_1034 = arith.constant 224 : index
        %get3A_1035 = tpu.vector_load %arg8[%get3A_1033, %get3A_1034] {strides = array<i32>} : memref<32x256xf32, #tpu.memory_space<vmem>>, vector<16xf32>,
        %get3A_1036 = arith.index_cast %add3A_990 : i32 to index
        %get3A_1037 = arith.constant 240 : index
        %get3A_1038 = tpu.vector_load %arg8[%get3A_1036, %get3A_1037] {strides = array<i32>} : memref<32x256xf32, #tpu.memory_space<vmem>>, vector<16xf32>,
        %add3A_1039 = arith.addi %gather3A_986, %add3A_12 : vector<16xi32>
        tpu.vector_store_idx %arg9[%add3A_1039], %get3A_993 {add = true} : memref<82176xf32, #tpu.memory_space<vmem>>[vector<16xi32>], vector<16xf32>,
        %add3A_1040 = arith.addi %gather3A_986, %add3A_15 : vector<16xi32>
        tpu.vector_store_idx %arg9[%add3A_1040], %get3A_996 {add = true} : memref<82176xf32, #tpu.memory_space<vmem>>[vector<16xi32>], vector<16xf32>,
        %add3A_1041 = arith.addi %gather3A_986, %add3A_18 : vector<16xi32>
        tpu.vector_store_idx %arg9[%add3A_1041], %get3A_999 {add = true} : memref<82176xf32, #tpu.memory_space<vmem>>[vector<16xi32>], vector<16xf32>,
        %add3A_1042 = arith.addi %gather3A_986, %add3A_21 : vector<16xi32>
        tpu.vector_store_idx %arg9[%add3A_1042], %get3A_1002 {add = true} : memref<82176xf32, #tpu.memory_space<vmem>>[vector<16xi32>], vector<16xf32>,
        %add3A_1043 = arith.addi %gather3A_986, %add3A_24 : vector<16xi32>
        tpu.vector_store_idx %arg9[%add3A_1043], %get3A_1005 {add = true} : memref<82176xf32, #tpu.memory_space<vmem>>[vector<16xi32>], vector<16xf32>,
        %add3A_1044 = arith.addi %gather3A_986, %add3A_27 : vector<16xi32>
        tpu.vector_store_idx %arg9[%add3A_1044], %get3A_1008 {add = true} : memref<82176xf32, #tpu.memory_space<vmem>>[vector<16xi32>], vector<16xf32>,
        %add3A_1045 = arith.addi %gather3A_986, %add3A_30 : vector<16xi32>
        tpu.vector_store_idx %arg9[%add3A_1045], %get3A_1011 {add = true} : memref<82176xf32, #tpu.memory_space<vmem>>[vector<16xi32>], vector<16xf32>,
        %add3A_1046 = arith.addi %gather3A_986, %add3A_33 : vector<16xi32>
        tpu.vector_store_idx %arg9[%add3A_1046], %get3A_1014 {add = true} : memref<82176xf32, #tpu.memory_space<vmem>>[vector<16xi32>], vector<16xf32>,
        %add3A_1047 = arith.addi %gather3A_986, %add3A_36 : vector<16xi32>
        tpu.vector_store_idx %arg9[%add3A_1047], %get3A_1017 {add = true} : memref<82176xf32, #tpu.memory_space<vmem>>[vector<16xi32>], vector<16xf32>,
        %add3A_1048 = arith.addi %gather3A_986, %add3A_39 : vector<16xi32>
        tpu.vector_store_idx %arg9[%add3A_1048], %get3A_1020 {add = true} : memref<82176xf32, #tpu.memory_space<vmem>>[vector<16xi32>], vector<16xf32>,
        %add3A_1049 = arith.addi %gather3A_986, %add3A_42 : vector<16xi32>
        tpu.vector_store_idx %arg9[%add3A_1049], %get3A_1023 {add = true} : memref<82176xf32, #tpu.memory_space<vmem>>[vector<16xi32>], vector<16xf32>,
        %add3A_1050 = arith.addi %gather3A_986, %add3A_45 : vector<16xi32>
        tpu.vector_store_idx %arg9[%add3A_1050], %get3A_1026 {add = true} : memref<82176xf32, #tpu.memory_space<vmem>>[vector<16xi32>], vector<16xf32>,
        %add3A_1051 = arith.addi %gather3A_986, %add3A_48 : vector<16xi32>
        tpu.vector_store_idx %arg9[%add3A_1051], %get3A_1029 {add = true} : memref<82176xf32, #tpu.memory_space<vmem>>[vector<16xi32>], vector<16xf32>,
        %add3A_1052 = arith.addi %gather3A_986, %add3A_51 : vector<16xi32>
        tpu.vector_store_idx %arg9[%add3A_1052], %get3A_1032 {add = true} : memref<82176xf32, #tpu.memory_space<vmem>>[vector<16xi32>], vector<16xf32>,
        %add3A_1053 = arith.addi %gather3A_986, %add3A_54 : vector<16xi32>
        tpu.vector_store_idx %arg9[%add3A_1053], %get3A_1035 {add = true} : memref<82176xf32, #tpu.memory_space<vmem>>[vector<16xi32>], vector<16xf32>,
        %add3A_1054 = arith.addi %gather3A_986, %add3A_57 : vector<16xi32>
        tpu.vector_store_idx %arg9[%add3A_1054], %get3A_1038 {add = true} : memref<82176xf32, #tpu.memory_space<vmem>>[vector<16xi32>], vector<16xf32>,
        %broadcast_in_dim3A_1055 = arith.constant 11 : i32
        %broadcast_in_dim3A_1056 = vector.broadcast %broadcast_in_dim3A_1055 : i32 to vector<16xi32>
        %lt3A_1057 = arith.constant 0 : i32
        %lt3A_1058 = vector.broadcast %lt3A_1057 : i32 to vector<16xi32>
        %lt3A_1059 = arith.cmpi slt, %broadcast_in_dim3A_1056, %lt3A_1058 : vector<16xi32>
        %add3A_1060 = arith.constant 16 : i32
        %add3A_1061 = vector.broadcast %add3A_1060 : i32 to vector<16xi32>
        %add3A_1062 = arith.addi %broadcast_in_dim3A_1056, %add3A_1061 : vector<16xi32>
        %select_n3A_1063 = arith.select %lt3A_1059, %add3A_1062, %broadcast_in_dim3A_1056 : vector<16xi1>, vector<16xi32>
        %broadcast_in_dim3A_1064 = vector.shape_cast %select_n3A_1063 : vector<16xi32> to vector<16x1xi32>
        %gather3A_1065 = vector.shape_cast %broadcast_in_dim3A_1064 : vector<16x1xi32> to vector<16xi32>
        %gather3A_1066 = tpu.dynamic_gather %mul3A_175[%gather3A_1065] in [0] : vector<16xi32>, vector<16xi32> -> vector<16xi32>
        %add3A_1067 = arith.constant 0 : i32
        %add3A_1068 = arith.addi %mul3A_169, %add3A_1067 : i32
        %add3A_1069 = arith.constant 11 : i32
        %add3A_1070 = arith.addi %add3A_1068, %add3A_1069 : i32
        %get3A_1071 = arith.index_cast %add3A_1070 : i32 to index
        %get3A_1072 = arith.constant 0 : index
        %get3A_1073 = tpu.vector_load %arg8[%get3A_1071, %get3A_1072] {strides = array<i32>} : memref<32x256xf32, #tpu.memory_space<vmem>>, vector<16xf32>,
        %get3A_1074 = arith.index_cast %add3A_1070 : i32 to index
        %get3A_1075 = arith.constant 16 : index
        %get3A_1076 = tpu.vector_load %arg8[%get3A_1074, %get3A_1075] {strides = array<i32>} : memref<32x256xf32, #tpu.memory_space<vmem>>, vector<16xf32>,
        %get3A_1077 = arith.index_cast %add3A_1070 : i32 to index
        %get3A_1078 = arith.constant 32 : index
        %get3A_1079 = tpu.vector_load %arg8[%get3A_1077, %get3A_1078] {strides = array<i32>} : memref<32x256xf32, #tpu.memory_space<vmem>>, vector<16xf32>,
        %get3A_1080 = arith.index_cast %add3A_1070 : i32 to index
        %get3A_1081 = arith.constant 48 : index
        %get3A_1082 = tpu.vector_load %arg8[%get3A_1080, %get3A_1081] {strides = array<i32>} : memref<32x256xf32, #tpu.memory_space<vmem>>, vector<16xf32>,
        %get3A_1083 = arith.index_cast %add3A_1070 : i32 to index
        %get3A_1084 = arith.constant 64 : index
        %get3A_1085 = tpu.vector_load %arg8[%get3A_1083, %get3A_1084] {strides = array<i32>} : memref<32x256xf32, #tpu.memory_space<vmem>>, vector<16xf32>,
        %get3A_1086 = arith.index_cast %add3A_1070 : i32 to index
        %get3A_1087 = arith.constant 80 : index
        %get3A_1088 = tpu.vector_load %arg8[%get3A_1086, %get3A_1087] {strides = array<i32>} : memref<32x256xf32, #tpu.memory_space<vmem>>, vector<16xf32>,
        %get3A_1089 = arith.index_cast %add3A_1070 : i32 to index
        %get3A_1090 = arith.constant 96 : index
        %get3A_1091 = tpu.vector_load %arg8[%get3A_1089, %get3A_1090] {strides = array<i32>} : memref<32x256xf32, #tpu.memory_space<vmem>>, vector<16xf32>,
        %get3A_1092 = arith.index_cast %add3A_1070 : i32 to index
        %get3A_1093 = arith.constant 112 : index
        %get3A_1094 = tpu.vector_load %arg8[%get3A_1092, %get3A_1093] {strides = array<i32>} : memref<32x256xf32, #tpu.memory_space<vmem>>, vector<16xf32>,
        %get3A_1095 = arith.index_cast %add3A_1070 : i32 to index
        %get3A_1096 = arith.constant 128 : index
        %get3A_1097 = tpu.vector_load %arg8[%get3A_1095, %get3A_1096] {strides = array<i32>} : memref<32x256xf32, #tpu.memory_space<vmem>>, vector<16xf32>,
        %get3A_1098 = arith.index_cast %add3A_1070 : i32 to index
        %get3A_1099 = arith.constant 144 : index
        %get3A_1100 = tpu.vector_load %arg8[%get3A_1098, %get3A_1099] {strides = array<i32>} : memref<32x256xf32, #tpu.memory_space<vmem>>, vector<16xf32>,
        %get3A_1101 = arith.index_cast %add3A_1070 : i32 to index
        %get3A_1102 = arith.constant 160 : index
        %get3A_1103 = tpu.vector_load %arg8[%get3A_1101, %get3A_1102] {strides = array<i32>} : memref<32x256xf32, #tpu.memory_space<vmem>>, vector<16xf32>,
        %get3A_1104 = arith.index_cast %add3A_1070 : i32 to index
        %get3A_1105 = arith.constant 176 : index
        %get3A_1106 = tpu.vector_load %arg8[%get3A_1104, %get3A_1105] {strides = array<i32>} : memref<32x256xf32, #tpu.memory_space<vmem>>, vector<16xf32>,
        %get3A_1107 = arith.index_cast %add3A_1070 : i32 to index
        %get3A_1108 = arith.constant 192 : index
        %get3A_1109 = tpu.vector_load %arg8[%get3A_1107, %get3A_1108] {strides = array<i32>} : memref<32x256xf32, #tpu.memory_space<vmem>>, vector<16xf32>,
        %get3A_1110 = arith.index_cast %add3A_1070 : i32 to index
        %get3A_1111 = arith.constant 208 : index
        %get3A_1112 = tpu.vector_load %arg8[%get3A_1110, %get3A_1111] {strides = array<i32>} : memref<32x256xf32, #tpu.memory_space<vmem>>, vector<16xf32>,
        %get3A_1113 = arith.index_cast %add3A_1070 : i32 to index
        %get3A_1114 = arith.constant 224 : index
        %get3A_1115 = tpu.vector_load %arg8[%get3A_1113, %get3A_1114] {strides = array<i32>} : memref<32x256xf32, #tpu.memory_space<vmem>>, vector<16xf32>,
        %get3A_1116 = arith.index_cast %add3A_1070 : i32 to index
        %get3A_1117 = arith.constant 240 : index
        %get3A_1118 = tpu.vector_load %arg8[%get3A_1116, %get3A_1117] {strides = array<i32>} : memref<32x256xf32, #tpu.memory_space<vmem>>, vector<16xf32>,
        %add3A_1119 = arith.addi %gather3A_1066, %add3A_12 : vector<16xi32>
        tpu.vector_store_idx %arg9[%add3A_1119], %get3A_1073 {add = true} : memref<82176xf32, #tpu.memory_space<vmem>>[vector<16xi32>], vector<16xf32>,
        %add3A_1120 = arith.addi %gather3A_1066, %add3A_15 : vector<16xi32>
        tpu.vector_store_idx %arg9[%add3A_1120], %get3A_1076 {add = true} : memref<82176xf32, #tpu.memory_space<vmem>>[vector<16xi32>], vector<16xf32>,
        %add3A_1121 = arith.addi %gather3A_1066, %add3A_18 : vector<16xi32>
        tpu.vector_store_idx %arg9[%add3A_1121], %get3A_1079 {add = true} : memref<82176xf32, #tpu.memory_space<vmem>>[vector<16xi32>], vector<16xf32>,
        %add3A_1122 = arith.addi %gather3A_1066, %add3A_21 : vector<16xi32>
        tpu.vector_store_idx %arg9[%add3A_1122], %get3A_1082 {add = true} : memref<82176xf32, #tpu.memory_space<vmem>>[vector<16xi32>], vector<16xf32>,
        %add3A_1123 = arith.addi %gather3A_1066, %add3A_24 : vector<16xi32>
        tpu.vector_store_idx %arg9[%add3A_1123], %get3A_1085 {add = true} : memref<82176xf32, #tpu.memory_space<vmem>>[vector<16xi32>], vector<16xf32>,
        %add3A_1124 = arith.addi %gather3A_1066, %add3A_27 : vector<16xi32>
        tpu.vector_store_idx %arg9[%add3A_1124], %get3A_1088 {add = true} : memref<82176xf32, #tpu.memory_space<vmem>>[vector<16xi32>], vector<16xf32>,
        %add3A_1125 = arith.addi %gather3A_1066, %add3A_30 : vector<16xi32>
        tpu.vector_store_idx %arg9[%add3A_1125], %get3A_1091 {add = true} : memref<82176xf32, #tpu.memory_space<vmem>>[vector<16xi32>], vector<16xf32>,
        %add3A_1126 = arith.addi %gather3A_1066, %add3A_33 : vector<16xi32>
        tpu.vector_store_idx %arg9[%add3A_1126], %get3A_1094 {add = true} : memref<82176xf32, #tpu.memory_space<vmem>>[vector<16xi32>], vector<16xf32>,
        %add3A_1127 = arith.addi %gather3A_1066, %add3A_36 : vector<16xi32>
        tpu.vector_store_idx %arg9[%add3A_1127], %get3A_1097 {add = true} : memref<82176xf32, #tpu.memory_space<vmem>>[vector<16xi32>], vector<16xf32>,
        %add3A_1128 = arith.addi %gather3A_1066, %add3A_39 : vector<16xi32>
        tpu.vector_store_idx %arg9[%add3A_1128], %get3A_1100 {add = true} : memref<82176xf32, #tpu.memory_space<vmem>>[vector<16xi32>], vector<16xf32>,
        %add3A_1129 = arith.addi %gather3A_1066, %add3A_42 : vector<16xi32>
        tpu.vector_store_idx %arg9[%add3A_1129], %get3A_1103 {add = true} : memref<82176xf32, #tpu.memory_space<vmem>>[vector<16xi32>], vector<16xf32>,
        %add3A_1130 = arith.addi %gather3A_1066, %add3A_45 : vector<16xi32>
        tpu.vector_store_idx %arg9[%add3A_1130], %get3A_1106 {add = true} : memref<82176xf32, #tpu.memory_space<vmem>>[vector<16xi32>], vector<16xf32>,
        %add3A_1131 = arith.addi %gather3A_1066, %add3A_48 : vector<16xi32>
        tpu.vector_store_idx %arg9[%add3A_1131], %get3A_1109 {add = true} : memref<82176xf32, #tpu.memory_space<vmem>>[vector<16xi32>], vector<16xf32>,
        %add3A_1132 = arith.addi %gather3A_1066, %add3A_51 : vector<16xi32>
        tpu.vector_store_idx %arg9[%add3A_1132], %get3A_1112 {add = true} : memref<82176xf32, #tpu.memory_space<vmem>>[vector<16xi32>], vector<16xf32>,
        %add3A_1133 = arith.addi %gather3A_1066, %add3A_54 : vector<16xi32>
        tpu.vector_store_idx %arg9[%add3A_1133], %get3A_1115 {add = true} : memref<82176xf32, #tpu.memory_space<vmem>>[vector<16xi32>], vector<16xf32>,
        %add3A_1134 = arith.addi %gather3A_1066, %add3A_57 : vector<16xi32>
        tpu.vector_store_idx %arg9[%add3A_1134], %get3A_1118 {add = true} : memref<82176xf32, #tpu.memory_space<vmem>>[vector<16xi32>], vector<16xf32>,
        %broadcast_in_dim3A_1135 = arith.constant 12 : i32
        %broadcast_in_dim3A_1136 = vector.broadcast %broadcast_in_dim3A_1135 : i32 to vector<16xi32>
        %lt3A_1137 = arith.constant 0 : i32
        %lt3A_1138 = vector.broadcast %lt3A_1137 : i32 to vector<16xi32>
        %lt3A_1139 = arith.cmpi slt, %broadcast_in_dim3A_1136, %lt3A_1138 : vector<16xi32>
        %add3A_1140 = arith.constant 16 : i32
        %add3A_1141 = vector.broadcast %add3A_1140 : i32 to vector<16xi32>
        %add3A_1142 = arith.addi %broadcast_in_dim3A_1136, %add3A_1141 : vector<16xi32>
        %select_n3A_1143 = arith.select %lt3A_1139, %add3A_1142, %broadcast_in_dim3A_1136 : vector<16xi1>, vector<16xi32>
        %broadcast_in_dim3A_1144 = vector.shape_cast %select_n3A_1143 : vector<16xi32> to vector<16x1xi32>
        %gather3A_1145 = vector.shape_cast %broadcast_in_dim3A_1144 : vector<16x1xi32> to vector<16xi32>
        %gather3A_1146 = tpu.dynamic_gather %mul3A_175[%gather3A_1145] in [0] : vector<16xi32>, vector<16xi32> -> vector<16xi32>
        %add3A_1147 = arith.constant 0 : i32
        %add3A_1148 = arith.addi %mul3A_169, %add3A_1147 : i32
        %add3A_1149 = arith.constant 12 : i32
        %add3A_1150 = arith.addi %add3A_1148, %add3A_1149 : i32
        %get3A_1151 = arith.index_cast %add3A_1150 : i32 to index
        %get3A_1152 = arith.constant 0 : index
        %get3A_1153 = tpu.vector_load %arg8[%get3A_1151, %get3A_1152] {strides = array<i32>} : memref<32x256xf32, #tpu.memory_space<vmem>>, vector<16xf32>,
        %get3A_1154 = arith.index_cast %add3A_1150 : i32 to index
        %get3A_1155 = arith.constant 16 : index
        %get3A_1156 = tpu.vector_load %arg8[%get3A_1154, %get3A_1155] {strides = array<i32>} : memref<32x256xf32, #tpu.memory_space<vmem>>, vector<16xf32>,
        %get3A_1157 = arith.index_cast %add3A_1150 : i32 to index
        %get3A_1158 = arith.constant 32 : index
        %get3A_1159 = tpu.vector_load %arg8[%get3A_1157, %get3A_1158] {strides = array<i32>} : memref<32x256xf32, #tpu.memory_space<vmem>>, vector<16xf32>,
        %get3A_1160 = arith.index_cast %add3A_1150 : i32 to index
        %get3A_1161 = arith.constant 48 : index
        %get3A_1162 = tpu.vector_load %arg8[%get3A_1160, %get3A_1161] {strides = array<i32>} : memref<32x256xf32, #tpu.memory_space<vmem>>, vector<16xf32>,
        %get3A_1163 = arith.index_cast %add3A_1150 : i32 to index
        %get3A_1164 = arith.constant 64 : index
        %get3A_1165 = tpu.vector_load %arg8[%get3A_1163, %get3A_1164] {strides = array<i32>} : memref<32x256xf32, #tpu.memory_space<vmem>>, vector<16xf32>,
        %get3A_1166 = arith.index_cast %add3A_1150 : i32 to index
        %get3A_1167 = arith.constant 80 : index
        %get3A_1168 = tpu.vector_load %arg8[%get3A_1166, %get3A_1167] {strides = array<i32>} : memref<32x256xf32, #tpu.memory_space<vmem>>, vector<16xf32>,
        %get3A_1169 = arith.index_cast %add3A_1150 : i32 to index
        %get3A_1170 = arith.constant 96 : index
        %get3A_1171 = tpu.vector_load %arg8[%get3A_1169, %get3A_1170] {strides = array<i32>} : memref<32x256xf32, #tpu.memory_space<vmem>>, vector<16xf32>,
        %get3A_1172 = arith.index_cast %add3A_1150 : i32 to index
        %get3A_1173 = arith.constant 112 : index
        %get3A_1174 = tpu.vector_load %arg8[%get3A_1172, %get3A_1173] {strides = array<i32>} : memref<32x256xf32, #tpu.memory_space<vmem>>, vector<16xf32>,
        %get3A_1175 = arith.index_cast %add3A_1150 : i32 to index
        %get3A_1176 = arith.constant 128 : index
        %get3A_1177 = tpu.vector_load %arg8[%get3A_1175, %get3A_1176] {strides = array<i32>} : memref<32x256xf32, #tpu.memory_space<vmem>>, vector<16xf32>,
        %get3A_1178 = arith.index_cast %add3A_1150 : i32 to index
        %get3A_1179 = arith.constant 144 : index
        %get3A_1180 = tpu.vector_load %arg8[%get3A_1178, %get3A_1179] {strides = array<i32>} : memref<32x256xf32, #tpu.memory_space<vmem>>, vector<16xf32>,
        %get3A_1181 = arith.index_cast %add3A_1150 : i32 to index
        %get3A_1182 = arith.constant 160 : index
        %get3A_1183 = tpu.vector_load %arg8[%get3A_1181, %get3A_1182] {strides = array<i32>} : memref<32x256xf32, #tpu.memory_space<vmem>>, vector<16xf32>,
        %get3A_1184 = arith.index_cast %add3A_1150 : i32 to index
        %get3A_1185 = arith.constant 176 : index
        %get3A_1186 = tpu.vector_load %arg8[%get3A_1184, %get3A_1185] {strides = array<i32>} : memref<32x256xf32, #tpu.memory_space<vmem>>, vector<16xf32>,
        %get3A_1187 = arith.index_cast %add3A_1150 : i32 to index
        %get3A_1188 = arith.constant 192 : index
        %get3A_1189 = tpu.vector_load %arg8[%get3A_1187, %get3A_1188] {strides = array<i32>} : memref<32x256xf32, #tpu.memory_space<vmem>>, vector<16xf32>,
        %get3A_1190 = arith.index_cast %add3A_1150 : i32 to index
        %get3A_1191 = arith.constant 208 : index
        %get3A_1192 = tpu.vector_load %arg8[%get3A_1190, %get3A_1191] {strides = array<i32>} : memref<32x256xf32, #tpu.memory_space<vmem>>, vector<16xf32>,
        %get3A_1193 = arith.index_cast %add3A_1150 : i32 to index
        %get3A_1194 = arith.constant 224 : index
        %get3A_1195 = tpu.vector_load %arg8[%get3A_1193, %get3A_1194] {strides = array<i32>} : memref<32x256xf32, #tpu.memory_space<vmem>>, vector<16xf32>,
        %get3A_1196 = arith.index_cast %add3A_1150 : i32 to index
        %get3A_1197 = arith.constant 240 : index
        %get3A_1198 = tpu.vector_load %arg8[%get3A_1196, %get3A_1197] {strides = array<i32>} : memref<32x256xf32, #tpu.memory_space<vmem>>, vector<16xf32>,
        %add3A_1199 = arith.addi %gather3A_1146, %add3A_12 : vector<16xi32>
        tpu.vector_store_idx %arg9[%add3A_1199], %get3A_1153 {add = true} : memref<82176xf32, #tpu.memory_space<vmem>>[vector<16xi32>], vector<16xf32>,
        %add3A_1200 = arith.addi %gather3A_1146, %add3A_15 : vector<16xi32>
        tpu.vector_store_idx %arg9[%add3A_1200], %get3A_1156 {add = true} : memref<82176xf32, #tpu.memory_space<vmem>>[vector<16xi32>], vector<16xf32>,
        %add3A_1201 = arith.addi %gather3A_1146, %add3A_18 : vector<16xi32>
        tpu.vector_store_idx %arg9[%add3A_1201], %get3A_1159 {add = true} : memref<82176xf32, #tpu.memory_space<vmem>>[vector<16xi32>], vector<16xf32>,
        %add3A_1202 = arith.addi %gather3A_1146, %add3A_21 : vector<16xi32>
        tpu.vector_store_idx %arg9[%add3A_1202], %get3A_1162 {add = true} : memref<82176xf32, #tpu.memory_space<vmem>>[vector<16xi32>], vector<16xf32>,
        %add3A_1203 = arith.addi %gather3A_1146, %add3A_24 : vector<16xi32>
        tpu.vector_store_idx %arg9[%add3A_1203], %get3A_1165 {add = true} : memref<82176xf32, #tpu.memory_space<vmem>>[vector<16xi32>], vector<16xf32>,
        %add3A_1204 = arith.addi %gather3A_1146, %add3A_27 : vector<16xi32>
        tpu.vector_store_idx %arg9[%add3A_1204], %get3A_1168 {add = true} : memref<82176xf32, #tpu.memory_space<vmem>>[vector<16xi32>], vector<16xf32>,
        %add3A_1205 = arith.addi %gather3A_1146, %add3A_30 : vector<16xi32>
        tpu.vector_store_idx %arg9[%add3A_1205], %get3A_1171 {add = true} : memref<82176xf32, #tpu.memory_space<vmem>>[vector<16xi32>], vector<16xf32>,
        %add3A_1206 = arith.addi %gather3A_1146, %add3A_33 : vector<16xi32>
        tpu.vector_store_idx %arg9[%add3A_1206], %get3A_1174 {add = true} : memref<82176xf32, #tpu.memory_space<vmem>>[vector<16xi32>], vector<16xf32>,
        %add3A_1207 = arith.addi %gather3A_1146, %add3A_36 : vector<16xi32>
        tpu.vector_store_idx %arg9[%add3A_1207], %get3A_1177 {add = true} : memref<82176xf32, #tpu.memory_space<vmem>>[vector<16xi32>], vector<16xf32>,
        %add3A_1208 = arith.addi %gather3A_1146, %add3A_39 : vector<16xi32>
        tpu.vector_store_idx %arg9[%add3A_1208], %get3A_1180 {add = true} : memref<82176xf32, #tpu.memory_space<vmem>>[vector<16xi32>], vector<16xf32>,
        %add3A_1209 = arith.addi %gather3A_1146, %add3A_42 : vector<16xi32>
        tpu.vector_store_idx %arg9[%add3A_1209], %get3A_1183 {add = true} : memref<82176xf32, #tpu.memory_space<vmem>>[vector<16xi32>], vector<16xf32>,
        %add3A_1210 = arith.addi %gather3A_1146, %add3A_45 : vector<16xi32>
        tpu.vector_store_idx %arg9[%add3A_1210], %get3A_1186 {add = true} : memref<82176xf32, #tpu.memory_space<vmem>>[vector<16xi32>], vector<16xf32>,
        %add3A_1211 = arith.addi %gather3A_1146, %add3A_48 : vector<16xi32>
        tpu.vector_store_idx %arg9[%add3A_1211], %get3A_1189 {add = true} : memref<82176xf32, #tpu.memory_space<vmem>>[vector<16xi32>], vector<16xf32>,
        %add3A_1212 = arith.addi %gather3A_1146, %add3A_51 : vector<16xi32>
        tpu.vector_store_idx %arg9[%add3A_1212], %get3A_1192 {add = true} : memref<82176xf32, #tpu.memory_space<vmem>>[vector<16xi32>], vector<16xf32>,
        %add3A_1213 = arith.addi %gather3A_1146, %add3A_54 : vector<16xi32>
        tpu.vector_store_idx %arg9[%add3A_1213], %get3A_1195 {add = true} : memref<82176xf32, #tpu.memory_space<vmem>>[vector<16xi32>], vector<16xf32>,
        %add3A_1214 = arith.addi %gather3A_1146, %add3A_57 : vector<16xi32>
        tpu.vector_store_idx %arg9[%add3A_1214], %get3A_1198 {add = true} : memref<82176xf32, #tpu.memory_space<vmem>>[vector<16xi32>], vector<16xf32>,
        %broadcast_in_dim3A_1215 = arith.constant 13 : i32
        %broadcast_in_dim3A_1216 = vector.broadcast %broadcast_in_dim3A_1215 : i32 to vector<16xi32>
        %lt3A_1217 = arith.constant 0 : i32
        %lt3A_1218 = vector.broadcast %lt3A_1217 : i32 to vector<16xi32>
        %lt3A_1219 = arith.cmpi slt, %broadcast_in_dim3A_1216, %lt3A_1218 : vector<16xi32>
        %add3A_1220 = arith.constant 16 : i32
        %add3A_1221 = vector.broadcast %add3A_1220 : i32 to vector<16xi32>
        %add3A_1222 = arith.addi %broadcast_in_dim3A_1216, %add3A_1221 : vector<16xi32>
        %select_n3A_1223 = arith.select %lt3A_1219, %add3A_1222, %broadcast_in_dim3A_1216 : vector<16xi1>, vector<16xi32>
        %broadcast_in_dim3A_1224 = vector.shape_cast %select_n3A_1223 : vector<16xi32> to vector<16x1xi32>
        %gather3A_1225 = vector.shape_cast %broadcast_in_dim3A_1224 : vector<16x1xi32> to vector<16xi32>
        %gather3A_1226 = tpu.dynamic_gather %mul3A_175[%gather3A_1225] in [0] : vector<16xi32>, vector<16xi32> -> vector<16xi32>
        %add3A_1227 = arith.constant 0 : i32
        %add3A_1228 = arith.addi %mul3A_169, %add3A_1227 : i32
        %add3A_1229 = arith.constant 13 : i32
        %add3A_1230 = arith.addi %add3A_1228, %add3A_1229 : i32
        %get3A_1231 = arith.index_cast %add3A_1230 : i32 to index
        %get3A_1232 = arith.constant 0 : index
        %get3A_1233 = tpu.vector_load %arg8[%get3A_1231, %get3A_1232] {strides = array<i32>} : memref<32x256xf32, #tpu.memory_space<vmem>>, vector<16xf32>,
        %get3A_1234 = arith.index_cast %add3A_1230 : i32 to index
        %get3A_1235 = arith.constant 16 : index
        %get3A_1236 = tpu.vector_load %arg8[%get3A_1234, %get3A_1235] {strides = array<i32>} : memref<32x256xf32, #tpu.memory_space<vmem>>, vector<16xf32>,
        %get3A_1237 = arith.index_cast %add3A_1230 : i32 to index
        %get3A_1238 = arith.constant 32 : index
        %get3A_1239 = tpu.vector_load %arg8[%get3A_1237, %get3A_1238] {strides = array<i32>} : memref<32x256xf32, #tpu.memory_space<vmem>>, vector<16xf32>,
        %get3A_1240 = arith.index_cast %add3A_1230 : i32 to index
        %get3A_1241 = arith.constant 48 : index
        %get3A_1242 = tpu.vector_load %arg8[%get3A_1240, %get3A_1241] {strides = array<i32>} : memref<32x256xf32, #tpu.memory_space<vmem>>, vector<16xf32>,
        %get3A_1243 = arith.index_cast %add3A_1230 : i32 to index
        %get3A_1244 = arith.constant 64 : index
        %get3A_1245 = tpu.vector_load %arg8[%get3A_1243, %get3A_1244] {strides = array<i32>} : memref<32x256xf32, #tpu.memory_space<vmem>>, vector<16xf32>,
        %get3A_1246 = arith.index_cast %add3A_1230 : i32 to index
        %get3A_1247 = arith.constant 80 : index
        %get3A_1248 = tpu.vector_load %arg8[%get3A_1246, %get3A_1247] {strides = array<i32>} : memref<32x256xf32, #tpu.memory_space<vmem>>, vector<16xf32>,
        %get3A_1249 = arith.index_cast %add3A_1230 : i32 to index
        %get3A_1250 = arith.constant 96 : index
        %get3A_1251 = tpu.vector_load %arg8[%get3A_1249, %get3A_1250] {strides = array<i32>} : memref<32x256xf32, #tpu.memory_space<vmem>>, vector<16xf32>,
        %get3A_1252 = arith.index_cast %add3A_1230 : i32 to index
        %get3A_1253 = arith.constant 112 : index
        %get3A_1254 = tpu.vector_load %arg8[%get3A_1252, %get3A_1253] {strides = array<i32>} : memref<32x256xf32, #tpu.memory_space<vmem>>, vector<16xf32>,
        %get3A_1255 = arith.index_cast %add3A_1230 : i32 to index
        %get3A_1256 = arith.constant 128 : index
        %get3A_1257 = tpu.vector_load %arg8[%get3A_1255, %get3A_1256] {strides = array<i32>} : memref<32x256xf32, #tpu.memory_space<vmem>>, vector<16xf32>,
        %get3A_1258 = arith.index_cast %add3A_1230 : i32 to index
        %get3A_1259 = arith.constant 144 : index
        %get3A_1260 = tpu.vector_load %arg8[%get3A_1258, %get3A_1259] {strides = array<i32>} : memref<32x256xf32, #tpu.memory_space<vmem>>, vector<16xf32>,
        %get3A_1261 = arith.index_cast %add3A_1230 : i32 to index
        %get3A_1262 = arith.constant 160 : index
        %get3A_1263 = tpu.vector_load %arg8[%get3A_1261, %get3A_1262] {strides = array<i32>} : memref<32x256xf32, #tpu.memory_space<vmem>>, vector<16xf32>,
        %get3A_1264 = arith.index_cast %add3A_1230 : i32 to index
        %get3A_1265 = arith.constant 176 : index
        %get3A_1266 = tpu.vector_load %arg8[%get3A_1264, %get3A_1265] {strides = array<i32>} : memref<32x256xf32, #tpu.memory_space<vmem>>, vector<16xf32>,
        %get3A_1267 = arith.index_cast %add3A_1230 : i32 to index
        %get3A_1268 = arith.constant 192 : index
        %get3A_1269 = tpu.vector_load %arg8[%get3A_1267, %get3A_1268] {strides = array<i32>} : memref<32x256xf32, #tpu.memory_space<vmem>>, vector<16xf32>,
        %get3A_1270 = arith.index_cast %add3A_1230 : i32 to index
        %get3A_1271 = arith.constant 208 : index
        %get3A_1272 = tpu.vector_load %arg8[%get3A_1270, %get3A_1271] {strides = array<i32>} : memref<32x256xf32, #tpu.memory_space<vmem>>, vector<16xf32>,
        %get3A_1273 = arith.index_cast %add3A_1230 : i32 to index
        %get3A_1274 = arith.constant 224 : index
        %get3A_1275 = tpu.vector_load %arg8[%get3A_1273, %get3A_1274] {strides = array<i32>} : memref<32x256xf32, #tpu.memory_space<vmem>>, vector<16xf32>,
        %get3A_1276 = arith.index_cast %add3A_1230 : i32 to index
        %get3A_1277 = arith.constant 240 : index
        %get3A_1278 = tpu.vector_load %arg8[%get3A_1276, %get3A_1277] {strides = array<i32>} : memref<32x256xf32, #tpu.memory_space<vmem>>, vector<16xf32>,
        %add3A_1279 = arith.addi %gather3A_1226, %add3A_12 : vector<16xi32>
        tpu.vector_store_idx %arg9[%add3A_1279], %get3A_1233 {add = true} : memref<82176xf32, #tpu.memory_space<vmem>>[vector<16xi32>], vector<16xf32>,
        %add3A_1280 = arith.addi %gather3A_1226, %add3A_15 : vector<16xi32>
        tpu.vector_store_idx %arg9[%add3A_1280], %get3A_1236 {add = true} : memref<82176xf32, #tpu.memory_space<vmem>>[vector<16xi32>], vector<16xf32>,
        %add3A_1281 = arith.addi %gather3A_1226, %add3A_18 : vector<16xi32>
        tpu.vector_store_idx %arg9[%add3A_1281], %get3A_1239 {add = true} : memref<82176xf32, #tpu.memory_space<vmem>>[vector<16xi32>], vector<16xf32>,
        %add3A_1282 = arith.addi %gather3A_1226, %add3A_21 : vector<16xi32>
        tpu.vector_store_idx %arg9[%add3A_1282], %get3A_1242 {add = true} : memref<82176xf32, #tpu.memory_space<vmem>>[vector<16xi32>], vector<16xf32>,
        %add3A_1283 = arith.addi %gather3A_1226, %add3A_24 : vector<16xi32>
        tpu.vector_store_idx %arg9[%add3A_1283], %get3A_1245 {add = true} : memref<82176xf32, #tpu.memory_space<vmem>>[vector<16xi32>], vector<16xf32>,
        %add3A_1284 = arith.addi %gather3A_1226, %add3A_27 : vector<16xi32>
        tpu.vector_store_idx %arg9[%add3A_1284], %get3A_1248 {add = true} : memref<82176xf32, #tpu.memory_space<vmem>>[vector<16xi32>], vector<16xf32>,
        %add3A_1285 = arith.addi %gather3A_1226, %add3A_30 : vector<16xi32>
        tpu.vector_store_idx %arg9[%add3A_1285], %get3A_1251 {add = true} : memref<82176xf32, #tpu.memory_space<vmem>>[vector<16xi32>], vector<16xf32>,
        %add3A_1286 = arith.addi %gather3A_1226, %add3A_33 : vector<16xi32>
        tpu.vector_store_idx %arg9[%add3A_1286], %get3A_1254 {add = true} : memref<82176xf32, #tpu.memory_space<vmem>>[vector<16xi32>], vector<16xf32>,
        %add3A_1287 = arith.addi %gather3A_1226, %add3A_36 : vector<16xi32>
        tpu.vector_store_idx %arg9[%add3A_1287], %get3A_1257 {add = true} : memref<82176xf32, #tpu.memory_space<vmem>>[vector<16xi32>], vector<16xf32>,
        %add3A_1288 = arith.addi %gather3A_1226, %add3A_39 : vector<16xi32>
        tpu.vector_store_idx %arg9[%add3A_1288], %get3A_1260 {add = true} : memref<82176xf32, #tpu.memory_space<vmem>>[vector<16xi32>], vector<16xf32>,
        %add3A_1289 = arith.addi %gather3A_1226, %add3A_42 : vector<16xi32>
        tpu.vector_store_idx %arg9[%add3A_1289], %get3A_1263 {add = true} : memref<82176xf32, #tpu.memory_space<vmem>>[vector<16xi32>], vector<16xf32>,
        %add3A_1290 = arith.addi %gather3A_1226, %add3A_45 : vector<16xi32>
        tpu.vector_store_idx %arg9[%add3A_1290], %get3A_1266 {add = true} : memref<82176xf32, #tpu.memory_space<vmem>>[vector<16xi32>], vector<16xf32>,
        %add3A_1291 = arith.addi %gather3A_1226, %add3A_48 : vector<16xi32>
        tpu.vector_store_idx %arg9[%add3A_1291], %get3A_1269 {add = true} : memref<82176xf32, #tpu.memory_space<vmem>>[vector<16xi32>], vector<16xf32>,
        %add3A_1292 = arith.addi %gather3A_1226, %add3A_51 : vector<16xi32>
        tpu.vector_store_idx %arg9[%add3A_1292], %get3A_1272 {add = true} : memref<82176xf32, #tpu.memory_space<vmem>>[vector<16xi32>], vector<16xf32>,
        %add3A_1293 = arith.addi %gather3A_1226, %add3A_54 : vector<16xi32>
        tpu.vector_store_idx %arg9[%add3A_1293], %get3A_1275 {add = true} : memref<82176xf32, #tpu.memory_space<vmem>>[vector<16xi32>], vector<16xf32>,
        %add3A_1294 = arith.addi %gather3A_1226, %add3A_57 : vector<16xi32>
        tpu.vector_store_idx %arg9[%add3A_1294], %get3A_1278 {add = true} : memref<82176xf32, #tpu.memory_space<vmem>>[vector<16xi32>], vector<16xf32>,
        %broadcast_in_dim3A_1295 = arith.constant 14 : i32
        %broadcast_in_dim3A_1296 = vector.broadcast %broadcast_in_dim3A_1295 : i32 to vector<16xi32>
        %lt3A_1297 = arith.constant 0 : i32
        %lt3A_1298 = vector.broadcast %lt3A_1297 : i32 to vector<16xi32>
        %lt3A_1299 = arith.cmpi slt, %broadcast_in_dim3A_1296, %lt3A_1298 : vector<16xi32>
        %add3A_1300 = arith.constant 16 : i32
        %add3A_1301 = vector.broadcast %add3A_1300 : i32 to vector<16xi32>
        %add3A_1302 = arith.addi %broadcast_in_dim3A_1296, %add3A_1301 : vector<16xi32>
        %select_n3A_1303 = arith.select %lt3A_1299, %add3A_1302, %broadcast_in_dim3A_1296 : vector<16xi1>, vector<16xi32>
        %broadcast_in_dim3A_1304 = vector.shape_cast %select_n3A_1303 : vector<16xi32> to vector<16x1xi32>
        %gather3A_1305 = vector.shape_cast %broadcast_in_dim3A_1304 : vector<16x1xi32> to vector<16xi32>
        %gather3A_1306 = tpu.dynamic_gather %mul3A_175[%gather3A_1305] in [0] : vector<16xi32>, vector<16xi32> -> vector<16xi32>
        %add3A_1307 = arith.constant 0 : i32
        %add3A_1308 = arith.addi %mul3A_169, %add3A_1307 : i32
        %add3A_1309 = arith.constant 14 : i32
        %add3A_1310 = arith.addi %add3A_1308, %add3A_1309 : i32
        %get3A_1311 = arith.index_cast %add3A_1310 : i32 to index
        %get3A_1312 = arith.constant 0 : index
        %get3A_1313 = tpu.vector_load %arg8[%get3A_1311, %get3A_1312] {strides = array<i32>} : memref<32x256xf32, #tpu.memory_space<vmem>>, vector<16xf32>,
        %get3A_1314 = arith.index_cast %add3A_1310 : i32 to index
        %get3A_1315 = arith.constant 16 : index
        %get3A_1316 = tpu.vector_load %arg8[%get3A_1314, %get3A_1315] {strides = array<i32>} : memref<32x256xf32, #tpu.memory_space<vmem>>, vector<16xf32>,
        %get3A_1317 = arith.index_cast %add3A_1310 : i32 to index
        %get3A_1318 = arith.constant 32 : index
        %get3A_1319 = tpu.vector_load %arg8[%get3A_1317, %get3A_1318] {strides = array<i32>} : memref<32x256xf32, #tpu.memory_space<vmem>>, vector<16xf32>,
        %get3A_1320 = arith.index_cast %add3A_1310 : i32 to index
        %get3A_1321 = arith.constant 48 : index
        %get3A_1322 = tpu.vector_load %arg8[%get3A_1320, %get3A_1321] {strides = array<i32>} : memref<32x256xf32, #tpu.memory_space<vmem>>, vector<16xf32>,
        %get3A_1323 = arith.index_cast %add3A_1310 : i32 to index
        %get3A_1324 = arith.constant 64 : index
        %get3A_1325 = tpu.vector_load %arg8[%get3A_1323, %get3A_1324] {strides = array<i32>} : memref<32x256xf32, #tpu.memory_space<vmem>>, vector<16xf32>,
        %get3A_1326 = arith.index_cast %add3A_1310 : i32 to index
        %get3A_1327 = arith.constant 80 : index
        %get3A_1328 = tpu.vector_load %arg8[%get3A_1326, %get3A_1327] {strides = array<i32>} : memref<32x256xf32, #tpu.memory_space<vmem>>, vector<16xf32>,
        %get3A_1329 = arith.index_cast %add3A_1310 : i32 to index
        %get3A_1330 = arith.constant 96 : index
        %get3A_1331 = tpu.vector_load %arg8[%get3A_1329, %get3A_1330] {strides = array<i32>} : memref<32x256xf32, #tpu.memory_space<vmem>>, vector<16xf32>,
        %get3A_1332 = arith.index_cast %add3A_1310 : i32 to index
        %get3A_1333 = arith.constant 112 : index
        %get3A_1334 = tpu.vector_load %arg8[%get3A_1332, %get3A_1333] {strides = array<i32>} : memref<32x256xf32, #tpu.memory_space<vmem>>, vector<16xf32>,
        %get3A_1335 = arith.index_cast %add3A_1310 : i32 to index
        %get3A_1336 = arith.constant 128 : index
        %get3A_1337 = tpu.vector_load %arg8[%get3A_1335, %get3A_1336] {strides = array<i32>} : memref<32x256xf32, #tpu.memory_space<vmem>>, vector<16xf32>,
        %get3A_1338 = arith.index_cast %add3A_1310 : i32 to index
        %get3A_1339 = arith.constant 144 : index
        %get3A_1340 = tpu.vector_load %arg8[%get3A_1338, %get3A_1339] {strides = array<i32>} : memref<32x256xf32, #tpu.memory_space<vmem>>, vector<16xf32>,
        %get3A_1341 = arith.index_cast %add3A_1310 : i32 to index
        %get3A_1342 = arith.constant 160 : index
        %get3A_1343 = tpu.vector_load %arg8[%get3A_1341, %get3A_1342] {strides = array<i32>} : memref<32x256xf32, #tpu.memory_space<vmem>>, vector<16xf32>,
        %get3A_1344 = arith.index_cast %add3A_1310 : i32 to index
        %get3A_1345 = arith.constant 176 : index
        %get3A_1346 = tpu.vector_load %arg8[%get3A_1344, %get3A_1345] {strides = array<i32>} : memref<32x256xf32, #tpu.memory_space<vmem>>, vector<16xf32>,
        %get3A_1347 = arith.index_cast %add3A_1310 : i32 to index
        %get3A_1348 = arith.constant 192 : index
        %get3A_1349 = tpu.vector_load %arg8[%get3A_1347, %get3A_1348] {strides = array<i32>} : memref<32x256xf32, #tpu.memory_space<vmem>>, vector<16xf32>,
        %get3A_1350 = arith.index_cast %add3A_1310 : i32 to index
        %get3A_1351 = arith.constant 208 : index
        %get3A_1352 = tpu.vector_load %arg8[%get3A_1350, %get3A_1351] {strides = array<i32>} : memref<32x256xf32, #tpu.memory_space<vmem>>, vector<16xf32>,
        %get3A_1353 = arith.index_cast %add3A_1310 : i32 to index
        %get3A_1354 = arith.constant 224 : index
        %get3A_1355 = tpu.vector_load %arg8[%get3A_1353, %get3A_1354] {strides = array<i32>} : memref<32x256xf32, #tpu.memory_space<vmem>>, vector<16xf32>,
        %get3A_1356 = arith.index_cast %add3A_1310 : i32 to index
        %get3A_1357 = arith.constant 240 : index
        %get3A_1358 = tpu.vector_load %arg8[%get3A_1356, %get3A_1357] {strides = array<i32>} : memref<32x256xf32, #tpu.memory_space<vmem>>, vector<16xf32>,
        %add3A_1359 = arith.addi %gather3A_1306, %add3A_12 : vector<16xi32>
        tpu.vector_store_idx %arg9[%add3A_1359], %get3A_1313 {add = true} : memref<82176xf32, #tpu.memory_space<vmem>>[vector<16xi32>], vector<16xf32>,
        %add3A_1360 = arith.addi %gather3A_1306, %add3A_15 : vector<16xi32>
        tpu.vector_store_idx %arg9[%add3A_1360], %get3A_1316 {add = true} : memref<82176xf32, #tpu.memory_space<vmem>>[vector<16xi32>], vector<16xf32>,
        %add3A_1361 = arith.addi %gather3A_1306, %add3A_18 : vector<16xi32>
        tpu.vector_store_idx %arg9[%add3A_1361], %get3A_1319 {add = true} : memref<82176xf32, #tpu.memory_space<vmem>>[vector<16xi32>], vector<16xf32>,
        %add3A_1362 = arith.addi %gather3A_1306, %add3A_21 : vector<16xi32>
        tpu.vector_store_idx %arg9[%add3A_1362], %get3A_1322 {add = true} : memref<82176xf32, #tpu.memory_space<vmem>>[vector<16xi32>], vector<16xf32>,
        %add3A_1363 = arith.addi %gather3A_1306, %add3A_24 : vector<16xi32>
        tpu.vector_store_idx %arg9[%add3A_1363], %get3A_1325 {add = true} : memref<82176xf32, #tpu.memory_space<vmem>>[vector<16xi32>], vector<16xf32>,
        %add3A_1364 = arith.addi %gather3A_1306, %add3A_27 : vector<16xi32>
        tpu.vector_store_idx %arg9[%add3A_1364], %get3A_1328 {add = true} : memref<82176xf32, #tpu.memory_space<vmem>>[vector<16xi32>], vector<16xf32>,
        %add3A_1365 = arith.addi %gather3A_1306, %add3A_30 : vector<16xi32>
        tpu.vector_store_idx %arg9[%add3A_1365], %get3A_1331 {add = true} : memref<82176xf32, #tpu.memory_space<vmem>>[vector<16xi32>], vector<16xf32>,
        %add3A_1366 = arith.addi %gather3A_1306, %add3A_33 : vector<16xi32>
        tpu.vector_store_idx %arg9[%add3A_1366], %get3A_1334 {add = true} : memref<82176xf32, #tpu.memory_space<vmem>>[vector<16xi32>], vector<16xf32>,
        %add3A_1367 = arith.addi %gather3A_1306, %add3A_36 : vector<16xi32>
        tpu.vector_store_idx %arg9[%add3A_1367], %get3A_1337 {add = true} : memref<82176xf32, #tpu.memory_space<vmem>>[vector<16xi32>], vector<16xf32>,
        %add3A_1368 = arith.addi %gather3A_1306, %add3A_39 : vector<16xi32>
        tpu.vector_store_idx %arg9[%add3A_1368], %get3A_1340 {add = true} : memref<82176xf32, #tpu.memory_space<vmem>>[vector<16xi32>], vector<16xf32>,
        %add3A_1369 = arith.addi %gather3A_1306, %add3A_42 : vector<16xi32>
        tpu.vector_store_idx %arg9[%add3A_1369], %get3A_1343 {add = true} : memref<82176xf32, #tpu.memory_space<vmem>>[vector<16xi32>], vector<16xf32>,
        %add3A_1370 = arith.addi %gather3A_1306, %add3A_45 : vector<16xi32>
        tpu.vector_store_idx %arg9[%add3A_1370], %get3A_1346 {add = true} : memref<82176xf32, #tpu.memory_space<vmem>>[vector<16xi32>], vector<16xf32>,
        %add3A_1371 = arith.addi %gather3A_1306, %add3A_48 : vector<16xi32>
        tpu.vector_store_idx %arg9[%add3A_1371], %get3A_1349 {add = true} : memref<82176xf32, #tpu.memory_space<vmem>>[vector<16xi32>], vector<16xf32>,
        %add3A_1372 = arith.addi %gather3A_1306, %add3A_51 : vector<16xi32>
        tpu.vector_store_idx %arg9[%add3A_1372], %get3A_1352 {add = true} : memref<82176xf32, #tpu.memory_space<vmem>>[vector<16xi32>], vector<16xf32>,
        %add3A_1373 = arith.addi %gather3A_1306, %add3A_54 : vector<16xi32>
        tpu.vector_store_idx %arg9[%add3A_1373], %get3A_1355 {add = true} : memref<82176xf32, #tpu.memory_space<vmem>>[vector<16xi32>], vector<16xf32>,
        %add3A_1374 = arith.addi %gather3A_1306, %add3A_57 : vector<16xi32>
        tpu.vector_store_idx %arg9[%add3A_1374], %get3A_1358 {add = true} : memref<82176xf32, #tpu.memory_space<vmem>>[vector<16xi32>], vector<16xf32>,
        %broadcast_in_dim3A_1375 = arith.constant 15 : i32
        %broadcast_in_dim3A_1376 = vector.broadcast %broadcast_in_dim3A_1375 : i32 to vector<16xi32>
        %lt3A_1377 = arith.constant 0 : i32
        %lt3A_1378 = vector.broadcast %lt3A_1377 : i32 to vector<16xi32>
        %lt3A_1379 = arith.cmpi slt, %broadcast_in_dim3A_1376, %lt3A_1378 : vector<16xi32>
        %add3A_1380 = arith.constant 16 : i32
        %add3A_1381 = vector.broadcast %add3A_1380 : i32 to vector<16xi32>
        %add3A_1382 = arith.addi %broadcast_in_dim3A_1376, %add3A_1381 : vector<16xi32>
        %select_n3A_1383 = arith.select %lt3A_1379, %add3A_1382, %broadcast_in_dim3A_1376 : vector<16xi1>, vector<16xi32>
        %broadcast_in_dim3A_1384 = vector.shape_cast %select_n3A_1383 : vector<16xi32> to vector<16x1xi32>
        %gather3A_1385 = vector.shape_cast %broadcast_in_dim3A_1384 : vector<16x1xi32> to vector<16xi32>
        %gather3A_1386 = tpu.dynamic_gather %mul3A_175[%gather3A_1385] in [0] : vector<16xi32>, vector<16xi32> -> vector<16xi32>
        %add3A_1387 = arith.constant 0 : i32
        %add3A_1388 = arith.addi %mul3A_169, %add3A_1387 : i32
        %add3A_1389 = arith.constant 15 : i32
        %add3A_1390 = arith.addi %add3A_1388, %add3A_1389 : i32
        %get3A_1391 = arith.index_cast %add3A_1390 : i32 to index
        %get3A_1392 = arith.constant 0 : index
        %get3A_1393 = tpu.vector_load %arg8[%get3A_1391, %get3A_1392] {strides = array<i32>} : memref<32x256xf32, #tpu.memory_space<vmem>>, vector<16xf32>,
        %get3A_1394 = arith.index_cast %add3A_1390 : i32 to index
        %get3A_1395 = arith.constant 16 : index
        %get3A_1396 = tpu.vector_load %arg8[%get3A_1394, %get3A_1395] {strides = array<i32>} : memref<32x256xf32, #tpu.memory_space<vmem>>, vector<16xf32>,
        %get3A_1397 = arith.index_cast %add3A_1390 : i32 to index
        %get3A_1398 = arith.constant 32 : index
        %get3A_1399 = tpu.vector_load %arg8[%get3A_1397, %get3A_1398] {strides = array<i32>} : memref<32x256xf32, #tpu.memory_space<vmem>>, vector<16xf32>,
        %get3A_1400 = arith.index_cast %add3A_1390 : i32 to index
        %get3A_1401 = arith.constant 48 : index
        %get3A_1402 = tpu.vector_load %arg8[%get3A_1400, %get3A_1401] {strides = array<i32>} : memref<32x256xf32, #tpu.memory_space<vmem>>, vector<16xf32>,
        %get3A_1403 = arith.index_cast %add3A_1390 : i32 to index
        %get3A_1404 = arith.constant 64 : index
        %get3A_1405 = tpu.vector_load %arg8[%get3A_1403, %get3A_1404] {strides = array<i32>} : memref<32x256xf32, #tpu.memory_space<vmem>>, vector<16xf32>,
        %get3A_1406 = arith.index_cast %add3A_1390 : i32 to index
        %get3A_1407 = arith.constant 80 : index
        %get3A_1408 = tpu.vector_load %arg8[%get3A_1406, %get3A_1407] {strides = array<i32>} : memref<32x256xf32, #tpu.memory_space<vmem>>, vector<16xf32>,
        %get3A_1409 = arith.index_cast %add3A_1390 : i32 to index
        %get3A_1410 = arith.constant 96 : index
        %get3A_1411 = tpu.vector_load %arg8[%get3A_1409, %get3A_1410] {strides = array<i32>} : memref<32x256xf32, #tpu.memory_space<vmem>>, vector<16xf32>,
        %get3A_1412 = arith.index_cast %add3A_1390 : i32 to index
        %get3A_1413 = arith.constant 112 : index
        %get3A_1414 = tpu.vector_load %arg8[%get3A_1412, %get3A_1413] {strides = array<i32>} : memref<32x256xf32, #tpu.memory_space<vmem>>, vector<16xf32>,
        %get3A_1415 = arith.index_cast %add3A_1390 : i32 to index
        %get3A_1416 = arith.constant 128 : index
        %get3A_1417 = tpu.vector_load %arg8[%get3A_1415, %get3A_1416] {strides = array<i32>} : memref<32x256xf32, #tpu.memory_space<vmem>>, vector<16xf32>,
        %get3A_1418 = arith.index_cast %add3A_1390 : i32 to index
        %get3A_1419 = arith.constant 144 : index
        %get3A_1420 = tpu.vector_load %arg8[%get3A_1418, %get3A_1419] {strides = array<i32>} : memref<32x256xf32, #tpu.memory_space<vmem>>, vector<16xf32>,
        %get3A_1421 = arith.index_cast %add3A_1390 : i32 to index
        %get3A_1422 = arith.constant 160 : index
        %get3A_1423 = tpu.vector_load %arg8[%get3A_1421, %get3A_1422] {strides = array<i32>} : memref<32x256xf32, #tpu.memory_space<vmem>>, vector<16xf32>,
        %get3A_1424 = arith.index_cast %add3A_1390 : i32 to index
        %get3A_1425 = arith.constant 176 : index
        %get3A_1426 = tpu.vector_load %arg8[%get3A_1424, %get3A_1425] {strides = array<i32>} : memref<32x256xf32, #tpu.memory_space<vmem>>, vector<16xf32>,
        %get3A_1427 = arith.index_cast %add3A_1390 : i32 to index
        %get3A_1428 = arith.constant 192 : index
        %get3A_1429 = tpu.vector_load %arg8[%get3A_1427, %get3A_1428] {strides = array<i32>} : memref<32x256xf32, #tpu.memory_space<vmem>>, vector<16xf32>,
        %get3A_1430 = arith.index_cast %add3A_1390 : i32 to index
        %get3A_1431 = arith.constant 208 : index
        %get3A_1432 = tpu.vector_load %arg8[%get3A_1430, %get3A_1431] {strides = array<i32>} : memref<32x256xf32, #tpu.memory_space<vmem>>, vector<16xf32>,
        %get3A_1433 = arith.index_cast %add3A_1390 : i32 to index
        %get3A_1434 = arith.constant 224 : index
        %get3A_1435 = tpu.vector_load %arg8[%get3A_1433, %get3A_1434] {strides = array<i32>} : memref<32x256xf32, #tpu.memory_space<vmem>>, vector<16xf32>,
        %get3A_1436 = arith.index_cast %add3A_1390 : i32 to index
        %get3A_1437 = arith.constant 240 : index
        %get3A_1438 = tpu.vector_load %arg8[%get3A_1436, %get3A_1437] {strides = array<i32>} : memref<32x256xf32, #tpu.memory_space<vmem>>, vector<16xf32>,
        %add3A_1439 = arith.addi %gather3A_1386, %add3A_12 : vector<16xi32>
        tpu.vector_store_idx %arg9[%add3A_1439], %get3A_1393 {add = true} : memref<82176xf32, #tpu.memory_space<vmem>>[vector<16xi32>], vector<16xf32>,
        %add3A_1440 = arith.addi %gather3A_1386, %add3A_15 : vector<16xi32>
        tpu.vector_store_idx %arg9[%add3A_1440], %get3A_1396 {add = true} : memref<82176xf32, #tpu.memory_space<vmem>>[vector<16xi32>], vector<16xf32>,
        %add3A_1441 = arith.addi %gather3A_1386, %add3A_18 : vector<16xi32>
        tpu.vector_store_idx %arg9[%add3A_1441], %get3A_1399 {add = true} : memref<82176xf32, #tpu.memory_space<vmem>>[vector<16xi32>], vector<16xf32>,
        %add3A_1442 = arith.addi %gather3A_1386, %add3A_21 : vector<16xi32>
        tpu.vector_store_idx %arg9[%add3A_1442], %get3A_1402 {add = true} : memref<82176xf32, #tpu.memory_space<vmem>>[vector<16xi32>], vector<16xf32>,
        %add3A_1443 = arith.addi %gather3A_1386, %add3A_24 : vector<16xi32>
        tpu.vector_store_idx %arg9[%add3A_1443], %get3A_1405 {add = true} : memref<82176xf32, #tpu.memory_space<vmem>>[vector<16xi32>], vector<16xf32>,
        %add3A_1444 = arith.addi %gather3A_1386, %add3A_27 : vector<16xi32>
        tpu.vector_store_idx %arg9[%add3A_1444], %get3A_1408 {add = true} : memref<82176xf32, #tpu.memory_space<vmem>>[vector<16xi32>], vector<16xf32>,
        %add3A_1445 = arith.addi %gather3A_1386, %add3A_30 : vector<16xi32>
        tpu.vector_store_idx %arg9[%add3A_1445], %get3A_1411 {add = true} : memref<82176xf32, #tpu.memory_space<vmem>>[vector<16xi32>], vector<16xf32>,
        %add3A_1446 = arith.addi %gather3A_1386, %add3A_33 : vector<16xi32>
        tpu.vector_store_idx %arg9[%add3A_1446], %get3A_1414 {add = true} : memref<82176xf32, #tpu.memory_space<vmem>>[vector<16xi32>], vector<16xf32>,
        %add3A_1447 = arith.addi %gather3A_1386, %add3A_36 : vector<16xi32>
        tpu.vector_store_idx %arg9[%add3A_1447], %get3A_1417 {add = true} : memref<82176xf32, #tpu.memory_space<vmem>>[vector<16xi32>], vector<16xf32>,
        %add3A_1448 = arith.addi %gather3A_1386, %add3A_39 : vector<16xi32>
        tpu.vector_store_idx %arg9[%add3A_1448], %get3A_1420 {add = true} : memref<82176xf32, #tpu.memory_space<vmem>>[vector<16xi32>], vector<16xf32>,
        %add3A_1449 = arith.addi %gather3A_1386, %add3A_42 : vector<16xi32>
        tpu.vector_store_idx %arg9[%add3A_1449], %get3A_1423 {add = true} : memref<82176xf32, #tpu.memory_space<vmem>>[vector<16xi32>], vector<16xf32>,
        %add3A_1450 = arith.addi %gather3A_1386, %add3A_45 : vector<16xi32>
        tpu.vector_store_idx %arg9[%add3A_1450], %get3A_1426 {add = true} : memref<82176xf32, #tpu.memory_space<vmem>>[vector<16xi32>], vector<16xf32>,
        %add3A_1451 = arith.addi %gather3A_1386, %add3A_48 : vector<16xi32>
        tpu.vector_store_idx %arg9[%add3A_1451], %get3A_1429 {add = true} : memref<82176xf32, #tpu.memory_space<vmem>>[vector<16xi32>], vector<16xf32>,
        %add3A_1452 = arith.addi %gather3A_1386, %add3A_51 : vector<16xi32>
        tpu.vector_store_idx %arg9[%add3A_1452], %get3A_1432 {add = true} : memref<82176xf32, #tpu.memory_space<vmem>>[vector<16xi32>], vector<16xf32>,
        %add3A_1453 = arith.addi %gather3A_1386, %add3A_54 : vector<16xi32>
        tpu.vector_store_idx %arg9[%add3A_1453], %get3A_1435 {add = true} : memref<82176xf32, #tpu.memory_space<vmem>>[vector<16xi32>], vector<16xf32>,
        %add3A_1454 = arith.addi %gather3A_1386, %add3A_57 : vector<16xi32>
        tpu.vector_store_idx %arg9[%add3A_1454], %get3A_1438 {add = true} : memref<82176xf32, #tpu.memory_space<vmem>>[vector<16xi32>], vector<16xf32>,
        %while3A_1455 = arith.constant 0 : i32
        scf.yield %while3A_1455 : i32
      }
      %scan3A_127 = arith.constant 0 : i32
      scf.yield %scan3A_127 : i32
    }
    %scan3A_64 = arith.constant 40 : i32
    %scan3A_65 = arith.constant 0 : i32
    %scan3A_66 = arith.constant 0 : i32
    %scan3A_67 = arith.constant 40 : i32
    %scan3A_68 = arith.addi %scan3A_66, %scan3A_67 : i32
    %scan3A_69 = arith.constant 1 : i32
    %scan3A_70 = scf.for %scan3A_72 = %scan3A_66 to %scan3A_68 step %scan3A_69 iter_args(%scan3A_73 = %scan3A_65) -> (i32)  : i32 {
      %mul3A_74 = arith.constant 8 : i32
      %mul3A_75 = arith.muli %scan3A_72, %mul3A_74 : i32
      %add3A_76 = arith.addi %mul3A_2, %mul3A_75 : i32
      %add3A_77 = arith.constant 8 : i32
      %add3A_78 = arith.addi %add3A_76, %add3A_77 : i32
      %le3A = arith.constant 10000 : i32
      %le3A_79 = arith.cmpi sle, %add3A_78, %le3A : i32
      %convert_element_type3A = arith.extui %le3A_79 : i1 to i32
      %cond3A = arith.constant 0 : i32
      %cond3A_80 = arith.cmpi ne, %convert_element_type3A, %cond3A : i32
      scf.if %cond3A_80 {
        %mul3A_82 = arith.constant 8 : i32
        %mul3A_83 = arith.muli %scan3A_72, %mul3A_82 : i32
        %mul3A_84 = arith.constant 256 : i32
        %mul3A_85 = arith.muli %mul3A_83, %mul3A_84 : i32
        %mul3A_86 = arith.constant 256 : i32
        %mul3A_87 = arith.muli %mul3A_2, %mul3A_86 : i32
        %mul3A_88 = arith.constant 8 : i32
        %mul3A_89 = arith.muli %scan3A_72, %mul3A_88 : i32
        %mul3A_90 = arith.constant 256 : i32
        %mul3A_91 = arith.muli %mul3A_89, %mul3A_90 : i32
        %add3A_92 = arith.addi %mul3A_87, %mul3A_91 : i32
        "tpu.region"() ({
          %run_scoped3A = tpu.sem_alloc : memref<!tpu.dma_semaphore, #tpu.memory_space<semaphore_mem>>
          %dma_start3A = tpu.memref_slice %arg9[%mul3A_85] : memref<82176xf32, #tpu.memory_space<vmem>> -> memref<2048xf32, #tpu.memory_space<vmem>>
          %dma_start3A_93 = tpu.memref_slice %arg4[%add3A_92] : memref<2560000xf32, #tpu.memory_space<hbm>> -> memref<2048xf32, #tpu.memory_space<hbm>>
          %dma_start3A_94 = tpu.memref_slice %arg4[%add3A_92] : memref<2560000xf32, #tpu.memory_space<hbm>> -> memref<2048xf32, #tpu.memory_space<hbm>>
          %dma_start3A_95 = tpu.memref_slice %arg9[%mul3A_85] : memref<82176xf32, #tpu.memory_space<vmem>> -> memref<2048xf32, #tpu.memory_space<vmem>>
          tpu.enqueue_dma source(%dma_start3A_95 : memref<2048xf32, #tpu.memory_space<vmem>>) target(%dma_start3A_94 : memref<2048xf32, #tpu.memory_space<hbm>>) target_semaphore(%run_scoped3A : memref<!tpu.dma_semaphore, #tpu.memory_space<semaphore_mem>>)
          %dma_wait3A = tpu.memref_slice %arg9[%mul3A_85] : memref<82176xf32, #tpu.memory_space<vmem>> -> memref<2048xf32, #tpu.memory_space<vmem>>
          %dma_wait3A_96 = tpu.memref_slice %arg4[%add3A_92] : memref<2560000xf32, #tpu.memory_space<hbm>> -> memref<2048xf32, #tpu.memory_space<hbm>>
          %dma_wait3A_97 = tpu.memref_slice %arg4[%add3A_92] : memref<2560000xf32, #tpu.memory_space<hbm>> -> memref<2048xf32, #tpu.memory_space<hbm>>
          %dma_wait3A_98 = tpu.memref_slice %arg9[%mul3A_85] : memref<82176xf32, #tpu.memory_space<vmem>> -> memref<2048xf32, #tpu.memory_space<vmem>>
          tpu.wait_dma2 semaphore(%run_scoped3A : memref<!tpu.dma_semaphore, #tpu.memory_space<semaphore_mem>>) src(%dma_wait3A_98 : memref<2048xf32, #tpu.memory_space<vmem>>) dst(%dma_wait3A_97 : memref<2048xf32, #tpu.memory_space<hbm>>)
          tpu.yield
        }) : () -> ()
      } else {
      }
      %scan3A_81 = arith.constant 0 : i32
      scf.yield %scan3A_81 : i32
    }
    %scan3A_71 = arith.constant 40 : i32
    return
  }
}

module attributes {stable_mosaic.version = 14 : i64} {
  func.func @_tc_msg_body(%arg0: i32, %arg1: memref<1600x256xf32, #tpu.memory_space<vmem>>, %arg2: memref<1600x16xf32, #tpu.memory_space<vmem>>, %arg3: memref<256x256xf32, #tpu.memory_space<vmem>>, %arg4: memref<16x256xf32, #tpu.memory_space<vmem>>, %arg5: memref<1x256xf32, #tpu.memory_space<vmem>>, %arg6: memref<256x256xf32, #tpu.memory_space<vmem>>, %arg7: memref<1x256xf32, #tpu.memory_space<vmem>>, %arg8: memref<1600x256xf32, #tpu.memory_space<vmem>>) attributes {dimension_semantics = [#tpu.dimension_semantics<arbitrary>], iteration_bounds = array<i64: 100>, scalar_prefetch = 0 : i64, scratch_operands = 0 : i64, tpu.core_type = #tpu.core_type<tc>, window_params = [{transform_indices = @transform_0, window_bounds = array<i64: 1600, 256>}, {transform_indices = @transform_1, window_bounds = array<i64: 1600, 16>}, {pipeline_mode = #tpu.pipeline_mode<synchronous>, transform_indices = @transform_2, window_bounds = array<i64: 256, 256>}, {pipeline_mode = #tpu.pipeline_mode<synchronous>, transform_indices = @transform_3, window_bounds = array<i64: 16, 256>}, {pipeline_mode = #tpu.pipeline_mode<synchronous>, transform_indices = @transform_4, window_bounds = array<i64: 1, 256>}, {pipeline_mode = #tpu.pipeline_mode<synchronous>, transform_indices = @transform_5, window_bounds = array<i64: 256, 256>}, {pipeline_mode = #tpu.pipeline_mode<synchronous>, transform_indices = @transform_6, window_bounds = array<i64: 1, 256>}, {transform_indices = @transform_7, window_bounds = array<i64: 1600, 256>}]} {
    %get3A = arith.constant 0 : index
    %get3A_0 = arith.constant 0 : index
    %get3A_1 = vector.load %arg1[%get3A, %get3A_0] : memref<1600x256xf32, #tpu.memory_space<vmem>>, vector<1600x256xf32>
    %get3A_2 = arith.constant 0 : index
    %get3A_3 = arith.constant 0 : index
    %get3A_4 = vector.load %arg3[%get3A_2, %get3A_3] : memref<256x256xf32, #tpu.memory_space<vmem>>, vector<256x256xf32>
    %dot_general3A = arith.constant dense<0.000000e+00> : vector<1600x256xf32>
    %dot_general3A_5 = tpu.matmul %get3A_1, %get3A_4, %dot_general3A {dimension_numbers = #tpu.dot_dimension_numbers<[1], [0], [0], [1], [0, 0, 1, 1], [], []>, transpose_lhs_hint = false} : vector<1600x256xf32>, vector<256x256xf32>, vector<1600x256xf32> -> vector<1600x256xf32>
    %get3A_6 = arith.constant 0 : index
    %get3A_7 = arith.constant 0 : index
    %get3A_8 = vector.load %arg2[%get3A_6, %get3A_7] : memref<1600x16xf32, #tpu.memory_space<vmem>>, vector<1600x16xf32>
    %get3A_9 = arith.constant 0 : index
    %get3A_10 = arith.constant 0 : index
    %get3A_11 = vector.load %arg4[%get3A_9, %get3A_10] : memref<16x256xf32, #tpu.memory_space<vmem>>, vector<16x256xf32>
    %dot_general3A_12 = arith.constant dense<0.000000e+00> : vector<1600x256xf32>
    %dot_general3A_13 = tpu.matmul %get3A_8, %get3A_11, %dot_general3A_12 {dimension_numbers = #tpu.dot_dimension_numbers<[1], [0], [0], [1], [0, 0, 1, 1], [], []>, transpose_lhs_hint = false} : vector<1600x16xf32>, vector<16x256xf32>, vector<1600x256xf32> -> vector<1600x256xf32>
    %add3A = arith.addf %dot_general3A_5, %dot_general3A_13 : vector<1600x256xf32>
    %get3A_14 = arith.constant 0 : index
    %get3A_15 = arith.constant 0 : index
    %get3A_16 = vector.load %arg5[%get3A_14, %get3A_15] : memref<1x256xf32, #tpu.memory_space<vmem>>, vector<1x256xf32>
    %add3A_17 = vector.broadcast %get3A_16 : vector<1x256xf32> to vector<1600x256xf32>
    %add3A_18 = arith.addf %add3A, %add3A_17 : vector<1600x256xf32>
    %max3A = arith.constant 0.000000e+00 : f32
    %max3A_19 = vector.broadcast %max3A : f32 to vector<1600x256xf32>
    %max3A_20 = arith.maximumf %add3A_18, %max3A_19 : vector<1600x256xf32>
    %get3A_21 = arith.constant 0 : index
    %get3A_22 = arith.constant 0 : index
    %get3A_23 = vector.load %arg6[%get3A_21, %get3A_22] : memref<256x256xf32, #tpu.memory_space<vmem>>, vector<256x256xf32>
    %dot_general3A_24 = arith.constant dense<0.000000e+00> : vector<1600x256xf32>
    %dot_general3A_25 = tpu.matmul %max3A_20, %get3A_23, %dot_general3A_24 {dimension_numbers = #tpu.dot_dimension_numbers<[1], [0], [0], [1], [0, 0, 1, 1], [], []>, transpose_lhs_hint = false} : vector<1600x256xf32>, vector<256x256xf32>, vector<1600x256xf32> -> vector<1600x256xf32>
    %get3A_26 = arith.constant 0 : index
    %get3A_27 = arith.constant 0 : index
    %get3A_28 = vector.load %arg7[%get3A_26, %get3A_27] : memref<1x256xf32, #tpu.memory_space<vmem>>, vector<1x256xf32>
    %add3A_29 = vector.broadcast %get3A_28 : vector<1x256xf32> to vector<1600x256xf32>
    %add3A_30 = arith.addf %dot_general3A_25, %add3A_29 : vector<1600x256xf32>
    %swap3A = arith.constant 0 : index
    %swap3A_31 = arith.constant 0 : index
    %swap3A_32 = vector.load %arg8[%swap3A, %swap3A_31] : memref<1600x256xf32, #tpu.memory_space<vmem>>, vector<1600x256xf32>
    tpu.vector_store %arg8[%swap3A, %swap3A_31], %add3A_30 {strides = array<i32>} : memref<1600x256xf32, #tpu.memory_space<vmem>>, vector<1600x256xf32>,
    return
  }
  func.func @transform_0(%arg0: i32) -> (i32, i32) {
    %c0_i32 = arith.constant 0 : i32
    %c0_i32_0 = arith.constant 0 : i32
    return %arg0, %c0_i32 : i32, i32
  }
  func.func @transform_1(%arg0: i32) -> (i32, i32) {
    %c0_i32 = arith.constant 0 : i32
    %c0_i32_0 = arith.constant 0 : i32
    return %arg0, %c0_i32 : i32, i32
  }
  func.func @transform_2(%arg0: i32) -> (i32, i32) {
    %c0_i32 = arith.constant 0 : i32
    %c0_i32_0 = arith.constant 0 : i32
    %c0_i32_1 = arith.constant 0 : i32
    return %c0_i32, %c0_i32_0 : i32, i32
  }
  func.func @transform_3(%arg0: i32) -> (i32, i32) {
    %c0_i32 = arith.constant 0 : i32
    %c0_i32_0 = arith.constant 0 : i32
    %c0_i32_1 = arith.constant 0 : i32
    return %c0_i32, %c0_i32_0 : i32, i32
  }
  func.func @transform_4(%arg0: i32) -> (i32, i32) {
    %c0_i32 = arith.constant 0 : i32
    %c0_i32_0 = arith.constant 0 : i32
    %c0_i32_1 = arith.constant 0 : i32
    return %c0_i32, %c0_i32_0 : i32, i32
  }
  func.func @transform_5(%arg0: i32) -> (i32, i32) {
    %c0_i32 = arith.constant 0 : i32
    %c0_i32_0 = arith.constant 0 : i32
    %c0_i32_1 = arith.constant 0 : i32
    return %c0_i32, %c0_i32_0 : i32, i32
  }
  func.func @transform_6(%arg0: i32) -> (i32, i32) {
    %c0_i32 = arith.constant 0 : i32
    %c0_i32_0 = arith.constant 0 : i32
    %c0_i32_1 = arith.constant 0 : i32
    return %c0_i32, %c0_i32_0 : i32, i32
  }
  func.func @transform_7(%arg0: i32) -> (i32, i32) {
    %c0_i32 = arith.constant 0 : i32
    %c0_i32_0 = arith.constant 0 : i32
    return %arg0, %c0_i32 : i32, i32
  }
}

module attributes {stable_mosaic.version = 14 : i64} {
  func.func @_tc_upd_body(%arg0: i32, %arg1: memref<2000x256xf32, #tpu.memory_space<vmem>>, %arg2: memref<2000x256xf32, #tpu.memory_space<vmem>>, %arg3: memref<256x256xf32, #tpu.memory_space<vmem>>, %arg4: memref<256x256xf32, #tpu.memory_space<vmem>>, %arg5: memref<1x256xf32, #tpu.memory_space<vmem>>, %arg6: memref<2000x256xf32, #tpu.memory_space<vmem>>) attributes {dimension_semantics = [#tpu.dimension_semantics<arbitrary>], iteration_bounds = array<i64: 5>, scalar_prefetch = 0 : i64, scratch_operands = 0 : i64, tpu.core_type = #tpu.core_type<tc>, window_params = [{transform_indices = @transform_0, window_bounds = array<i64: 2000, 256>}, {transform_indices = @transform_1, window_bounds = array<i64: 2000, 256>}, {pipeline_mode = #tpu.pipeline_mode<synchronous>, transform_indices = @transform_2, window_bounds = array<i64: 256, 256>}, {pipeline_mode = #tpu.pipeline_mode<synchronous>, transform_indices = @transform_3, window_bounds = array<i64: 256, 256>}, {pipeline_mode = #tpu.pipeline_mode<synchronous>, transform_indices = @transform_4, window_bounds = array<i64: 1, 256>}, {transform_indices = @transform_5, window_bounds = array<i64: 2000, 256>}]} {
    %get3A = arith.constant 0 : index
    %get3A_0 = arith.constant 0 : index
    %get3A_1 = vector.load %arg1[%get3A, %get3A_0] : memref<2000x256xf32, #tpu.memory_space<vmem>>, vector<2000x256xf32>
    %get3A_2 = arith.constant 0 : index
    %get3A_3 = arith.constant 0 : index
    %get3A_4 = vector.load %arg3[%get3A_2, %get3A_3] : memref<256x256xf32, #tpu.memory_space<vmem>>, vector<256x256xf32>
    %dot_general3A = arith.constant dense<0.000000e+00> : vector<2000x256xf32>
    %dot_general3A_5 = tpu.matmul %get3A_1, %get3A_4, %dot_general3A {dimension_numbers = #tpu.dot_dimension_numbers<[1], [0], [0], [1], [0, 0, 1, 1], [], []>, transpose_lhs_hint = false} : vector<2000x256xf32>, vector<256x256xf32>, vector<2000x256xf32> -> vector<2000x256xf32>
    %get3A_6 = arith.constant 0 : index
    %get3A_7 = arith.constant 0 : index
    %get3A_8 = vector.load %arg2[%get3A_6, %get3A_7] : memref<2000x256xf32, #tpu.memory_space<vmem>>, vector<2000x256xf32>
    %get3A_9 = arith.constant 0 : index
    %get3A_10 = arith.constant 0 : index
    %get3A_11 = vector.load %arg4[%get3A_9, %get3A_10] : memref<256x256xf32, #tpu.memory_space<vmem>>, vector<256x256xf32>
    %dot_general3A_12 = arith.constant dense<0.000000e+00> : vector<2000x256xf32>
    %dot_general3A_13 = tpu.matmul %get3A_8, %get3A_11, %dot_general3A_12 {dimension_numbers = #tpu.dot_dimension_numbers<[1], [0], [0], [1], [0, 0, 1, 1], [], []>, transpose_lhs_hint = false} : vector<2000x256xf32>, vector<256x256xf32>, vector<2000x256xf32> -> vector<2000x256xf32>
    %add3A = arith.addf %dot_general3A_5, %dot_general3A_13 : vector<2000x256xf32>
    %get3A_14 = arith.constant 0 : index
    %get3A_15 = arith.constant 0 : index
    %get3A_16 = vector.load %arg5[%get3A_14, %get3A_15] : memref<1x256xf32, #tpu.memory_space<vmem>>, vector<1x256xf32>
    %add3A_17 = vector.broadcast %get3A_16 : vector<1x256xf32> to vector<2000x256xf32>
    %add3A_18 = arith.addf %add3A, %add3A_17 : vector<2000x256xf32>
    %max3A = arith.constant 0.000000e+00 : f32
    %max3A_19 = vector.broadcast %max3A : f32 to vector<2000x256xf32>
    %max3A_20 = arith.maximumf %add3A_18, %max3A_19 : vector<2000x256xf32>
    %swap3A = arith.constant 0 : index
    %swap3A_21 = arith.constant 0 : index
    %swap3A_22 = vector.load %arg6[%swap3A, %swap3A_21] : memref<2000x256xf32, #tpu.memory_space<vmem>>, vector<2000x256xf32>
    tpu.vector_store %arg6[%swap3A, %swap3A_21], %max3A_20 {strides = array<i32>} : memref<2000x256xf32, #tpu.memory_space<vmem>>, vector<2000x256xf32>,
    return
  }
  func.func @transform_0(%arg0: i32) -> (i32, i32) {
    %c0_i32 = arith.constant 0 : i32
    %c0_i32_0 = arith.constant 0 : i32
    return %arg0, %c0_i32 : i32, i32
  }
  func.func @transform_1(%arg0: i32) -> (i32, i32) {
    %c0_i32 = arith.constant 0 : i32
    %c0_i32_0 = arith.constant 0 : i32
    return %arg0, %c0_i32 : i32, i32
  }
  func.func @transform_2(%arg0: i32) -> (i32, i32) {
    %c0_i32 = arith.constant 0 : i32
    %c0_i32_0 = arith.constant 0 : i32
    %c0_i32_1 = arith.constant 0 : i32
    return %c0_i32, %c0_i32_0 : i32, i32
  }
  func.func @transform_3(%arg0: i32) -> (i32, i32) {
    %c0_i32 = arith.constant 0 : i32
    %c0_i32_0 = arith.constant 0 : i32
    %c0_i32_1 = arith.constant 0 : i32
    return %c0_i32, %c0_i32_0 : i32, i32
  }
  func.func @transform_4(%arg0: i32) -> (i32, i32) {
    %c0_i32 = arith.constant 0 : i32
    %c0_i32_0 = arith.constant 0 : i32
    %c0_i32_1 = arith.constant 0 : i32
    return %c0_i32, %c0_i32_0 : i32, i32
  }
  func.func @transform_5(%arg0: i32) -> (i32, i32) {
    %c0_i32 = arith.constant 0 : i32
    %c0_i32_0 = arith.constant 0 : i32
    return %arg0, %c0_i32 : i32, i32
  }
}

</mosaic_0001>

<sc_bundles>
// kernel: kernel.6.cloned.1.call-start
scs
__scs_entry_jumppad:
0x0: {  	(pc) =	sbr.rel $0x88, $3  }
0x1: {  	(tag) =	ssettag $0x0;
	lr =	simm.s32 $0x1  }
0x2: {  	[smem:$0x3F98] =	sst lr;
	_ =	strace $0xD0000000  }
0x3: {  	_ = 	snop  }
0x4: {  	_ = 	snop  }
0x5: {  	_ = 	snop  }
0x6: {  	_ = 	snop  }
0x7: {  	_ = 	snop  }
__scs_overlays_trampoline_lowered:
0x8: {  	[smem:$0x3FA7] =	sst s0  }
0x9: {  	[smem:$0x3FA8] =	sst s1  }
0xa: {  	[smem:$0x3FA9] =	sst s2  }
0xb: {  	[smem:$0x3FAA] =	sst s3  }
0xc: {  	[smem:$0x3FAB] =	sst s4  }
0xd: {  	[smem:$0x3FAC] =	sst s5  }
0xe: {  	[smem:$0x3FAD] =	sst s6  }
0xf: {  	[smem:$0x3FAE] =	sst s7  }
0x10: {  	[smem:$0x3FAF] =	sst s8  }
0x11: {  	[smem:$0x3FB0] =	sst s9;
	s0 =	simm.s32 @!p0 $0x0  }
0x12: {  	s1 =	sld [smem:$0x3F96];
	s0 =	simm.s32 @p0 $0x1  }
0x13: {  	[smem:$0x3FB1] =	sst s0;
	s0 =	simm.s32 @!p1 $0x0  }
0x14: {  	s2 =	sld [smem:$0x3F95];
	s0 =	simm.s32 @p1 $0x1  }
0x15: {  	[smem:$0x3FB2] =	sst s0;
	s0 =	simm.s32 @!p2 $0x0  }
0x16: {  	s3 =	sld [smem:$0x3FDB];
	s0 =	simm.s32 @p2 $0x1  }
0x17: {  	s4 =	simm.s32 $0x1BF5;
	[smem:$0x3FB4] =	sst s0  }
0x18: {  	s0 =	sld [smem:$0x3F97];
	_ =	swait.ge [sflag:s4], $0x0  }
0x19: {  	s7 =	sld [smem:$0x3F98]  }
0x1a: {  	s8 =	sadd.s32 $0xFFFFE003, lr  }
0x1b: {  	s9 =	sadd.s32 $0xFFFFFEF7, lr;
	s5 =	simm.s32 $0xFFFFFFFF;
	p2 =	slt.u32 s8, $0xFFFFF086  }
0x1c: {  	p1 =	slt.u32 s9, $0xF7A;
	s5 =	simm.s32 @!p2 $0x0  }
0x1d: {  	s5 =	simm.s32 @p1 $0x1;
	p0 =	seq.s32 s7, s2  }
0x1e: {  	s7 =	smul.u32 @!p0 $0xF7A, s2;
	p2 =	seq.s32 @!p0 s5, $0x0  }
0x1f: {  	s9 =	smul.u32 $0xF7A, s1;
	s8 =	simm.s32 @!p0 $0x1BF5;
	p2 =	por !p2, p0  }
0x20: {  	[sflag:s8] =	ssyncset.s32 @!p0 $0xFFFFF086;
	s6 =	sadd.s32 @!p0 s3, s7;
	s7 =	simm.s32 @!p0 $0x108  }
0x21: {  	s3 =	sadd.s32 s3, s9;
	s6 =	sadd.s32 @!p0 $0x88, s6;
	s7 =	simm.s32 @p2 $0x1082  }
0x22: {  	[simem:s7], [sflag:s8] =	dma.local @!p0 [hbm:s6], $0xF7A  }
0x23: {  	s9 =	sor.u32 $0xD0000000, s2;
	s6 =	simm.s32 $0x108;
	_ =	swait.ge @!p0 [sflag:s8], $0x0  }
0x24: {  	s3 =	sadd.s32 $0x88, s3;
	s6 =	simm.s32 @!p1 $0x1082;
	[sflag:s4] =	ssyncset.s32 $0xFFFFF086  }
0x25: {  	[simem:s6], [sflag:s4] =	dma.local [hbm:s3], $0xF7A  }
0x26: {  	[smem:$0x3F98] =	sst s1;
	(tag) =	ssettag s2;
	_ =	strace s9  }
0x27: {  	s1 =	sld [smem:$0x3FA8]  }
0x28: {  	s2 =	sld [smem:$0x3FA9]  }
0x29: {  	s4 =	sld [smem:$0x3FAB]  }
0x2a: {  	p0 =	seq.s32 s5, $0x0;
	s5 =	sld [smem:$0x3FAC]  }
0x2b: {  	s6 =	sld [smem:$0x3FAD]  }
0x2c: {  	s7 =	sld [smem:$0x3FAE]  }
0x2d: {  	s3 =	simm.s32 $0x108;
	s8 =	sld [smem:$0x3FAF]  }
0x2e: {  	s3 =	simm.s32 @!p0 $0x1082;
	s9 =	sld [smem:$0x3FB0]  }
0x2f: {  	lr =	sadd.s32 s0, s3;
	s0 =	sld [smem:$0x3FA7]  }
0x30: {  	s3 =	sld [smem:$0x3FAA]  }
0x31: {  	[smem:$0x3FB3] =	sst s10  }
0x32: {  	s10 =	sld [smem:$0x3FB1];
	_ =	sdelay $0x3  }
0x33: {  	p0 =	seq.s32 s10, $0x1;
	s10 =	sld [smem:$0x3FB3];
	_ =	sdelay $0x3  }
0x34: {  	[smem:$0x3FB3] =	sst s10  }
0x35: {  	s10 =	sld [smem:$0x3FB2];
	_ =	sdelay $0x3  }
0x36: {  	p1 =	seq.s32 s10, $0x1;
	s10 =	sld [smem:$0x3FB3];
	_ =	sdelay $0x3  }
0x37: {  	[smem:$0x3FB3] =	sst s10  }
0x38: {  	s10 =	sld [smem:$0x3FB4]  }
0x39: {  	_ = 	snop;
	(pc) =	sbr.ind lr, $3  }
0x3a: {  	_ = 	snop  }
0x3b: {  	_ = 	snop  }
0x3c: {  	p2 =	seq.s32 s10, $0x1;
	s10 =	sld [smem:$0x3FB3]  }
0x3d: {  	_ =	shalt  }
0x3e: {  	_ =	shalt  }
0x3f: {  	_ =	shalt  }
0x40: {  	_ =	shalt  }
0x41: {  	_ =	shalt  }
0x42: {  	_ =	shalt  }
0x43: {  	_ =	shalt  }
0x44: {  	_ =	shalt  }
0x45: {  	_ =	shalt  }
0x46: {  	_ =	shalt  }
0x47: {  	_ =	shalt  }
0x48: {  	_ =	shalt  }
0x49: {  	_ =	shalt  }
0x4a: {  	_ =	shalt  }
0x4b: {  	_ =	shalt  }
0x4c: {  	_ =	shalt  }
0x4d: {  	_ =	shalt  }
0x4e: {  	_ =	shalt  }
0x4f: {  	_ =	shalt  }
0x50: {  	_ =	shalt  }
0x51: {  	_ =	shalt  }
0x52: {  	_ =	shalt  }
0x53: {  	_ =	shalt  }
0x54: {  	_ =	shalt  }
0x55: {  	_ =	shalt  }
0x56: {  	_ =	shalt  }
0x57: {  	_ =	shalt  }
0x58: {  	_ =	shalt  }
0x59: {  	_ =	shalt  }
0x5a: {  	_ =	shalt  }
0x5b: {  	_ =	shalt  }
0x5c: {  	_ =	shalt  }
0x5d: {  	_ =	shalt  }
0x5e: {  	_ =	shalt  }
0x5f: {  	_ =	shalt  }
0x60: {  	_ =	shalt  }
0x61: {  	_ =	shalt  }
0x62: {  	_ =	shalt  }
0x63: {  	_ =	shalt  }
0x64: {  	_ =	shalt  }
0x65: {  	_ =	shalt  }
0x66: {  	_ =	shalt  }
0x67: {  	_ =	shalt  }
0x68: {  	_ =	shalt  }
0x69: {  	_ =	shalt  }
0x6a: {  	_ =	shalt  }
0x6b: {  	_ =	shalt  }
0x6c: {  	_ =	shalt  }
0x6d: {  	_ =	shalt  }
0x6e: {  	_ =	shalt  }
0x6f: {  	_ =	shalt  }
0x70: {  	_ =	shalt  }
0x71: {  	_ =	shalt  }
0x72: {  	_ =	shalt  }
0x73: {  	_ =	shalt  }
0x74: {  	_ =	shalt  }
0x75: {  	_ =	shalt  }
0x76: {  	_ =	shalt  }
0x77: {  	_ =	shalt  }
0x78: {  	_ =	shalt  }
0x79: {  	_ =	shalt  }
0x7a: {  	_ =	shalt  }
0x7b: {  	_ =	shalt  }
0x7c: {  	_ =	shalt  }
0x7d: {  	_ =	shalt  }
0x7e: {  	_ =	shalt  }
0x7f: {  	_ =	shalt  }
0x80: {  	_ =	shalt  }
0x81: {  	_ =	shalt  }
0x82: {  	_ =	shalt  }
0x83: {  	_ =	shalt  }
0x84: {  	_ =	shalt  }
0x85: {  	_ =	shalt  }
0x86: {  	_ =	shalt  }
0x87: {  	_ =	shalt  }
.Lfunc_end0:
.L_simem_size_0:
called_computation_lowered:
.L_overlay_start_0:
0x88: {  	s2 =	sld [smem:$0x3FD9]  }
0x89: {  	s3 =	sld [smem:$0x3FFE];
	_ =	sdelay $0x1  }
0x8a: {  	s1 =	srdreg.scid  }
0x8b: {  	s0 =	sand.u32 $0x1, s1  }
0x8c: {  	s17 =	sshll.u32 s0, $0xA;
	s2 =	sadd.s32 s3, s2  }
0x8d: {  	s2 =	sadd.s32 s2, s17  }
0x8e: {  	[smem:$0x3FBF] =	sst s2  }
0x8f: {  	_ = 	snop  }
0x90: {  	s2 =	sld [smem:$0x3FC9]  }
0x91: {  	s18 =	sld [smem:$0x3FD0];
	(tm) =	ssettm $0x1  }
0x92: {  	s4 =	sld [smem:$0x3FFB];
	_ =	sdelay $0x3  }
0x93: {  	_ =	strace s4  }
0x94: {  	s4 =	sld [smem:$0x3FFC];
	_ =	sdelay $0x3  }
0x95: {  	_ =	strace s4  }
0x96: {  	s4 =	sld [smem:$0x3FFD];
	_ =	sdelay $0x3  }
0x97: {  	_ =	strace s4  }
0x98: {  	_ =	strace $0x8FFFFFFF  }
0x99: {  	s19 =	sld [smem:$0x3FDB];
	_ =	sdelay $0x1  }
0x9a: {  	s5 =	simm.s32 $_scs_section_size  }
0x9b: {  	s6 =	simm.s32 $_size__tile_overlayer_lowered;
	s7 =	simm.s32 $_tile_overlayer_lowered  }
0x9c: {  	s22 =	simm.s32 $0x1BFF;
	s21 =	sshll.u32 s7, $0x1;
	s4 =	sadd.s32 s5, s19  }
0x9d: {  	s8 =	simm.s32 $0x0;
	s20 =	sshll.u32 s6, $0x1;
	s6 =	sadd.s32 s21, s4  }
0x9e: {  	[timem:s8], [sflag:s22] =	dma.local [hbm:s6], s20  }
0x9f: {  	_ =	swait.ge [sflag:s22], s20  }
0xa0: {  	s5 =	ssub.s32 $0x0, s20;
	[sflag:s22] =	ssyncset.done $0x0  }
0xa1: {  	[sflag:s22] =	ssyncadd.s32 s5;
	_ =	sdelay $0x1  }
0xa2: {  	s23 =	simm.s32 $0x1B8B  }
0xa3: {  	_ =	swait.ge [sflag:s23], $0x1  }
0xa4: {  	[sflag:s23] =	ssyncset.done $0x0  }
0xa5: {  	s25 =	simm.s32 $0x1B8E;
	s24 =	sld [smem:$0x3FFE];
	[sflag:s23] =	ssyncadd.s32 $0xFFFFFFFF  }
0xa6: {  	s26 =	simm.s32 $execute0_lowered;
	[smem:$0x3FD2] =	sst s25  }
0xa7: {  	s6 =	sshll.u32 s26, $0x1;
	_ =	strace $0x80000046;
	[dreg:$0x1] =	wrdreg $0xFFFFFFFF  }
0xa8: {  	s28 =	simm.s32 $_size_execute0_lowered;
	s4 =	sadd.s32 s4, s6;
	[dreg:$0x0] =	wrdreg $0x0  }
0xa9: {  	s6 =	sshll.u32 s28, $0x1;
	[dreg:$0x2] =	wrdreg s4  }
0xaa: {  	[dreg:$0x3] =	wrdreg s6  }
0xab: {  	[dreg:$0x4] =	wrdreg $0xC0  }
0xac: {  	_ =	task [dreg:s8], $0x5FFFF  }
0xad: {  	[dreg:$0x1] =	wrdreg $0xFFFFFFFF  }
0xae: {  	[dreg:$0x0] =	wrdreg $0x60  }
0xaf: {  	[dreg:$0x2] =	wrdreg s2  }
0xb0: {  	[dreg:$0x3] =	wrdreg s18  }
0xb1: {  	[dreg:$0x4] =	wrdreg s24  }
0xb2: {  	[dreg:$0x5] =	wrdreg $0x9  }
0xb3: {  	_ =	task.clear_ibuf [dreg:s8], $0x6FFFF;
	_ =	strace $0x90000046  }
0xb4: {  	s29 =	simm.s32 $0x9;
	_ =	strace $0x80000048  }
0xb5: {  	_ =	swait.ge [sflag:s29], $0x1  }
0xb6: {  	[sflag:s29] =	ssyncadd.s32 $0xFFFFFFFF  }
0xb7: {  	_ =	strace $0x90000048  }
0xb8: {  	_ =	sfence  }
0xb9: {  	s30 =	sld [smem:$0x0];
	_ =	sdelay $0x2  }
0xba: {  	s31 =	sshll.u32 s1, $0xD;
	s1 =	sshrl.u32 s1, $0x2  }
0xbb: {  	s3 =	sand.u32 $0x4000, s31;
	s1 =	sadd.s32 s1, s30  }
0xbc: {  	s0 =	sor.u32 s3, s0;
	s1 =	sshll.u32 s1, $0x11  }
0xbd: {  	s0 =	sor.u32 s1, s0  }
0xbe: {  	s0 =	sadd.s32 $0x8F2B, s0  }
0xbf: {  	[sflag:s0] =	ssyncadd.remote.s32 $0x1  }
0xc0: {  	_ =	sfence.sel $0xFFFF  }
0xc1: {  	[dreg:$0x0] =	wrdreg $0xFFFFFFFF;
	(pc) =	sbr.abs _section_cstart, $3  }
0xc2: {  	[dreg:$0x1] =	wrdreg $0xFFFFFFFF  }
0xc3: {  	_ =	task.clear_ibuf [dreg:s8], $0x2FFFF;
	_ =	strace $0x9FFFFFFF  }
0xc4: {  	(tm) =	ssettm $0x7FFFFFFF  }
0xc5: {  	_ =	shalt  }
tec
execute0_lowered:
.L_overlay_start_1:
0x0: {  	(tag) =	ssettag $0x1  }
0x1: {  	s1 =	rddreg [dreg:$0x0]  }
0x2: {  	s7 =	rddreg [dreg:$0x1]  }
0x3: {  	s4 =	rddreg [dreg:$0x2];
	s5 =	srdreg.scid;
	s3 =	simm.s32 $0x0  }
0x4: {  	s2 =	stileid.u32;
	s10 =	simm.s32 $0x880;
	s11 =	simm.s32 $0x1080  }
0x5: {  	s12 =	simm.s32 $0x1880;
	s13 =	simm.s32 $0x2080;
	s14 =	simm.s32 $0x2880  }
0x6: {  	s15 =	simm.s32 $0x3080;
	s16 =	simm.s32 $0x3880;
	s17 =	simm.s32 $0x4080  }
0x7: {  	s18 =	simm.s32 $0x4880;
	s19 =	simm.s32 $0x5080;
	s20 =	simm.s32 $0x5880  }
0x8: {  	s21 =	simm.s32 $0x6080;
	s22 =	simm.s32 $0x6880;
	s23 =	simm.s32 $0x7080  }
0x9: {  	s24 =	simm.s32 $0x7880;
	s28 =	simm.s32 $0x0;
	s8 =	sand.u32 $0x1, s5  }
0xa: {  	[smem:$0x7FF] =	sst s3;
	s25 =	sshll.u32 s2, $0xD;
	s31 =	sshll.u32 s2, $0x5  }
0xb: {  	s6 =	ssub.s32 $0x2, s8;
	_ =	strace $0x80000047;
	s9 =	sadd.s32 s25, s4  }
.Ltmp0:
0xc: {  	s4 =	sshll.u32 s2, $0x1;
	s30 =	sshll.u32 s8, $0xC;
	(pc) =	sbr.rel .LBB2_1-.Ltmp0, $4  }
0xd: {  	s7 =	sadd.s32 s31, s7;
	s8 =	sshll.u32 s8, $0x4;
	s25 =	simm.s32 $0x1  }
0xe: {  	v2 =	vlaneseq.u32;
	s26 =	sshrl.u32 s6, $0x1;
	s7 =	sadd.s32 s8, s7;
	s8 =	simm.s32 $0x3  }
0xf: {  	vm0 =	vmmov $0xffff;
	v1 =	vshrl.u32 v2, $0x3;
	s29 =	ssub.s32 s6, s26;
	s6 =	sadd.s32 s30, s9;
	s9 =	simm.s32 $0x80  }
0x10: {  	v0 =	vand.u32 $0x7, v2;
	v2 =	vor.u32 $0x8, v2;
	v1 =	vmul.u32 $0x8, v1;
	s26 =	simm.s32 $0x2;
	s5 =	smax.u32 s29, $0x1;
	s6 =	sadd.s32 $0x6C00, s6  }
.LBB2_5:
0x11: {  	s28 =	sadd.s32 $0x1, s28  }
0x12: {  	p0 =	sne.s32 s28, s5  }
.Ltmp1:
0x13: {  	_ = 	snop;
	(pc) =	sbr.rel @!p0 .LBB2_6-.Ltmp1, $1  }
0x14: {  	_ =	sdelay $0x3  }
.LBB2_1:
.Ltmp2:
0x15: {  	(pc) =	sbr.rel .LBB2_2-.Ltmp2, $2  }
0x16: {  	_ =	sdelay $0x2  }
0x17: {  	s29 =	smov.u32 s7;
	s30 =	smov.u32 s6;
	s31 =	simm.s32 $0x0  }
.LBB2_4:
0x18: {  	s31 =	sadd.s32 $0x20, s31  }
0x19: {  	p0 =	sne.s32 s31, $0x500  }
.Ltmp3:
0x1a: {  	_ = 	snop;
	(pc) =	sbr.rel @!p0 .LBB2_5-.Ltmp3, $2  }
0x1b: {  	_ =	sdelay $0x2  }
0x1c: {  	s30 =	sadd.s32 $0x20000, s30;
	s29 =	sadd.s32 $0x200, s29  }
.LBB2_2:
0x1d: {  	s0 =	sadd.s32 s31, s4  }
0x1e: {  	p0 =	sgt.u32 s0, $0x4E1  }
.Ltmp4:
0x1f: {  	_ = 	snop;
	(pc) =	sbr.rel @p0 .LBB2_4-.Ltmp4, $1  }
0x20: {  	_ =	sdelay $0x3  }
0x21: {  	[tilespmem:s3], [sflag:$0x3] =	stream.linear.gather [hbm4b:s29+s3], $0x80, $0x38;
	[tilespmem:$0x8080] =	vst v63  }
0x22: {  	_ =	swait.ge [sflag:s8], $0x80  }
0x23: {  	[sflag:s8] =	ssyncset.done $0x0  }
0x24: {  	[sflag:s8] =	ssyncadd.s32 $0xFFFFFF80  }
0x25: {  	v3 =	vld [tilespmem:$0x0];
	_ =	sdelay $0x4  }
0x26: {  	v4 =	vshll.u32 v3, $0x1  }
0x27: {  	v3 =	vand.u32 $0x7, v3;
	v4 =	vand.u32 $0xFFFFFFF0, v4  }
0x28: {  	v3 =	vor.u32 v3, v4  }
0x29: {  	v4 =	vperm.xlane v3, v0;
	_ =	sdelay $0x1  }
0x2a: {  	v3 =	vperm.xlane v3, v2;
	v4 =	vadd.s32 v1, v4;
	_ =	sdelay $0x1  }
0x2b: {  	v3 =	vadd.s32 v1, v3;
	_ =	sdelay $0x2  }
0x2c: {  	[tilespmem:s9], [sflag:$0x1] =	stream.indirect_vreg.gather [hbm4b:s1+s3], $0x80, v4, vm0, $0xb8;
	[tilespmem:$0x8080] =	vst v63  }
0x2d: {  	_ = 	snop  }
0x2e: {  	[tilespmem:s10], [sflag:$0x1] =	stream.indirect_vreg.gather [hbm4b:s1+s3], $0x80, v3, vm0, $0xb8;
	[tilespmem:$0x8080] =	vst v63  }
0x2f: {  	v3 =	vld [tilespmem:$0x10];
	_ =	sdelay $0x4  }
0x30: {  	v57 =	vshll.u32 v3, $0x1  }
0x31: {  	v3 =	vand.u32 $0x7, v3;
	v4 =	vand.u32 $0xFFFFFFF0, v57  }
0x32: {  	v3 =	vor.u32 v3, v4  }
0x33: {  	v4 =	vperm.xlane v3, v0;
	_ =	sdelay $0x1  }
0x34: {  	v3 =	vperm.xlane v3, v2;
	v4 =	vadd.s32 v1, v4;
	_ =	sdelay $0x1  }
0x35: {  	v3 =	vadd.s32 v1, v3;
	_ =	sdelay $0x2  }
0x36: {  	[tilespmem:s11], [sflag:$0x1] =	stream.indirect_vreg.gather [hbm4b:s1+s3], $0x80, v4, vm0, $0xb8;
	[tilespmem:$0x8080] =	vst v63  }
0x37: {  	_ = 	snop  }
0x38: {  	[tilespmem:s12], [sflag:$0x1] =	stream.indirect_vreg.gather [hbm4b:s1+s3], $0x80, v3, vm0, $0xb8;
	[tilespmem:$0x8080] =	vst v63  }
0x39: {  	v3 =	vld [tilespmem:$0x20];
	_ =	sdelay $0x4  }
0x3a: {  	v58 =	vshll.u32 v3, $0x1  }
0x3b: {  	v3 =	vand.u32 $0x7, v3;
	v4 =	vand.u32 $0xFFFFFFF0, v58  }
0x3c: {  	v3 =	vor.u32 v3, v4  }
0x3d: {  	v4 =	vperm.xlane v3, v0;
	_ =	sdelay $0x1  }
0x3e: {  	v3 =	vperm.xlane v3, v2;
	v4 =	vadd.s32 v1, v4;
	_ =	sdelay $0x1  }
0x3f: {  	v3 =	vadd.s32 v1, v3;
	_ =	sdelay $0x2  }
0x40: {  	[tilespmem:s13], [sflag:$0x1] =	stream.indirect_vreg.gather [hbm4b:s1+s3], $0x80, v4, vm0, $0xb8;
	[tilespmem:$0x8080] =	vst v63  }
0x41: {  	_ = 	snop  }
0x42: {  	[tilespmem:s14], [sflag:$0x1] =	stream.indirect_vreg.gather [hbm4b:s1+s3], $0x80, v3, vm0, $0xb8;
	[tilespmem:$0x8080] =	vst v63  }
0x43: {  	v3 =	vld [tilespmem:$0x30];
	_ =	sdelay $0x4  }
0x44: {  	v59 =	vshll.u32 v3, $0x1  }
0x45: {  	v3 =	vand.u32 $0x7, v3;
	v4 =	vand.u32 $0xFFFFFFF0, v59  }
0x46: {  	v3 =	vor.u32 v3, v4  }
0x47: {  	v4 =	vperm.xlane v3, v0;
	_ =	sdelay $0x1  }
0x48: {  	v3 =	vperm.xlane v3, v2;
	v4 =	vadd.s32 v1, v4;
	_ =	sdelay $0x1  }
0x49: {  	v3 =	vadd.s32 v1, v3;
	_ =	sdelay $0x2  }
0x4a: {  	[tilespmem:s15], [sflag:$0x1] =	stream.indirect_vreg.gather [hbm4b:s1+s3], $0x80, v4, vm0, $0xb8;
	[tilespmem:$0x8080] =	vst v63  }
0x4b: {  	_ = 	snop  }
0x4c: {  	[tilespmem:s16], [sflag:$0x1] =	stream.indirect_vreg.gather [hbm4b:s1+s3], $0x80, v3, vm0, $0xb8;
	[tilespmem:$0x8080] =	vst v63  }
0x4d: {  	v3 =	vld [tilespmem:$0x40];
	_ =	sdelay $0x4  }
0x4e: {  	v60 =	vshll.u32 v3, $0x1  }
0x4f: {  	v3 =	vand.u32 $0x7, v3;
	v4 =	vand.u32 $0xFFFFFFF0, v60  }
0x50: {  	v3 =	vor.u32 v3, v4  }
0x51: {  	v4 =	vperm.xlane v3, v0;
	_ =	sdelay $0x1  }
0x52: {  	v3 =	vperm.xlane v3, v2;
	v4 =	vadd.s32 v1, v4;
	_ =	sdelay $0x1  }
0x53: {  	v3 =	vadd.s32 v1, v3;
	_ =	sdelay $0x2  }
0x54: {  	[tilespmem:s17], [sflag:$0x1] =	stream.indirect_vreg.gather [hbm4b:s1+s3], $0x80, v4, vm0, $0xb8;
	[tilespmem:$0x8080] =	vst v63  }
0x55: {  	_ = 	snop  }
0x56: {  	[tilespmem:s18], [sflag:$0x1] =	stream.indirect_vreg.gather [hbm4b:s1+s3], $0x80, v3, vm0, $0xb8;
	[tilespmem:$0x8080] =	vst v63  }
0x57: {  	v3 =	vld [tilespmem:$0x50];
	_ =	sdelay $0x4  }
0x58: {  	v61 =	vshll.u32 v3, $0x1  }
0x59: {  	v3 =	vand.u32 $0x7, v3;
	v4 =	vand.u32 $0xFFFFFFF0, v61  }
0x5a: {  	v3 =	vor.u32 v3, v4  }
0x5b: {  	v4 =	vperm.xlane v3, v0;
	_ =	sdelay $0x1  }
0x5c: {  	v3 =	vperm.xlane v3, v2;
	v4 =	vadd.s32 v1, v4;
	_ =	sdelay $0x1  }
0x5d: {  	v3 =	vadd.s32 v1, v3;
	_ =	sdelay $0x2  }
0x5e: {  	[tilespmem:s19], [sflag:$0x1] =	stream.indirect_vreg.gather [hbm4b:s1+s3], $0x80, v4, vm0, $0xb8;
	[tilespmem:$0x8080] =	vst v63  }
0x5f: {  	_ = 	snop  }
0x60: {  	[tilespmem:s20], [sflag:$0x1] =	stream.indirect_vreg.gather [hbm4b:s1+s3], $0x80, v3, vm0, $0xb8;
	[tilespmem:$0x8080] =	vst v63  }
0x61: {  	v3 =	vld [tilespmem:$0x60];
	_ =	sdelay $0x4  }
0x62: {  	v62 =	vshll.u32 v3, $0x1  }
0x63: {  	v3 =	vand.u32 $0x7, v3;
	v4 =	vand.u32 $0xFFFFFFF0, v62  }
0x64: {  	v3 =	vor.u32 v3, v4  }
0x65: {  	v4 =	vperm.xlane v3, v0;
	_ =	sdelay $0x1  }
0x66: {  	v3 =	vperm.xlane v3, v2;
	v4 =	vadd.s32 v1, v4;
	_ =	sdelay $0x1  }
0x67: {  	v3 =	vadd.s32 v1, v3;
	_ =	sdelay $0x2  }
0x68: {  	[tilespmem:s21], [sflag:$0x1] =	stream.indirect_vreg.gather [hbm4b:s1+s3], $0x80, v4, vm0, $0xb8;
	[tilespmem:$0x8080] =	vst v63  }
0x69: {  	_ = 	snop  }
0x6a: {  	[tilespmem:s22], [sflag:$0x1] =	stream.indirect_vreg.gather [hbm4b:s1+s3], $0x80, v3, vm0, $0xb8;
	[tilespmem:$0x8080] =	vst v63  }
0x6b: {  	v3 =	vld [tilespmem:$0x70];
	_ =	sdelay $0x4  }
0x6c: {  	v63 =	vshll.u32 v3, $0x1  }
0x6d: {  	v3 =	vand.u32 $0x7, v3;
	v4 =	vand.u32 $0xFFFFFFF0, v63  }
0x6e: {  	v3 =	vor.u32 v3, v4  }
0x6f: {  	v4 =	vperm.xlane v3, v0;
	_ =	sdelay $0x1  }
0x70: {  	v3 =	vperm.xlane v3, v2;
	v4 =	vadd.s32 v1, v4;
	_ =	sdelay $0x1  }
0x71: {  	v3 =	vadd.s32 v1, v3;
	_ =	sdelay $0x2  }
0x72: {  	[tilespmem:s23], [sflag:$0x1] =	stream.indirect_vreg.gather [hbm4b:s1+s3], $0x80, v4, vm0, $0xb8;
	[tilespmem:$0x8080] =	vst v63  }
0x73: {  	_ = 	snop  }
0x74: {  	[tilespmem:s24], [sflag:$0x1] =	stream.indirect_vreg.gather [hbm4b:s1+s3], $0x80, v3, vm0, $0xb8;
	[tilespmem:$0x8080] =	vst v63  }
0x75: {  	_ =	swait.ge [sflag:s25], $0x8000  }
0x76: {  	[sflag:s25] =	ssyncset.done $0x0  }
.Ltmp5:
0x77: {  	[sflag:s25] =	ssyncadd.s32 $0xFFFF8000;
	(pc) =	sbr.rel .LBB2_4-.Ltmp5, $4  }
0x78: {  	[hbm4b:s30+s3] =	stream.linear.scatter [tilespmem:s9], [sflag:$0x2], $0x8000, $0x38;
	[tilespmem:$0x8080] =	vst v63  }
0x79: {  	_ =	swait.ge [sflag:s26], $0x8000  }
0x7a: {  	[sflag:s26] =	ssyncset.done $0x0  }
0x7b: {  	[sflag:s26] =	ssyncadd.s32 $0xFFFF8000  }
.LBB2_6:
0x7c: {  	_ =	sfence.sel $0x180000  }
0x7d: {  	[bflag:$0x0] =	sbarrier.arrive $0xFFFF  }
0x7e: {  	_ =	strace $0x90000047  }
0x7f: {  	[bflag:$0x2] =	sbarrier.arrive $0xFFFF  }
0x80: {  	p0 =	sne.s32 s2, $0x0;
	s0 =	rddreg [dreg:$0x3]  }
0x81: {  	s0 =	sadd.s32 @!p0 $0x100000, s0  }
0x82: {  	[sflag:s0] =	ssyncadd.tile.s32 @!p0 $0x1;
	_ =	shalt  }
.Lfunc_end2:
_tile_overlayer_lowered:
.L_overlay_start_2:
0x83: {  	(tag) =	ssettag $0x2  }
0x84: {  	s0 =	rddreg [dreg:$0x0];
	s2 =	stileid.u32  }
0x85: {  	s1 =	rddreg [dreg:$0x1];
	p0 =	sne.s32 s2, $0x0  }
0x86: {  	s3 =	rddreg [dreg:$0x2];
	[bflag:$0x3] =	sbarrier.arrive $0xFFFF;
	s2 =	simm.s32 @!p0 $0x1C02  }
0x87: {  	[timem:s3], [sflag:s2] =	dma.local @!p0 [hbm:s0], s1  }
0x88: {  	s0 =	simm.s32 @!p0 $0x2  }
0x89: {  	_ =	swait.ge @!p0 [sflag:s0], s1  }
0x8a: {  	s1 =	ssub.s32 @!p0 $0x0, s1;
	[sflag:s0] =	ssyncset.done @!p0 $0x0  }
0x8b: {  	[sflag:s0] =	ssyncadd.s32 @!p0 s1  }
0x8c: {  	[bflag:$0x3] =	sbarrier.arrive $0xFFFF  }
0x8d: {  	_ =	shalt  }

// kernel: kernel.9.cloned.1.call-start
scs
__scs_entry_jumppad:
0x0: {  	(pc) =	sbr.rel $0x88, $3  }
0x1: {  	(tag) =	ssettag $0x0;
	lr =	simm.s32 $0x1  }
0x2: {  	[smem:$0x3F98] =	sst lr;
	_ =	strace $0xD0000000  }
0x3: {  	_ = 	snop  }
0x4: {  	_ = 	snop  }
0x5: {  	_ = 	snop  }
0x6: {  	_ = 	snop  }
0x7: {  	_ = 	snop  }
__scs_overlays_trampoline_lowered:
0x8: {  	[smem:$0x3FA7] =	sst s0  }
0x9: {  	[smem:$0x3FA8] =	sst s1  }
0xa: {  	[smem:$0x3FA9] =	sst s2  }
0xb: {  	[smem:$0x3FAA] =	sst s3  }
0xc: {  	[smem:$0x3FAB] =	sst s4  }
0xd: {  	[smem:$0x3FAC] =	sst s5  }
0xe: {  	[smem:$0x3FAD] =	sst s6  }
0xf: {  	[smem:$0x3FAE] =	sst s7  }
0x10: {  	[smem:$0x3FAF] =	sst s8  }
0x11: {  	[smem:$0x3FB0] =	sst s9;
	s0 =	simm.s32 @!p0 $0x0  }
0x12: {  	s1 =	sld [smem:$0x3F96];
	s0 =	simm.s32 @p0 $0x1  }
0x13: {  	[smem:$0x3FB1] =	sst s0;
	s0 =	simm.s32 @!p1 $0x0  }
0x14: {  	s2 =	sld [smem:$0x3F95];
	s0 =	simm.s32 @p1 $0x1  }
0x15: {  	[smem:$0x3FB2] =	sst s0;
	s0 =	simm.s32 @!p2 $0x0  }
0x16: {  	s3 =	sld [smem:$0x3FDB];
	s0 =	simm.s32 @p2 $0x1  }
0x17: {  	s4 =	simm.s32 $0x1BF5;
	[smem:$0x3FB4] =	sst s0  }
0x18: {  	s0 =	sld [smem:$0x3F97];
	_ =	swait.ge [sflag:s4], $0x0  }
0x19: {  	s7 =	sld [smem:$0x3F98]  }
0x1a: {  	s8 =	sadd.s32 $0xFFFFE003, lr  }
0x1b: {  	s9 =	sadd.s32 $0xFFFFFEF7, lr;
	s5 =	simm.s32 $0xFFFFFFFF;
	p2 =	slt.u32 s8, $0xFFFFF086  }
0x1c: {  	p1 =	slt.u32 s9, $0xF7A;
	s5 =	simm.s32 @!p2 $0x0  }
0x1d: {  	s5 =	simm.s32 @p1 $0x1;
	p0 =	seq.s32 s7, s2  }
0x1e: {  	s7 =	smul.u32 @!p0 $0xF7A, s2;
	p2 =	seq.s32 @!p0 s5, $0x0  }
0x1f: {  	s9 =	smul.u32 $0xF7A, s1;
	s8 =	simm.s32 @!p0 $0x1BF5;
	p2 =	por !p2, p0  }
0x20: {  	[sflag:s8] =	ssyncset.s32 @!p0 $0xFFFFF086;
	s6 =	sadd.s32 @!p0 s3, s7;
	s7 =	simm.s32 @!p0 $0x108  }
0x21: {  	s3 =	sadd.s32 s3, s9;
	s6 =	sadd.s32 @!p0 $0x88, s6;
	s7 =	simm.s32 @p2 $0x1082  }
0x22: {  	[simem:s7], [sflag:s8] =	dma.local @!p0 [hbm:s6], $0xF7A  }
0x23: {  	s9 =	sor.u32 $0xD0000000, s2;
	s6 =	simm.s32 $0x108;
	_ =	swait.ge @!p0 [sflag:s8], $0x0  }
0x24: {  	s3 =	sadd.s32 $0x88, s3;
	s6 =	simm.s32 @!p1 $0x1082;
	[sflag:s4] =	ssyncset.s32 $0xFFFFF086  }
0x25: {  	[simem:s6], [sflag:s4] =	dma.local [hbm:s3], $0xF7A  }
0x26: {  	[smem:$0x3F98] =	sst s1;
	(tag) =	ssettag s2;
	_ =	strace s9  }
0x27: {  	s1 =	sld [smem:$0x3FA8]  }
0x28: {  	s2 =	sld [smem:$0x3FA9]  }
0x29: {  	s4 =	sld [smem:$0x3FAB]  }
0x2a: {  	p0 =	seq.s32 s5, $0x0;
	s5 =	sld [smem:$0x3FAC]  }
0x2b: {  	s6 =	sld [smem:$0x3FAD]  }
0x2c: {  	s7 =	sld [smem:$0x3FAE]  }
0x2d: {  	s3 =	simm.s32 $0x108;
	s8 =	sld [smem:$0x3FAF]  }
0x2e: {  	s3 =	simm.s32 @!p0 $0x1082;
	s9 =	sld [smem:$0x3FB0]  }
0x2f: {  	lr =	sadd.s32 s0, s3;
	s0 =	sld [smem:$0x3FA7]  }
0x30: {  	s3 =	sld [smem:$0x3FAA]  }
0x31: {  	[smem:$0x3FB3] =	sst s10  }
0x32: {  	s10 =	sld [smem:$0x3FB1];
	_ =	sdelay $0x3  }
0x33: {  	p0 =	seq.s32 s10, $0x1;
	s10 =	sld [smem:$0x3FB3];
	_ =	sdelay $0x3  }
0x34: {  	[smem:$0x3FB3] =	sst s10  }
0x35: {  	s10 =	sld [smem:$0x3FB2];
	_ =	sdelay $0x3  }
0x36: {  	p1 =	seq.s32 s10, $0x1;
	s10 =	sld [smem:$0x3FB3];
	_ =	sdelay $0x3  }
0x37: {  	[smem:$0x3FB3] =	sst s10  }
0x38: {  	s10 =	sld [smem:$0x3FB4]  }
0x39: {  	_ = 	snop;
	(pc) =	sbr.ind lr, $3  }
0x3a: {  	_ = 	snop  }
0x3b: {  	_ = 	snop  }
0x3c: {  	p2 =	seq.s32 s10, $0x1;
	s10 =	sld [smem:$0x3FB3]  }
0x3d: {  	_ =	shalt  }
0x3e: {  	_ =	shalt  }
0x3f: {  	_ =	shalt  }
0x40: {  	_ =	shalt  }
0x41: {  	_ =	shalt  }
0x42: {  	_ =	shalt  }
0x43: {  	_ =	shalt  }
0x44: {  	_ =	shalt  }
0x45: {  	_ =	shalt  }
0x46: {  	_ =	shalt  }
0x47: {  	_ =	shalt  }
0x48: {  	_ =	shalt  }
0x49: {  	_ =	shalt  }
0x4a: {  	_ =	shalt  }
0x4b: {  	_ =	shalt  }
0x4c: {  	_ =	shalt  }
0x4d: {  	_ =	shalt  }
0x4e: {  	_ =	shalt  }
0x4f: {  	_ =	shalt  }
0x50: {  	_ =	shalt  }
0x51: {  	_ =	shalt  }
0x52: {  	_ =	shalt  }
0x53: {  	_ =	shalt  }
0x54: {  	_ =	shalt  }
0x55: {  	_ =	shalt  }
0x56: {  	_ =	shalt  }
0x57: {  	_ =	shalt  }
0x58: {  	_ =	shalt  }
0x59: {  	_ =	shalt  }
0x5a: {  	_ =	shalt  }
0x5b: {  	_ =	shalt  }
0x5c: {  	_ =	shalt  }
0x5d: {  	_ =	shalt  }
0x5e: {  	_ =	shalt  }
0x5f: {  	_ =	shalt  }
0x60: {  	_ =	shalt  }
0x61: {  	_ =	shalt  }
0x62: {  	_ =	shalt  }
0x63: {  	_ =	shalt  }
0x64: {  	_ =	shalt  }
0x65: {  	_ =	shalt  }
0x66: {  	_ =	shalt  }
0x67: {  	_ =	shalt  }
0x68: {  	_ =	shalt  }
0x69: {  	_ =	shalt  }
0x6a: {  	_ =	shalt  }
0x6b: {  	_ =	shalt  }
0x6c: {  	_ =	shalt  }
0x6d: {  	_ =	shalt  }
0x6e: {  	_ =	shalt  }
0x6f: {  	_ =	shalt  }
0x70: {  	_ =	shalt  }
0x71: {  	_ =	shalt  }
0x72: {  	_ =	shalt  }
0x73: {  	_ =	shalt  }
0x74: {  	_ =	shalt  }
0x75: {  	_ =	shalt  }
0x76: {  	_ =	shalt  }
0x77: {  	_ =	shalt  }
0x78: {  	_ =	shalt  }
0x79: {  	_ =	shalt  }
0x7a: {  	_ =	shalt  }
0x7b: {  	_ =	shalt  }
0x7c: {  	_ =	shalt  }
0x7d: {  	_ =	shalt  }
0x7e: {  	_ =	shalt  }
0x7f: {  	_ =	shalt  }
0x80: {  	_ =	shalt  }
0x81: {  	_ =	shalt  }
0x82: {  	_ =	shalt  }
0x83: {  	_ =	shalt  }
0x84: {  	_ =	shalt  }
0x85: {  	_ =	shalt  }
0x86: {  	_ =	shalt  }
0x87: {  	_ =	shalt  }
.Lfunc_end0:
.L_simem_size_0:
called_computation.1_lowered:
.L_overlay_start_0:
0x88: {  	s2 =	sld [smem:$0x3FD9]  }
0x89: {  	s3 =	sld [smem:$0x3FFE];
	_ =	sdelay $0x1  }
0x8a: {  	s1 =	srdreg.scid  }
0x8b: {  	s0 =	sand.u32 $0x1, s1  }
0x8c: {  	s17 =	sshll.u32 s0, $0xA;
	s2 =	sadd.s32 s3, s2  }
0x8d: {  	s2 =	sadd.s32 s2, s17  }
0x8e: {  	[smem:$0x3FBF] =	sst s2  }
0x8f: {  	_ = 	snop  }
0x90: {  	s2 =	sld [smem:$0x3FD0];
	(tm) =	ssettm $0x1  }
0x91: {  	s18 =	sld [smem:$0x3FFB];
	_ =	sdelay $0x3  }
0x92: {  	_ =	strace s18  }
0x93: {  	s3 =	sld [smem:$0x3FFC];
	_ =	sdelay $0x3  }
0x94: {  	_ =	strace s3  }
0x95: {  	s3 =	sld [smem:$0x3FFD];
	_ =	sdelay $0x3  }
0x96: {  	_ =	strace s3  }
0x97: {  	_ =	strace $0x8FFFFFFF  }
0x98: {  	s19 =	sld [smem:$0x3FDB];
	_ =	sdelay $0x1  }
0x99: {  	s4 =	simm.s32 $_scs_section_size  }
0x9a: {  	s5 =	simm.s32 $_size__tile_overlayer_lowered;
	s6 =	simm.s32 $_tile_overlayer_lowered  }
0x9b: {  	s22 =	simm.s32 $0x1BFF;
	s21 =	sshll.u32 s6, $0x1;
	s3 =	sadd.s32 s4, s19  }
0x9c: {  	s7 =	simm.s32 $0x0;
	s20 =	sshll.u32 s5, $0x1;
	s5 =	sadd.s32 s21, s3  }
0x9d: {  	[timem:s7], [sflag:s22] =	dma.local [hbm:s5], s20  }
0x9e: {  	_ =	swait.ge [sflag:s22], s20  }
0x9f: {  	s4 =	ssub.s32 $0x0, s20;
	[sflag:s22] =	ssyncset.done $0x0  }
0xa0: {  	[sflag:s22] =	ssyncadd.s32 s4;
	_ =	sdelay $0x1  }
0xa1: {  	s23 =	simm.s32 $0x1B8B  }
0xa2: {  	_ =	swait.ge [sflag:s23], $0x1  }
0xa3: {  	[sflag:s23] =	ssyncset.done $0x0  }
0xa4: {  	s25 =	simm.s32 $0x1B8E;
	s24 =	sld [smem:$0x3FFE];
	[sflag:s23] =	ssyncadd.s32 $0xFFFFFFFF  }
0xa5: {  	s26 =	simm.s32 $execute0_lowered;
	[smem:$0x3FD2] =	sst s25  }
0xa6: {  	s5 =	sshll.u32 s26, $0x1;
	_ =	strace $0x80000049;
	[dreg:$0x1] =	wrdreg $0xFFFFFFFF  }
0xa7: {  	s28 =	simm.s32 $_size_execute0_lowered;
	s3 =	sadd.s32 s3, s5;
	[dreg:$0x0] =	wrdreg $0x0  }
0xa8: {  	s5 =	sshll.u32 s28, $0x1;
	[dreg:$0x2] =	wrdreg s3  }
0xa9: {  	[dreg:$0x3] =	wrdreg s5  }
0xaa: {  	[dreg:$0x4] =	wrdreg $0xC0  }
0xab: {  	_ =	task [dreg:s7], $0x5FFFF  }
0xac: {  	[dreg:$0x1] =	wrdreg $0xFFFFFFFF  }
0xad: {  	[dreg:$0x0] =	wrdreg $0x60  }
0xae: {  	[dreg:$0x2] =	wrdreg s24  }
0xaf: {  	[dreg:$0x3] =	wrdreg s2  }
0xb0: {  	[dreg:$0x4] =	wrdreg $0x9  }
0xb1: {  	_ =	task.clear_ibuf [dreg:s7], $0x5FFFF;
	_ =	strace $0x90000049  }
0xb2: {  	s29 =	simm.s32 $0x9;
	_ =	strace $0x8000004B  }
0xb3: {  	_ =	swait.ge [sflag:s29], $0x1  }
0xb4: {  	[sflag:s29] =	ssyncadd.s32 $0xFFFFFFFF  }
0xb5: {  	_ =	strace $0x9000004B  }
0xb6: {  	_ =	sfence  }
0xb7: {  	s30 =	sld [smem:$0x0];
	_ =	sdelay $0x2  }
0xb8: {  	s31 =	sshll.u32 s1, $0xD;
	s1 =	sshrl.u32 s1, $0x2  }
0xb9: {  	s3 =	sand.u32 $0x4000, s31;
	s1 =	sadd.s32 s1, s30  }
0xba: {  	s0 =	sor.u32 s3, s0;
	s1 =	sshll.u32 s1, $0x11  }
0xbb: {  	s0 =	sor.u32 s1, s0  }
0xbc: {  	s0 =	sadd.s32 $0x8F2B, s0  }
0xbd: {  	[sflag:s0] =	ssyncadd.remote.s32 $0x1  }
0xbe: {  	_ =	sfence.sel $0xFFFF  }
0xbf: {  	[dreg:$0x0] =	wrdreg $0xFFFFFFFF;
	(pc) =	sbr.abs _section_cstart, $3  }
0xc0: {  	[dreg:$0x1] =	wrdreg $0xFFFFFFFF  }
0xc1: {  	_ =	task.clear_ibuf [dreg:s7], $0x2FFFF;
	_ =	strace $0x9FFFFFFF  }
0xc2: {  	(tm) =	ssettm $0x7FFFFFFF  }
0xc3: {  	_ =	shalt  }
tec
execute0_lowered:
.L_overlay_start_1:
0x0: {  	(tag) =	ssettag $0x1  }
0x1: {  	v1 =	vimm.f32 $0.0e+00  }
0x2: {  	v2 =	vimm.s32 $0x0;
	v3 =	vlaneseq.u32;
	v4 =	vimm.s32 $0x140  }
0x3: {  	vm0 =	vmmov $0xffff;
	v8 =	vimm.s32 $0x8;
	v24 =	vimm.s32 $0x1  }
0x4: {  	s1 =	srdreg.scid;
	s5 =	rddreg [dreg:$0x0];
	v25 =	vimm.s32 $0x2;
	v26 =	vimm.s32 $0x3;
	v27 =	vimm.s32 $0x4  }
0x5: {  	s0 =	stileid.u32;
	s7 =	rddreg [dreg:$0x1];
	s2 =	simm.s32 $0x0;
	v28 =	vimm.s32 $0x5;
	v29 =	vimm.s32 $0x6;
	v30 =	vimm.s32 $0x7  }
0x6: {  	v31 =	vimm.s32 $0x9;
	v32 =	vimm.s32 $0xA;
	v33 =	vimm.s32 $0xB;
	s13 =	simm.s32 $0x5000;
	s4 =	sand.u32 $0x1, s1;
	s6 =	smul.u32 $0x28000, s0  }
0x7: {  	v34 =	vimm.s32 $0xC;
	v35 =	vimm.s32 $0xD;
	v36 =	vimm.s32 $0xE;
	s30 =	sshll.u32 s0, $0x1;
	[smem:$0x7FF] =	sst s2;
	s10 =	smul.u32 $0x280, s0  }
0x8: {  	v37 =	vimm.s32 $0xF;
	v5 =	vand.u32 $0x7, v3;
	v6 =	vshrl.u32 v3, $0x3;
	s3 =	sadd.s32 $0x759C00, s5;
	s1 =	sor.u32 s4, s30;
	s8 =	smul.u32 $0x14000, s4  }
0x9: {  	v7 =	vor.u32 $0x8, v3;
	v9 =	vor.u32 $0x10, v3;
	v10 =	vor.u32 $0x20, v3;
	s9 =	ssub.s32 $0x2, s4;
	s12 =	smul.u32 $0x140, s4;
	s4 =	sadd.s32 $0x1C00, s5  }
0xa: {  	v11 =	vor.u32 $0x30, v3;
	v12 =	vor.u32 $0x40, v3;
	v13 =	vor.u32 $0x50, v3;
	s1 =	smul.u32 $0x140, s1;
	s11 =	sshrl.u32 s9, $0x1;
	s6 =	sadd.s32 s8, s6  }
0xb: {  	v14 =	vor.u32 $0x60, v3;
	v15 =	vor.u32 $0x70, v3;
	v16 =	vor.u32 $0x80, v3;
	s31 =	ssub.s32 s9, s11;
	s9 =	simm.s32 $0x1000;
	s11 =	simm.s32 $0x3000  }
0xc: {  	v17 =	vor.u32 $0x90, v3;
	v18 =	vor.u32 $0xA0, v3;
	v0 =	vmov s1;
	s1 =	rddreg [dreg:$0x2];
	_ =	strace $0x8000004A;
	s8 =	sshrl.u32 s6, $0x3  }
0xd: {  	v19 =	vor.u32 $0xB0, v3;
	v20 =	vor.u32 $0xC0, v3;
	v21 =	vor.u32 $0xD0, v3;
	s5 =	smax.u32 s31, $0x1;
	s6 =	sadd.s32 s12, s10;
	s10 =	simm.s32 $0x2000  }
0xe: {  	v22 =	vor.u32 $0xE0, v3;
	v23 =	vor.u32 $0xF0, v3;
	v6 =	vmul.u32 $0x8, v6;
	s12 =	simm.s32 $0x3800;
	s7 =	sadd.s32 s8, s7;
	s8 =	simm.s32 $0x3  }
.LBB2_1:
0xf: {  	s14 =	simm.s32 $0x40;
	s15 =	simm.s32 $0x0  }
.LBB2_2:
0x10: {  	p0 =	sne.s32 s14, $0x503C0;
	[tilespmem:s15+$0x5000] =	vst v1;
	s15 =	smov.u32 s14;
	s14 =	sadd.s32 $0x40, s14  }
.Ltmp0:
0x11: {  	(pc) =	sbr.rel @p0 .LBB2_2-.Ltmp0, $2  }
0x12: {  	_ =	sdelay $0x2  }
0x13: {  	s15 =	sshra.s32 s15, $0x2  }
.Ltmp1:
0x14: {  	(pc) =	sbr.rel .LBB2_4-.Ltmp1, $2  }
0x15: {  	_ =	sdelay $0x2  }
0x16: {  	[tilespmem:s15+$0x5000] =	vst v1;
	s14 =	simm.s32 $0x0;
	s15 =	simm.s32 $0x0;
	s16 =	simm.s32 $0x0  }
.LBB2_9:
0x17: {  	s16 =	sadd.s32 $0x1, s16  }
0x18: {  	p0 =	sne.s32 s16, $0x28  }
.Ltmp2:
0x19: {  	_ = 	snop;
	(pc) =	sbr.rel @!p0 .LBB2_10-.Ltmp2, $2  }
0x1a: {  	_ =	sdelay $0x2  }
0x1b: {  	s15 =	sadd.s32 $0xFA0, s15  }
.LBB2_4:
0x1c: {  	s17 =	smul.u32 $0xFA0, s16;
	_ =	sdelay $0x1  }
0x1d: {  	s17 =	sshrl.u32 s17, $0x3  }
0x1e: {  	s17 =	sadd.s32 s4, s17  }
0x1f: {  	[tilespmem:s14], [sflag:$0x3] =	stream.linear.gather [hbm4b:s17+s14], $0xFA0, $0x38;
	[tilespmem:$0x19200] =	vst v63  }
0x20: {  	_ =	swait.ge [sflag:s8], $0xFA0  }
0x21: {  	[sflag:s8] =	ssyncset.done $0x0  }
0x22: {  	s31 =	simm.s32 $0x0;
	[sflag:s8] =	ssyncadd.s32 $0xFFFFF060  }
0x23: {  	v38 =	vld [tilespmem:s31+$0x0];
	_ =	sdelay $0x4  }
0x24: {  	v38 =	vsub.s32 v38, v0  }
0x25: {  	vm1 =	vlt.u32 v38, $0x140  }
0x26: {  	v39 =	vsel vm1, $0x1, v2  }
0x27: {  	(xrf0) =	vadd.scan.msk.s32 $0xffff, v39;
	_ =	sdelay $0x2  }
0x28: {  	v63 =	vmov s14  }
0x29: {  	v39 =	vadd.s32 $0xFFFFFFFF, v63  }
0x2a: {  	v39 =	vbroadcast v39, $0x0  }
0x2b: {  	v40, _, _ =	vpop (xrf0)  }
0x2c: {  	v39 =	vadd.s32 v40, v39;
	(v2sf) =	vpush v40, $0xF;
	_ =	sdelay $0x3  }
0x2d: {  	v41 =	vor.u32 s15, v3  }
0x2e: {  	s20 =	simm.s32 $0x10;
	[tilespmem:v39+s9+$0x0] =	vst.idx.msk vm1, v41  }
0x2f: {  	s19 =	simm.s32 $0x80;
	s18 =	simm.s32 $0x0;
	s17 =	smov.u32 s15;
	[tilespmem:v39+s10+$0x0] =	vst.idx.msk vm1, v38  }
.LBB2_5:
0x30: {  	p0 =	sne.s32 s19, $0x3E40;
	v38 =	vld [tilespmem:s20+$0x0];
	_ =	sdelay $0x4  }
0x31: {  	v38 =	vsub.s32 v38, v0  }
0x32: {  	vm1 =	vlt.u32 v38, $0x140  }
0x33: {  	v39 =	vsel vm1, $0x1, v2  }
0x34: {  	(xrf0) =	vadd.scan.msk.s32 $0xffff, v39;
	s20 =	spop (v2sf)  }
0x35: {  	s18 =	sadd.s32 s18, s20  }
0x36: {  	v39 =	vmov s18  }
0x37: {  	v39 =	vadd.s32 $0xFFFFFFFF, v39  }
0x38: {  	v39 =	vbroadcast v39, $0x0;
	_ =	sdelay $0x1  }
0x39: {  	v40, _, _ =	vpop (xrf0)  }
0x3a: {  	v39 =	vadd.s32 v40, v39;
	(v2sf) =	vpush v40, $0xF;
	_ =	sdelay $0x1  }
.Ltmp3:
0x3b: {  	(pc) =	sbr.rel @p0 .LBB2_5-.Ltmp3, $4  }
0x3c: {  	s17 =	sadd.s32 $0x10, s17  }
0x3d: {  	v40 =	vor.u32 s17, v3  }
0x3e: {  	[tilespmem:v39+s9+$0x0] =	vst.idx.msk vm1, v40  }
0x3f: {  	s20 =	sshra.s32 s19, $0x2;
	s19 =	sadd.s32 $0x40, s19;
	[tilespmem:v39+s10+$0x0] =	vst.idx.msk vm1, v38  }
0x40: {  	v38 =	vld [tilespmem:s20+$0x0];
	_ =	sdelay $0x4  }
0x41: {  	v38 =	vsub.s32 v38, v0  }
0x42: {  	vm1 =	vlt.u32 v38, $0x140  }
0x43: {  	v39 =	vsel vm1, $0x1, v2  }
0x44: {  	(xrf0) =	vadd.scan.msk.s32 $0xffff, v39;
	_ =	sdelay $0x5  }
0x45: {  	v39, _, _ =	vpop (xrf0)  }
0x46: {  	(v2sf) =	vpush v39, $0xF;
	_ =	sdelay $0xd  }
0x47: {  	s19 =	spop (v2sf)  }
0x48: {  	s18 =	sadd.s32 s18, s19;
	s28 =	spop (v2sf)  }
0x49: {  	v40 =	vmov s18;
	s18 =	sadd.s32 s18, s28  }
0x4a: {  	s19 =	sadd.s32 $0xF, s18  }
0x4b: {  	v40 =	vadd.s32 $0xFFFFFFFF, v40;
	s29 =	sand.u32 $0xF, s19  }
0x4c: {  	v40 =	vbroadcast v40, $0x0;
	s30 =	sshra.s32 s19, $0x1F;
	p1 =	slt.s32 s19, $0x1;
	p0 =	sne.s32 s29, $0x0  }
0x4d: {  	s17 =	sadd.s32 $0x10, s17;
	s20 =	sshrl.u32 s30, $0x1C;
	p0 =	por !p1, !p0  }
0x4e: {  	v39 =	vadd.s32 v39, v40;
	s31 =	sadd.s32 s20, s19;
	s19 =	simm.s32 $0x1;
	p0 =	por !p0, !p0  }
0x4f: {  	v63 =	vor.u32 s17, v3;
	s17 =	sshra.s32 s31, $0x4;
	s19 =	simm.s32 @!p0 $0x0  }
0x50: {  	s17 =	ssub.s32 s17, s19  }
0x51: {  	p0 =	slt.s32 s17, $0x1  }
.Ltmp4:
0x52: {  	_ = 	snop;
	(pc) =	sbr.rel @p0 .LBB2_9-.Ltmp4, $4  }
0x53: {  	[tilespmem:v39+s9+$0x0] =	vst.idx.msk vm1, v63  }
0x54: {  	[tilespmem:v39+s10+$0x0] =	vst.idx.msk vm1, v38  }
0x55: {  	[tilespmem:s18+$0x1000] =	vst v2  }
0x56: {  	[tilespmem:s18+$0x2000] =	vst v4  }
0x57: {  	v38 =	vld [tilespmem:$0x1000];
	_ =	sdelay $0x4  }
0x58: {  	v39 =	vshll.u32 v38, $0x1  }
0x59: {  	v40 =	vand.u32 $0x7, v38;
	v39 =	vand.u32 $0xFFFFFFF0, v39  }
0x5a: {  	v39 =	vor.u32 v40, v39  }
0x5b: {  	v40 =	vperm.xlane v39, v5;
	_ =	sdelay $0x1  }
0x5c: {  	v39 =	vperm.xlane v39, v7;
	v40 =	vadd.s32 v6, v40;
	_ =	sdelay $0x1  }
0x5d: {  	v39 =	vadd.s32 v6, v39;
	_ =	sdelay $0x1  }
0x5e: {  	s18 =	simm.s32 $0x0;
	[tilespmem:$0x19100] =	vst v38  }
0x5f: {  	[tilespmem:s11], [sflag:$0x1] =	stream.indirect_vreg.gather [hbm4b:s3+s18], $0x80, v40, vm0, $0xb8;
	[tilespmem:$0x19200] =	vst v63  }
0x60: {  	s19 =	simm.s32 $0x2000;
	s20 =	simm.s32 $0x1010  }
0x61: {  	[tilespmem:s12], [sflag:$0x1] =	stream.indirect_vreg.gather [hbm4b:s3+s18], $0x80, v39, vm0, $0xb8;
	[tilespmem:$0x19200] =	vst v63  }
.LBB2_8:
0x62: {  	s21 =	sand.u32 $0x1, s18  }
0x63: {  	p0 =	seq.s32 s21, $0x1  }
0x64: {  	s22 =	simm.s32 @!p0 $0x1  }
0x65: {  	_ =	swait.ge @!p0 [sflag:s22], $0x1000  }
0x66: {  	p2 =	seq.s32 s21, $0x0;
	[sflag:s22] =	ssyncset.done @!p0 $0x0  }
0x67: {  	s18 =	sadd.s32 $0x1, s18;
	[sflag:s22] =	ssyncadd.s32 @!p0 $0xFFFFF000;
	s22 =	simm.s32 @!p2 $0x2  }
0x68: {  	p1 =	sge.s32 s18, s17;
	_ =	swait.ge @!p2 [sflag:s22], $0x1000  }
0x69: {  	p3 =	sne.s32 @!p1 s21, $0x0;
	[sflag:s22] =	ssyncset.done @!p2 $0x0  }
0x6a: {  	[sflag:s22] =	ssyncadd.s32 @!p2 $0xFFFFF000;
	p2 =	por p3, p1  }
0x6b: {  	v38 =	vld @!p2 [tilespmem:s20+$0x0];
	_ =	sdelay $0x4  }
0x6c: {  	v39 =	vshll.u32 @!p2 v38, $0x1  }
0x6d: {  	v41 =	vlaneseq.u32 @!p2;
	v40 =	vand.u32 @!p2 $0x7, v38;
	v39 =	vand.u32 @!p2 $0xFFFFFFF0, v39  }
0x6e: {  	v42 =	vshrl.u32 @!p2 v41, $0x3;
	v39 =	vor.u32 @!p2 v40, v39;
	v40 =	vand.u32 @!p2 $0x7, v41  }
0x6f: {  	v42 =	vmul.u32 @!p2 $0x8, v42;
	v40 =	vperm.xlane @!p2 v39, v40  }
0x70: {  	v41 =	vor.u32 @!p2 $0x8, v41  }
0x71: {  	v39 =	vperm.xlane @!p2 v39, v41;
	v40 =	vadd.s32 @!p2 v42, v40;
	_ =	sdelay $0x1  }
0x72: {  	v39 =	vadd.s32 @!p2 v42, v39;
	_ =	sdelay $0x1  }
0x73: {  	p0 =	por !p0, !p0;
	vm1 =	vmmov @!p2 $0xffff;
	s22 =	simm.s32 @!p2 $0x0;
	s23 =	simm.s32 @!p2 $0x4000;
	[tilespmem:$0x19180] =	vst @!p2 v38  }
0x74: {  	[tilespmem:s23], [sflag:$0x2] =	stream.indirect_vreg.gather @!p2 [hbm4b:s3+s22], $0x80, v40, vm1, $0xb8;
	[tilespmem:$0x19200] =	vst v63  }
0x75: {  	p0 =	por p1, p0;
	s23 =	simm.s32 @!p2 $0x4800  }
0x76: {  	[tilespmem:s23], [sflag:$0x2] =	stream.indirect_vreg.gather @!p2 [hbm4b:s3+s22], $0x80, v39, vm1, $0xb8;
	[tilespmem:$0x19200] =	vst v63  }
0x77: {  	v38 =	vld @!p0 [tilespmem:s20+$0x0];
	_ =	sdelay $0x4  }
0x78: {  	v39 =	vshll.u32 @!p0 v38, $0x1  }
0x79: {  	v41 =	vlaneseq.u32 @!p0;
	v40 =	vand.u32 @!p0 $0x7, v38;
	v39 =	vand.u32 @!p0 $0xFFFFFFF0, v39  }
0x7a: {  	v42 =	vshrl.u32 @!p0 v41, $0x3;
	v39 =	vor.u32 @!p0 v40, v39;
	v40 =	vand.u32 @!p0 $0x7, v41  }
0x7b: {  	v42 =	vmul.u32 @!p0 $0x8, v42;
	v40 =	vperm.xlane @!p0 v39, v40  }
0x7c: {  	v41 =	vor.u32 @!p0 $0x8, v41  }
0x7d: {  	v39 =	vperm.xlane @!p0 v39, v41;
	v40 =	vadd.s32 @!p0 v42, v40;
	_ =	sdelay $0x1  }
0x7e: {  	v39 =	vadd.s32 @!p0 v42, v39;
	_ =	sdelay $0x1  }
0x7f: {  	vm1 =	vmmov @!p0 $0xffff;
	s22 =	simm.s32 @!p0 $0x0;
	s23 =	simm.s32 @!p0 $0x3000;
	[tilespmem:$0x19100] =	vst @!p0 v38  }
0x80: {  	[tilespmem:s23], [sflag:$0x1] =	stream.indirect_vreg.gather @!p0 [hbm4b:s3+s22], $0x80, v40, vm1, $0xb8;
	[tilespmem:$0x19200] =	vst v63  }
0x81: {  	s23 =	simm.s32 @!p0 $0x3800  }
0x82: {  	[tilespmem:s23], [sflag:$0x1] =	stream.indirect_vreg.gather @!p0 [hbm4b:s3+s22], $0x80, v39, vm1, $0xb8;
	[tilespmem:$0x19200] =	vst v63  }
0x83: {  	s21 =	sshll.u32 s21, $0xC;
	v38 =	vld [tilespmem:s19+$0x0]  }
0x84: {  	v39 =	vld [tilespmem:s21+$0x3000]  }
0x85: {  	v40 =	vld [tilespmem:s21+$0x3010]  }
0x86: {  	v41 =	vld [tilespmem:s21+$0x3020]  }
0x87: {  	v42 =	vld [tilespmem:s21+$0x3030]  }
0x88: {  	v43 =	vld [tilespmem:s21+$0x3040]  }
0x89: {  	v44 =	vld [tilespmem:s21+$0x3050]  }
0x8a: {  	v45 =	vld [tilespmem:s21+$0x3060]  }
0x8b: {  	v46 =	vld [tilespmem:s21+$0x3070]  }
0x8c: {  	v47 =	vld [tilespmem:s21+$0x3400];
	v38 =	vshll.u32 v38, $0x8  }
0x8d: {  	v49 =	vld [tilespmem:s21+$0x3410];
	v48 =	vperm.xlane v38, v2  }
0x8e: {  	v50 =	vld [tilespmem:s21+$0x3420]  }
0x8f: {  	v51 =	vld [tilespmem:s21+$0x3430];
	v52 =	vadd.s32 v3, v48  }
0x90: {  	v53 =	vld [tilespmem:s21+$0x3440];
	v54 =	vadd.s32 v9, v48  }
0x91: {  	v55 =	vld [tilespmem:s21+$0x3450];
	v56 =	vadd.s32 v10, v48  }
0x92: {  	v57 =	vld [tilespmem:s21+$0x3460];
	v58 =	vadd.s32 v11, v48  }
0x93: {  	v59 =	vld [tilespmem:s21+$0x3470];
	v60 =	vadd.s32 v12, v48  }
0x94: {  	[tilespmem:v52+s13+$0x0] =	vst.idx.add.f32.msk $0xffff, v39;
	v52 =	vadd.s32 v13, v48  }
0x95: {  	[tilespmem:v54+s13+$0x0] =	vst.idx.add.f32.msk $0xffff, v40;
	v54 =	vadd.s32 v14, v48  }
0x96: {  	[tilespmem:v56+s13+$0x0] =	vst.idx.add.f32.msk $0xffff, v41;
	v56 =	vadd.s32 v15, v48  }
0x97: {  	v61 =	vadd.s32 v16, v48;
	[tilespmem:v58+s13+$0x0] =	vst.idx.add.f32.msk $0xffff, v42  }
0x98: {  	v62 =	vadd.s32 v17, v48;
	[tilespmem:v60+s13+$0x0] =	vst.idx.add.f32.msk $0xffff, v43  }
0x99: {  	v63 =	vadd.s32 v18, v48;
	[tilespmem:v52+s13+$0x0] =	vst.idx.add.f32.msk $0xffff, v44  }
0x9a: {  	[tilespmem:v54+s13+$0x0] =	vst.idx.add.f32.msk $0xffff, v45;
	v45 =	vadd.s32 v19, v48  }
0x9b: {  	[tilespmem:v56+s13+$0x0] =	vst.idx.add.f32.msk $0xffff, v46;
	v46 =	vadd.s32 v20, v48  }
0x9c: {  	[tilespmem:v61+s13+$0x0] =	vst.idx.add.f32.msk $0xffff, v47;
	v47 =	vadd.s32 v21, v48  }
0x9d: {  	[tilespmem:v62+s13+$0x0] =	vst.idx.add.f32.msk $0xffff, v49;
	v49 =	vadd.s32 v22, v48  }
0x9e: {  	[tilespmem:v63+s13+$0x0] =	vst.idx.add.f32.msk $0xffff, v50;
	v50 =	vadd.s32 v23, v48  }
0x9f: {  	[tilespmem:v45+s13+$0x0] =	vst.idx.add.f32.msk $0xffff, v51  }
0xa0: {  	[tilespmem:v46+s13+$0x0] =	vst.idx.add.f32.msk $0xffff, v53  }
0xa1: {  	[tilespmem:v47+s13+$0x0] =	vst.idx.add.f32.msk $0xffff, v55  }
0xa2: {  	[tilespmem:v49+s13+$0x0] =	vst.idx.add.f32.msk $0xffff, v57  }
0xa3: {  	[tilespmem:v50+s13+$0x0] =	vst.idx.add.f32.msk $0xffff, v59  }
0xa4: {  	v39 =	vld [tilespmem:s21+$0x3080]  }
0xa5: {  	v40 =	vld [tilespmem:s21+$0x3090]  }
0xa6: {  	v41 =	vld [tilespmem:s21+$0x30A0]  }
0xa7: {  	v42 =	vld [tilespmem:s21+$0x30B0]  }
0xa8: {  	v43 =	vld [tilespmem:s21+$0x30C0]  }
0xa9: {  	v44 =	vld [tilespmem:s21+$0x30D0]  }
0xaa: {  	v45 =	vld [tilespmem:s21+$0x30E0]  }
0xab: {  	v46 =	vld [tilespmem:s21+$0x30F0]  }
0xac: {  	v47 =	vld [tilespmem:s21+$0x3480]  }
0xad: {  	v48 =	vperm.xlane v38, v24;
	v49 =	vld [tilespmem:s21+$0x3490]  }
0xae: {  	v50 =	vld [tilespmem:s21+$0x34A0]  }
0xaf: {  	v52 =	vadd.s32 v3, v48;
	v51 =	vld [tilespmem:s21+$0x34B0]  }
0xb0: {  	v54 =	vadd.s32 v9, v48;
	v53 =	vld [tilespmem:s21+$0x34C0]  }
0xb1: {  	v56 =	vadd.s32 v10, v48;
	v55 =	vld [tilespmem:s21+$0x34D0]  }
0xb2: {  	v58 =	vadd.s32 v11, v48;
	v57 =	vld [tilespmem:s21+$0x34E0]  }
0xb3: {  	v60 =	vadd.s32 v12, v48;
	v59 =	vld [tilespmem:s21+$0x34F0]  }
0xb4: {  	[tilespmem:v52+s13+$0x0] =	vst.idx.add.f32.msk $0xffff, v39;
	v52 =	vadd.s32 v13, v48  }
0xb5: {  	[tilespmem:v54+s13+$0x0] =	vst.idx.add.f32.msk $0xffff, v40;
	v54 =	vadd.s32 v14, v48  }
0xb6: {  	[tilespmem:v56+s13+$0x0] =	vst.idx.add.f32.msk $0xffff, v41;
	v56 =	vadd.s32 v15, v48  }
0xb7: {  	v61 =	vadd.s32 v16, v48;
	[tilespmem:v58+s13+$0x0] =	vst.idx.add.f32.msk $0xffff, v42  }
0xb8: {  	v62 =	vadd.s32 v17, v48;
	[tilespmem:v60+s13+$0x0] =	vst.idx.add.f32.msk $0xffff, v43  }
0xb9: {  	v63 =	vadd.s32 v18, v48;
	[tilespmem:v52+s13+$0x0] =	vst.idx.add.f32.msk $0xffff, v44  }
0xba: {  	[tilespmem:v54+s13+$0x0] =	vst.idx.add.f32.msk $0xffff, v45;
	v45 =	vadd.s32 v19, v48  }
0xbb: {  	[tilespmem:v56+s13+$0x0] =	vst.idx.add.f32.msk $0xffff, v46;
	v46 =	vadd.s32 v20, v48  }
0xbc: {  	[tilespmem:v61+s13+$0x0] =	vst.idx.add.f32.msk $0xffff, v47;
	v47 =	vadd.s32 v21, v48  }
0xbd: {  	[tilespmem:v62+s13+$0x0] =	vst.idx.add.f32.msk $0xffff, v49;
	v49 =	vadd.s32 v22, v48  }
0xbe: {  	[tilespmem:v63+s13+$0x0] =	vst.idx.add.f32.msk $0xffff, v50;
	v50 =	vadd.s32 v23, v48  }
0xbf: {  	[tilespmem:v45+s13+$0x0] =	vst.idx.add.f32.msk $0xffff, v51  }
0xc0: {  	[tilespmem:v46+s13+$0x0] =	vst.idx.add.f32.msk $0xffff, v53  }
0xc1: {  	[tilespmem:v47+s13+$0x0] =	vst.idx.add.f32.msk $0xffff, v55  }
0xc2: {  	[tilespmem:v49+s13+$0x0] =	vst.idx.add.f32.msk $0xffff, v57  }
0xc3: {  	[tilespmem:v50+s13+$0x0] =	vst.idx.add.f32.msk $0xffff, v59  }
0xc4: {  	v39 =	vld [tilespmem:s21+$0x3100]  }
0xc5: {  	v40 =	vld [tilespmem:s21+$0x3110]  }
0xc6: {  	v41 =	vld [tilespmem:s21+$0x3120]  }
0xc7: {  	v42 =	vld [tilespmem:s21+$0x3130]  }
0xc8: {  	v43 =	vld [tilespmem:s21+$0x3140]  }
0xc9: {  	v44 =	vld [tilespmem:s21+$0x3150]  }
0xca: {  	v45 =	vld [tilespmem:s21+$0x3160]  }
0xcb: {  	v46 =	vld [tilespmem:s21+$0x3170]  }
0xcc: {  	v47 =	vld [tilespmem:s21+$0x3500]  }
0xcd: {  	v48 =	vperm.xlane v38, v25;
	v49 =	vld [tilespmem:s21+$0x3510]  }
0xce: {  	v50 =	vld [tilespmem:s21+$0x3520]  }
0xcf: {  	v52 =	vadd.s32 v3, v48;
	v51 =	vld [tilespmem:s21+$0x3530]  }
0xd0: {  	v54 =	vadd.s32 v9, v48;
	v53 =	vld [tilespmem:s21+$0x3540]  }
0xd1: {  	v56 =	vadd.s32 v10, v48;
	v55 =	vld [tilespmem:s21+$0x3550]  }
0xd2: {  	v58 =	vadd.s32 v11, v48;
	v57 =	vld [tilespmem:s21+$0x3560]  }
0xd3: {  	v60 =	vadd.s32 v12, v48;
	v59 =	vld [tilespmem:s21+$0x3570]  }
0xd4: {  	[tilespmem:v52+s13+$0x0] =	vst.idx.add.f32.msk $0xffff, v39;
	v52 =	vadd.s32 v13, v48  }
0xd5: {  	[tilespmem:v54+s13+$0x0] =	vst.idx.add.f32.msk $0xffff, v40;
	v54 =	vadd.s32 v14, v48  }
0xd6: {  	[tilespmem:v56+s13+$0x0] =	vst.idx.add.f32.msk $0xffff, v41;
	v56 =	vadd.s32 v15, v48  }
0xd7: {  	v61 =	vadd.s32 v16, v48;
	[tilespmem:v58+s13+$0x0] =	vst.idx.add.f32.msk $0xffff, v42  }
0xd8: {  	v62 =	vadd.s32 v17, v48;
	[tilespmem:v60+s13+$0x0] =	vst.idx.add.f32.msk $0xffff, v43  }
0xd9: {  	v63 =	vadd.s32 v18, v48;
	[tilespmem:v52+s13+$0x0] =	vst.idx.add.f32.msk $0xffff, v44  }
0xda: {  	[tilespmem:v54+s13+$0x0] =	vst.idx.add.f32.msk $0xffff, v45;
	v45 =	vadd.s32 v19, v48  }
0xdb: {  	[tilespmem:v56+s13+$0x0] =	vst.idx.add.f32.msk $0xffff, v46;
	v46 =	vadd.s32 v20, v48  }
0xdc: {  	[tilespmem:v61+s13+$0x0] =	vst.idx.add.f32.msk $0xffff, v47;
	v47 =	vadd.s32 v21, v48  }
0xdd: {  	[tilespmem:v62+s13+$0x0] =	vst.idx.add.f32.msk $0xffff, v49;
	v49 =	vadd.s32 v22, v48  }
0xde: {  	[tilespmem:v63+s13+$0x0] =	vst.idx.add.f32.msk $0xffff, v50;
	v50 =	vadd.s32 v23, v48  }
0xdf: {  	[tilespmem:v45+s13+$0x0] =	vst.idx.add.f32.msk $0xffff, v51  }
0xe0: {  	[tilespmem:v46+s13+$0x0] =	vst.idx.add.f32.msk $0xffff, v53  }
0xe1: {  	[tilespmem:v47+s13+$0x0] =	vst.idx.add.f32.msk $0xffff, v55  }
0xe2: {  	[tilespmem:v49+s13+$0x0] =	vst.idx.add.f32.msk $0xffff, v57  }
0xe3: {  	[tilespmem:v50+s13+$0x0] =	vst.idx.add.f32.msk $0xffff, v59  }
0xe4: {  	v39 =	vld [tilespmem:s21+$0x3180]  }
0xe5: {  	v40 =	vld [tilespmem:s21+$0x3190]  }
0xe6: {  	v41 =	vld [tilespmem:s21+$0x31A0]  }
0xe7: {  	v42 =	vld [tilespmem:s21+$0x31B0]  }
0xe8: {  	v43 =	vld [tilespmem:s21+$0x31C0]  }
0xe9: {  	v44 =	vld [tilespmem:s21+$0x31D0]  }
0xea: {  	v45 =	vld [tilespmem:s21+$0x31E0]  }
0xeb: {  	v46 =	vld [tilespmem:s21+$0x31F0]  }
0xec: {  	v47 =	vld [tilespmem:s21+$0x3580]  }
0xed: {  	v48 =	vperm.xlane v38, v26;
	v49 =	vld [tilespmem:s21+$0x3590]  }
0xee: {  	v50 =	vld [tilespmem:s21+$0x35A0]  }
0xef: {  	v52 =	vadd.s32 v3, v48;
	v51 =	vld [tilespmem:s21+$0x35B0]  }
0xf0: {  	v54 =	vadd.s32 v9, v48;
	v53 =	vld [tilespmem:s21+$0x35C0]  }
0xf1: {  	v56 =	vadd.s32 v10, v48;
	v55 =	vld [tilespmem:s21+$0x35D0]  }
0xf2: {  	v58 =	vadd.s32 v11, v48;
	v57 =	vld [tilespmem:s21+$0x35E0]  }
0xf3: {  	v60 =	vadd.s32 v12, v48;
	v59 =	vld [tilespmem:s21+$0x35F0]  }
0xf4: {  	[tilespmem:v52+s13+$0x0] =	vst.idx.add.f32.msk $0xffff, v39;
	v52 =	vadd.s32 v13, v48  }
0xf5: {  	[tilespmem:v54+s13+$0x0] =	vst.idx.add.f32.msk $0xffff, v40;
	v54 =	vadd.s32 v14, v48  }
0xf6: {  	[tilespmem:v56+s13+$0x0] =	vst.idx.add.f32.msk $0xffff, v41;
	v56 =	vadd.s32 v15, v48  }
0xf7: {  	v61 =	vadd.s32 v16, v48;
	[tilespmem:v58+s13+$0x0] =	vst.idx.add.f32.msk $0xffff, v42  }
0xf8: {  	v62 =	vadd.s32 v17, v48;
	[tilespmem:v60+s13+$0x0] =	vst.idx.add.f32.msk $0xffff, v43  }
0xf9: {  	v63 =	vadd.s32 v18, v48;
	[tilespmem:v52+s13+$0x0] =	vst.idx.add.f32.msk $0xffff, v44  }
0xfa: {  	[tilespmem:v54+s13+$0x0] =	vst.idx.add.f32.msk $0xffff, v45;
	v45 =	vadd.s32 v19, v48  }
0xfb: {  	[tilespmem:v56+s13+$0x0] =	vst.idx.add.f32.msk $0xffff, v46;
	v46 =	vadd.s32 v20, v48  }
0xfc: {  	[tilespmem:v61+s13+$0x0] =	vst.idx.add.f32.msk $0xffff, v47;
	v47 =	vadd.s32 v21, v48  }
0xfd: {  	[tilespmem:v62+s13+$0x0] =	vst.idx.add.f32.msk $0xffff, v49;
	v49 =	vadd.s32 v22, v48  }
0xfe: {  	[tilespmem:v63+s13+$0x0] =	vst.idx.add.f32.msk $0xffff, v50;
	v50 =	vadd.s32 v23, v48  }
0xff: {  	[tilespmem:v45+s13+$0x0] =	vst.idx.add.f32.msk $0xffff, v51  }
0x100: {  	[tilespmem:v46+s13+$0x0] =	vst.idx.add.f32.msk $0xffff, v53  }
0x101: {  	[tilespmem:v47+s13+$0x0] =	vst.idx.add.f32.msk $0xffff, v55  }
0x102: {  	[tilespmem:v49+s13+$0x0] =	vst.idx.add.f32.msk $0xffff, v57  }
0x103: {  	[tilespmem:v50+s13+$0x0] =	vst.idx.add.f32.msk $0xffff, v59  }
0x104: {  	v39 =	vld [tilespmem:s21+$0x3200]  }
0x105: {  	v40 =	vld [tilespmem:s21+$0x3210]  }
0x106: {  	v41 =	vld [tilespmem:s21+$0x3220]  }
0x107: {  	v42 =	vld [tilespmem:s21+$0x3230]  }
0x108: {  	v43 =	vld [tilespmem:s21+$0x3240]  }
0x109: {  	v44 =	vld [tilespmem:s21+$0x3250]  }
0x10a: {  	v45 =	vld [tilespmem:s21+$0x3260]  }
0x10b: {  	v46 =	vld [tilespmem:s21+$0x3270]  }
0x10c: {  	v47 =	vld [tilespmem:s21+$0x3600]  }
0x10d: {  	v48 =	vperm.xlane v38, v27;
	v49 =	vld [tilespmem:s21+$0x3610]  }
0x10e: {  	v50 =	vld [tilespmem:s21+$0x3620]  }
0x10f: {  	v52 =	vadd.s32 v3, v48;
	v51 =	vld [tilespmem:s21+$0x3630]  }
0x110: {  	v54 =	vadd.s32 v9, v48;
	v53 =	vld [tilespmem:s21+$0x3640]  }
0x111: {  	v56 =	vadd.s32 v10, v48;
	v55 =	vld [tilespmem:s21+$0x3650]  }
0x112: {  	v58 =	vadd.s32 v11, v48;
	v57 =	vld [tilespmem:s21+$0x3660]  }
0x113: {  	v60 =	vadd.s32 v12, v48;
	v59 =	vld [tilespmem:s21+$0x3670]  }
0x114: {  	[tilespmem:v52+s13+$0x0] =	vst.idx.add.f32.msk $0xffff, v39;
	v52 =	vadd.s32 v13, v48  }
0x115: {  	[tilespmem:v54+s13+$0x0] =	vst.idx.add.f32.msk $0xffff, v40;
	v54 =	vadd.s32 v14, v48  }
0x116: {  	[tilespmem:v56+s13+$0x0] =	vst.idx.add.f32.msk $0xffff, v41;
	v56 =	vadd.s32 v15, v48  }
0x117: {  	v61 =	vadd.s32 v16, v48;
	[tilespmem:v58+s13+$0x0] =	vst.idx.add.f32.msk $0xffff, v42  }
0x118: {  	v62 =	vadd.s32 v17, v48;
	[tilespmem:v60+s13+$0x0] =	vst.idx.add.f32.msk $0xffff, v43  }
0x119: {  	v63 =	vadd.s32 v18, v48;
	[tilespmem:v52+s13+$0x0] =	vst.idx.add.f32.msk $0xffff, v44  }
0x11a: {  	[tilespmem:v54+s13+$0x0] =	vst.idx.add.f32.msk $0xffff, v45;
	v45 =	vadd.s32 v19, v48  }
0x11b: {  	[tilespmem:v56+s13+$0x0] =	vst.idx.add.f32.msk $0xffff, v46;
	v46 =	vadd.s32 v20, v48  }
0x11c: {  	[tilespmem:v61+s13+$0x0] =	vst.idx.add.f32.msk $0xffff, v47;
	v47 =	vadd.s32 v21, v48  }
0x11d: {  	[tilespmem:v62+s13+$0x0] =	vst.idx.add.f32.msk $0xffff, v49;
	v49 =	vadd.s32 v22, v48  }
0x11e: {  	[tilespmem:v63+s13+$0x0] =	vst.idx.add.f32.msk $0xffff, v50;
	v50 =	vadd.s32 v23, v48  }
0x11f: {  	[tilespmem:v45+s13+$0x0] =	vst.idx.add.f32.msk $0xffff, v51  }
0x120: {  	[tilespmem:v46+s13+$0x0] =	vst.idx.add.f32.msk $0xffff, v53  }
0x121: {  	[tilespmem:v47+s13+$0x0] =	vst.idx.add.f32.msk $0xffff, v55  }
0x122: {  	[tilespmem:v49+s13+$0x0] =	vst.idx.add.f32.msk $0xffff, v57  }
0x123: {  	[tilespmem:v50+s13+$0x0] =	vst.idx.add.f32.msk $0xffff, v59  }
0x124: {  	v39 =	vld [tilespmem:s21+$0x3280]  }
0x125: {  	v40 =	vld [tilespmem:s21+$0x3290]  }
0x126: {  	v41 =	vld [tilespmem:s21+$0x32A0]  }
0x127: {  	v42 =	vld [tilespmem:s21+$0x32B0]  }
0x128: {  	v43 =	vld [tilespmem:s21+$0x32C0]  }
0x129: {  	v44 =	vld [tilespmem:s21+$0x32D0]  }
0x12a: {  	v45 =	vld [tilespmem:s21+$0x32E0]  }
0x12b: {  	v46 =	vld [tilespmem:s21+$0x32F0]  }
0x12c: {  	v47 =	vld [tilespmem:s21+$0x3680]  }
0x12d: {  	v48 =	vperm.xlane v38, v28;
	v49 =	vld [tilespmem:s21+$0x3690]  }
0x12e: {  	v50 =	vld [tilespmem:s21+$0x36A0]  }
0x12f: {  	v52 =	vadd.s32 v3, v48;
	v51 =	vld [tilespmem:s21+$0x36B0]  }
0x130: {  	v54 =	vadd.s32 v9, v48;
	v53 =	vld [tilespmem:s21+$0x36C0]  }
0x131: {  	v56 =	vadd.s32 v10, v48;
	v55 =	vld [tilespmem:s21+$0x36D0]  }
0x132: {  	v58 =	vadd.s32 v11, v48;
	v57 =	vld [tilespmem:s21+$0x36E0]  }
0x133: {  	v60 =	vadd.s32 v12, v48;
	v59 =	vld [tilespmem:s21+$0x36F0]  }
0x134: {  	[tilespmem:v52+s13+$0x0] =	vst.idx.add.f32.msk $0xffff, v39;
	v52 =	vadd.s32 v13, v48  }
0x135: {  	[tilespmem:v54+s13+$0x0] =	vst.idx.add.f32.msk $0xffff, v40;
	v54 =	vadd.s32 v14, v48  }
0x136: {  	[tilespmem:v56+s13+$0x0] =	vst.idx.add.f32.msk $0xffff, v41;
	v56 =	vadd.s32 v15, v48  }
0x137: {  	v61 =	vadd.s32 v16, v48;
	[tilespmem:v58+s13+$0x0] =	vst.idx.add.f32.msk $0xffff, v42  }
0x138: {  	v62 =	vadd.s32 v17, v48;
	[tilespmem:v60+s13+$0x0] =	vst.idx.add.f32.msk $0xffff, v43  }
0x139: {  	v63 =	vadd.s32 v18, v48;
	[tilespmem:v52+s13+$0x0] =	vst.idx.add.f32.msk $0xffff, v44  }
0x13a: {  	[tilespmem:v54+s13+$0x0] =	vst.idx.add.f32.msk $0xffff, v45;
	v45 =	vadd.s32 v19, v48  }
0x13b: {  	[tilespmem:v56+s13+$0x0] =	vst.idx.add.f32.msk $0xffff, v46;
	v46 =	vadd.s32 v20, v48  }
0x13c: {  	[tilespmem:v61+s13+$0x0] =	vst.idx.add.f32.msk $0xffff, v47;
	v47 =	vadd.s32 v21, v48  }
0x13d: {  	[tilespmem:v62+s13+$0x0] =	vst.idx.add.f32.msk $0xffff, v49;
	v49 =	vadd.s32 v22, v48  }
0x13e: {  	[tilespmem:v63+s13+$0x0] =	vst.idx.add.f32.msk $0xffff, v50;
	v50 =	vadd.s32 v23, v48  }
0x13f: {  	[tilespmem:v45+s13+$0x0] =	vst.idx.add.f32.msk $0xffff, v51  }
0x140: {  	[tilespmem:v46+s13+$0x0] =	vst.idx.add.f32.msk $0xffff, v53  }
0x141: {  	[tilespmem:v47+s13+$0x0] =	vst.idx.add.f32.msk $0xffff, v55  }
0x142: {  	[tilespmem:v49+s13+$0x0] =	vst.idx.add.f32.msk $0xffff, v57  }
0x143: {  	[tilespmem:v50+s13+$0x0] =	vst.idx.add.f32.msk $0xffff, v59  }
0x144: {  	v39 =	vld [tilespmem:s21+$0x3300]  }
0x145: {  	v40 =	vld [tilespmem:s21+$0x3310]  }
0x146: {  	v41 =	vld [tilespmem:s21+$0x3320]  }
0x147: {  	v42 =	vld [tilespmem:s21+$0x3330]  }
0x148: {  	v43 =	vld [tilespmem:s21+$0x3340]  }
0x149: {  	v44 =	vld [tilespmem:s21+$0x3350]  }
0x14a: {  	v45 =	vld [tilespmem:s21+$0x3360]  }
0x14b: {  	v46 =	vld [tilespmem:s21+$0x3370]  }
0x14c: {  	v47 =	vld [tilespmem:s21+$0x3700]  }
0x14d: {  	v48 =	vperm.xlane v38, v29;
	v49 =	vld [tilespmem:s21+$0x3710]  }
0x14e: {  	v50 =	vld [tilespmem:s21+$0x3720]  }
0x14f: {  	v52 =	vadd.s32 v3, v48;
	v51 =	vld [tilespmem:s21+$0x3730]  }
0x150: {  	v54 =	vadd.s32 v9, v48;
	v53 =	vld [tilespmem:s21+$0x3740]  }
0x151: {  	v56 =	vadd.s32 v10, v48;
	v55 =	vld [tilespmem:s21+$0x3750]  }
0x152: {  	v58 =	vadd.s32 v11, v48;
	v57 =	vld [tilespmem:s21+$0x3760]  }
0x153: {  	v60 =	vadd.s32 v12, v48;
	v59 =	vld [tilespmem:s21+$0x3770]  }
0x154: {  	[tilespmem:v52+s13+$0x0] =	vst.idx.add.f32.msk $0xffff, v39;
	v52 =	vadd.s32 v13, v48  }
0x155: {  	[tilespmem:v54+s13+$0x0] =	vst.idx.add.f32.msk $0xffff, v40;
	v54 =	vadd.s32 v14, v48  }
0x156: {  	[tilespmem:v56+s13+$0x0] =	vst.idx.add.f32.msk $0xffff, v41;
	v56 =	vadd.s32 v15, v48  }
0x157: {  	v61 =	vadd.s32 v16, v48;
	[tilespmem:v58+s13+$0x0] =	vst.idx.add.f32.msk $0xffff, v42  }
0x158: {  	v62 =	vadd.s32 v17, v48;
	[tilespmem:v60+s13+$0x0] =	vst.idx.add.f32.msk $0xffff, v43  }
0x159: {  	v63 =	vadd.s32 v18, v48;
	[tilespmem:v52+s13+$0x0] =	vst.idx.add.f32.msk $0xffff, v44  }
0x15a: {  	[tilespmem:v54+s13+$0x0] =	vst.idx.add.f32.msk $0xffff, v45;
	v45 =	vadd.s32 v19, v48  }
0x15b: {  	[tilespmem:v56+s13+$0x0] =	vst.idx.add.f32.msk $0xffff, v46;
	v46 =	vadd.s32 v20, v48  }
0x15c: {  	[tilespmem:v61+s13+$0x0] =	vst.idx.add.f32.msk $0xffff, v47;
	v47 =	vadd.s32 v21, v48  }
0x15d: {  	[tilespmem:v62+s13+$0x0] =	vst.idx.add.f32.msk $0xffff, v49;
	v49 =	vadd.s32 v22, v48  }
0x15e: {  	[tilespmem:v63+s13+$0x0] =	vst.idx.add.f32.msk $0xffff, v50;
	v50 =	vadd.s32 v23, v48  }
0x15f: {  	[tilespmem:v45+s13+$0x0] =	vst.idx.add.f32.msk $0xffff, v51  }
0x160: {  	[tilespmem:v46+s13+$0x0] =	vst.idx.add.f32.msk $0xffff, v53  }
0x161: {  	[tilespmem:v47+s13+$0x0] =	vst.idx.add.f32.msk $0xffff, v55  }
0x162: {  	[tilespmem:v49+s13+$0x0] =	vst.idx.add.f32.msk $0xffff, v57  }
0x163: {  	[tilespmem:v50+s13+$0x0] =	vst.idx.add.f32.msk $0xffff, v59  }
0x164: {  	v39 =	vld [tilespmem:s21+$0x3380]  }
0x165: {  	v40 =	vld [tilespmem:s21+$0x3390]  }
0x166: {  	v41 =	vld [tilespmem:s21+$0x33A0]  }
0x167: {  	v42 =	vld [tilespmem:s21+$0x33B0]  }
0x168: {  	v43 =	vld [tilespmem:s21+$0x33C0]  }
0x169: {  	v44 =	vld [tilespmem:s21+$0x33D0]  }
0x16a: {  	v45 =	vld [tilespmem:s21+$0x33E0]  }
0x16b: {  	v46 =	vld [tilespmem:s21+$0x33F0]  }
0x16c: {  	v47 =	vld [tilespmem:s21+$0x3780]  }
0x16d: {  	v48 =	vperm.xlane v38, v30;
	v49 =	vld [tilespmem:s21+$0x3790]  }
0x16e: {  	v50 =	vld [tilespmem:s21+$0x37A0]  }
0x16f: {  	v52 =	vadd.s32 v3, v48;
	v51 =	vld [tilespmem:s21+$0x37B0]  }
0x170: {  	v54 =	vadd.s32 v9, v48;
	v53 =	vld [tilespmem:s21+$0x37C0]  }
0x171: {  	v56 =	vadd.s32 v10, v48;
	v55 =	vld [tilespmem:s21+$0x37D0]  }
0x172: {  	v58 =	vadd.s32 v11, v48;
	v57 =	vld [tilespmem:s21+$0x37E0]  }
0x173: {  	v60 =	vadd.s32 v12, v48;
	v59 =	vld [tilespmem:s21+$0x37F0]  }
0x174: {  	[tilespmem:v52+s13+$0x0] =	vst.idx.add.f32.msk $0xffff, v39;
	v52 =	vadd.s32 v13, v48  }
0x175: {  	[tilespmem:v54+s13+$0x0] =	vst.idx.add.f32.msk $0xffff, v40;
	v54 =	vadd.s32 v14, v48  }
0x176: {  	[tilespmem:v56+s13+$0x0] =	vst.idx.add.f32.msk $0xffff, v41;
	v56 =	vadd.s32 v15, v48  }
0x177: {  	v61 =	vadd.s32 v16, v48;
	[tilespmem:v58+s13+$0x0] =	vst.idx.add.f32.msk $0xffff, v42  }
0x178: {  	v62 =	vadd.s32 v17, v48;
	[tilespmem:v60+s13+$0x0] =	vst.idx.add.f32.msk $0xffff, v43  }
0x179: {  	v63 =	vadd.s32 v18, v48;
	[tilespmem:v52+s13+$0x0] =	vst.idx.add.f32.msk $0xffff, v44  }
0x17a: {  	[tilespmem:v54+s13+$0x0] =	vst.idx.add.f32.msk $0xffff, v45;
	v45 =	vadd.s32 v19, v48  }
0x17b: {  	[tilespmem:v56+s13+$0x0] =	vst.idx.add.f32.msk $0xffff, v46;
	v46 =	vadd.s32 v20, v48  }
0x17c: {  	[tilespmem:v61+s13+$0x0] =	vst.idx.add.f32.msk $0xffff, v47;
	v47 =	vadd.s32 v21, v48  }
0x17d: {  	[tilespmem:v62+s13+$0x0] =	vst.idx.add.f32.msk $0xffff, v49;
	v49 =	vadd.s32 v22, v48  }
0x17e: {  	[tilespmem:v63+s13+$0x0] =	vst.idx.add.f32.msk $0xffff, v50;
	v50 =	vadd.s32 v23, v48  }
0x17f: {  	[tilespmem:v45+s13+$0x0] =	vst.idx.add.f32.msk $0xffff, v51  }
0x180: {  	[tilespmem:v46+s13+$0x0] =	vst.idx.add.f32.msk $0xffff, v53  }
0x181: {  	[tilespmem:v47+s13+$0x0] =	vst.idx.add.f32.msk $0xffff, v55  }
0x182: {  	[tilespmem:v49+s13+$0x0] =	vst.idx.add.f32.msk $0xffff, v57  }
0x183: {  	[tilespmem:v50+s13+$0x0] =	vst.idx.add.f32.msk $0xffff, v59  }
0x184: {  	v39 =	vld [tilespmem:s21+$0x3800]  }
0x185: {  	v40 =	vld [tilespmem:s21+$0x3810]  }
0x186: {  	v41 =	vld [tilespmem:s21+$0x3820]  }
0x187: {  	v42 =	vld [tilespmem:s21+$0x3830]  }
0x188: {  	v43 =	vld [tilespmem:s21+$0x3840]  }
0x189: {  	v44 =	vld [tilespmem:s21+$0x3850]  }
0x18a: {  	v45 =	vld [tilespmem:s21+$0x3860]  }
0x18b: {  	v46 =	vld [tilespmem:s21+$0x3870]  }
0x18c: {  	v47 =	vld [tilespmem:s21+$0x3C00]  }
0x18d: {  	v48 =	vperm.xlane v38, v8;
	v49 =	vld [tilespmem:s21+$0x3C10]  }
0x18e: {  	v50 =	vld [tilespmem:s21+$0x3C20]  }
0x18f: {  	v52 =	vadd.s32 v3, v48;
	v51 =	vld [tilespmem:s21+$0x3C30]  }
0x190: {  	v54 =	vadd.s32 v9, v48;
	v53 =	vld [tilespmem:s21+$0x3C40]  }
0x191: {  	v56 =	vadd.s32 v10, v48;
	v55 =	vld [tilespmem:s21+$0x3C50]  }
0x192: {  	v58 =	vadd.s32 v11, v48;
	v57 =	vld [tilespmem:s21+$0x3C60]  }
0x193: {  	v60 =	vadd.s32 v12, v48;
	v59 =	vld [tilespmem:s21+$0x3C70]  }
0x194: {  	[tilespmem:v52+s13+$0x0] =	vst.idx.add.f32.msk $0xffff, v39;
	v52 =	vadd.s32 v13, v48  }
0x195: {  	[tilespmem:v54+s13+$0x0] =	vst.idx.add.f32.msk $0xffff, v40;
	v54 =	vadd.s32 v14, v48  }
0x196: {  	[tilespmem:v56+s13+$0x0] =	vst.idx.add.f32.msk $0xffff, v41;
	v56 =	vadd.s32 v15, v48  }
0x197: {  	v61 =	vadd.s32 v16, v48;
	[tilespmem:v58+s13+$0x0] =	vst.idx.add.f32.msk $0xffff, v42  }
0x198: {  	v62 =	vadd.s32 v17, v48;
	[tilespmem:v60+s13+$0x0] =	vst.idx.add.f32.msk $0xffff, v43  }
0x199: {  	v63 =	vadd.s32 v18, v48;
	[tilespmem:v52+s13+$0x0] =	vst.idx.add.f32.msk $0xffff, v44  }
0x19a: {  	[tilespmem:v54+s13+$0x0] =	vst.idx.add.f32.msk $0xffff, v45;
	v45 =	vadd.s32 v19, v48  }
0x19b: {  	[tilespmem:v56+s13+$0x0] =	vst.idx.add.f32.msk $0xffff, v46;
	v46 =	vadd.s32 v20, v48  }
0x19c: {  	[tilespmem:v61+s13+$0x0] =	vst.idx.add.f32.msk $0xffff, v47;
	v47 =	vadd.s32 v21, v48  }
0x19d: {  	[tilespmem:v62+s13+$0x0] =	vst.idx.add.f32.msk $0xffff, v49;
	v49 =	vadd.s32 v22, v48  }
0x19e: {  	[tilespmem:v63+s13+$0x0] =	vst.idx.add.f32.msk $0xffff, v50;
	v50 =	vadd.s32 v23, v48  }
0x19f: {  	[tilespmem:v45+s13+$0x0] =	vst.idx.add.f32.msk $0xffff, v51  }
0x1a0: {  	[tilespmem:v46+s13+$0x0] =	vst.idx.add.f32.msk $0xffff, v53  }
0x1a1: {  	[tilespmem:v47+s13+$0x0] =	vst.idx.add.f32.msk $0xffff, v55  }
0x1a2: {  	[tilespmem:v49+s13+$0x0] =	vst.idx.add.f32.msk $0xffff, v57  }
0x1a3: {  	[tilespmem:v50+s13+$0x0] =	vst.idx.add.f32.msk $0xffff, v59  }
0x1a4: {  	v39 =	vld [tilespmem:s21+$0x3880]  }
0x1a5: {  	v40 =	vld [tilespmem:s21+$0x3890]  }
0x1a6: {  	v41 =	vld [tilespmem:s21+$0x38A0]  }
0x1a7: {  	v42 =	vld [tilespmem:s21+$0x38B0]  }
0x1a8: {  	v43 =	vld [tilespmem:s21+$0x38C0]  }
0x1a9: {  	v44 =	vld [tilespmem:s21+$0x38D0]  }
0x1aa: {  	v45 =	vld [tilespmem:s21+$0x38E0]  }
0x1ab: {  	v46 =	vld [tilespmem:s21+$0x38F0]  }
0x1ac: {  	v47 =	vld [tilespmem:s21+$0x3C80]  }
0x1ad: {  	v48 =	vperm.xlane v38, v31;
	v49 =	vld [tilespmem:s21+$0x3C90]  }
0x1ae: {  	v50 =	vld [tilespmem:s21+$0x3CA0]  }
0x1af: {  	v52 =	vadd.s32 v3, v48;
	v51 =	vld [tilespmem:s21+$0x3CB0]  }
0x1b0: {  	v54 =	vadd.s32 v9, v48;
	v53 =	vld [tilespmem:s21+$0x3CC0]  }
0x1b1: {  	v56 =	vadd.s32 v10, v48;
	v55 =	vld [tilespmem:s21+$0x3CD0]  }
0x1b2: {  	v58 =	vadd.s32 v11, v48;
	v57 =	vld [tilespmem:s21+$0x3CE0]  }
0x1b3: {  	v60 =	vadd.s32 v12, v48;
	v59 =	vld [tilespmem:s21+$0x3CF0]  }
0x1b4: {  	[tilespmem:v52+s13+$0x0] =	vst.idx.add.f32.msk $0xffff, v39;
	v52 =	vadd.s32 v13, v48  }
0x1b5: {  	[tilespmem:v54+s13+$0x0] =	vst.idx.add.f32.msk $0xffff, v40;
	v54 =	vadd.s32 v14, v48  }
0x1b6: {  	[tilespmem:v56+s13+$0x0] =	vst.idx.add.f32.msk $0xffff, v41;
	v56 =	vadd.s32 v15, v48  }
0x1b7: {  	v61 =	vadd.s32 v16, v48;
	[tilespmem:v58+s13+$0x0] =	vst.idx.add.f32.msk $0xffff, v42  }
0x1b8: {  	v62 =	vadd.s32 v17, v48;
	[tilespmem:v60+s13+$0x0] =	vst.idx.add.f32.msk $0xffff, v43  }
0x1b9: {  	v63 =	vadd.s32 v18, v48;
	[tilespmem:v52+s13+$0x0] =	vst.idx.add.f32.msk $0xffff, v44  }
0x1ba: {  	[tilespmem:v54+s13+$0x0] =	vst.idx.add.f32.msk $0xffff, v45;
	v45 =	vadd.s32 v19, v48  }
0x1bb: {  	[tilespmem:v56+s13+$0x0] =	vst.idx.add.f32.msk $0xffff, v46;
	v46 =	vadd.s32 v20, v48  }
0x1bc: {  	[tilespmem:v61+s13+$0x0] =	vst.idx.add.f32.msk $0xffff, v47;
	v47 =	vadd.s32 v21, v48  }
0x1bd: {  	[tilespmem:v62+s13+$0x0] =	vst.idx.add.f32.msk $0xffff, v49;
	v49 =	vadd.s32 v22, v48  }
0x1be: {  	[tilespmem:v63+s13+$0x0] =	vst.idx.add.f32.msk $0xffff, v50;
	v50 =	vadd.s32 v23, v48  }
0x1bf: {  	[tilespmem:v45+s13+$0x0] =	vst.idx.add.f32.msk $0xffff, v51  }
0x1c0: {  	[tilespmem:v46+s13+$0x0] =	vst.idx.add.f32.msk $0xffff, v53  }
0x1c1: {  	[tilespmem:v47+s13+$0x0] =	vst.idx.add.f32.msk $0xffff, v55  }
0x1c2: {  	[tilespmem:v49+s13+$0x0] =	vst.idx.add.f32.msk $0xffff, v57  }
0x1c3: {  	[tilespmem:v50+s13+$0x0] =	vst.idx.add.f32.msk $0xffff, v59  }
0x1c4: {  	v39 =	vld [tilespmem:s21+$0x3900]  }
0x1c5: {  	v40 =	vld [tilespmem:s21+$0x3910]  }
0x1c6: {  	v41 =	vld [tilespmem:s21+$0x3920]  }
0x1c7: {  	v42 =	vld [tilespmem:s21+$0x3930]  }
0x1c8: {  	v43 =	vld [tilespmem:s21+$0x3940]  }
0x1c9: {  	v44 =	vld [tilespmem:s21+$0x3950]  }
0x1ca: {  	v45 =	vld [tilespmem:s21+$0x3960]  }
0x1cb: {  	v46 =	vld [tilespmem:s21+$0x3970]  }
0x1cc: {  	v47 =	vld [tilespmem:s21+$0x3D00]  }
0x1cd: {  	v48 =	vperm.xlane v38, v32;
	v49 =	vld [tilespmem:s21+$0x3D10]  }
0x1ce: {  	v50 =	vld [tilespmem:s21+$0x3D20]  }
0x1cf: {  	v52 =	vadd.s32 v3, v48;
	v51 =	vld [tilespmem:s21+$0x3D30]  }
0x1d0: {  	v54 =	vadd.s32 v9, v48;
	v53 =	vld [tilespmem:s21+$0x3D40]  }
0x1d1: {  	v56 =	vadd.s32 v10, v48;
	v55 =	vld [tilespmem:s21+$0x3D50]  }
0x1d2: {  	v58 =	vadd.s32 v11, v48;
	v57 =	vld [tilespmem:s21+$0x3D60]  }
0x1d3: {  	v60 =	vadd.s32 v12, v48;
	v59 =	vld [tilespmem:s21+$0x3D70]  }
0x1d4: {  	[tilespmem:v52+s13+$0x0] =	vst.idx.add.f32.msk $0xffff, v39;
	v52 =	vadd.s32 v13, v48  }
0x1d5: {  	[tilespmem:v54+s13+$0x0] =	vst.idx.add.f32.msk $0xffff, v40;
	v54 =	vadd.s32 v14, v48  }
0x1d6: {  	[tilespmem:v56+s13+$0x0] =	vst.idx.add.f32.msk $0xffff, v41;
	v56 =	vadd.s32 v15, v48  }
0x1d7: {  	v61 =	vadd.s32 v16, v48;
	[tilespmem:v58+s13+$0x0] =	vst.idx.add.f32.msk $0xffff, v42  }
0x1d8: {  	v62 =	vadd.s32 v17, v48;
	[tilespmem:v60+s13+$0x0] =	vst.idx.add.f32.msk $0xffff, v43  }
0x1d9: {  	v63 =	vadd.s32 v18, v48;
	[tilespmem:v52+s13+$0x0] =	vst.idx.add.f32.msk $0xffff, v44  }
0x1da: {  	[tilespmem:v54+s13+$0x0] =	vst.idx.add.f32.msk $0xffff, v45;
	v45 =	vadd.s32 v19, v48  }
0x1db: {  	[tilespmem:v56+s13+$0x0] =	vst.idx.add.f32.msk $0xffff, v46;
	v46 =	vadd.s32 v20, v48  }
0x1dc: {  	[tilespmem:v61+s13+$0x0] =	vst.idx.add.f32.msk $0xffff, v47;
	v47 =	vadd.s32 v21, v48  }
0x1dd: {  	[tilespmem:v62+s13+$0x0] =	vst.idx.add.f32.msk $0xffff, v49;
	v49 =	vadd.s32 v22, v48  }
0x1de: {  	[tilespmem:v63+s13+$0x0] =	vst.idx.add.f32.msk $0xffff, v50;
	v50 =	vadd.s32 v23, v48  }
0x1df: {  	[tilespmem:v45+s13+$0x0] =	vst.idx.add.f32.msk $0xffff, v51  }
0x1e0: {  	[tilespmem:v46+s13+$0x0] =	vst.idx.add.f32.msk $0xffff, v53  }
0x1e1: {  	[tilespmem:v47+s13+$0x0] =	vst.idx.add.f32.msk $0xffff, v55  }
0x1e2: {  	[tilespmem:v49+s13+$0x0] =	vst.idx.add.f32.msk $0xffff, v57  }
0x1e3: {  	[tilespmem:v50+s13+$0x0] =	vst.idx.add.f32.msk $0xffff, v59  }
0x1e4: {  	v39 =	vld [tilespmem:s21+$0x3980]  }
0x1e5: {  	v40 =	vld [tilespmem:s21+$0x3990]  }
0x1e6: {  	v41 =	vld [tilespmem:s21+$0x39A0]  }
0x1e7: {  	v42 =	vld [tilespmem:s21+$0x39B0]  }
0x1e8: {  	v43 =	vld [tilespmem:s21+$0x39C0]  }
0x1e9: {  	v44 =	vld [tilespmem:s21+$0x39D0]  }
0x1ea: {  	v45 =	vld [tilespmem:s21+$0x39E0]  }
0x1eb: {  	v46 =	vld [tilespmem:s21+$0x39F0]  }
0x1ec: {  	v47 =	vld [tilespmem:s21+$0x3D80]  }
0x1ed: {  	v48 =	vperm.xlane v38, v33;
	v49 =	vld [tilespmem:s21+$0x3D90]  }
0x1ee: {  	v50 =	vld [tilespmem:s21+$0x3DA0]  }
0x1ef: {  	v52 =	vadd.s32 v3, v48;
	v51 =	vld [tilespmem:s21+$0x3DB0]  }
0x1f0: {  	v54 =	vadd.s32 v9, v48;
	v53 =	vld [tilespmem:s21+$0x3DC0]  }
0x1f1: {  	v56 =	vadd.s32 v10, v48;
	v55 =	vld [tilespmem:s21+$0x3DD0]  }
0x1f2: {  	v58 =	vadd.s32 v11, v48;
	v57 =	vld [tilespmem:s21+$0x3DE0]  }
0x1f3: {  	v60 =	vadd.s32 v12, v48;
	v59 =	vld [tilespmem:s21+$0x3DF0]  }
0x1f4: {  	[tilespmem:v52+s13+$0x0] =	vst.idx.add.f32.msk $0xffff, v39;
	v52 =	vadd.s32 v13, v48  }
0x1f5: {  	[tilespmem:v54+s13+$0x0] =	vst.idx.add.f32.msk $0xffff, v40;
	v54 =	vadd.s32 v14, v48  }
0x1f6: {  	[tilespmem:v56+s13+$0x0] =	vst.idx.add.f32.msk $0xffff, v41;
	v56 =	vadd.s32 v15, v48  }
0x1f7: {  	v61 =	vadd.s32 v16, v48;
	[tilespmem:v58+s13+$0x0] =	vst.idx.add.f32.msk $0xffff, v42  }
0x1f8: {  	v62 =	vadd.s32 v17, v48;
	[tilespmem:v60+s13+$0x0] =	vst.idx.add.f32.msk $0xffff, v43  }
0x1f9: {  	v63 =	vadd.s32 v18, v48;
	[tilespmem:v52+s13+$0x0] =	vst.idx.add.f32.msk $0xffff, v44  }
0x1fa: {  	[tilespmem:v54+s13+$0x0] =	vst.idx.add.f32.msk $0xffff, v45;
	v45 =	vadd.s32 v19, v48  }
0x1fb: {  	[tilespmem:v56+s13+$0x0] =	vst.idx.add.f32.msk $0xffff, v46;
	v46 =	vadd.s32 v20, v48  }
0x1fc: {  	[tilespmem:v61+s13+$0x0] =	vst.idx.add.f32.msk $0xffff, v47;
	v47 =	vadd.s32 v21, v48  }
0x1fd: {  	[tilespmem:v62+s13+$0x0] =	vst.idx.add.f32.msk $0xffff, v49;
	v49 =	vadd.s32 v22, v48  }
0x1fe: {  	[tilespmem:v63+s13+$0x0] =	vst.idx.add.f32.msk $0xffff, v50;
	v50 =	vadd.s32 v23, v48  }
0x1ff: {  	[tilespmem:v45+s13+$0x0] =	vst.idx.add.f32.msk $0xffff, v51  }
0x200: {  	[tilespmem:v46+s13+$0x0] =	vst.idx.add.f32.msk $0xffff, v53  }
0x201: {  	[tilespmem:v47+s13+$0x0] =	vst.idx.add.f32.msk $0xffff, v55  }
0x202: {  	[tilespmem:v49+s13+$0x0] =	vst.idx.add.f32.msk $0xffff, v57  }
0x203: {  	[tilespmem:v50+s13+$0x0] =	vst.idx.add.f32.msk $0xffff, v59  }
0x204: {  	v39 =	vld [tilespmem:s21+$0x3A00]  }
0x205: {  	v40 =	vld [tilespmem:s21+$0x3A10]  }
0x206: {  	v41 =	vld [tilespmem:s21+$0x3A20]  }
0x207: {  	v42 =	vld [tilespmem:s21+$0x3A30]  }
0x208: {  	v43 =	vld [tilespmem:s21+$0x3A40]  }
0x209: {  	v44 =	vld [tilespmem:s21+$0x3A50]  }
0x20a: {  	v45 =	vld [tilespmem:s21+$0x3A60]  }
0x20b: {  	v46 =	vld [tilespmem:s21+$0x3A70]  }
0x20c: {  	v47 =	vld [tilespmem:s21+$0x3E00]  }
0x20d: {  	v48 =	vperm.xlane v38, v34;
	v49 =	vld [tilespmem:s21+$0x3E10]  }
0x20e: {  	v50 =	vld [tilespmem:s21+$0x3E20]  }
0x20f: {  	v52 =	vadd.s32 v3, v48;
	v51 =	vld [tilespmem:s21+$0x3E30]  }
0x210: {  	v54 =	vadd.s32 v9, v48;
	v53 =	vld [tilespmem:s21+$0x3E40]  }
0x211: {  	v56 =	vadd.s32 v10, v48;
	v55 =	vld [tilespmem:s21+$0x3E50]  }
0x212: {  	v58 =	vadd.s32 v11, v48;
	v57 =	vld [tilespmem:s21+$0x3E60]  }
0x213: {  	v60 =	vadd.s32 v12, v48;
	v59 =	vld [tilespmem:s21+$0x3E70]  }
0x214: {  	[tilespmem:v52+s13+$0x0] =	vst.idx.add.f32.msk $0xffff, v39;
	v52 =	vadd.s32 v13, v48  }
0x215: {  	[tilespmem:v54+s13+$0x0] =	vst.idx.add.f32.msk $0xffff, v40;
	v54 =	vadd.s32 v14, v48  }
0x216: {  	[tilespmem:v56+s13+$0x0] =	vst.idx.add.f32.msk $0xffff, v41;
	v56 =	vadd.s32 v15, v48  }
0x217: {  	v61 =	vadd.s32 v16, v48;
	[tilespmem:v58+s13+$0x0] =	vst.idx.add.f32.msk $0xffff, v42  }
0x218: {  	v62 =	vadd.s32 v17, v48;
	[tilespmem:v60+s13+$0x0] =	vst.idx.add.f32.msk $0xffff, v43  }
0x219: {  	v63 =	vadd.s32 v18, v48;
	[tilespmem:v52+s13+$0x0] =	vst.idx.add.f32.msk $0xffff, v44  }
0x21a: {  	[tilespmem:v54+s13+$0x0] =	vst.idx.add.f32.msk $0xffff, v45;
	v45 =	vadd.s32 v19, v48  }
0x21b: {  	[tilespmem:v56+s13+$0x0] =	vst.idx.add.f32.msk $0xffff, v46;
	v46 =	vadd.s32 v20, v48  }
0x21c: {  	[tilespmem:v61+s13+$0x0] =	vst.idx.add.f32.msk $0xffff, v47;
	v47 =	vadd.s32 v21, v48  }
0x21d: {  	[tilespmem:v62+s13+$0x0] =	vst.idx.add.f32.msk $0xffff, v49;
	v49 =	vadd.s32 v22, v48  }
0x21e: {  	[tilespmem:v63+s13+$0x0] =	vst.idx.add.f32.msk $0xffff, v50;
	v50 =	vadd.s32 v23, v48  }
0x21f: {  	[tilespmem:v45+s13+$0x0] =	vst.idx.add.f32.msk $0xffff, v51  }
0x220: {  	[tilespmem:v46+s13+$0x0] =	vst.idx.add.f32.msk $0xffff, v53  }
0x221: {  	[tilespmem:v47+s13+$0x0] =	vst.idx.add.f32.msk $0xffff, v55  }
0x222: {  	[tilespmem:v49+s13+$0x0] =	vst.idx.add.f32.msk $0xffff, v57  }
0x223: {  	[tilespmem:v50+s13+$0x0] =	vst.idx.add.f32.msk $0xffff, v59  }
0x224: {  	v39 =	vld [tilespmem:s21+$0x3A80]  }
0x225: {  	v40 =	vld [tilespmem:s21+$0x3A90]  }
0x226: {  	v41 =	vld [tilespmem:s21+$0x3AA0]  }
0x227: {  	v42 =	vld [tilespmem:s21+$0x3AB0]  }
0x228: {  	v43 =	vld [tilespmem:s21+$0x3AC0]  }
0x229: {  	v44 =	vld [tilespmem:s21+$0x3AD0]  }
0x22a: {  	v45 =	vld [tilespmem:s21+$0x3AE0]  }
0x22b: {  	v46 =	vld [tilespmem:s21+$0x3AF0]  }
0x22c: {  	v47 =	vld [tilespmem:s21+$0x3E80]  }
0x22d: {  	v48 =	vperm.xlane v38, v35;
	v49 =	vld [tilespmem:s21+$0x3E90]  }
0x22e: {  	v50 =	vld [tilespmem:s21+$0x3EA0]  }
0x22f: {  	v52 =	vadd.s32 v3, v48;
	v51 =	vld [tilespmem:s21+$0x3EB0]  }
0x230: {  	v54 =	vadd.s32 v9, v48;
	v53 =	vld [tilespmem:s21+$0x3EC0]  }
0x231: {  	v56 =	vadd.s32 v10, v48;
	v55 =	vld [tilespmem:s21+$0x3ED0]  }
0x232: {  	v58 =	vadd.s32 v11, v48;
	v57 =	vld [tilespmem:s21+$0x3EE0]  }
0x233: {  	v60 =	vadd.s32 v12, v48;
	v59 =	vld [tilespmem:s21+$0x3EF0]  }
0x234: {  	[tilespmem:v52+s13+$0x0] =	vst.idx.add.f32.msk $0xffff, v39;
	v52 =	vadd.s32 v13, v48  }
0x235: {  	[tilespmem:v54+s13+$0x0] =	vst.idx.add.f32.msk $0xffff, v40;
	v54 =	vadd.s32 v14, v48  }
0x236: {  	[tilespmem:v56+s13+$0x0] =	vst.idx.add.f32.msk $0xffff, v41;
	v56 =	vadd.s32 v15, v48  }
0x237: {  	v61 =	vadd.s32 v16, v48;
	[tilespmem:v58+s13+$0x0] =	vst.idx.add.f32.msk $0xffff, v42  }
0x238: {  	v62 =	vadd.s32 v17, v48;
	[tilespmem:v60+s13+$0x0] =	vst.idx.add.f32.msk $0xffff, v43  }
0x239: {  	v63 =	vadd.s32 v18, v48;
	[tilespmem:v52+s13+$0x0] =	vst.idx.add.f32.msk $0xffff, v44  }
0x23a: {  	v52 =	vadd.s32 v19, v48;
	[tilespmem:v54+s13+$0x0] =	vst.idx.add.f32.msk $0xffff, v45  }
0x23b: {  	v54 =	vadd.s32 v20, v48;
	[tilespmem:v56+s13+$0x0] =	vst.idx.add.f32.msk $0xffff, v46  }
0x23c: {  	v56 =	vadd.s32 v21, v48;
	[tilespmem:v61+s13+$0x0] =	vst.idx.add.f32.msk $0xffff, v47  }
0x23d: {  	v58 =	vadd.s32 v22, v48;
	[tilespmem:v62+s13+$0x0] =	vst.idx.add.f32.msk $0xffff, v49  }
0x23e: {  	v60 =	vadd.s32 v23, v48;
	[tilespmem:v63+s13+$0x0] =	vst.idx.add.f32.msk $0xffff, v50  }
0x23f: {  	[tilespmem:v52+s13+$0x0] =	vst.idx.add.f32.msk $0xffff, v51  }
0x240: {  	[tilespmem:v54+s13+$0x0] =	vst.idx.add.f32.msk $0xffff, v53  }
0x241: {  	[tilespmem:v56+s13+$0x0] =	vst.idx.add.f32.msk $0xffff, v55  }
0x242: {  	[tilespmem:v58+s13+$0x0] =	vst.idx.add.f32.msk $0xffff, v57  }
0x243: {  	[tilespmem:v60+s13+$0x0] =	vst.idx.add.f32.msk $0xffff, v59  }
0x244: {  	v39 =	vld [tilespmem:s21+$0x3B00]  }
0x245: {  	v40 =	vld [tilespmem:s21+$0x3B10]  }
0x246: {  	v41 =	vld [tilespmem:s21+$0x3B20]  }
0x247: {  	v42 =	vld [tilespmem:s21+$0x3B30]  }
0x248: {  	v43 =	vld [tilespmem:s21+$0x3B40]  }
0x249: {  	v44 =	vld [tilespmem:s21+$0x3B50]  }
0x24a: {  	v45 =	vld [tilespmem:s21+$0x3B60]  }
0x24b: {  	v46 =	vld [tilespmem:s21+$0x3B70]  }
0x24c: {  	v47 =	vld [tilespmem:s21+$0x3F00]  }
0x24d: {  	v48 =	vperm.xlane v38, v36;
	v49 =	vld [tilespmem:s21+$0x3F10]  }
0x24e: {  	v50 =	vld [tilespmem:s21+$0x3F20]  }
0x24f: {  	v52 =	vadd.s32 v3, v48;
	v51 =	vld [tilespmem:s21+$0x3F30]  }
0x250: {  	v54 =	vadd.s32 v9, v48;
	v53 =	vld [tilespmem:s21+$0x3F40]  }
0x251: {  	v56 =	vadd.s32 v10, v48;
	v55 =	vld [tilespmem:s21+$0x3F50]  }
0x252: {  	v58 =	vadd.s32 v11, v48;
	v57 =	vld [tilespmem:s21+$0x3F60]  }
0x253: {  	v60 =	vadd.s32 v12, v48;
	v59 =	vld [tilespmem:s21+$0x3F70]  }
0x254: {  	[tilespmem:v52+s13+$0x0] =	vst.idx.add.f32.msk $0xffff, v39;
	v39 =	vadd.s32 v13, v48  }
0x255: {  	v61 =	vadd.s32 v14, v48;
	[tilespmem:v54+s13+$0x0] =	vst.idx.add.f32.msk $0xffff, v40  }
0x256: {  	v62 =	vadd.s32 v15, v48;
	[tilespmem:v56+s13+$0x0] =	vst.idx.add.f32.msk $0xffff, v41  }
0x257: {  	v63 =	vadd.s32 v16, v48;
	[tilespmem:v58+s13+$0x0] =	vst.idx.add.f32.msk $0xffff, v42  }
0x258: {  	v52 =	vadd.s32 v17, v48;
	[tilespmem:v60+s13+$0x0] =	vst.idx.add.f32.msk $0xffff, v43  }
0x259: {  	v54 =	vadd.s32 v18, v48;
	[tilespmem:v39+s13+$0x0] =	vst.idx.add.f32.msk $0xffff, v44  }
0x25a: {  	v56 =	vadd.s32 v19, v48;
	[tilespmem:v61+s13+$0x0] =	vst.idx.add.f32.msk $0xffff, v45  }
0x25b: {  	v58 =	vadd.s32 v20, v48;
	[tilespmem:v62+s13+$0x0] =	vst.idx.add.f32.msk $0xffff, v46  }
0x25c: {  	v60 =	vadd.s32 v21, v48;
	[tilespmem:v63+s13+$0x0] =	vst.idx.add.f32.msk $0xffff, v47  }
0x25d: {  	v61 =	vadd.s32 v22, v48;
	[tilespmem:v52+s13+$0x0] =	vst.idx.add.f32.msk $0xffff, v49  }
0x25e: {  	v62 =	vadd.s32 v23, v48;
	[tilespmem:v54+s13+$0x0] =	vst.idx.add.f32.msk $0xffff, v50  }
0x25f: {  	[tilespmem:v56+s13+$0x0] =	vst.idx.add.f32.msk $0xffff, v51  }
0x260: {  	[tilespmem:v58+s13+$0x0] =	vst.idx.add.f32.msk $0xffff, v53  }
0x261: {  	[tilespmem:v60+s13+$0x0] =	vst.idx.add.f32.msk $0xffff, v55  }
0x262: {  	[tilespmem:v61+s13+$0x0] =	vst.idx.add.f32.msk $0xffff, v57  }
0x263: {  	[tilespmem:v62+s13+$0x0] =	vst.idx.add.f32.msk $0xffff, v59  }
0x264: {  	v39 =	vld [tilespmem:s21+$0x3B80]  }
0x265: {  	v40 =	vld [tilespmem:s21+$0x3B90]  }
0x266: {  	v41 =	vld [tilespmem:s21+$0x3BA0]  }
0x267: {  	v42 =	vld [tilespmem:s21+$0x3BB0]  }
0x268: {  	v43 =	vld [tilespmem:s21+$0x3BC0]  }
0x269: {  	v44 =	vld [tilespmem:s21+$0x3BD0]  }
0x26a: {  	v45 =	vld [tilespmem:s21+$0x3BE0]  }
0x26b: {  	v46 =	vld [tilespmem:s21+$0x3BF0]  }
0x26c: {  	v47 =	vld [tilespmem:s21+$0x3F80]  }
0x26d: {  	v38 =	vperm.xlane v38, v37;
	v48 =	vld [tilespmem:s21+$0x3F90]  }
0x26e: {  	v49 =	vld [tilespmem:s21+$0x3FA0]  }
0x26f: {  	v63 =	vadd.s32 v3, v38;
	v50 =	vld [tilespmem:s21+$0x3FB0]  }
0x270: {  	v53 =	vadd.s32 v9, v38;
	v52 =	vld [tilespmem:s21+$0x3FC0]  }
0x271: {  	v60 =	vadd.s32 v10, v38;
	v54 =	vld [tilespmem:s21+$0x3FD0]  }
0x272: {  	v61 =	vadd.s32 v11, v38;
	v56 =	vld [tilespmem:s21+$0x3FE0]  }
0x273: {  	v62 =	vadd.s32 v12, v38;
	v58 =	vld [tilespmem:s21+$0x3FF0]  }
0x274: {  	[tilespmem:v63+s13+$0x0] =	vst.idx.add.f32.msk $0xffff, v39;
	v63 =	vadd.s32 v13, v38  }
0x275: {  	v51 =	vadd.s32 v14, v38;
	[tilespmem:v53+s13+$0x0] =	vst.idx.add.f32.msk $0xffff, v40  }
0x276: {  	v53 =	vadd.s32 v15, v38;
	[tilespmem:v60+s13+$0x0] =	vst.idx.add.f32.msk $0xffff, v41  }
0x277: {  	v55 =	vadd.s32 v16, v38;
	[tilespmem:v61+s13+$0x0] =	vst.idx.add.f32.msk $0xffff, v42  }
0x278: {  	v57 =	vadd.s32 v17, v38;
	[tilespmem:v62+s13+$0x0] =	vst.idx.add.f32.msk $0xffff, v43  }
0x279: {  	v59 =	vadd.s32 v18, v38;
	[tilespmem:v63+s13+$0x0] =	vst.idx.add.f32.msk $0xffff, v44  }
0x27a: {  	v60 =	vadd.s32 v19, v38;
	[tilespmem:v51+s13+$0x0] =	vst.idx.add.f32.msk $0xffff, v45  }
0x27b: {  	v61 =	vadd.s32 v20, v38;
	[tilespmem:v53+s13+$0x0] =	vst.idx.add.f32.msk $0xffff, v46  }
0x27c: {  	v62 =	vadd.s32 v21, v38;
	[tilespmem:v55+s13+$0x0] =	vst.idx.add.f32.msk $0xffff, v47  }
0x27d: {  	v63 =	vadd.s32 v22, v38;
	[tilespmem:v57+s13+$0x0] =	vst.idx.add.f32.msk $0xffff, v48  }
0x27e: {  	p0 =	sne.s32 s17, s18;
	v38 =	vadd.s32 v23, v38;
	[tilespmem:v59+s13+$0x0] =	vst.idx.add.f32.msk $0xffff, v49  }
.Ltmp5:
0x27f: {  	[tilespmem:v60+s13+$0x0] =	vst.idx.add.f32.msk $0xffff, v50;
	(pc) =	sbr.rel @p0 .LBB2_8-.Ltmp5, $4  }
0x280: {  	[tilespmem:v61+s13+$0x0] =	vst.idx.add.f32.msk $0xffff, v52  }
0x281: {  	[tilespmem:v62+s13+$0x0] =	vst.idx.add.f32.msk $0xffff, v54  }
0x282: {  	[tilespmem:v63+s13+$0x0] =	vst.idx.add.f32.msk $0xffff, v56  }
0x283: {  	s20 =	sadd.s32 $0x10, s20;
	s19 =	sadd.s32 $0x10, s19;
	[tilespmem:v38+s13+$0x0] =	vst.idx.add.f32.msk $0xffff, v58  }
.Ltmp6:
0x284: {  	_ = 	snop;
	(pc) =	sbr.rel .LBB2_9-.Ltmp6, $1  }
0x285: {  	_ =	sdelay $0x3  }
.LBB2_10:
0x286: {  	s14 =	sadd.s32 $0x0, s6  }
0x287: {  	p0 =	sgt.u32 s14, $0x2708  }
0x288: {  	s14 =	simm.s32 $0x5000;
	s15 =	simm.s32 @!p0 $0x0;
	s18 =	simm.s32 @!p0 $0x3  }
0x289: {  	[hbm4b:s7+s15] =	stream.linear.scatter @!p0 [tilespmem:s14], [sflag:$0x3], $0x800, $0x38;
	[tilespmem:$0x19200] =	vst v63  }
0x28a: {  	s16 =	simm.s32 $0x8;
	s17 =	simm.s32 $0x10;
	_ =	swait.ge @!p0 [sflag:s18], $0x800  }
0x28b: {  	s14 =	simm.s32 $0x5800;
	s15 =	sadd.s32 $0x100, s7;
	[sflag:s18] =	ssyncset.done @!p0 $0x0  }
.LBB2_11:
0x28c: {  	s19 =	sadd.s32 s16, s6;
	s16 =	smov.u32 s17;
	s17 =	sadd.s32 $0x8, s17  }
0x28d: {  	[sflag:s18] =	ssyncadd.s32 @!p0 $0xFFFFF800;
	p1 =	sne.s32 s17, $0x140  }
.Ltmp7:
0x28e: {  	p0 =	sgt.u32 s19, $0x2708;
	(pc) =	sbr.rel @p1 .LBB2_11-.Ltmp7, $4  }
0x28f: {  	s19 =	simm.s32 @!p0 $0x0;
	s18 =	simm.s32 @!p0 $0x3  }
0x290: {  	[hbm4b:s15+s19] =	stream.linear.scatter @!p0 [tilespmem:s14], [sflag:$0x3], $0x800, $0x38;
	[tilespmem:$0x19200] =	vst v63  }
0x291: {  	_ =	swait.ge @!p0 [sflag:s18], $0x800  }
0x292: {  	s14 =	sadd.s32 $0x800, s14;
	s15 =	sadd.s32 $0x100, s15;
	[sflag:s18] =	ssyncset.done @!p0 $0x0  }
0x293: {  	s16 =	sadd.s32 s16, s6;
	s2 =	sadd.s32 $0x1, s2  }
0x294: {  	[sflag:s18] =	ssyncadd.s32 @!p0 $0xFFFFF800;
	p1 =	sgt.u32 s16, $0x2708;
	p0 =	sne.s32 s2, s5  }
.Ltmp8:
0x295: {  	s16 =	simm.s32 @!p1 $0x0;
	s17 =	simm.s32 @!p1 $0x3;
	(pc) =	sbr.rel @p0 .LBB2_1-.Ltmp8, $4  }
0x296: {  	[hbm4b:s15+s16] =	stream.linear.scatter @!p1 [tilespmem:s14], [sflag:$0x3], $0x800, $0x38;
	[tilespmem:$0x19200] =	vst v63  }
0x297: {  	_ =	swait.ge @!p1 [sflag:s17], $0x800  }
0x298: {  	[sflag:s17] =	ssyncset.done @!p1 $0x0  }
0x299: {  	[sflag:s17] =	ssyncadd.s32 @!p1 $0xFFFFF800  }
0x29a: {  	_ =	sfence.sel $0x180000  }
0x29b: {  	[bflag:$0x0] =	sbarrier.arrive $0xFFFF  }
0x29c: {  	p0 =	sne.s32 s0, $0x0;
	_ =	strace $0x9000004A  }
0x29d: {  	s0 =	sadd.s32 @!p0 $0x100000, s1;
	[bflag:$0x2] =	sbarrier.arrive $0xFFFF  }
0x29e: {  	[sflag:s0] =	ssyncadd.tile.s32 @!p0 $0x1;
	_ =	shalt  }
.Lfunc_end2:
_tile_overlayer_lowered:
.L_overlay_start_2:
0x29f: {  	(tag) =	ssettag $0x2  }
0x2a0: {  	s0 =	rddreg [dreg:$0x0];
	s2 =	stileid.u32  }
0x2a1: {  	s1 =	rddreg [dreg:$0x1];
	p0 =	sne.s32 s2, $0x0  }
0x2a2: {  	s3 =	rddreg [dreg:$0x2];
	[bflag:$0x3] =	sbarrier.arrive $0xFFFF;
	s2 =	simm.s32 @!p0 $0x1C03  }
0x2a3: {  	[timem:s3], [sflag:s2] =	dma.local @!p0 [hbm:s0], s1  }
0x2a4: {  	s0 =	simm.s32 @!p0 $0x3  }
0x2a5: {  	_ =	swait.ge @!p0 [sflag:s0], s1  }
0x2a6: {  	s1 =	ssub.s32 @!p0 $0x0, s1;
	[sflag:s0] =	ssyncset.done @!p0 $0x0  }
0x2a7: {  	[sflag:s0] =	ssyncadd.s32 @!p0 s1  }
0x2a8: {  	[bflag:$0x3] =	sbarrier.arrive $0xFFFF  }
0x2a9: {  	_ =	shalt  }

</sc_bundles>
